<compile_context>
chip_gen: v7x
topology: tpu7x:2x2x1
jax: 0.10.2.dev20260603
libtpu: 0.0.44.dev20260713+nightly
codegen_flags: <defaults>
</compile_context>

<pallas_src>
import functools

import jax
import jax.numpy as jnp
from jax import lax
from jax.experimental import pallas as pl
from jax.experimental.pallas import tpu as pltpu
from jax.experimental.pallas import tpu_sc as plsc

_NC = 2
_NS = 16
_NW = _NC * _NS
_L = 16
_D = 64
_HP = 56
_GP = 8


def _tile_sum(rows_ref, st_ref, st_row, roff, per_row):
    f32 = jnp.float32

    def body(j, accs):
        return tuple(
            accs[k] + rows_ref[roff + j, pl.ds(k * _L, _L)]
            for k in range(_D // _L))

    accs = lax.fori_loop(
        0, per_row, body,
        tuple(jnp.zeros((_L,), f32) for _ in range(_D // _L)))
    for k in range(_D // _L):
        st_ref[st_row, pl.ds(k * _L, _L)] = accs[k]


def _make_sc_kernel(B):
    BPW = B // _NW
    UCH = min(256, BPW)
    NCU = BPW // UCH
    HCR = 4
    NCH = BPW // HCR
    GCR = min(32, BPW)
    NCG = BPW // GCR
    RB = max(UCH, HCR * _HP, GCR * _GP)

    mesh = plsc.VectorSubcoreMesh(
        core_axis_name="c", subcore_axis_name="s",
        num_cores=_NC, num_subcores=_NS)
    f32 = jnp.float32
    i32 = jnp.int32
    out64 = jax.ShapeDtypeStruct((B, _D), f32)

    @functools.partial(
        pl.kernel,
        out_type=(out64, out64, out64, out64),
        mesh=mesh,
        compiler_params=pltpu.CompilerParams(use_tc_tiling_on_sc=False),
        scratch_types=[
            pltpu.VMEM((RB,), i32),
            pltpu.VMEM((RB,), i32),
            pltpu.VMEM((RB, _D), f32),
            pltpu.VMEM((RB, _D), f32),
            pltpu.VMEM((4 * HCR, _D), f32),
            pltpu.VMEM((4 * HCR, _D), f32),
            pltpu.VMEM((GCR, _D), f32),
            pltpu.VMEM((GCR, _D), f32),
            pltpu.SemaphoreType.DMA,
            pltpu.SemaphoreType.DMA,
            pltpu.SemaphoreType.DMA,
            pltpu.SemaphoreType.DMA,
            pltpu.SemaphoreType.DMA,
            pltpu.SemaphoreType.DMA,
            pltpu.SemaphoreType.DMA,
        ],
    )
    def sc_kernel(uidx, iidx, hidx, gidx, utab, itab, gtab,
                  ue, hs, ie, gs,
                  idx_b0, idx_b1, rows_b0, rows_b1,
                  h_st0, h_st1, g_st0, g_st1,
                  sem_a, sem_g0, sem_g1, sem_i0, sem_i1, sem_o0, sem_o1):
        wid = lax.axis_index("s") * _NC + lax.axis_index("c")
        base = wid * BPW

        def vreg_gathers(tab, idx_buf, rows_buf, n, sem, wait):
            def go(s, carry):
                off = pl.multiple_of(s * _L, 8)
                iv = idx_buf[pl.ds(off, _L)]
                cp = pltpu.make_async_copy(
                    tab.at[iv], rows_buf.at[pl.ds(off, _L)], sem)
                if wait:
                    cp.wait()
                else:
                    cp.start()
                return carry
            lax.fori_loop(0, n // _L, go, 0)

        for tab, src, dst in ((utab, uidx, ue), (itab, iidx, ie)):
            for c in range(NCU):
                row0 = base + c * UCH
                pltpu.sync_copy(src.at[pl.ds(row0, UCH)],
                                idx_b0.at[pl.ds(0, UCH)])
                vreg_gathers(tab, idx_b0, rows_b0, UCH, sem_a, False)
                vreg_gathers(tab, idx_b0, rows_b0, UCH, sem_a, True)
                pltpu.sync_copy(rows_b0.at[pl.ds(0, UCH)],
                                dst.at[pl.ds(row0, UCH)])

        def pooled_gather(tab, idx_flat, out, per_row, rpc, nch, st_bufs,
                          sratio):
            ipc = per_row * rpc
            wrows = sratio * rpc
            ibase = base * per_row
            idx_bufs = (idx_b0, idx_b1)
            row_bufs = (rows_b0, rows_b1)
            semg = (sem_g0, sem_g1)
            semi = (sem_i0, sem_i1)
            semo = (sem_o0, sem_o1)

            def idx_src(c):
                return idx_flat.at[pl.ds(ibase + c * ipc, ipc)]

            pltpu.sync_copy(idx_src(0), idx_bufs[0].at[pl.ds(0, ipc)])
            vreg_gathers(tab, idx_bufs[0], row_bufs[0], ipc, semg[0], False)
            pltpu.async_copy(idx_src(1), idx_bufs[1].at[pl.ds(0, ipc)],
                             semi[1])

            unroll = 2 * sratio
            def step(g, carry):
                for u in range(unroll):
                    gb = u % 2
                    ogb = 1 - gb
                    sb = u // sratio
                    c = g * unroll + u

                    @pl.when(c + 1 < nch)
                    def _():
                        pltpu.make_async_copy(
                            idx_src(c + 1), idx_bufs[ogb].at[pl.ds(0, ipc)],
                            semi[ogb]).wait()
                        vreg_gathers(tab, idx_bufs[ogb], row_bufs[ogb],
                                     ipc, semg[ogb], False)

                    vreg_gathers(tab, idx_bufs[gb], row_bufs[gb],
                                 ipc, semg[gb], True)

                    if u % sratio == 0:
                        @pl.when(c >= unroll)
                        def _():
                            pltpu.make_async_copy(
                                st_bufs[sb],
                                out.at[pl.ds(
                                    pl.multiple_of(
                                        base + (c - unroll) * rpc, 8),
                                    wrows)],
                                semo[sb]).wait()

                    rows_full = rows_b0 if gb == 0 else rows_b1
                    srow0 = (u % sratio) * rpc

                    def sum_row(r, carry2):
                        _tile_sum(rows_full, st_bufs[sb], srow0 + r,
                                  r * per_row, per_row)
                        return carry2

                    lax.fori_loop(0, rpc, sum_row, 0)

                    if u % sratio == sratio - 1:
                        pltpu.async_copy(
                            st_bufs[sb],
                            out.at[pl.ds(
                                pl.multiple_of(
                                    base + (c - sratio + 1) * rpc, 8),
                                wrows)],
                            semo[sb])

                    @pl.when(c + 2 < nch)
                    def _():
                        pltpu.async_copy(
                            idx_src(c + 2), idx_bufs[gb].at[pl.ds(0, ipc)],
                            semi[gb])
                return carry

            lax.fori_loop(0, nch // unroll, step, 0)
            pltpu.make_async_copy(
                st_bufs[0],
                out.at[pl.ds(base + (nch - unroll) * rpc, wrows)],
                semo[0]).wait()
            pltpu.make_async_copy(
                st_bufs[1],
                out.at[pl.ds(base + (nch - sratio) * rpc, wrows)],
                semo[1]).wait()

        pooled_gather(itab, hidx, hs, _HP, HCR, NCH, (h_st0, h_st1),
                      sratio=4)
        pooled_gather(gtab, gidx, gs, _GP, GCR, NCG, (g_st0, g_st1),
                      sratio=1)

    return sc_kernel


def _tc_towers(hidx, gidx, ue, hs, ie, gs,
               uW1a, uW1b, ub1, uW2, ub2, iW1a, iW1b, ib1, iW2, ib2,
               blk=2048):
    B, hist = hidx.shape
    gen = gidx.shape[1]
    f32 = jnp.float32

    def body(hidx_ref, gidx_ref, ue_ref, hs_ref, ie_ref, gs_ref,
             uW1a_ref, uW1b_ref, ub1_ref, uW2_ref, ub2_ref,
             iW1a_ref, iW1b_ref, ib1_ref, iW2_ref, ib2_ref, out_ref):
        hcnt = jnp.sum((hidx_ref[...] != 0).astype(f32), axis=1, keepdims=True)
        hmean = hs_ref[...] / (hcnt + 1e-8)
        uh = jnp.dot(ue_ref[...].astype(f32), uW1a_ref[...],
                     preferred_element_type=f32)
        uh += jnp.dot(hmean, uW1b_ref[...], preferred_element_type=f32)
        uh = jnp.maximum(uh + ub1_ref[...], 0.0)
        uv = jnp.dot(uh, uW2_ref[...], preferred_element_type=f32) + ub2_ref[...]

        gcnt = jnp.sum((gidx_ref[...] != 0).astype(f32), axis=1, keepdims=True)
        gmean = gs_ref[...] / (gcnt + 1e-8)
        ih = jnp.dot(ie_ref[...].astype(f32), iW1a_ref[...],
                     preferred_element_type=f32)
        ih += jnp.dot(gmean, iW1b_ref[...], preferred_element_type=f32)
        ih = jnp.maximum(ih + ib1_ref[...], 0.0)
        iv = jnp.dot(ih, iW2_ref[...], preferred_element_type=f32) + ib2_ref[...]

        logits = jnp.sum(uv * iv, axis=1)
        out_ref[...] = 1.0 / (1.0 + jnp.exp(-logits))

    grid = B // blk
    row_spec = lambda w: pl.BlockSpec((blk, w), lambda i: (i, 0))
    full_spec = lambda a: pl.BlockSpec(a.shape, lambda i: (0,) * a.ndim)
    return pl.pallas_call(
        body,
        grid=(grid,),
        in_specs=[
            row_spec(hist), row_spec(gen),
            row_spec(_D), row_spec(_D), row_spec(_D), row_spec(_D),
            full_spec(uW1a), full_spec(uW1b), full_spec(ub1),
            full_spec(uW2), full_spec(ub2),
            full_spec(iW1a), full_spec(iW1b), full_spec(ib1),
            full_spec(iW2), full_spec(ib2),
        ],
        out_specs=pl.BlockSpec((blk,), lambda i: (i,)),
        out_shape=jax.ShapeDtypeStruct((B,), f32),
    )(hidx, gidx, ue, hs, ie, gs,
      uW1a, uW1b, ub1, uW2, ub2, iW1a, iW1b, ib1, iW2, ib2)


def kernel(user_indices, history_indices, item_indices, genre_indices,
           item_table, user_table, genre_table,
           uW1, ub1, uW2, ub2, iW1, ib1, iW2, ib2):
    B = user_indices.shape[0]
    hist = history_indices.shape[1]
    gen = genre_indices.shape[1]
    i32 = jnp.int32

    hflat = jnp.concatenate(
        [history_indices.astype(i32),
         jnp.zeros((B, _HP - hist), i32)], axis=1).reshape(-1)
    gflat = jnp.concatenate(
        [genre_indices.astype(i32),
         jnp.zeros((B, _GP - gen), i32)], axis=1).reshape(-1)

    ue, hs, ie, gs = _make_sc_kernel(B)(
        user_indices.astype(i32), item_indices.astype(i32), hflat, gflat,
        user_table, item_table, genre_table)

    return _tc_towers(
        history_indices.astype(i32), genre_indices.astype(i32),
        ue, hs, ie, gs,
        uW1[:_D], uW1[_D:], ub1.reshape(1, -1), uW2, ub2.reshape(1, -1),
        iW1[:_D], iW1[_D:], ib1.reshape(1, -1), iW2, ib2.reshape(1, -1))

# --- scband reference (transcript-rebuilt; emitter-appended) ---
"""Pipeline reference for scband-dual-tower-model-10574209482888 (READ-ONLY COPY).

The authoritative reference and input builder live on the scoring server;
editing this copy changes nothing except your own understanding.
"""

import jax, jax.numpy as jnp
import numpy as np

B = 16384
HIST = 50
GEN = 5
D = 64
ITEM = 1000000
USER = 1000000
GENRE = 1000
HID = 128


def setup_inputs(seed: int = 0) -> dict:
    key = jax.random.key(seed)
    ks = jax.random.split(key, 16)
    user_indices = jax.random.randint(ks[0], (B,), 0, USER)
    history_indices = jax.random.randint(ks[1], (B, HIST), 0, ITEM)
    item_indices = jax.random.randint(ks[2], (B,), 0, ITEM)
    genre_indices = jax.random.randint(ks[3], (B, GEN), 0, GENRE)
    item_table = jax.random.normal(ks[4], (ITEM, D), dtype=jnp.float32) * 0.02
    item_table = item_table.at[0].set(0.0)  # padding_idx=0
    user_table = jax.random.normal(ks[5], (USER, D), dtype=jnp.float32) * 0.02
    genre_table = jax.random.normal(ks[6], (GENRE, D), dtype=jnp.float32) * 0.02
    genre_table = genre_table.at[0].set(0.0)  # padding_idx=0
    uW1 = jax.random.normal(ks[7], (2 * D, HID), dtype=jnp.float32) * (1.0 / np.sqrt(2 * D))
    ub1 = jnp.zeros((HID,), dtype=jnp.float32)
    uW2 = jax.random.normal(ks[8], (HID, D), dtype=jnp.float32) * (1.0 / np.sqrt(HID))
    ub2 = jnp.zeros((D,), dtype=jnp.float32)
    iW1 = jax.random.normal(ks[9], (2 * D, HID), dtype=jnp.float32) * (1.0 / np.sqrt(2 * D))
    ib1 = jnp.zeros((HID,), dtype=jnp.float32)
    iW2 = jax.random.normal(ks[10], (HID, D), dtype=jnp.float32) * (1.0 / np.sqrt(HID))
    ib2 = jnp.zeros((D,), dtype=jnp.float32)
    return {
        'user_indices': user_indices,
        'history_indices': history_indices,
        'item_indices': item_indices,
        'genre_indices': genre_indices,
        'item_table': item_table,
        'user_table': user_table,
        'genre_table': genre_table,
        'uW1': uW1, 'ub1': ub1, 'uW2': uW2, 'ub2': ub2,
        'iW1': iW1, 'ib1': ib1, 'iW2': iW2, 'ib2': ib2,
    }


def _mean_pooling(embeddings, indices):
    mask = (indices != 0).astype(jnp.float32)[..., None]
    sum_embeddings = jnp.sum(embeddings * mask, axis=1)
    count = jnp.sum(mask, axis=1) + 1e-08
    return sum_embeddings / count


def reference(user_indices, history_indices, item_indices, genre_indices,
              item_table, user_table, genre_table,
              uW1, ub1, uW2, ub2, iW1, ib1, iW2, ib2):
    # user tower
    u_emb = jnp.take(user_table, user_indices, axis=0)
    h_embs = jnp.take(item_table, history_indices, axis=0)
    h_emb = _mean_pooling(h_embs, history_indices)
    u_combined = jnp.concatenate([u_emb, h_emb], axis=-1)
    u_vec = jax.nn.relu(u_combined @ uW1 + ub1) @ uW2 + ub2
    # item tower
    i_emb = jnp.take(item_table, item_indices, axis=0)
    g_embs = jnp.take(genre_table, genre_indices, axis=0)
    g_emb = _mean_pooling(g_embs, genre_indices)
    i_combined = jnp.concatenate([i_emb, g_emb], axis=-1)
    i_vec = jax.nn.relu(i_combined @ iW1 + ib1) @ iW2 + ib2
    logits = jnp.sum(u_vec * i_vec, axis=-1)
    return jax.nn.sigmoid(logits)

if __name__ == "__main__":
    import jax
    _d = setup_inputs()
    print(jax.jit(kernel)(*tuple(_d.values())))

</pallas_src>

<mosaic_0001>
#map = affine_map<(d0, d1) -> (0)>
#map1 = affine_map<(d0, d1) -> (0, 0)>
module attributes {stable_mosaic.version = 14 : i64} {
  func.func @sc_kernel(%arg0: i32, %arg1: i32, %arg2: memref<16384xi32, #tpu.memory_space<hbm>>, %arg3: memref<16384xi32, #tpu.memory_space<hbm>>, %arg4: memref<917504xi32, #tpu.memory_space<hbm>>, %arg5: memref<131072xi32, #tpu.memory_space<hbm>>, %arg6: memref<1000000x64xf32, #tpu.memory_space<hbm>>, %arg7: memref<1000000x64xf32, #tpu.memory_space<hbm>>, %arg8: memref<1000x64xf32, #tpu.memory_space<hbm>>, %arg9: memref<16384x64xf32, #tpu.memory_space<hbm>>, %arg10: memref<16384x64xf32, #tpu.memory_space<hbm>>, %arg11: memref<16384x64xf32, #tpu.memory_space<hbm>>, %arg12: memref<16384x64xf32, #tpu.memory_space<hbm>>, %arg13: memref<256xi32, #tpu.memory_space<vmem>>, %arg14: memref<256xi32, #tpu.memory_space<vmem>>, %arg15: memref<256x64xf32, #tpu.memory_space<vmem>>, %arg16: memref<256x64xf32, #tpu.memory_space<vmem>>, %arg17: memref<16x64xf32, #tpu.memory_space<vmem>>, %arg18: memref<16x64xf32, #tpu.memory_space<vmem>>, %arg19: memref<32x64xf32, #tpu.memory_space<vmem>>, %arg20: memref<32x64xf32, #tpu.memory_space<vmem>>, %arg21: memref<!tpu.dma_semaphore, #tpu.memory_space<semaphore_mem>>, %arg22: memref<!tpu.dma_semaphore, #tpu.memory_space<semaphore_mem>>, %arg23: memref<!tpu.dma_semaphore, #tpu.memory_space<semaphore_mem>>, %arg24: memref<!tpu.dma_semaphore, #tpu.memory_space<semaphore_mem>>, %arg25: memref<!tpu.dma_semaphore, #tpu.memory_space<semaphore_mem>>, %arg26: memref<!tpu.dma_semaphore, #tpu.memory_space<semaphore_mem>>, %arg27: memref<!tpu.dma_semaphore, #tpu.memory_space<semaphore_mem>>) attributes {dimension_semantics = [#tpu.dimension_semantics<core_parallel>, #tpu.dimension_semantics<subcore_parallel>], iteration_bounds = array<i64: 2, 16>, scalar_prefetch = 0 : i64, scratch_operands = 15 : i64, tpu.core_type = #tpu.core_type<sc_vector_subcore>, window_params = [{transform_indices = #map}, {transform_indices = #map}, {transform_indices = #map}, {transform_indices = #map}, {transform_indices = #map1}, {transform_indices = #map1}, {transform_indices = #map1}, {transform_indices = #map1}, {transform_indices = #map1}, {transform_indices = #map1}, {transform_indices = #map1}]} {
    %mul3A = arith.constant 2 : i32
    %mul3A_0 = arith.muli %arg1, %mul3A : i32
    %add3A = arith.addi %mul3A_0, %arg0 : i32
    %mul3A_1 = arith.constant 512 : i32
    %mul3A_2 = arith.muli %add3A, %mul3A_1 : i32
    %add3A_3 = arith.constant 0 : i32
    %add3A_4 = arith.addi %mul3A_2, %add3A_3 : i32
    "tpu.region"() ({
      %run_scoped3A = tpu.sem_alloc : memref<!tpu.dma_semaphore, #tpu.memory_space<semaphore_mem>>
      %dma_start3A_128 = arith.constant 0 : i32
      %dma_start3A_129 = tpu.memref_slice %arg13[%dma_start3A_128] : memref<256xi32, #tpu.memory_space<vmem>> -> memref<256xi32, #tpu.memory_space<vmem>>
      %dma_start3A_130 = tpu.memref_slice %arg2[%add3A_4] : memref<16384xi32, #tpu.memory_space<hbm>> -> memref<256xi32, #tpu.memory_space<hbm>>
      %dma_start3A_131 = arith.constant 0 : i32
      %dma_start3A_132 = tpu.memref_slice %arg13[%dma_start3A_131] : memref<256xi32, #tpu.memory_space<vmem>> -> memref<256xi32, #tpu.memory_space<vmem>>
      %dma_start3A_133 = tpu.memref_slice %arg2[%add3A_4] : memref<16384xi32, #tpu.memory_space<hbm>> -> memref<256xi32, #tpu.memory_space<hbm>>
      tpu.enqueue_dma source(%dma_start3A_133 : memref<256xi32, #tpu.memory_space<hbm>>) target(%dma_start3A_132 : memref<256xi32, #tpu.memory_space<vmem>>) target_semaphore(%run_scoped3A : memref<!tpu.dma_semaphore, #tpu.memory_space<semaphore_mem>>)
      %dma_wait3A_134 = arith.constant 0 : i32
      %dma_wait3A_135 = tpu.memref_slice %arg13[%dma_wait3A_134] : memref<256xi32, #tpu.memory_space<vmem>> -> memref<256xi32, #tpu.memory_space<vmem>>
      %dma_wait3A_136 = tpu.memref_slice %arg2[%add3A_4] : memref<16384xi32, #tpu.memory_space<hbm>> -> memref<256xi32, #tpu.memory_space<hbm>>
      %dma_wait3A_137 = arith.constant 0 : i32
      %dma_wait3A_138 = tpu.memref_slice %arg13[%dma_wait3A_137] : memref<256xi32, #tpu.memory_space<vmem>> -> memref<256xi32, #tpu.memory_space<vmem>>
      %dma_wait3A_139 = tpu.memref_slice %arg2[%add3A_4] : memref<16384xi32, #tpu.memory_space<hbm>> -> memref<256xi32, #tpu.memory_space<hbm>>
      tpu.wait_dma2 semaphore(%run_scoped3A : memref<!tpu.dma_semaphore, #tpu.memory_space<semaphore_mem>>) src(%dma_wait3A_139 : memref<256xi32, #tpu.memory_space<hbm>>) dst(%dma_wait3A_138 : memref<256xi32, #tpu.memory_space<vmem>>)
      tpu.yield
    }) : () -> ()
    %scan3A = arith.constant 0 : i32
    %scan3A_5 = arith.constant 0 : i32
    %scan3A_6 = arith.constant 16 : i32
    %scan3A_7 = arith.addi %scan3A_5, %scan3A_6 : i32
    %scan3A_8 = arith.constant 1 : i32
    scf.for %scan3A_128 = %scan3A_5 to %scan3A_7 step %scan3A_8  : i32 {
      %mul3A_129 = arith.constant 16 : i32
      %mul3A_130 = arith.muli %scan3A_128, %mul3A_129 : i32
      %multiple_of3A = tpu.assume_multiple %mul3A_130, 8 : i32
      %get3A = arith.index_cast %multiple_of3A : i32 to index
      %get3A_131 = tpu.vector_load %arg13[%get3A] {strides = array<i32>} : memref<256xi32, #tpu.memory_space<vmem>>, vector<16xi32>,
      %get3A_132 = vector.shape_cast %get3A_131 : vector<16xi32> to vector<16xi32>
      %dma_start3A_133 = arith.constant 0 : i32
      %dma_start3A_134 = tpu.memref_slice %arg15[%multiple_of3A, %dma_start3A_133] : memref<256x64xf32, #tpu.memory_space<vmem>> -> memref<16x64xf32, #tpu.memory_space<vmem>>
      %dma_start3A_135 = arith.constant 0 : i32
      %dma_start3A_136 = arith.constant 0 : i32
      %dma_start3A_137 = tpu.memref_slice %arg6[%dma_start3A_135, %dma_start3A_136] : memref<1000000x64xf32, #tpu.memory_space<hbm>> -> memref<1000000x64xf32, #tpu.memory_space<hbm>>
      tpu.enqueue_indirect_dma source(%dma_start3A_137 : memref<1000000x64xf32, #tpu.memory_space<hbm>>) target(%dma_start3A_134 : memref<16x64xf32, #tpu.memory_space<vmem>>) offsets(%get3A_132 : vector<16xi32>) semaphore(%arg21 : memref<!tpu.dma_semaphore, #tpu.memory_space<semaphore_mem>>)
    }
    %scan3A_9 = arith.constant 16 : i32
    %scan3A_10 = arith.constant 0 : i32
    %scan3A_11 = arith.constant 0 : i32
    %scan3A_12 = arith.constant 16 : i32
    %scan3A_13 = arith.addi %scan3A_11, %scan3A_12 : i32
    %scan3A_14 = arith.constant 1 : i32
    scf.for %scan3A_128 = %scan3A_11 to %scan3A_13 step %scan3A_14  : i32 {
      %mul3A_129 = arith.constant 16 : i32
      %mul3A_130 = arith.muli %scan3A_128, %mul3A_129 : i32
      %multiple_of3A = tpu.assume_multiple %mul3A_130, 8 : i32
      %get3A = arith.index_cast %multiple_of3A : i32 to index
      %get3A_131 = tpu.vector_load %arg13[%get3A] {strides = array<i32>} : memref<256xi32, #tpu.memory_space<vmem>>, vector<16xi32>,
      %get3A_132 = vector.shape_cast %get3A_131 : vector<16xi32> to vector<16xi32>
      %dma_wait3A_133 = arith.constant 0 : i32
      %dma_wait3A_134 = tpu.memref_slice %arg15[%multiple_of3A, %dma_wait3A_133] : memref<256x64xf32, #tpu.memory_space<vmem>> -> memref<16x64xf32, #tpu.memory_space<vmem>>
      %dma_wait3A_135 = arith.constant 0 : i32
      %dma_wait3A_136 = arith.constant 0 : i32
      %dma_wait3A_137 = tpu.memref_slice %arg6[%dma_wait3A_135, %dma_wait3A_136] : memref<1000000x64xf32, #tpu.memory_space<hbm>> -> memref<1000000x64xf32, #tpu.memory_space<hbm>>
      tpu.wait_indirect_dma semaphore(%arg21 : memref<!tpu.dma_semaphore, #tpu.memory_space<semaphore_mem>>) src(%dma_wait3A_137 : memref<1000000x64xf32, #tpu.memory_space<hbm>>) dst(%dma_wait3A_134 : memref<16x64xf32, #tpu.memory_space<vmem>>)
    }
    %scan3A_15 = arith.constant 16 : i32
    "tpu.region"() ({
      %run_scoped3A = tpu.sem_alloc : memref<!tpu.dma_semaphore, #tpu.memory_space<semaphore_mem>>
      %dma_start3A_128 = arith.constant 0 : i32
      %dma_start3A_129 = arith.constant 0 : i32
      %dma_start3A_130 = tpu.memref_slice %arg15[%dma_start3A_128, %dma_start3A_129] : memref<256x64xf32, #tpu.memory_space<vmem>> -> memref<256x64xf32, #tpu.memory_space<vmem>>
      %dma_start3A_131 = arith.constant 0 : i32
      %dma_start3A_132 = tpu.memref_slice %arg9[%add3A_4, %dma_start3A_131] : memref<16384x64xf32, #tpu.memory_space<hbm>> -> memref<256x64xf32, #tpu.memory_space<hbm>>
      %dma_start3A_133 = arith.constant 0 : i32
      %dma_start3A_134 = tpu.memref_slice %arg9[%add3A_4, %dma_start3A_133] : memref<16384x64xf32, #tpu.memory_space<hbm>> -> memref<256x64xf32, #tpu.memory_space<hbm>>
      %dma_start3A_135 = arith.constant 0 : i32
      %dma_start3A_136 = arith.constant 0 : i32
      %dma_start3A_137 = tpu.memref_slice %arg15[%dma_start3A_135, %dma_start3A_136] : memref<256x64xf32, #tpu.memory_space<vmem>> -> memref<256x64xf32, #tpu.memory_space<vmem>>
      tpu.enqueue_dma source(%dma_start3A_137 : memref<256x64xf32, #tpu.memory_space<vmem>>) target(%dma_start3A_134 : memref<256x64xf32, #tpu.memory_space<hbm>>) target_semaphore(%run_scoped3A : memref<!tpu.dma_semaphore, #tpu.memory_space<semaphore_mem>>)
      %dma_wait3A_138 = arith.constant 0 : i32
      %dma_wait3A_139 = arith.constant 0 : i32
      %dma_wait3A_140 = tpu.memref_slice %arg15[%dma_wait3A_138, %dma_wait3A_139] : memref<256x64xf32, #tpu.memory_space<vmem>> -> memref<256x64xf32, #tpu.memory_space<vmem>>
      %dma_wait3A_141 = arith.constant 0 : i32
      %dma_wait3A_142 = tpu.memref_slice %arg9[%add3A_4, %dma_wait3A_141] : memref<16384x64xf32, #tpu.memory_space<hbm>> -> memref<256x64xf32, #tpu.memory_space<hbm>>
      %dma_wait3A_143 = arith.constant 0 : i32
      %dma_wait3A_144 = tpu.memref_slice %arg9[%add3A_4, %dma_wait3A_143] : memref<16384x64xf32, #tpu.memory_space<hbm>> -> memref<256x64xf32, #tpu.memory_space<hbm>>
      %dma_wait3A_145 = arith.constant 0 : i32
      %dma_wait3A_146 = arith.constant 0 : i32
      %dma_wait3A_147 = tpu.memref_slice %arg15[%dma_wait3A_145, %dma_wait3A_146] : memref<256x64xf32, #tpu.memory_space<vmem>> -> memref<256x64xf32, #tpu.memory_space<vmem>>
      tpu.wait_dma2 semaphore(%run_scoped3A : memref<!tpu.dma_semaphore, #tpu.memory_space<semaphore_mem>>) src(%dma_wait3A_147 : memref<256x64xf32, #tpu.memory_space<vmem>>) dst(%dma_wait3A_144 : memref<256x64xf32, #tpu.memory_space<hbm>>)
      tpu.yield
    }) : () -> ()
    %add3A_16 = arith.constant 256 : i32
    %add3A_17 = arith.addi %mul3A_2, %add3A_16 : i32
    "tpu.region"() ({
      %run_scoped3A = tpu.sem_alloc : memref<!tpu.dma_semaphore, #tpu.memory_space<semaphore_mem>>
      %dma_start3A_128 = arith.constant 0 : i32
      %dma_start3A_129 = tpu.memref_slice %arg13[%dma_start3A_128] : memref<256xi32, #tpu.memory_space<vmem>> -> memref<256xi32, #tpu.memory_space<vmem>>
      %dma_start3A_130 = tpu.memref_slice %arg2[%add3A_17] : memref<16384xi32, #tpu.memory_space<hbm>> -> memref<256xi32, #tpu.memory_space<hbm>>
      %dma_start3A_131 = arith.constant 0 : i32
      %dma_start3A_132 = tpu.memref_slice %arg13[%dma_start3A_131] : memref<256xi32, #tpu.memory_space<vmem>> -> memref<256xi32, #tpu.memory_space<vmem>>
      %dma_start3A_133 = tpu.memref_slice %arg2[%add3A_17] : memref<16384xi32, #tpu.memory_space<hbm>> -> memref<256xi32, #tpu.memory_space<hbm>>
      tpu.enqueue_dma source(%dma_start3A_133 : memref<256xi32, #tpu.memory_space<hbm>>) target(%dma_start3A_132 : memref<256xi32, #tpu.memory_space<vmem>>) target_semaphore(%run_scoped3A : memref<!tpu.dma_semaphore, #tpu.memory_space<semaphore_mem>>)
      %dma_wait3A_134 = arith.constant 0 : i32
      %dma_wait3A_135 = tpu.memref_slice %arg13[%dma_wait3A_134] : memref<256xi32, #tpu.memory_space<vmem>> -> memref<256xi32, #tpu.memory_space<vmem>>
      %dma_wait3A_136 = tpu.memref_slice %arg2[%add3A_17] : memref<16384xi32, #tpu.memory_space<hbm>> -> memref<256xi32, #tpu.memory_space<hbm>>
      %dma_wait3A_137 = arith.constant 0 : i32
      %dma_wait3A_138 = tpu.memref_slice %arg13[%dma_wait3A_137] : memref<256xi32, #tpu.memory_space<vmem>> -> memref<256xi32, #tpu.memory_space<vmem>>
      %dma_wait3A_139 = tpu.memref_slice %arg2[%add3A_17] : memref<16384xi32, #tpu.memory_space<hbm>> -> memref<256xi32, #tpu.memory_space<hbm>>
      tpu.wait_dma2 semaphore(%run_scoped3A : memref<!tpu.dma_semaphore, #tpu.memory_space<semaphore_mem>>) src(%dma_wait3A_139 : memref<256xi32, #tpu.memory_space<hbm>>) dst(%dma_wait3A_138 : memref<256xi32, #tpu.memory_space<vmem>>)
      tpu.yield
    }) : () -> ()
    %scan3A_18 = arith.constant 0 : i32
    %scan3A_19 = arith.constant 0 : i32
    %scan3A_20 = arith.constant 16 : i32
    %scan3A_21 = arith.addi %scan3A_19, %scan3A_20 : i32
    %scan3A_22 = arith.constant 1 : i32
    scf.for %scan3A_128 = %scan3A_19 to %scan3A_21 step %scan3A_22  : i32 {
      %mul3A_129 = arith.constant 16 : i32
      %mul3A_130 = arith.muli %scan3A_128, %mul3A_129 : i32
      %multiple_of3A = tpu.assume_multiple %mul3A_130, 8 : i32
      %get3A = arith.index_cast %multiple_of3A : i32 to index
      %get3A_131 = tpu.vector_load %arg13[%get3A] {strides = array<i32>} : memref<256xi32, #tpu.memory_space<vmem>>, vector<16xi32>,
      %get3A_132 = vector.shape_cast %get3A_131 : vector<16xi32> to vector<16xi32>
      %dma_start3A_133 = arith.constant 0 : i32
      %dma_start3A_134 = tpu.memref_slice %arg15[%multiple_of3A, %dma_start3A_133] : memref<256x64xf32, #tpu.memory_space<vmem>> -> memref<16x64xf32, #tpu.memory_space<vmem>>
      %dma_start3A_135 = arith.constant 0 : i32
      %dma_start3A_136 = arith.constant 0 : i32
      %dma_start3A_137 = tpu.memref_slice %arg6[%dma_start3A_135, %dma_start3A_136] : memref<1000000x64xf32, #tpu.memory_space<hbm>> -> memref<1000000x64xf32, #tpu.memory_space<hbm>>
      tpu.enqueue_indirect_dma source(%dma_start3A_137 : memref<1000000x64xf32, #tpu.memory_space<hbm>>) target(%dma_start3A_134 : memref<16x64xf32, #tpu.memory_space<vmem>>) offsets(%get3A_132 : vector<16xi32>) semaphore(%arg21 : memref<!tpu.dma_semaphore, #tpu.memory_space<semaphore_mem>>)
    }
    %scan3A_23 = arith.constant 16 : i32
    %scan3A_24 = arith.constant 0 : i32
    %scan3A_25 = arith.constant 0 : i32
    %scan3A_26 = arith.constant 16 : i32
    %scan3A_27 = arith.addi %scan3A_25, %scan3A_26 : i32
    %scan3A_28 = arith.constant 1 : i32
    scf.for %scan3A_128 = %scan3A_25 to %scan3A_27 step %scan3A_28  : i32 {
      %mul3A_129 = arith.constant 16 : i32
      %mul3A_130 = arith.muli %scan3A_128, %mul3A_129 : i32
      %multiple_of3A = tpu.assume_multiple %mul3A_130, 8 : i32
      %get3A = arith.index_cast %multiple_of3A : i32 to index
      %get3A_131 = tpu.vector_load %arg13[%get3A] {strides = array<i32>} : memref<256xi32, #tpu.memory_space<vmem>>, vector<16xi32>,
      %get3A_132 = vector.shape_cast %get3A_131 : vector<16xi32> to vector<16xi32>
      %dma_wait3A_133 = arith.constant 0 : i32
      %dma_wait3A_134 = tpu.memref_slice %arg15[%multiple_of3A, %dma_wait3A_133] : memref<256x64xf32, #tpu.memory_space<vmem>> -> memref<16x64xf32, #tpu.memory_space<vmem>>
      %dma_wait3A_135 = arith.constant 0 : i32
      %dma_wait3A_136 = arith.constant 0 : i32
      %dma_wait3A_137 = tpu.memref_slice %arg6[%dma_wait3A_135, %dma_wait3A_136] : memref<1000000x64xf32, #tpu.memory_space<hbm>> -> memref<1000000x64xf32, #tpu.memory_space<hbm>>
      tpu.wait_indirect_dma semaphore(%arg21 : memref<!tpu.dma_semaphore, #tpu.memory_space<semaphore_mem>>) src(%dma_wait3A_137 : memref<1000000x64xf32, #tpu.memory_space<hbm>>) dst(%dma_wait3A_134 : memref<16x64xf32, #tpu.memory_space<vmem>>)
    }
    %scan3A_29 = arith.constant 16 : i32
    "tpu.region"() ({
      %run_scoped3A = tpu.sem_alloc : memref<!tpu.dma_semaphore, #tpu.memory_space<semaphore_mem>>
      %dma_start3A_128 = arith.constant 0 : i32
      %dma_start3A_129 = arith.constant 0 : i32
      %dma_start3A_130 = tpu.memref_slice %arg15[%dma_start3A_128, %dma_start3A_129] : memref<256x64xf32, #tpu.memory_space<vmem>> -> memref<256x64xf32, #tpu.memory_space<vmem>>
      %dma_start3A_131 = arith.constant 0 : i32
      %dma_start3A_132 = tpu.memref_slice %arg9[%add3A_17, %dma_start3A_131] : memref<16384x64xf32, #tpu.memory_space<hbm>> -> memref<256x64xf32, #tpu.memory_space<hbm>>
      %dma_start3A_133 = arith.constant 0 : i32
      %dma_start3A_134 = tpu.memref_slice %arg9[%add3A_17, %dma_start3A_133] : memref<16384x64xf32, #tpu.memory_space<hbm>> -> memref<256x64xf32, #tpu.memory_space<hbm>>
      %dma_start3A_135 = arith.constant 0 : i32
      %dma_start3A_136 = arith.constant 0 : i32
      %dma_start3A_137 = tpu.memref_slice %arg15[%dma_start3A_135, %dma_start3A_136] : memref<256x64xf32, #tpu.memory_space<vmem>> -> memref<256x64xf32, #tpu.memory_space<vmem>>
      tpu.enqueue_dma source(%dma_start3A_137 : memref<256x64xf32, #tpu.memory_space<vmem>>) target(%dma_start3A_134 : memref<256x64xf32, #tpu.memory_space<hbm>>) target_semaphore(%run_scoped3A : memref<!tpu.dma_semaphore, #tpu.memory_space<semaphore_mem>>)
      %dma_wait3A_138 = arith.constant 0 : i32
      %dma_wait3A_139 = arith.constant 0 : i32
      %dma_wait3A_140 = tpu.memref_slice %arg15[%dma_wait3A_138, %dma_wait3A_139] : memref<256x64xf32, #tpu.memory_space<vmem>> -> memref<256x64xf32, #tpu.memory_space<vmem>>
      %dma_wait3A_141 = arith.constant 0 : i32
      %dma_wait3A_142 = tpu.memref_slice %arg9[%add3A_17, %dma_wait3A_141] : memref<16384x64xf32, #tpu.memory_space<hbm>> -> memref<256x64xf32, #tpu.memory_space<hbm>>
      %dma_wait3A_143 = arith.constant 0 : i32
      %dma_wait3A_144 = tpu.memref_slice %arg9[%add3A_17, %dma_wait3A_143] : memref<16384x64xf32, #tpu.memory_space<hbm>> -> memref<256x64xf32, #tpu.memory_space<hbm>>
      %dma_wait3A_145 = arith.constant 0 : i32
      %dma_wait3A_146 = arith.constant 0 : i32
      %dma_wait3A_147 = tpu.memref_slice %arg15[%dma_wait3A_145, %dma_wait3A_146] : memref<256x64xf32, #tpu.memory_space<vmem>> -> memref<256x64xf32, #tpu.memory_space<vmem>>
      tpu.wait_dma2 semaphore(%run_scoped3A : memref<!tpu.dma_semaphore, #tpu.memory_space<semaphore_mem>>) src(%dma_wait3A_147 : memref<256x64xf32, #tpu.memory_space<vmem>>) dst(%dma_wait3A_144 : memref<256x64xf32, #tpu.memory_space<hbm>>)
      tpu.yield
    }) : () -> ()
    %add3A_30 = arith.constant 0 : i32
    %add3A_31 = arith.addi %mul3A_2, %add3A_30 : i32
    "tpu.region"() ({
      %run_scoped3A = tpu.sem_alloc : memref<!tpu.dma_semaphore, #tpu.memory_space<semaphore_mem>>
      %dma_start3A_128 = arith.constant 0 : i32
      %dma_start3A_129 = tpu.memref_slice %arg13[%dma_start3A_128] : memref<256xi32, #tpu.memory_space<vmem>> -> memref<256xi32, #tpu.memory_space<vmem>>
      %dma_start3A_130 = tpu.memref_slice %arg3[%add3A_31] : memref<16384xi32, #tpu.memory_space<hbm>> -> memref<256xi32, #tpu.memory_space<hbm>>
      %dma_start3A_131 = arith.constant 0 : i32
      %dma_start3A_132 = tpu.memref_slice %arg13[%dma_start3A_131] : memref<256xi32, #tpu.memory_space<vmem>> -> memref<256xi32, #tpu.memory_space<vmem>>
      %dma_start3A_133 = tpu.memref_slice %arg3[%add3A_31] : memref<16384xi32, #tpu.memory_space<hbm>> -> memref<256xi32, #tpu.memory_space<hbm>>
      tpu.enqueue_dma source(%dma_start3A_133 : memref<256xi32, #tpu.memory_space<hbm>>) target(%dma_start3A_132 : memref<256xi32, #tpu.memory_space<vmem>>) target_semaphore(%run_scoped3A : memref<!tpu.dma_semaphore, #tpu.memory_space<semaphore_mem>>)
      %dma_wait3A_134 = arith.constant 0 : i32
      %dma_wait3A_135 = tpu.memref_slice %arg13[%dma_wait3A_134] : memref<256xi32, #tpu.memory_space<vmem>> -> memref<256xi32, #tpu.memory_space<vmem>>
      %dma_wait3A_136 = tpu.memref_slice %arg3[%add3A_31] : memref<16384xi32, #tpu.memory_space<hbm>> -> memref<256xi32, #tpu.memory_space<hbm>>
      %dma_wait3A_137 = arith.constant 0 : i32
      %dma_wait3A_138 = tpu.memref_slice %arg13[%dma_wait3A_137] : memref<256xi32, #tpu.memory_space<vmem>> -> memref<256xi32, #tpu.memory_space<vmem>>
      %dma_wait3A_139 = tpu.memref_slice %arg3[%add3A_31] : memref<16384xi32, #tpu.memory_space<hbm>> -> memref<256xi32, #tpu.memory_space<hbm>>
      tpu.wait_dma2 semaphore(%run_scoped3A : memref<!tpu.dma_semaphore, #tpu.memory_space<semaphore_mem>>) src(%dma_wait3A_139 : memref<256xi32, #tpu.memory_space<hbm>>) dst(%dma_wait3A_138 : memref<256xi32, #tpu.memory_space<vmem>>)
      tpu.yield
    }) : () -> ()
    %scan3A_32 = arith.constant 0 : i32
    %scan3A_33 = arith.constant 0 : i32
    %scan3A_34 = arith.constant 16 : i32
    %scan3A_35 = arith.addi %scan3A_33, %scan3A_34 : i32
    %scan3A_36 = arith.constant 1 : i32
    scf.for %scan3A_128 = %scan3A_33 to %scan3A_35 step %scan3A_36  : i32 {
      %mul3A_129 = arith.constant 16 : i32
      %mul3A_130 = arith.muli %scan3A_128, %mul3A_129 : i32
      %multiple_of3A = tpu.assume_multiple %mul3A_130, 8 : i32
      %get3A = arith.index_cast %multiple_of3A : i32 to index
      %get3A_131 = tpu.vector_load %arg13[%get3A] {strides = array<i32>} : memref<256xi32, #tpu.memory_space<vmem>>, vector<16xi32>,
      %get3A_132 = vector.shape_cast %get3A_131 : vector<16xi32> to vector<16xi32>
      %dma_start3A_133 = arith.constant 0 : i32
      %dma_start3A_134 = tpu.memref_slice %arg15[%multiple_of3A, %dma_start3A_133] : memref<256x64xf32, #tpu.memory_space<vmem>> -> memref<16x64xf32, #tpu.memory_space<vmem>>
      %dma_start3A_135 = arith.constant 0 : i32
      %dma_start3A_136 = arith.constant 0 : i32
      %dma_start3A_137 = tpu.memref_slice %arg7[%dma_start3A_135, %dma_start3A_136] : memref<1000000x64xf32, #tpu.memory_space<hbm>> -> memref<1000000x64xf32, #tpu.memory_space<hbm>>
      tpu.enqueue_indirect_dma source(%dma_start3A_137 : memref<1000000x64xf32, #tpu.memory_space<hbm>>) target(%dma_start3A_134 : memref<16x64xf32, #tpu.memory_space<vmem>>) offsets(%get3A_132 : vector<16xi32>) semaphore(%arg21 : memref<!tpu.dma_semaphore, #tpu.memory_space<semaphore_mem>>)
    }
    %scan3A_37 = arith.constant 16 : i32
    %scan3A_38 = arith.constant 0 : i32
    %scan3A_39 = arith.constant 0 : i32
    %scan3A_40 = arith.constant 16 : i32
    %scan3A_41 = arith.addi %scan3A_39, %scan3A_40 : i32
    %scan3A_42 = arith.constant 1 : i32
    scf.for %scan3A_128 = %scan3A_39 to %scan3A_41 step %scan3A_42  : i32 {
      %mul3A_129 = arith.constant 16 : i32
      %mul3A_130 = arith.muli %scan3A_128, %mul3A_129 : i32
      %multiple_of3A = tpu.assume_multiple %mul3A_130, 8 : i32
      %get3A = arith.index_cast %multiple_of3A : i32 to index
      %get3A_131 = tpu.vector_load %arg13[%get3A] {strides = array<i32>} : memref<256xi32, #tpu.memory_space<vmem>>, vector<16xi32>,
      %get3A_132 = vector.shape_cast %get3A_131 : vector<16xi32> to vector<16xi32>
      %dma_wait3A_133 = arith.constant 0 : i32
      %dma_wait3A_134 = tpu.memref_slice %arg15[%multiple_of3A, %dma_wait3A_133] : memref<256x64xf32, #tpu.memory_space<vmem>> -> memref<16x64xf32, #tpu.memory_space<vmem>>
      %dma_wait3A_135 = arith.constant 0 : i32
      %dma_wait3A_136 = arith.constant 0 : i32
      %dma_wait3A_137 = tpu.memref_slice %arg7[%dma_wait3A_135, %dma_wait3A_136] : memref<1000000x64xf32, #tpu.memory_space<hbm>> -> memref<1000000x64xf32, #tpu.memory_space<hbm>>
      tpu.wait_indirect_dma semaphore(%arg21 : memref<!tpu.dma_semaphore, #tpu.memory_space<semaphore_mem>>) src(%dma_wait3A_137 : memref<1000000x64xf32, #tpu.memory_space<hbm>>) dst(%dma_wait3A_134 : memref<16x64xf32, #tpu.memory_space<vmem>>)
    }
    %scan3A_43 = arith.constant 16 : i32
    "tpu.region"() ({
      %run_scoped3A = tpu.sem_alloc : memref<!tpu.dma_semaphore, #tpu.memory_space<semaphore_mem>>
      %dma_start3A_128 = arith.constant 0 : i32
      %dma_start3A_129 = arith.constant 0 : i32
      %dma_start3A_130 = tpu.memref_slice %arg15[%dma_start3A_128, %dma_start3A_129] : memref<256x64xf32, #tpu.memory_space<vmem>> -> memref<256x64xf32, #tpu.memory_space<vmem>>
      %dma_start3A_131 = arith.constant 0 : i32
      %dma_start3A_132 = tpu.memref_slice %arg11[%add3A_31, %dma_start3A_131] : memref<16384x64xf32, #tpu.memory_space<hbm>> -> memref<256x64xf32, #tpu.memory_space<hbm>>
      %dma_start3A_133 = arith.constant 0 : i32
      %dma_start3A_134 = tpu.memref_slice %arg11[%add3A_31, %dma_start3A_133] : memref<16384x64xf32, #tpu.memory_space<hbm>> -> memref<256x64xf32, #tpu.memory_space<hbm>>
      %dma_start3A_135 = arith.constant 0 : i32
      %dma_start3A_136 = arith.constant 0 : i32
      %dma_start3A_137 = tpu.memref_slice %arg15[%dma_start3A_135, %dma_start3A_136] : memref<256x64xf32, #tpu.memory_space<vmem>> -> memref<256x64xf32, #tpu.memory_space<vmem>>
      tpu.enqueue_dma source(%dma_start3A_137 : memref<256x64xf32, #tpu.memory_space<vmem>>) target(%dma_start3A_134 : memref<256x64xf32, #tpu.memory_space<hbm>>) target_semaphore(%run_scoped3A : memref<!tpu.dma_semaphore, #tpu.memory_space<semaphore_mem>>)
      %dma_wait3A_138 = arith.constant 0 : i32
      %dma_wait3A_139 = arith.constant 0 : i32
      %dma_wait3A_140 = tpu.memref_slice %arg15[%dma_wait3A_138, %dma_wait3A_139] : memref<256x64xf32, #tpu.memory_space<vmem>> -> memref<256x64xf32, #tpu.memory_space<vmem>>
      %dma_wait3A_141 = arith.constant 0 : i32
      %dma_wait3A_142 = tpu.memref_slice %arg11[%add3A_31, %dma_wait3A_141] : memref<16384x64xf32, #tpu.memory_space<hbm>> -> memref<256x64xf32, #tpu.memory_space<hbm>>
      %dma_wait3A_143 = arith.constant 0 : i32
      %dma_wait3A_144 = tpu.memref_slice %arg11[%add3A_31, %dma_wait3A_143] : memref<16384x64xf32, #tpu.memory_space<hbm>> -> memref<256x64xf32, #tpu.memory_space<hbm>>
      %dma_wait3A_145 = arith.constant 0 : i32
      %dma_wait3A_146 = arith.constant 0 : i32
      %dma_wait3A_147 = tpu.memref_slice %arg15[%dma_wait3A_145, %dma_wait3A_146] : memref<256x64xf32, #tpu.memory_space<vmem>> -> memref<256x64xf32, #tpu.memory_space<vmem>>
      tpu.wait_dma2 semaphore(%run_scoped3A : memref<!tpu.dma_semaphore, #tpu.memory_space<semaphore_mem>>) src(%dma_wait3A_147 : memref<256x64xf32, #tpu.memory_space<vmem>>) dst(%dma_wait3A_144 : memref<256x64xf32, #tpu.memory_space<hbm>>)
      tpu.yield
    }) : () -> ()
    %add3A_44 = arith.constant 256 : i32
    %add3A_45 = arith.addi %mul3A_2, %add3A_44 : i32
    "tpu.region"() ({
      %run_scoped3A = tpu.sem_alloc : memref<!tpu.dma_semaphore, #tpu.memory_space<semaphore_mem>>
      %dma_start3A_128 = arith.constant 0 : i32
      %dma_start3A_129 = tpu.memref_slice %arg13[%dma_start3A_128] : memref<256xi32, #tpu.memory_space<vmem>> -> memref<256xi32, #tpu.memory_space<vmem>>
      %dma_start3A_130 = tpu.memref_slice %arg3[%add3A_45] : memref<16384xi32, #tpu.memory_space<hbm>> -> memref<256xi32, #tpu.memory_space<hbm>>
      %dma_start3A_131 = arith.constant 0 : i32
      %dma_start3A_132 = tpu.memref_slice %arg13[%dma_start3A_131] : memref<256xi32, #tpu.memory_space<vmem>> -> memref<256xi32, #tpu.memory_space<vmem>>
      %dma_start3A_133 = tpu.memref_slice %arg3[%add3A_45] : memref<16384xi32, #tpu.memory_space<hbm>> -> memref<256xi32, #tpu.memory_space<hbm>>
      tpu.enqueue_dma source(%dma_start3A_133 : memref<256xi32, #tpu.memory_space<hbm>>) target(%dma_start3A_132 : memref<256xi32, #tpu.memory_space<vmem>>) target_semaphore(%run_scoped3A : memref<!tpu.dma_semaphore, #tpu.memory_space<semaphore_mem>>)
      %dma_wait3A_134 = arith.constant 0 : i32
      %dma_wait3A_135 = tpu.memref_slice %arg13[%dma_wait3A_134] : memref<256xi32, #tpu.memory_space<vmem>> -> memref<256xi32, #tpu.memory_space<vmem>>
      %dma_wait3A_136 = tpu.memref_slice %arg3[%add3A_45] : memref<16384xi32, #tpu.memory_space<hbm>> -> memref<256xi32, #tpu.memory_space<hbm>>
      %dma_wait3A_137 = arith.constant 0 : i32
      %dma_wait3A_138 = tpu.memref_slice %arg13[%dma_wait3A_137] : memref<256xi32, #tpu.memory_space<vmem>> -> memref<256xi32, #tpu.memory_space<vmem>>
      %dma_wait3A_139 = tpu.memref_slice %arg3[%add3A_45] : memref<16384xi32, #tpu.memory_space<hbm>> -> memref<256xi32, #tpu.memory_space<hbm>>
      tpu.wait_dma2 semaphore(%run_scoped3A : memref<!tpu.dma_semaphore, #tpu.memory_space<semaphore_mem>>) src(%dma_wait3A_139 : memref<256xi32, #tpu.memory_space<hbm>>) dst(%dma_wait3A_138 : memref<256xi32, #tpu.memory_space<vmem>>)
      tpu.yield
    }) : () -> ()
    %scan3A_46 = arith.constant 0 : i32
    %scan3A_47 = arith.constant 0 : i32
    %scan3A_48 = arith.constant 16 : i32
    %scan3A_49 = arith.addi %scan3A_47, %scan3A_48 : i32
    %scan3A_50 = arith.constant 1 : i32
    scf.for %scan3A_128 = %scan3A_47 to %scan3A_49 step %scan3A_50  : i32 {
      %mul3A_129 = arith.constant 16 : i32
      %mul3A_130 = arith.muli %scan3A_128, %mul3A_129 : i32
      %multiple_of3A = tpu.assume_multiple %mul3A_130, 8 : i32
      %get3A = arith.index_cast %multiple_of3A : i32 to index
      %get3A_131 = tpu.vector_load %arg13[%get3A] {strides = array<i32>} : memref<256xi32, #tpu.memory_space<vmem>>, vector<16xi32>,
      %get3A_132 = vector.shape_cast %get3A_131 : vector<16xi32> to vector<16xi32>
      %dma_start3A_133 = arith.constant 0 : i32
      %dma_start3A_134 = tpu.memref_slice %arg15[%multiple_of3A, %dma_start3A_133] : memref<256x64xf32, #tpu.memory_space<vmem>> -> memref<16x64xf32, #tpu.memory_space<vmem>>
      %dma_start3A_135 = arith.constant 0 : i32
      %dma_start3A_136 = arith.constant 0 : i32
      %dma_start3A_137 = tpu.memref_slice %arg7[%dma_start3A_135, %dma_start3A_136] : memref<1000000x64xf32, #tpu.memory_space<hbm>> -> memref<1000000x64xf32, #tpu.memory_space<hbm>>
      tpu.enqueue_indirect_dma source(%dma_start3A_137 : memref<1000000x64xf32, #tpu.memory_space<hbm>>) target(%dma_start3A_134 : memref<16x64xf32, #tpu.memory_space<vmem>>) offsets(%get3A_132 : vector<16xi32>) semaphore(%arg21 : memref<!tpu.dma_semaphore, #tpu.memory_space<semaphore_mem>>)
    }
    %scan3A_51 = arith.constant 16 : i32
    %scan3A_52 = arith.constant 0 : i32
    %scan3A_53 = arith.constant 0 : i32
    %scan3A_54 = arith.constant 16 : i32
    %scan3A_55 = arith.addi %scan3A_53, %scan3A_54 : i32
    %scan3A_56 = arith.constant 1 : i32
    scf.for %scan3A_128 = %scan3A_53 to %scan3A_55 step %scan3A_56  : i32 {
      %mul3A_129 = arith.constant 16 : i32
      %mul3A_130 = arith.muli %scan3A_128, %mul3A_129 : i32
      %multiple_of3A = tpu.assume_multiple %mul3A_130, 8 : i32
      %get3A = arith.index_cast %multiple_of3A : i32 to index
      %get3A_131 = tpu.vector_load %arg13[%get3A] {strides = array<i32>} : memref<256xi32, #tpu.memory_space<vmem>>, vector<16xi32>,
      %get3A_132 = vector.shape_cast %get3A_131 : vector<16xi32> to vector<16xi32>
      %dma_wait3A_133 = arith.constant 0 : i32
      %dma_wait3A_134 = tpu.memref_slice %arg15[%multiple_of3A, %dma_wait3A_133] : memref<256x64xf32, #tpu.memory_space<vmem>> -> memref<16x64xf32, #tpu.memory_space<vmem>>
      %dma_wait3A_135 = arith.constant 0 : i32
      %dma_wait3A_136 = arith.constant 0 : i32
      %dma_wait3A_137 = tpu.memref_slice %arg7[%dma_wait3A_135, %dma_wait3A_136] : memref<1000000x64xf32, #tpu.memory_space<hbm>> -> memref<1000000x64xf32, #tpu.memory_space<hbm>>
      tpu.wait_indirect_dma semaphore(%arg21 : memref<!tpu.dma_semaphore, #tpu.memory_space<semaphore_mem>>) src(%dma_wait3A_137 : memref<1000000x64xf32, #tpu.memory_space<hbm>>) dst(%dma_wait3A_134 : memref<16x64xf32, #tpu.memory_space<vmem>>)
    }
    %scan3A_57 = arith.constant 16 : i32
    "tpu.region"() ({
      %run_scoped3A = tpu.sem_alloc : memref<!tpu.dma_semaphore, #tpu.memory_space<semaphore_mem>>
      %dma_start3A_128 = arith.constant 0 : i32
      %dma_start3A_129 = arith.constant 0 : i32
      %dma_start3A_130 = tpu.memref_slice %arg15[%dma_start3A_128, %dma_start3A_129] : memref<256x64xf32, #tpu.memory_space<vmem>> -> memref<256x64xf32, #tpu.memory_space<vmem>>
      %dma_start3A_131 = arith.constant 0 : i32
      %dma_start3A_132 = tpu.memref_slice %arg11[%add3A_45, %dma_start3A_131] : memref<16384x64xf32, #tpu.memory_space<hbm>> -> memref<256x64xf32, #tpu.memory_space<hbm>>
      %dma_start3A_133 = arith.constant 0 : i32
      %dma_start3A_134 = tpu.memref_slice %arg11[%add3A_45, %dma_start3A_133] : memref<16384x64xf32, #tpu.memory_space<hbm>> -> memref<256x64xf32, #tpu.memory_space<hbm>>
      %dma_start3A_135 = arith.constant 0 : i32
      %dma_start3A_136 = arith.constant 0 : i32
      %dma_start3A_137 = tpu.memref_slice %arg15[%dma_start3A_135, %dma_start3A_136] : memref<256x64xf32, #tpu.memory_space<vmem>> -> memref<256x64xf32, #tpu.memory_space<vmem>>
      tpu.enqueue_dma source(%dma_start3A_137 : memref<256x64xf32, #tpu.memory_space<vmem>>) target(%dma_start3A_134 : memref<256x64xf32, #tpu.memory_space<hbm>>) target_semaphore(%run_scoped3A : memref<!tpu.dma_semaphore, #tpu.memory_space<semaphore_mem>>)
      %dma_wait3A_138 = arith.constant 0 : i32
      %dma_wait3A_139 = arith.constant 0 : i32
      %dma_wait3A_140 = tpu.memref_slice %arg15[%dma_wait3A_138, %dma_wait3A_139] : memref<256x64xf32, #tpu.memory_space<vmem>> -> memref<256x64xf32, #tpu.memory_space<vmem>>
      %dma_wait3A_141 = arith.constant 0 : i32
      %dma_wait3A_142 = tpu.memref_slice %arg11[%add3A_45, %dma_wait3A_141] : memref<16384x64xf32, #tpu.memory_space<hbm>> -> memref<256x64xf32, #tpu.memory_space<hbm>>
      %dma_wait3A_143 = arith.constant 0 : i32
      %dma_wait3A_144 = tpu.memref_slice %arg11[%add3A_45, %dma_wait3A_143] : memref<16384x64xf32, #tpu.memory_space<hbm>> -> memref<256x64xf32, #tpu.memory_space<hbm>>
      %dma_wait3A_145 = arith.constant 0 : i32
      %dma_wait3A_146 = arith.constant 0 : i32
      %dma_wait3A_147 = tpu.memref_slice %arg15[%dma_wait3A_145, %dma_wait3A_146] : memref<256x64xf32, #tpu.memory_space<vmem>> -> memref<256x64xf32, #tpu.memory_space<vmem>>
      tpu.wait_dma2 semaphore(%run_scoped3A : memref<!tpu.dma_semaphore, #tpu.memory_space<semaphore_mem>>) src(%dma_wait3A_147 : memref<256x64xf32, #tpu.memory_space<vmem>>) dst(%dma_wait3A_144 : memref<256x64xf32, #tpu.memory_space<hbm>>)
      tpu.yield
    }) : () -> ()
    %mul3A_58 = arith.constant 56 : i32
    %mul3A_59 = arith.muli %mul3A_2, %mul3A_58 : i32
    %add3A_60 = arith.constant 0 : i32
    %add3A_61 = arith.addi %mul3A_59, %add3A_60 : i32
    "tpu.region"() ({
      %run_scoped3A = tpu.sem_alloc : memref<!tpu.dma_semaphore, #tpu.memory_space<semaphore_mem>>
      %dma_start3A_128 = arith.constant 0 : i32
      %dma_start3A_129 = tpu.memref_slice %arg13[%dma_start3A_128] : memref<256xi32, #tpu.memory_space<vmem>> -> memref<224xi32, #tpu.memory_space<vmem>>
      %dma_start3A_130 = tpu.memref_slice %arg4[%add3A_61] : memref<917504xi32, #tpu.memory_space<hbm>> -> memref<224xi32, #tpu.memory_space<hbm>>
      %dma_start3A_131 = arith.constant 0 : i32
      %dma_start3A_132 = tpu.memref_slice %arg13[%dma_start3A_131] : memref<256xi32, #tpu.memory_space<vmem>> -> memref<224xi32, #tpu.memory_space<vmem>>
      %dma_start3A_133 = tpu.memref_slice %arg4[%add3A_61] : memref<917504xi32, #tpu.memory_space<hbm>> -> memref<224xi32, #tpu.memory_space<hbm>>
      tpu.enqueue_dma source(%dma_start3A_133 : memref<224xi32, #tpu.memory_space<hbm>>) target(%dma_start3A_132 : memref<224xi32, #tpu.memory_space<vmem>>) target_semaphore(%run_scoped3A : memref<!tpu.dma_semaphore, #tpu.memory_space<semaphore_mem>>)
      %dma_wait3A_134 = arith.constant 0 : i32
      %dma_wait3A_135 = tpu.memref_slice %arg13[%dma_wait3A_134] : memref<256xi32, #tpu.memory_space<vmem>> -> memref<224xi32, #tpu.memory_space<vmem>>
      %dma_wait3A_136 = tpu.memref_slice %arg4[%add3A_61] : memref<917504xi32, #tpu.memory_space<hbm>> -> memref<224xi32, #tpu.memory_space<hbm>>
      %dma_wait3A_137 = arith.constant 0 : i32
      %dma_wait3A_138 = tpu.memref_slice %arg13[%dma_wait3A_137] : memref<256xi32, #tpu.memory_space<vmem>> -> memref<224xi32, #tpu.memory_space<vmem>>
      %dma_wait3A_139 = tpu.memref_slice %arg4[%add3A_61] : memref<917504xi32, #tpu.memory_space<hbm>> -> memref<224xi32, #tpu.memory_space<hbm>>
      tpu.wait_dma2 semaphore(%run_scoped3A : memref<!tpu.dma_semaphore, #tpu.memory_space<semaphore_mem>>) src(%dma_wait3A_139 : memref<224xi32, #tpu.memory_space<hbm>>) dst(%dma_wait3A_138 : memref<224xi32, #tpu.memory_space<vmem>>)
      tpu.yield
    }) : () -> ()
    %scan3A_62 = arith.constant 0 : i32
    %scan3A_63 = arith.constant 0 : i32
    %scan3A_64 = arith.constant 14 : i32
    %scan3A_65 = arith.addi %scan3A_63, %scan3A_64 : i32
    %scan3A_66 = arith.constant 1 : i32
    scf.for %scan3A_128 = %scan3A_63 to %scan3A_65 step %scan3A_66  : i32 {
      %mul3A_129 = arith.constant 16 : i32
      %mul3A_130 = arith.muli %scan3A_128, %mul3A_129 : i32
      %multiple_of3A = tpu.assume_multiple %mul3A_130, 8 : i32
      %get3A = arith.index_cast %multiple_of3A : i32 to index
      %get3A_131 = tpu.vector_load %arg13[%get3A] {strides = array<i32>} : memref<256xi32, #tpu.memory_space<vmem>>, vector<16xi32>,
      %get3A_132 = vector.shape_cast %get3A_131 : vector<16xi32> to vector<16xi32>
      %dma_start3A_133 = arith.constant 0 : i32
      %dma_start3A_134 = tpu.memref_slice %arg15[%multiple_of3A, %dma_start3A_133] : memref<256x64xf32, #tpu.memory_space<vmem>> -> memref<16x64xf32, #tpu.memory_space<vmem>>
      %dma_start3A_135 = arith.constant 0 : i32
      %dma_start3A_136 = arith.constant 0 : i32
      %dma_start3A_137 = tpu.memref_slice %arg7[%dma_start3A_135, %dma_start3A_136] : memref<1000000x64xf32, #tpu.memory_space<hbm>> -> memref<1000000x64xf32, #tpu.memory_space<hbm>>
      tpu.enqueue_indirect_dma source(%dma_start3A_137 : memref<1000000x64xf32, #tpu.memory_space<hbm>>) target(%dma_start3A_134 : memref<16x64xf32, #tpu.memory_space<vmem>>) offsets(%get3A_132 : vector<16xi32>) semaphore(%arg22 : memref<!tpu.dma_semaphore, #tpu.memory_space<semaphore_mem>>)
    }
    %scan3A_67 = arith.constant 14 : i32
    %add3A_68 = arith.constant 224 : i32
    %add3A_69 = arith.addi %mul3A_59, %add3A_68 : i32
    %dma_start3A = arith.constant 0 : i32
    %dma_start3A_70 = tpu.memref_slice %arg14[%dma_start3A] : memref<256xi32, #tpu.memory_space<vmem>> -> memref<224xi32, #tpu.memory_space<vmem>>
    %dma_start3A_71 = tpu.memref_slice %arg4[%add3A_69] : memref<917504xi32, #tpu.memory_space<hbm>> -> memref<224xi32, #tpu.memory_space<hbm>>
    %dma_start3A_72 = arith.constant 0 : i32
    %dma_start3A_73 = tpu.memref_slice %arg14[%dma_start3A_72] : memref<256xi32, #tpu.memory_space<vmem>> -> memref<224xi32, #tpu.memory_space<vmem>>
    %dma_start3A_74 = tpu.memref_slice %arg4[%add3A_69] : memref<917504xi32, #tpu.memory_space<hbm>> -> memref<224xi32, #tpu.memory_space<hbm>>
    tpu.enqueue_dma source(%dma_start3A_74 : memref<224xi32, #tpu.memory_space<hbm>>) target(%dma_start3A_73 : memref<224xi32, #tpu.memory_space<vmem>>) target_semaphore(%arg25 : memref<!tpu.dma_semaphore, #tpu.memory_space<semaphore_mem>>)
    %scan3A_75 = arith.constant 0 : i32
    %scan3A_76 = arith.constant 0 : i32
    %scan3A_77 = arith.constant 16 : i32
    %scan3A_78 = arith.addi %scan3A_76, %scan3A_77 : i32
    %scan3A_79 = arith.constant 1 : i32
    scf.for %scan3A_128 = %scan3A_76 to %scan3A_78 step %scan3A_79  : i32 {
      %mul3A_129 = arith.constant 8 : i32
      %mul3A_130 = arith.muli %scan3A_128, %mul3A_129 : i32
      %add3A_131 = arith.constant 0 : i32
      %add3A_132 = arith.addi %mul3A_130, %add3A_131 : i32
      %add3A_133 = arith.constant 1 : i32
      %add3A_134 = arith.addi %add3A_132, %add3A_133 : i32
      %lt3A = arith.constant 128 : i32
      %lt3A_135 = arith.cmpi slt, %add3A_134, %lt3A : i32
      %convert_element_type3A = arith.extui %lt3A_135 : i1 to i32
      %cond3A = arith.constant 0 : i32
      %cond3A_136 = arith.cmpi ne, %convert_element_type3A, %cond3A : i32
      scf.if %cond3A_136 {
        %add3A_397 = arith.constant 1 : i32
        %add3A_398 = arith.addi %add3A_132, %add3A_397 : i32
        %mul3A_399 = arith.constant 224 : i32
        %mul3A_400 = arith.muli %add3A_398, %mul3A_399 : i32
        %add3A_401 = arith.addi %mul3A_59, %mul3A_400 : i32
        %dma_wait3A_402 = arith.constant 0 : i32
        %dma_wait3A_403 = tpu.memref_slice %arg14[%dma_wait3A_402] : memref<256xi32, #tpu.memory_space<vmem>> -> memref<224xi32, #tpu.memory_space<vmem>>
        %dma_wait3A_404 = tpu.memref_slice %arg4[%add3A_401] : memref<917504xi32, #tpu.memory_space<hbm>> -> memref<224xi32, #tpu.memory_space<hbm>>
        %dma_wait3A_405 = arith.constant 0 : i32
        %dma_wait3A_406 = tpu.memref_slice %arg14[%dma_wait3A_405] : memref<256xi32, #tpu.memory_space<vmem>> -> memref<224xi32, #tpu.memory_space<vmem>>
        %dma_wait3A_407 = tpu.memref_slice %arg4[%add3A_401] : memref<917504xi32, #tpu.memory_space<hbm>> -> memref<224xi32, #tpu.memory_space<hbm>>
        tpu.wait_dma2 semaphore(%arg25 : memref<!tpu.dma_semaphore, #tpu.memory_space<semaphore_mem>>) src(%dma_wait3A_407 : memref<224xi32, #tpu.memory_space<hbm>>) dst(%dma_wait3A_406 : memref<224xi32, #tpu.memory_space<vmem>>)
        %scan3A_408 = arith.constant 0 : i32
        %scan3A_409 = arith.constant 0 : i32
        %scan3A_410 = arith.constant 14 : i32
        %scan3A_411 = arith.addi %scan3A_409, %scan3A_410 : i32
        %scan3A_412 = arith.constant 1 : i32
        scf.for %scan3A_414 = %scan3A_409 to %scan3A_411 step %scan3A_412  : i32 {
          %mul3A_415 = arith.constant 16 : i32
          %mul3A_416 = arith.muli %scan3A_414, %mul3A_415 : i32
          %multiple_of3A_417 = tpu.assume_multiple %mul3A_416, 8 : i32
          %get3A = arith.index_cast %multiple_of3A_417 : i32 to index
          %get3A_418 = tpu.vector_load %arg14[%get3A] {strides = array<i32>} : memref<256xi32, #tpu.memory_space<vmem>>, vector<16xi32>,
          %get3A_419 = vector.shape_cast %get3A_418 : vector<16xi32> to vector<16xi32>
          %dma_start3A_420 = arith.constant 0 : i32
          %dma_start3A_421 = tpu.memref_slice %arg16[%multiple_of3A_417, %dma_start3A_420] : memref<256x64xf32, #tpu.memory_space<vmem>> -> memref<16x64xf32, #tpu.memory_space<vmem>>
          %dma_start3A_422 = arith.constant 0 : i32
          %dma_start3A_423 = arith.constant 0 : i32
          %dma_start3A_424 = tpu.memref_slice %arg7[%dma_start3A_422, %dma_start3A_423] : memref<1000000x64xf32, #tpu.memory_space<hbm>> -> memref<1000000x64xf32, #tpu.memory_space<hbm>>
          tpu.enqueue_indirect_dma source(%dma_start3A_424 : memref<1000000x64xf32, #tpu.memory_space<hbm>>) target(%dma_start3A_421 : memref<16x64xf32, #tpu.memory_space<vmem>>) offsets(%get3A_419 : vector<16xi32>) semaphore(%arg23 : memref<!tpu.dma_semaphore, #tpu.memory_space<semaphore_mem>>)
        }
        %scan3A_413 = arith.constant 14 : i32
      } else {
      }
      %scan3A_137 = arith.constant 0 : i32
      %scan3A_138 = arith.constant 0 : i32
      %scan3A_139 = arith.constant 14 : i32
      %scan3A_140 = arith.addi %scan3A_138, %scan3A_139 : i32
      %scan3A_141 = arith.constant 1 : i32
      scf.for %scan3A_397 = %scan3A_138 to %scan3A_140 step %scan3A_141  : i32 {
        %mul3A_398 = arith.constant 16 : i32
        %mul3A_399 = arith.muli %scan3A_397, %mul3A_398 : i32
        %multiple_of3A_400 = tpu.assume_multiple %mul3A_399, 8 : i32
        %get3A = arith.index_cast %multiple_of3A_400 : i32 to index
        %get3A_401 = tpu.vector_load %arg13[%get3A] {strides = array<i32>} : memref<256xi32, #tpu.memory_space<vmem>>, vector<16xi32>,
        %get3A_402 = vector.shape_cast %get3A_401 : vector<16xi32> to vector<16xi32>
        %dma_wait3A_403 = arith.constant 0 : i32
        %dma_wait3A_404 = tpu.memref_slice %arg15[%multiple_of3A_400, %dma_wait3A_403] : memref<256x64xf32, #tpu.memory_space<vmem>> -> memref<16x64xf32, #tpu.memory_space<vmem>>
        %dma_wait3A_405 = arith.constant 0 : i32
        %dma_wait3A_406 = arith.constant 0 : i32
        %dma_wait3A_407 = tpu.memref_slice %arg7[%dma_wait3A_405, %dma_wait3A_406] : memref<1000000x64xf32, #tpu.memory_space<hbm>> -> memref<1000000x64xf32, #tpu.memory_space<hbm>>
        tpu.wait_indirect_dma semaphore(%arg22 : memref<!tpu.dma_semaphore, #tpu.memory_space<semaphore_mem>>) src(%dma_wait3A_407 : memref<1000000x64xf32, #tpu.memory_space<hbm>>) dst(%dma_wait3A_404 : memref<16x64xf32, #tpu.memory_space<vmem>>)
      }
      %scan3A_142 = arith.constant 14 : i32
      %ge3A = arith.constant 8 : i32
      %ge3A_143 = arith.cmpi sge, %add3A_132, %ge3A : i32
      %convert_element_type3A_144 = arith.extui %ge3A_143 : i1 to i32
      %cond3A_145 = arith.constant 0 : i32
      %cond3A_146 = arith.cmpi ne, %convert_element_type3A_144, %cond3A_145 : i32
      scf.if %cond3A_146 {
        %sub3A_397 = arith.constant 8 : i32
        %sub3A_398 = arith.subi %add3A_132, %sub3A_397 : i32
        %mul3A_399 = arith.constant 4 : i32
        %mul3A_400 = arith.muli %sub3A_398, %mul3A_399 : i32
        %add3A_401 = arith.addi %mul3A_2, %mul3A_400 : i32
        %multiple_of3A_402 = tpu.assume_multiple %add3A_401, 8 : i32
        %dma_wait3A_403 = arith.constant 0 : i32
        %dma_wait3A_404 = tpu.memref_slice %arg10[%multiple_of3A_402, %dma_wait3A_403] : memref<16384x64xf32, #tpu.memory_space<hbm>> -> memref<16x64xf32, #tpu.memory_space<hbm>>
        %dma_wait3A_405 = arith.constant 0 : i32
        %dma_wait3A_406 = tpu.memref_slice %arg10[%multiple_of3A_402, %dma_wait3A_405] : memref<16384x64xf32, #tpu.memory_space<hbm>> -> memref<16x64xf32, #tpu.memory_space<hbm>>
        tpu.wait_dma2 semaphore(%arg26 : memref<!tpu.dma_semaphore, #tpu.memory_space<semaphore_mem>>) src(%arg17 : memref<16x64xf32, #tpu.memory_space<vmem>>) dst(%dma_wait3A_406 : memref<16x64xf32, #tpu.memory_space<hbm>>)
      } else {
      }
      %scan3A_147 = arith.constant 0 : i32
      %scan3A_148 = arith.constant 0 : i32
      %scan3A_149 = arith.constant 4 : i32
      %scan3A_150 = arith.addi %scan3A_148, %scan3A_149 : i32
      %scan3A_151 = arith.constant 1 : i32
      scf.for %scan3A_397 = %scan3A_148 to %scan3A_150 step %scan3A_151  : i32 {
        %add3A_398 = arith.constant 0 : i32
        %add3A_399 = arith.addi %add3A_398, %scan3A_397 : i32
        %mul3A_400 = arith.constant 56 : i32
        %mul3A_401 = arith.muli %scan3A_397, %mul3A_400 : i32
        %broadcast_in_dim3A = arith.constant 0.000000e+00 : f32
        %broadcast_in_dim3A_402 = vector.broadcast %broadcast_in_dim3A : f32 to vector<16xf32>
        %broadcast_in_dim3A_403 = arith.constant 0.000000e+00 : f32
        %broadcast_in_dim3A_404 = vector.broadcast %broadcast_in_dim3A_403 : f32 to vector<16xf32>
        %broadcast_in_dim3A_405 = arith.constant 0.000000e+00 : f32
        %broadcast_in_dim3A_406 = vector.broadcast %broadcast_in_dim3A_405 : f32 to vector<16xf32>
        %broadcast_in_dim3A_407 = arith.constant 0.000000e+00 : f32
        %broadcast_in_dim3A_408 = vector.broadcast %broadcast_in_dim3A_407 : f32 to vector<16xf32>
        %scan3A_409 = arith.constant 0 : i32
        %scan3A_410 = arith.constant 56 : i32
        %scan3A_411 = arith.addi %scan3A_409, %scan3A_410 : i32
        %scan3A_412 = arith.constant 1 : i32
        %scan3A_413:4 = scf.for %scan3A_434 = %scan3A_409 to %scan3A_411 step %scan3A_412 iter_args(%scan3A_435 = %broadcast_in_dim3A_402, %scan3A_436 = %broadcast_in_dim3A_404, %scan3A_437 = %broadcast_in_dim3A_406, %scan3A_438 = %broadcast_in_dim3A_408) -> (vector<16xf32>, vector<16xf32>, vector<16xf32>, vector<16xf32>)  : i32 {
          %add3A_439 = arith.addi %mul3A_401, %scan3A_434 : i32
          %get3A = arith.index_cast %add3A_439 : i32 to index
          %get3A_440 = arith.constant 0 : index
          %get3A_441 = tpu.vector_load %arg15[%get3A, %get3A_440] {strides = array<i32>} : memref<256x64xf32, #tpu.memory_space<vmem>>, vector<1x16xf32>,
          %get3A_442 = vector.shape_cast %get3A_441 : vector<1x16xf32> to vector<16xf32>
          %add3A_443 = arith.addf %scan3A_435, %get3A_442 : vector<16xf32>
          %add3A_444 = arith.addi %mul3A_401, %scan3A_434 : i32
          %get3A_445 = arith.index_cast %add3A_444 : i32 to index
          %get3A_446 = arith.constant 16 : index
          %get3A_447 = tpu.vector_load %arg15[%get3A_445, %get3A_446] {strides = array<i32>} : memref<256x64xf32, #tpu.memory_space<vmem>>, vector<1x16xf32>,
          %get3A_448 = vector.shape_cast %get3A_447 : vector<1x16xf32> to vector<16xf32>
          %add3A_449 = arith.addf %scan3A_436, %get3A_448 : vector<16xf32>
          %add3A_450 = arith.addi %mul3A_401, %scan3A_434 : i32
          %get3A_451 = arith.index_cast %add3A_450 : i32 to index
          %get3A_452 = arith.constant 32 : index
          %get3A_453 = tpu.vector_load %arg15[%get3A_451, %get3A_452] {strides = array<i32>} : memref<256x64xf32, #tpu.memory_space<vmem>>, vector<1x16xf32>,
          %get3A_454 = vector.shape_cast %get3A_453 : vector<1x16xf32> to vector<16xf32>
          %add3A_455 = arith.addf %scan3A_437, %get3A_454 : vector<16xf32>
          %add3A_456 = arith.addi %mul3A_401, %scan3A_434 : i32
          %get3A_457 = arith.index_cast %add3A_456 : i32 to index
          %get3A_458 = arith.constant 48 : index
          %get3A_459 = tpu.vector_load %arg15[%get3A_457, %get3A_458] {strides = array<i32>} : memref<256x64xf32, #tpu.memory_space<vmem>>, vector<1x16xf32>,
          %get3A_460 = vector.shape_cast %get3A_459 : vector<1x16xf32> to vector<16xf32>
          %add3A_461 = arith.addf %scan3A_438, %get3A_460 : vector<16xf32>
          scf.yield %add3A_443, %add3A_449, %add3A_455, %add3A_461 : vector<16xf32>, vector<16xf32>, vector<16xf32>, vector<16xf32>
        }
        %scan3A_414 = arith.constant 56 : i32
        %swap3A = arith.index_cast %add3A_399 : i32 to index
        %swap3A_415 = arith.constant 0 : index
        %swap3A_416 = tpu.vector_load %arg17[%swap3A, %swap3A_415] {strides = array<i32>} : memref<16x64xf32, #tpu.memory_space<vmem>>, vector<1x16xf32>,
        %swap3A_417 = vector.shape_cast %swap3A_416 : vector<1x16xf32> to vector<16xf32>
        %swap3A_418 = vector.shape_cast %scan3A_413#0 : vector<16xf32> to vector<1x16xf32>
        tpu.vector_store %arg17[%swap3A, %swap3A_415], %swap3A_418 {strides = array<i32>} : memref<16x64xf32, #tpu.memory_space<vmem>>, vector<1x16xf32>,
        %swap3A_419 = arith.index_cast %add3A_399 : i32 to index
        %swap3A_420 = arith.constant 16 : index
        %swap3A_421 = tpu.vector_load %arg17[%swap3A_419, %swap3A_420] {strides = array<i32>} : memref<16x64xf32, #tpu.memory_space<vmem>>, vector<1x16xf32>,
        %swap3A_422 = vector.shape_cast %swap3A_421 : vector<1x16xf32> to vector<16xf32>
        %swap3A_423 = vector.shape_cast %scan3A_413#1 : vector<16xf32> to vector<1x16xf32>
        tpu.vector_store %arg17[%swap3A_419, %swap3A_420], %swap3A_423 {strides = array<i32>} : memref<16x64xf32, #tpu.memory_space<vmem>>, vector<1x16xf32>,
        %swap3A_424 = arith.index_cast %add3A_399 : i32 to index
        %swap3A_425 = arith.constant 32 : index
        %swap3A_426 = tpu.vector_load %arg17[%swap3A_424, %swap3A_425] {strides = array<i32>} : memref<16x64xf32, #tpu.memory_space<vmem>>, vector<1x16xf32>,
        %swap3A_427 = vector.shape_cast %swap3A_426 : vector<1x16xf32> to vector<16xf32>
        %swap3A_428 = vector.shape_cast %scan3A_413#2 : vector<16xf32> to vector<1x16xf32>
        tpu.vector_store %arg17[%swap3A_424, %swap3A_425], %swap3A_428 {strides = array<i32>} : memref<16x64xf32, #tpu.memory_space<vmem>>, vector<1x16xf32>,
        %swap3A_429 = arith.index_cast %add3A_399 : i32 to index
        %swap3A_430 = arith.constant 48 : index
        %swap3A_431 = tpu.vector_load %arg17[%swap3A_429, %swap3A_430] {strides = array<i32>} : memref<16x64xf32, #tpu.memory_space<vmem>>, vector<1x16xf32>,
        %swap3A_432 = vector.shape_cast %swap3A_431 : vector<1x16xf32> to vector<16xf32>
        %swap3A_433 = vector.shape_cast %scan3A_413#3 : vector<16xf32> to vector<1x16xf32>
        tpu.vector_store %arg17[%swap3A_429, %swap3A_430], %swap3A_433 {strides = array<i32>} : memref<16x64xf32, #tpu.memory_space<vmem>>, vector<1x16xf32>,
      }
      %scan3A_152 = arith.constant 4 : i32
      %add3A_153 = arith.constant 2 : i32
      %add3A_154 = arith.addi %add3A_132, %add3A_153 : i32
      %lt3A_155 = arith.constant 128 : i32
      %lt3A_156 = arith.cmpi slt, %add3A_154, %lt3A_155 : i32
      %convert_element_type3A_157 = arith.extui %lt3A_156 : i1 to i32
      %cond3A_158 = arith.constant 0 : i32
      %cond3A_159 = arith.cmpi ne, %convert_element_type3A_157, %cond3A_158 : i32
      scf.if %cond3A_159 {
        %add3A_397 = arith.constant 2 : i32
        %add3A_398 = arith.addi %add3A_132, %add3A_397 : i32
        %mul3A_399 = arith.constant 224 : i32
        %mul3A_400 = arith.muli %add3A_398, %mul3A_399 : i32
        %add3A_401 = arith.addi %mul3A_59, %mul3A_400 : i32
        %dma_start3A_402 = arith.constant 0 : i32
        %dma_start3A_403 = tpu.memref_slice %arg13[%dma_start3A_402] : memref<256xi32, #tpu.memory_space<vmem>> -> memref<224xi32, #tpu.memory_space<vmem>>
        %dma_start3A_404 = tpu.memref_slice %arg4[%add3A_401] : memref<917504xi32, #tpu.memory_space<hbm>> -> memref<224xi32, #tpu.memory_space<hbm>>
        %dma_start3A_405 = arith.constant 0 : i32
        %dma_start3A_406 = tpu.memref_slice %arg13[%dma_start3A_405] : memref<256xi32, #tpu.memory_space<vmem>> -> memref<224xi32, #tpu.memory_space<vmem>>
        %dma_start3A_407 = tpu.memref_slice %arg4[%add3A_401] : memref<917504xi32, #tpu.memory_space<hbm>> -> memref<224xi32, #tpu.memory_space<hbm>>
        tpu.enqueue_dma source(%dma_start3A_407 : memref<224xi32, #tpu.memory_space<hbm>>) target(%dma_start3A_406 : memref<224xi32, #tpu.memory_space<vmem>>) target_semaphore(%arg24 : memref<!tpu.dma_semaphore, #tpu.memory_space<semaphore_mem>>)
      } else {
      }
      %mul3A_160 = arith.constant 8 : i32
      %mul3A_161 = arith.muli %scan3A_128, %mul3A_160 : i32
      %add3A_162 = arith.constant 1 : i32
      %add3A_163 = arith.addi %mul3A_161, %add3A_162 : i32
      %add3A_164 = arith.constant 1 : i32
      %add3A_165 = arith.addi %add3A_163, %add3A_164 : i32
      %lt3A_166 = arith.constant 128 : i32
      %lt3A_167 = arith.cmpi slt, %add3A_165, %lt3A_166 : i32
      %convert_element_type3A_168 = arith.extui %lt3A_167 : i1 to i32
      %cond3A_169 = arith.constant 0 : i32
      %cond3A_170 = arith.cmpi ne, %convert_element_type3A_168, %cond3A_169 : i32
      scf.if %cond3A_170 {
        %add3A_397 = arith.constant 1 : i32
        %add3A_398 = arith.addi %add3A_163, %add3A_397 : i32
        %mul3A_399 = arith.constant 224 : i32
        %mul3A_400 = arith.muli %add3A_398, %mul3A_399 : i32
        %add3A_401 = arith.addi %mul3A_59, %mul3A_400 : i32
        %dma_wait3A_402 = arith.constant 0 : i32
        %dma_wait3A_403 = tpu.memref_slice %arg13[%dma_wait3A_402] : memref<256xi32, #tpu.memory_space<vmem>> -> memref<224xi32, #tpu.memory_space<vmem>>
        %dma_wait3A_404 = tpu.memref_slice %arg4[%add3A_401] : memref<917504xi32, #tpu.memory_space<hbm>> -> memref<224xi32, #tpu.memory_space<hbm>>
        %dma_wait3A_405 = arith.constant 0 : i32
        %dma_wait3A_406 = tpu.memref_slice %arg13[%dma_wait3A_405] : memref<256xi32, #tpu.memory_space<vmem>> -> memref<224xi32, #tpu.memory_space<vmem>>
        %dma_wait3A_407 = tpu.memref_slice %arg4[%add3A_401] : memref<917504xi32, #tpu.memory_space<hbm>> -> memref<224xi32, #tpu.memory_space<hbm>>
        tpu.wait_dma2 semaphore(%arg24 : memref<!tpu.dma_semaphore, #tpu.memory_space<semaphore_mem>>) src(%dma_wait3A_407 : memref<224xi32, #tpu.memory_space<hbm>>) dst(%dma_wait3A_406 : memref<224xi32, #tpu.memory_space<vmem>>)
        %scan3A_408 = arith.constant 0 : i32
        %scan3A_409 = arith.constant 0 : i32
        %scan3A_410 = arith.constant 14 : i32
        %scan3A_411 = arith.addi %scan3A_409, %scan3A_410 : i32
        %scan3A_412 = arith.constant 1 : i32
        scf.for %scan3A_414 = %scan3A_409 to %scan3A_411 step %scan3A_412  : i32 {
          %mul3A_415 = arith.constant 16 : i32
          %mul3A_416 = arith.muli %scan3A_414, %mul3A_415 : i32
          %multiple_of3A_417 = tpu.assume_multiple %mul3A_416, 8 : i32
          %get3A = arith.index_cast %multiple_of3A_417 : i32 to index
          %get3A_418 = tpu.vector_load %arg13[%get3A] {strides = array<i32>} : memref<256xi32, #tpu.memory_space<vmem>>, vector<16xi32>,
          %get3A_419 = vector.shape_cast %get3A_418 : vector<16xi32> to vector<16xi32>
          %dma_start3A_420 = arith.constant 0 : i32
          %dma_start3A_421 = tpu.memref_slice %arg15[%multiple_of3A_417, %dma_start3A_420] : memref<256x64xf32, #tpu.memory_space<vmem>> -> memref<16x64xf32, #tpu.memory_space<vmem>>
          %dma_start3A_422 = arith.constant 0 : i32
          %dma_start3A_423 = arith.constant 0 : i32
          %dma_start3A_424 = tpu.memref_slice %arg7[%dma_start3A_422, %dma_start3A_423] : memref<1000000x64xf32, #tpu.memory_space<hbm>> -> memref<1000000x64xf32, #tpu.memory_space<hbm>>
          tpu.enqueue_indirect_dma source(%dma_start3A_424 : memref<1000000x64xf32, #tpu.memory_space<hbm>>) target(%dma_start3A_421 : memref<16x64xf32, #tpu.memory_space<vmem>>) offsets(%get3A_419 : vector<16xi32>) semaphore(%arg22 : memref<!tpu.dma_semaphore, #tpu.memory_space<semaphore_mem>>)
        }
        %scan3A_413 = arith.constant 14 : i32
      } else {
      }
      %scan3A_171 = arith.constant 0 : i32
      %scan3A_172 = arith.constant 0 : i32
      %scan3A_173 = arith.constant 14 : i32
      %scan3A_174 = arith.addi %scan3A_172, %scan3A_173 : i32
      %scan3A_175 = arith.constant 1 : i32
      scf.for %scan3A_397 = %scan3A_172 to %scan3A_174 step %scan3A_175  : i32 {
        %mul3A_398 = arith.constant 16 : i32
        %mul3A_399 = arith.muli %scan3A_397, %mul3A_398 : i32
        %multiple_of3A_400 = tpu.assume_multiple %mul3A_399, 8 : i32
        %get3A = arith.index_cast %multiple_of3A_400 : i32 to index
        %get3A_401 = tpu.vector_load %arg14[%get3A] {strides = array<i32>} : memref<256xi32, #tpu.memory_space<vmem>>, vector<16xi32>,
        %get3A_402 = vector.shape_cast %get3A_401 : vector<16xi32> to vector<16xi32>
        %dma_wait3A_403 = arith.constant 0 : i32
        %dma_wait3A_404 = tpu.memref_slice %arg16[%multiple_of3A_400, %dma_wait3A_403] : memref<256x64xf32, #tpu.memory_space<vmem>> -> memref<16x64xf32, #tpu.memory_space<vmem>>
        %dma_wait3A_405 = arith.constant 0 : i32
        %dma_wait3A_406 = arith.constant 0 : i32
        %dma_wait3A_407 = tpu.memref_slice %arg7[%dma_wait3A_405, %dma_wait3A_406] : memref<1000000x64xf32, #tpu.memory_space<hbm>> -> memref<1000000x64xf32, #tpu.memory_space<hbm>>
        tpu.wait_indirect_dma semaphore(%arg23 : memref<!tpu.dma_semaphore, #tpu.memory_space<semaphore_mem>>) src(%dma_wait3A_407 : memref<1000000x64xf32, #tpu.memory_space<hbm>>) dst(%dma_wait3A_404 : memref<16x64xf32, #tpu.memory_space<vmem>>)
      }
      %scan3A_176 = arith.constant 14 : i32
      %scan3A_177 = arith.constant 0 : i32
      %scan3A_178 = arith.constant 0 : i32
      %scan3A_179 = arith.constant 4 : i32
      %scan3A_180 = arith.addi %scan3A_178, %scan3A_179 : i32
      %scan3A_181 = arith.constant 1 : i32
      scf.for %scan3A_397 = %scan3A_178 to %scan3A_180 step %scan3A_181  : i32 {
        %add3A_398 = arith.constant 4 : i32
        %add3A_399 = arith.addi %add3A_398, %scan3A_397 : i32
        %mul3A_400 = arith.constant 56 : i32
        %mul3A_401 = arith.muli %scan3A_397, %mul3A_400 : i32
        %broadcast_in_dim3A = arith.constant 0.000000e+00 : f32
        %broadcast_in_dim3A_402 = vector.broadcast %broadcast_in_dim3A : f32 to vector<16xf32>
        %broadcast_in_dim3A_403 = arith.constant 0.000000e+00 : f32
        %broadcast_in_dim3A_404 = vector.broadcast %broadcast_in_dim3A_403 : f32 to vector<16xf32>
        %broadcast_in_dim3A_405 = arith.constant 0.000000e+00 : f32
        %broadcast_in_dim3A_406 = vector.broadcast %broadcast_in_dim3A_405 : f32 to vector<16xf32>
        %broadcast_in_dim3A_407 = arith.constant 0.000000e+00 : f32
        %broadcast_in_dim3A_408 = vector.broadcast %broadcast_in_dim3A_407 : f32 to vector<16xf32>
        %scan3A_409 = arith.constant 0 : i32
        %scan3A_410 = arith.constant 56 : i32
        %scan3A_411 = arith.addi %scan3A_409, %scan3A_410 : i32
        %scan3A_412 = arith.constant 1 : i32
        %scan3A_413:4 = scf.for %scan3A_434 = %scan3A_409 to %scan3A_411 step %scan3A_412 iter_args(%scan3A_435 = %broadcast_in_dim3A_402, %scan3A_436 = %broadcast_in_dim3A_404, %scan3A_437 = %broadcast_in_dim3A_406, %scan3A_438 = %broadcast_in_dim3A_408) -> (vector<16xf32>, vector<16xf32>, vector<16xf32>, vector<16xf32>)  : i32 {
          %add3A_439 = arith.addi %mul3A_401, %scan3A_434 : i32
          %get3A = arith.index_cast %add3A_439 : i32 to index
          %get3A_440 = arith.constant 0 : index
          %get3A_441 = tpu.vector_load %arg16[%get3A, %get3A_440] {strides = array<i32>} : memref<256x64xf32, #tpu.memory_space<vmem>>, vector<1x16xf32>,
          %get3A_442 = vector.shape_cast %get3A_441 : vector<1x16xf32> to vector<16xf32>
          %add3A_443 = arith.addf %scan3A_435, %get3A_442 : vector<16xf32>
          %add3A_444 = arith.addi %mul3A_401, %scan3A_434 : i32
          %get3A_445 = arith.index_cast %add3A_444 : i32 to index
          %get3A_446 = arith.constant 16 : index
          %get3A_447 = tpu.vector_load %arg16[%get3A_445, %get3A_446] {strides = array<i32>} : memref<256x64xf32, #tpu.memory_space<vmem>>, vector<1x16xf32>,
          %get3A_448 = vector.shape_cast %get3A_447 : vector<1x16xf32> to vector<16xf32>
          %add3A_449 = arith.addf %scan3A_436, %get3A_448 : vector<16xf32>
          %add3A_450 = arith.addi %mul3A_401, %scan3A_434 : i32
          %get3A_451 = arith.index_cast %add3A_450 : i32 to index
          %get3A_452 = arith.constant 32 : index
          %get3A_453 = tpu.vector_load %arg16[%get3A_451, %get3A_452] {strides = array<i32>} : memref<256x64xf32, #tpu.memory_space<vmem>>, vector<1x16xf32>,
          %get3A_454 = vector.shape_cast %get3A_453 : vector<1x16xf32> to vector<16xf32>
          %add3A_455 = arith.addf %scan3A_437, %get3A_454 : vector<16xf32>
          %add3A_456 = arith.addi %mul3A_401, %scan3A_434 : i32
          %get3A_457 = arith.index_cast %add3A_456 : i32 to index
          %get3A_458 = arith.constant 48 : index
          %get3A_459 = tpu.vector_load %arg16[%get3A_457, %get3A_458] {strides = array<i32>} : memref<256x64xf32, #tpu.memory_space<vmem>>, vector<1x16xf32>,
          %get3A_460 = vector.shape_cast %get3A_459 : vector<1x16xf32> to vector<16xf32>
          %add3A_461 = arith.addf %scan3A_438, %get3A_460 : vector<16xf32>
          scf.yield %add3A_443, %add3A_449, %add3A_455, %add3A_461 : vector<16xf32>, vector<16xf32>, vector<16xf32>, vector<16xf32>
        }
        %scan3A_414 = arith.constant 56 : i32
        %swap3A = arith.index_cast %add3A_399 : i32 to index
        %swap3A_415 = arith.constant 0 : index
        %swap3A_416 = tpu.vector_load %arg17[%swap3A, %swap3A_415] {strides = array<i32>} : memref<16x64xf32, #tpu.memory_space<vmem>>, vector<1x16xf32>,
        %swap3A_417 = vector.shape_cast %swap3A_416 : vector<1x16xf32> to vector<16xf32>
        %swap3A_418 = vector.shape_cast %scan3A_413#0 : vector<16xf32> to vector<1x16xf32>
        tpu.vector_store %arg17[%swap3A, %swap3A_415], %swap3A_418 {strides = array<i32>} : memref<16x64xf32, #tpu.memory_space<vmem>>, vector<1x16xf32>,
        %swap3A_419 = arith.index_cast %add3A_399 : i32 to index
        %swap3A_420 = arith.constant 16 : index
        %swap3A_421 = tpu.vector_load %arg17[%swap3A_419, %swap3A_420] {strides = array<i32>} : memref<16x64xf32, #tpu.memory_space<vmem>>, vector<1x16xf32>,
        %swap3A_422 = vector.shape_cast %swap3A_421 : vector<1x16xf32> to vector<16xf32>
        %swap3A_423 = vector.shape_cast %scan3A_413#1 : vector<16xf32> to vector<1x16xf32>
        tpu.vector_store %arg17[%swap3A_419, %swap3A_420], %swap3A_423 {strides = array<i32>} : memref<16x64xf32, #tpu.memory_space<vmem>>, vector<1x16xf32>,
        %swap3A_424 = arith.index_cast %add3A_399 : i32 to index
        %swap3A_425 = arith.constant 32 : index
        %swap3A_426 = tpu.vector_load %arg17[%swap3A_424, %swap3A_425] {strides = array<i32>} : memref<16x64xf32, #tpu.memory_space<vmem>>, vector<1x16xf32>,
        %swap3A_427 = vector.shape_cast %swap3A_426 : vector<1x16xf32> to vector<16xf32>
        %swap3A_428 = vector.shape_cast %scan3A_413#2 : vector<16xf32> to vector<1x16xf32>
        tpu.vector_store %arg17[%swap3A_424, %swap3A_425], %swap3A_428 {strides = array<i32>} : memref<16x64xf32, #tpu.memory_space<vmem>>, vector<1x16xf32>,
        %swap3A_429 = arith.index_cast %add3A_399 : i32 to index
        %swap3A_430 = arith.constant 48 : index
        %swap3A_431 = tpu.vector_load %arg17[%swap3A_429, %swap3A_430] {strides = array<i32>} : memref<16x64xf32, #tpu.memory_space<vmem>>, vector<1x16xf32>,
        %swap3A_432 = vector.shape_cast %swap3A_431 : vector<1x16xf32> to vector<16xf32>
        %swap3A_433 = vector.shape_cast %scan3A_413#3 : vector<16xf32> to vector<1x16xf32>
        tpu.vector_store %arg17[%swap3A_429, %swap3A_430], %swap3A_433 {strides = array<i32>} : memref<16x64xf32, #tpu.memory_space<vmem>>, vector<1x16xf32>,
      }
      %scan3A_182 = arith.constant 4 : i32
      %add3A_183 = arith.constant 2 : i32
      %add3A_184 = arith.addi %add3A_163, %add3A_183 : i32
      %lt3A_185 = arith.constant 128 : i32
      %lt3A_186 = arith.cmpi slt, %add3A_184, %lt3A_185 : i32
      %convert_element_type3A_187 = arith.extui %lt3A_186 : i1 to i32
      %cond3A_188 = arith.constant 0 : i32
      %cond3A_189 = arith.cmpi ne, %convert_element_type3A_187, %cond3A_188 : i32
      scf.if %cond3A_189 {
        %add3A_397 = arith.constant 2 : i32
        %add3A_398 = arith.addi %add3A_163, %add3A_397 : i32
        %mul3A_399 = arith.constant 224 : i32
        %mul3A_400 = arith.muli %add3A_398, %mul3A_399 : i32
        %add3A_401 = arith.addi %mul3A_59, %mul3A_400 : i32
        %dma_start3A_402 = arith.constant 0 : i32
        %dma_start3A_403 = tpu.memref_slice %arg14[%dma_start3A_402] : memref<256xi32, #tpu.memory_space<vmem>> -> memref<224xi32, #tpu.memory_space<vmem>>
        %dma_start3A_404 = tpu.memref_slice %arg4[%add3A_401] : memref<917504xi32, #tpu.memory_space<hbm>> -> memref<224xi32, #tpu.memory_space<hbm>>
        %dma_start3A_405 = arith.constant 0 : i32
        %dma_start3A_406 = tpu.memref_slice %arg14[%dma_start3A_405] : memref<256xi32, #tpu.memory_space<vmem>> -> memref<224xi32, #tpu.memory_space<vmem>>
        %dma_start3A_407 = tpu.memref_slice %arg4[%add3A_401] : memref<917504xi32, #tpu.memory_space<hbm>> -> memref<224xi32, #tpu.memory_space<hbm>>
        tpu.enqueue_dma source(%dma_start3A_407 : memref<224xi32, #tpu.memory_space<hbm>>) target(%dma_start3A_406 : memref<224xi32, #tpu.memory_space<vmem>>) target_semaphore(%arg25 : memref<!tpu.dma_semaphore, #tpu.memory_space<semaphore_mem>>)
      } else {
      }
      %mul3A_190 = arith.constant 8 : i32
      %mul3A_191 = arith.muli %scan3A_128, %mul3A_190 : i32
      %add3A_192 = arith.constant 2 : i32
      %add3A_193 = arith.addi %mul3A_191, %add3A_192 : i32
      %add3A_194 = arith.constant 1 : i32
      %add3A_195 = arith.addi %add3A_193, %add3A_194 : i32
      %lt3A_196 = arith.constant 128 : i32
      %lt3A_197 = arith.cmpi slt, %add3A_195, %lt3A_196 : i32
      %convert_element_type3A_198 = arith.extui %lt3A_197 : i1 to i32
      %cond3A_199 = arith.constant 0 : i32
      %cond3A_200 = arith.cmpi ne, %convert_element_type3A_198, %cond3A_199 : i32
      scf.if %cond3A_200 {
        %add3A_397 = arith.constant 1 : i32
        %add3A_398 = arith.addi %add3A_193, %add3A_397 : i32
        %mul3A_399 = arith.constant 224 : i32
        %mul3A_400 = arith.muli %add3A_398, %mul3A_399 : i32
        %add3A_401 = arith.addi %mul3A_59, %mul3A_400 : i32
        %dma_wait3A_402 = arith.constant 0 : i32
        %dma_wait3A_403 = tpu.memref_slice %arg14[%dma_wait3A_402] : memref<256xi32, #tpu.memory_space<vmem>> -> memref<224xi32, #tpu.memory_space<vmem>>
        %dma_wait3A_404 = tpu.memref_slice %arg4[%add3A_401] : memref<917504xi32, #tpu.memory_space<hbm>> -> memref<224xi32, #tpu.memory_space<hbm>>
        %dma_wait3A_405 = arith.constant 0 : i32
        %dma_wait3A_406 = tpu.memref_slice %arg14[%dma_wait3A_405] : memref<256xi32, #tpu.memory_space<vmem>> -> memref<224xi32, #tpu.memory_space<vmem>>
        %dma_wait3A_407 = tpu.memref_slice %arg4[%add3A_401] : memref<917504xi32, #tpu.memory_space<hbm>> -> memref<224xi32, #tpu.memory_space<hbm>>
        tpu.wait_dma2 semaphore(%arg25 : memref<!tpu.dma_semaphore, #tpu.memory_space<semaphore_mem>>) src(%dma_wait3A_407 : memref<224xi32, #tpu.memory_space<hbm>>) dst(%dma_wait3A_406 : memref<224xi32, #tpu.memory_space<vmem>>)
        %scan3A_408 = arith.constant 0 : i32
        %scan3A_409 = arith.constant 0 : i32
        %scan3A_410 = arith.constant 14 : i32
        %scan3A_411 = arith.addi %scan3A_409, %scan3A_410 : i32
        %scan3A_412 = arith.constant 1 : i32
        scf.for %scan3A_414 = %scan3A_409 to %scan3A_411 step %scan3A_412  : i32 {
          %mul3A_415 = arith.constant 16 : i32
          %mul3A_416 = arith.muli %scan3A_414, %mul3A_415 : i32
          %multiple_of3A_417 = tpu.assume_multiple %mul3A_416, 8 : i32
          %get3A = arith.index_cast %multiple_of3A_417 : i32 to index
          %get3A_418 = tpu.vector_load %arg14[%get3A] {strides = array<i32>} : memref<256xi32, #tpu.memory_space<vmem>>, vector<16xi32>,
          %get3A_419 = vector.shape_cast %get3A_418 : vector<16xi32> to vector<16xi32>
          %dma_start3A_420 = arith.constant 0 : i32
          %dma_start3A_421 = tpu.memref_slice %arg16[%multiple_of3A_417, %dma_start3A_420] : memref<256x64xf32, #tpu.memory_space<vmem>> -> memref<16x64xf32, #tpu.memory_space<vmem>>
          %dma_start3A_422 = arith.constant 0 : i32
          %dma_start3A_423 = arith.constant 0 : i32
          %dma_start3A_424 = tpu.memref_slice %arg7[%dma_start3A_422, %dma_start3A_423] : memref<1000000x64xf32, #tpu.memory_space<hbm>> -> memref<1000000x64xf32, #tpu.memory_space<hbm>>
          tpu.enqueue_indirect_dma source(%dma_start3A_424 : memref<1000000x64xf32, #tpu.memory_space<hbm>>) target(%dma_start3A_421 : memref<16x64xf32, #tpu.memory_space<vmem>>) offsets(%get3A_419 : vector<16xi32>) semaphore(%arg23 : memref<!tpu.dma_semaphore, #tpu.memory_space<semaphore_mem>>)
        }
        %scan3A_413 = arith.constant 14 : i32
      } else {
      }
      %scan3A_201 = arith.constant 0 : i32
      %scan3A_202 = arith.constant 0 : i32
      %scan3A_203 = arith.constant 14 : i32
      %scan3A_204 = arith.addi %scan3A_202, %scan3A_203 : i32
      %scan3A_205 = arith.constant 1 : i32
      scf.for %scan3A_397 = %scan3A_202 to %scan3A_204 step %scan3A_205  : i32 {
        %mul3A_398 = arith.constant 16 : i32
        %mul3A_399 = arith.muli %scan3A_397, %mul3A_398 : i32
        %multiple_of3A_400 = tpu.assume_multiple %mul3A_399, 8 : i32
        %get3A = arith.index_cast %multiple_of3A_400 : i32 to index
        %get3A_401 = tpu.vector_load %arg13[%get3A] {strides = array<i32>} : memref<256xi32, #tpu.memory_space<vmem>>, vector<16xi32>,
        %get3A_402 = vector.shape_cast %get3A_401 : vector<16xi32> to vector<16xi32>
        %dma_wait3A_403 = arith.constant 0 : i32
        %dma_wait3A_404 = tpu.memref_slice %arg15[%multiple_of3A_400, %dma_wait3A_403] : memref<256x64xf32, #tpu.memory_space<vmem>> -> memref<16x64xf32, #tpu.memory_space<vmem>>
        %dma_wait3A_405 = arith.constant 0 : i32
        %dma_wait3A_406 = arith.constant 0 : i32
        %dma_wait3A_407 = tpu.memref_slice %arg7[%dma_wait3A_405, %dma_wait3A_406] : memref<1000000x64xf32, #tpu.memory_space<hbm>> -> memref<1000000x64xf32, #tpu.memory_space<hbm>>
        tpu.wait_indirect_dma semaphore(%arg22 : memref<!tpu.dma_semaphore, #tpu.memory_space<semaphore_mem>>) src(%dma_wait3A_407 : memref<1000000x64xf32, #tpu.memory_space<hbm>>) dst(%dma_wait3A_404 : memref<16x64xf32, #tpu.memory_space<vmem>>)
      }
      %scan3A_206 = arith.constant 14 : i32
      %scan3A_207 = arith.constant 0 : i32
      %scan3A_208 = arith.constant 0 : i32
      %scan3A_209 = arith.constant 4 : i32
      %scan3A_210 = arith.addi %scan3A_208, %scan3A_209 : i32
      %scan3A_211 = arith.constant 1 : i32
      scf.for %scan3A_397 = %scan3A_208 to %scan3A_210 step %scan3A_211  : i32 {
        %add3A_398 = arith.constant 8 : i32
        %add3A_399 = arith.addi %add3A_398, %scan3A_397 : i32
        %mul3A_400 = arith.constant 56 : i32
        %mul3A_401 = arith.muli %scan3A_397, %mul3A_400 : i32
        %broadcast_in_dim3A = arith.constant 0.000000e+00 : f32
        %broadcast_in_dim3A_402 = vector.broadcast %broadcast_in_dim3A : f32 to vector<16xf32>
        %broadcast_in_dim3A_403 = arith.constant 0.000000e+00 : f32
        %broadcast_in_dim3A_404 = vector.broadcast %broadcast_in_dim3A_403 : f32 to vector<16xf32>
        %broadcast_in_dim3A_405 = arith.constant 0.000000e+00 : f32
        %broadcast_in_dim3A_406 = vector.broadcast %broadcast_in_dim3A_405 : f32 to vector<16xf32>
        %broadcast_in_dim3A_407 = arith.constant 0.000000e+00 : f32
        %broadcast_in_dim3A_408 = vector.broadcast %broadcast_in_dim3A_407 : f32 to vector<16xf32>
        %scan3A_409 = arith.constant 0 : i32
        %scan3A_410 = arith.constant 56 : i32
        %scan3A_411 = arith.addi %scan3A_409, %scan3A_410 : i32
        %scan3A_412 = arith.constant 1 : i32
        %scan3A_413:4 = scf.for %scan3A_434 = %scan3A_409 to %scan3A_411 step %scan3A_412 iter_args(%scan3A_435 = %broadcast_in_dim3A_402, %scan3A_436 = %broadcast_in_dim3A_404, %scan3A_437 = %broadcast_in_dim3A_406, %scan3A_438 = %broadcast_in_dim3A_408) -> (vector<16xf32>, vector<16xf32>, vector<16xf32>, vector<16xf32>)  : i32 {
          %add3A_439 = arith.addi %mul3A_401, %scan3A_434 : i32
          %get3A = arith.index_cast %add3A_439 : i32 to index
          %get3A_440 = arith.constant 0 : index
          %get3A_441 = tpu.vector_load %arg15[%get3A, %get3A_440] {strides = array<i32>} : memref<256x64xf32, #tpu.memory_space<vmem>>, vector<1x16xf32>,
          %get3A_442 = vector.shape_cast %get3A_441 : vector<1x16xf32> to vector<16xf32>
          %add3A_443 = arith.addf %scan3A_435, %get3A_442 : vector<16xf32>
          %add3A_444 = arith.addi %mul3A_401, %scan3A_434 : i32
          %get3A_445 = arith.index_cast %add3A_444 : i32 to index
          %get3A_446 = arith.constant 16 : index
          %get3A_447 = tpu.vector_load %arg15[%get3A_445, %get3A_446] {strides = array<i32>} : memref<256x64xf32, #tpu.memory_space<vmem>>, vector<1x16xf32>,
          %get3A_448 = vector.shape_cast %get3A_447 : vector<1x16xf32> to vector<16xf32>
          %add3A_449 = arith.addf %scan3A_436, %get3A_448 : vector<16xf32>
          %add3A_450 = arith.addi %mul3A_401, %scan3A_434 : i32
          %get3A_451 = arith.index_cast %add3A_450 : i32 to index
          %get3A_452 = arith.constant 32 : index
          %get3A_453 = tpu.vector_load %arg15[%get3A_451, %get3A_452] {strides = array<i32>} : memref<256x64xf32, #tpu.memory_space<vmem>>, vector<1x16xf32>,
          %get3A_454 = vector.shape_cast %get3A_453 : vector<1x16xf32> to vector<16xf32>
          %add3A_455 = arith.addf %scan3A_437, %get3A_454 : vector<16xf32>
          %add3A_456 = arith.addi %mul3A_401, %scan3A_434 : i32
          %get3A_457 = arith.index_cast %add3A_456 : i32 to index
          %get3A_458 = arith.constant 48 : index
          %get3A_459 = tpu.vector_load %arg15[%get3A_457, %get3A_458] {strides = array<i32>} : memref<256x64xf32, #tpu.memory_space<vmem>>, vector<1x16xf32>,
          %get3A_460 = vector.shape_cast %get3A_459 : vector<1x16xf32> to vector<16xf32>
          %add3A_461 = arith.addf %scan3A_438, %get3A_460 : vector<16xf32>
          scf.yield %add3A_443, %add3A_449, %add3A_455, %add3A_461 : vector<16xf32>, vector<16xf32>, vector<16xf32>, vector<16xf32>
        }
        %scan3A_414 = arith.constant 56 : i32
        %swap3A = arith.index_cast %add3A_399 : i32 to index
        %swap3A_415 = arith.constant 0 : index
        %swap3A_416 = tpu.vector_load %arg17[%swap3A, %swap3A_415] {strides = array<i32>} : memref<16x64xf32, #tpu.memory_space<vmem>>, vector<1x16xf32>,
        %swap3A_417 = vector.shape_cast %swap3A_416 : vector<1x16xf32> to vector<16xf32>
        %swap3A_418 = vector.shape_cast %scan3A_413#0 : vector<16xf32> to vector<1x16xf32>
        tpu.vector_store %arg17[%swap3A, %swap3A_415], %swap3A_418 {strides = array<i32>} : memref<16x64xf32, #tpu.memory_space<vmem>>, vector<1x16xf32>,
        %swap3A_419 = arith.index_cast %add3A_399 : i32 to index
        %swap3A_420 = arith.constant 16 : index
        %swap3A_421 = tpu.vector_load %arg17[%swap3A_419, %swap3A_420] {strides = array<i32>} : memref<16x64xf32, #tpu.memory_space<vmem>>, vector<1x16xf32>,
        %swap3A_422 = vector.shape_cast %swap3A_421 : vector<1x16xf32> to vector<16xf32>
        %swap3A_423 = vector.shape_cast %scan3A_413#1 : vector<16xf32> to vector<1x16xf32>
        tpu.vector_store %arg17[%swap3A_419, %swap3A_420], %swap3A_423 {strides = array<i32>} : memref<16x64xf32, #tpu.memory_space<vmem>>, vector<1x16xf32>,
        %swap3A_424 = arith.index_cast %add3A_399 : i32 to index
        %swap3A_425 = arith.constant 32 : index
        %swap3A_426 = tpu.vector_load %arg17[%swap3A_424, %swap3A_425] {strides = array<i32>} : memref<16x64xf32, #tpu.memory_space<vmem>>, vector<1x16xf32>,
        %swap3A_427 = vector.shape_cast %swap3A_426 : vector<1x16xf32> to vector<16xf32>
        %swap3A_428 = vector.shape_cast %scan3A_413#2 : vector<16xf32> to vector<1x16xf32>
        tpu.vector_store %arg17[%swap3A_424, %swap3A_425], %swap3A_428 {strides = array<i32>} : memref<16x64xf32, #tpu.memory_space<vmem>>, vector<1x16xf32>,
        %swap3A_429 = arith.index_cast %add3A_399 : i32 to index
        %swap3A_430 = arith.constant 48 : index
        %swap3A_431 = tpu.vector_load %arg17[%swap3A_429, %swap3A_430] {strides = array<i32>} : memref<16x64xf32, #tpu.memory_space<vmem>>, vector<1x16xf32>,
        %swap3A_432 = vector.shape_cast %swap3A_431 : vector<1x16xf32> to vector<16xf32>
        %swap3A_433 = vector.shape_cast %scan3A_413#3 : vector<16xf32> to vector<1x16xf32>
        tpu.vector_store %arg17[%swap3A_429, %swap3A_430], %swap3A_433 {strides = array<i32>} : memref<16x64xf32, #tpu.memory_space<vmem>>, vector<1x16xf32>,
      }
      %scan3A_212 = arith.constant 4 : i32
      %add3A_213 = arith.constant 2 : i32
      %add3A_214 = arith.addi %add3A_193, %add3A_213 : i32
      %lt3A_215 = arith.constant 128 : i32
      %lt3A_216 = arith.cmpi slt, %add3A_214, %lt3A_215 : i32
      %convert_element_type3A_217 = arith.extui %lt3A_216 : i1 to i32
      %cond3A_218 = arith.constant 0 : i32
      %cond3A_219 = arith.cmpi ne, %convert_element_type3A_217, %cond3A_218 : i32
      scf.if %cond3A_219 {
        %add3A_397 = arith.constant 2 : i32
        %add3A_398 = arith.addi %add3A_193, %add3A_397 : i32
        %mul3A_399 = arith.constant 224 : i32
        %mul3A_400 = arith.muli %add3A_398, %mul3A_399 : i32
        %add3A_401 = arith.addi %mul3A_59, %mul3A_400 : i32
        %dma_start3A_402 = arith.constant 0 : i32
        %dma_start3A_403 = tpu.memref_slice %arg13[%dma_start3A_402] : memref<256xi32, #tpu.memory_space<vmem>> -> memref<224xi32, #tpu.memory_space<vmem>>
        %dma_start3A_404 = tpu.memref_slice %arg4[%add3A_401] : memref<917504xi32, #tpu.memory_space<hbm>> -> memref<224xi32, #tpu.memory_space<hbm>>
        %dma_start3A_405 = arith.constant 0 : i32
        %dma_start3A_406 = tpu.memref_slice %arg13[%dma_start3A_405] : memref<256xi32, #tpu.memory_space<vmem>> -> memref<224xi32, #tpu.memory_space<vmem>>
        %dma_start3A_407 = tpu.memref_slice %arg4[%add3A_401] : memref<917504xi32, #tpu.memory_space<hbm>> -> memref<224xi32, #tpu.memory_space<hbm>>
        tpu.enqueue_dma source(%dma_start3A_407 : memref<224xi32, #tpu.memory_space<hbm>>) target(%dma_start3A_406 : memref<224xi32, #tpu.memory_space<vmem>>) target_semaphore(%arg24 : memref<!tpu.dma_semaphore, #tpu.memory_space<semaphore_mem>>)
      } else {
      }
      %mul3A_220 = arith.constant 8 : i32
      %mul3A_221 = arith.muli %scan3A_128, %mul3A_220 : i32
      %add3A_222 = arith.constant 3 : i32
      %add3A_223 = arith.addi %mul3A_221, %add3A_222 : i32
      %add3A_224 = arith.constant 1 : i32
      %add3A_225 = arith.addi %add3A_223, %add3A_224 : i32
      %lt3A_226 = arith.constant 128 : i32
      %lt3A_227 = arith.cmpi slt, %add3A_225, %lt3A_226 : i32
      %convert_element_type3A_228 = arith.extui %lt3A_227 : i1 to i32
      %cond3A_229 = arith.constant 0 : i32
      %cond3A_230 = arith.cmpi ne, %convert_element_type3A_228, %cond3A_229 : i32
      scf.if %cond3A_230 {
        %add3A_397 = arith.constant 1 : i32
        %add3A_398 = arith.addi %add3A_223, %add3A_397 : i32
        %mul3A_399 = arith.constant 224 : i32
        %mul3A_400 = arith.muli %add3A_398, %mul3A_399 : i32
        %add3A_401 = arith.addi %mul3A_59, %mul3A_400 : i32
        %dma_wait3A_402 = arith.constant 0 : i32
        %dma_wait3A_403 = tpu.memref_slice %arg13[%dma_wait3A_402] : memref<256xi32, #tpu.memory_space<vmem>> -> memref<224xi32, #tpu.memory_space<vmem>>
        %dma_wait3A_404 = tpu.memref_slice %arg4[%add3A_401] : memref<917504xi32, #tpu.memory_space<hbm>> -> memref<224xi32, #tpu.memory_space<hbm>>
        %dma_wait3A_405 = arith.constant 0 : i32
        %dma_wait3A_406 = tpu.memref_slice %arg13[%dma_wait3A_405] : memref<256xi32, #tpu.memory_space<vmem>> -> memref<224xi32, #tpu.memory_space<vmem>>
        %dma_wait3A_407 = tpu.memref_slice %arg4[%add3A_401] : memref<917504xi32, #tpu.memory_space<hbm>> -> memref<224xi32, #tpu.memory_space<hbm>>
        tpu.wait_dma2 semaphore(%arg24 : memref<!tpu.dma_semaphore, #tpu.memory_space<semaphore_mem>>) src(%dma_wait3A_407 : memref<224xi32, #tpu.memory_space<hbm>>) dst(%dma_wait3A_406 : memref<224xi32, #tpu.memory_space<vmem>>)
        %scan3A_408 = arith.constant 0 : i32
        %scan3A_409 = arith.constant 0 : i32
        %scan3A_410 = arith.constant 14 : i32
        %scan3A_411 = arith.addi %scan3A_409, %scan3A_410 : i32
        %scan3A_412 = arith.constant 1 : i32
        scf.for %scan3A_414 = %scan3A_409 to %scan3A_411 step %scan3A_412  : i32 {
          %mul3A_415 = arith.constant 16 : i32
          %mul3A_416 = arith.muli %scan3A_414, %mul3A_415 : i32
          %multiple_of3A_417 = tpu.assume_multiple %mul3A_416, 8 : i32
          %get3A = arith.index_cast %multiple_of3A_417 : i32 to index
          %get3A_418 = tpu.vector_load %arg13[%get3A] {strides = array<i32>} : memref<256xi32, #tpu.memory_space<vmem>>, vector<16xi32>,
          %get3A_419 = vector.shape_cast %get3A_418 : vector<16xi32> to vector<16xi32>
          %dma_start3A_420 = arith.constant 0 : i32
          %dma_start3A_421 = tpu.memref_slice %arg15[%multiple_of3A_417, %dma_start3A_420] : memref<256x64xf32, #tpu.memory_space<vmem>> -> memref<16x64xf32, #tpu.memory_space<vmem>>
          %dma_start3A_422 = arith.constant 0 : i32
          %dma_start3A_423 = arith.constant 0 : i32
          %dma_start3A_424 = tpu.memref_slice %arg7[%dma_start3A_422, %dma_start3A_423] : memref<1000000x64xf32, #tpu.memory_space<hbm>> -> memref<1000000x64xf32, #tpu.memory_space<hbm>>
          tpu.enqueue_indirect_dma source(%dma_start3A_424 : memref<1000000x64xf32, #tpu.memory_space<hbm>>) target(%dma_start3A_421 : memref<16x64xf32, #tpu.memory_space<vmem>>) offsets(%get3A_419 : vector<16xi32>) semaphore(%arg22 : memref<!tpu.dma_semaphore, #tpu.memory_space<semaphore_mem>>)
        }
        %scan3A_413 = arith.constant 14 : i32
      } else {
      }
      %scan3A_231 = arith.constant 0 : i32
      %scan3A_232 = arith.constant 0 : i32
      %scan3A_233 = arith.constant 14 : i32
      %scan3A_234 = arith.addi %scan3A_232, %scan3A_233 : i32
      %scan3A_235 = arith.constant 1 : i32
      scf.for %scan3A_397 = %scan3A_232 to %scan3A_234 step %scan3A_235  : i32 {
        %mul3A_398 = arith.constant 16 : i32
        %mul3A_399 = arith.muli %scan3A_397, %mul3A_398 : i32
        %multiple_of3A_400 = tpu.assume_multiple %mul3A_399, 8 : i32
        %get3A = arith.index_cast %multiple_of3A_400 : i32 to index
        %get3A_401 = tpu.vector_load %arg14[%get3A] {strides = array<i32>} : memref<256xi32, #tpu.memory_space<vmem>>, vector<16xi32>,
        %get3A_402 = vector.shape_cast %get3A_401 : vector<16xi32> to vector<16xi32>
        %dma_wait3A_403 = arith.constant 0 : i32
        %dma_wait3A_404 = tpu.memref_slice %arg16[%multiple_of3A_400, %dma_wait3A_403] : memref<256x64xf32, #tpu.memory_space<vmem>> -> memref<16x64xf32, #tpu.memory_space<vmem>>
        %dma_wait3A_405 = arith.constant 0 : i32
        %dma_wait3A_406 = arith.constant 0 : i32
        %dma_wait3A_407 = tpu.memref_slice %arg7[%dma_wait3A_405, %dma_wait3A_406] : memref<1000000x64xf32, #tpu.memory_space<hbm>> -> memref<1000000x64xf32, #tpu.memory_space<hbm>>
        tpu.wait_indirect_dma semaphore(%arg23 : memref<!tpu.dma_semaphore, #tpu.memory_space<semaphore_mem>>) src(%dma_wait3A_407 : memref<1000000x64xf32, #tpu.memory_space<hbm>>) dst(%dma_wait3A_404 : memref<16x64xf32, #tpu.memory_space<vmem>>)
      }
      %scan3A_236 = arith.constant 14 : i32
      %scan3A_237 = arith.constant 0 : i32
      %scan3A_238 = arith.constant 0 : i32
      %scan3A_239 = arith.constant 4 : i32
      %scan3A_240 = arith.addi %scan3A_238, %scan3A_239 : i32
      %scan3A_241 = arith.constant 1 : i32
      scf.for %scan3A_397 = %scan3A_238 to %scan3A_240 step %scan3A_241  : i32 {
        %add3A_398 = arith.constant 12 : i32
        %add3A_399 = arith.addi %add3A_398, %scan3A_397 : i32
        %mul3A_400 = arith.constant 56 : i32
        %mul3A_401 = arith.muli %scan3A_397, %mul3A_400 : i32
        %broadcast_in_dim3A = arith.constant 0.000000e+00 : f32
        %broadcast_in_dim3A_402 = vector.broadcast %broadcast_in_dim3A : f32 to vector<16xf32>
        %broadcast_in_dim3A_403 = arith.constant 0.000000e+00 : f32
        %broadcast_in_dim3A_404 = vector.broadcast %broadcast_in_dim3A_403 : f32 to vector<16xf32>
        %broadcast_in_dim3A_405 = arith.constant 0.000000e+00 : f32
        %broadcast_in_dim3A_406 = vector.broadcast %broadcast_in_dim3A_405 : f32 to vector<16xf32>
        %broadcast_in_dim3A_407 = arith.constant 0.000000e+00 : f32
        %broadcast_in_dim3A_408 = vector.broadcast %broadcast_in_dim3A_407 : f32 to vector<16xf32>
        %scan3A_409 = arith.constant 0 : i32
        %scan3A_410 = arith.constant 56 : i32
        %scan3A_411 = arith.addi %scan3A_409, %scan3A_410 : i32
        %scan3A_412 = arith.constant 1 : i32
        %scan3A_413:4 = scf.for %scan3A_434 = %scan3A_409 to %scan3A_411 step %scan3A_412 iter_args(%scan3A_435 = %broadcast_in_dim3A_402, %scan3A_436 = %broadcast_in_dim3A_404, %scan3A_437 = %broadcast_in_dim3A_406, %scan3A_438 = %broadcast_in_dim3A_408) -> (vector<16xf32>, vector<16xf32>, vector<16xf32>, vector<16xf32>)  : i32 {
          %add3A_439 = arith.addi %mul3A_401, %scan3A_434 : i32
          %get3A = arith.index_cast %add3A_439 : i32 to index
          %get3A_440 = arith.constant 0 : index
          %get3A_441 = tpu.vector_load %arg16[%get3A, %get3A_440] {strides = array<i32>} : memref<256x64xf32, #tpu.memory_space<vmem>>, vector<1x16xf32>,
          %get3A_442 = vector.shape_cast %get3A_441 : vector<1x16xf32> to vector<16xf32>
          %add3A_443 = arith.addf %scan3A_435, %get3A_442 : vector<16xf32>
          %add3A_444 = arith.addi %mul3A_401, %scan3A_434 : i32
          %get3A_445 = arith.index_cast %add3A_444 : i32 to index
          %get3A_446 = arith.constant 16 : index
          %get3A_447 = tpu.vector_load %arg16[%get3A_445, %get3A_446] {strides = array<i32>} : memref<256x64xf32, #tpu.memory_space<vmem>>, vector<1x16xf32>,
          %get3A_448 = vector.shape_cast %get3A_447 : vector<1x16xf32> to vector<16xf32>
          %add3A_449 = arith.addf %scan3A_436, %get3A_448 : vector<16xf32>
          %add3A_450 = arith.addi %mul3A_401, %scan3A_434 : i32
          %get3A_451 = arith.index_cast %add3A_450 : i32 to index
          %get3A_452 = arith.constant 32 : index
          %get3A_453 = tpu.vector_load %arg16[%get3A_451, %get3A_452] {strides = array<i32>} : memref<256x64xf32, #tpu.memory_space<vmem>>, vector<1x16xf32>,
          %get3A_454 = vector.shape_cast %get3A_453 : vector<1x16xf32> to vector<16xf32>
          %add3A_455 = arith.addf %scan3A_437, %get3A_454 : vector<16xf32>
          %add3A_456 = arith.addi %mul3A_401, %scan3A_434 : i32
          %get3A_457 = arith.index_cast %add3A_456 : i32 to index
          %get3A_458 = arith.constant 48 : index
          %get3A_459 = tpu.vector_load %arg16[%get3A_457, %get3A_458] {strides = array<i32>} : memref<256x64xf32, #tpu.memory_space<vmem>>, vector<1x16xf32>,
          %get3A_460 = vector.shape_cast %get3A_459 : vector<1x16xf32> to vector<16xf32>
          %add3A_461 = arith.addf %scan3A_438, %get3A_460 : vector<16xf32>
          scf.yield %add3A_443, %add3A_449, %add3A_455, %add3A_461 : vector<16xf32>, vector<16xf32>, vector<16xf32>, vector<16xf32>
        }
        %scan3A_414 = arith.constant 56 : i32
        %swap3A = arith.index_cast %add3A_399 : i32 to index
        %swap3A_415 = arith.constant 0 : index
        %swap3A_416 = tpu.vector_load %arg17[%swap3A, %swap3A_415] {strides = array<i32>} : memref<16x64xf32, #tpu.memory_space<vmem>>, vector<1x16xf32>,
        %swap3A_417 = vector.shape_cast %swap3A_416 : vector<1x16xf32> to vector<16xf32>
        %swap3A_418 = vector.shape_cast %scan3A_413#0 : vector<16xf32> to vector<1x16xf32>
        tpu.vector_store %arg17[%swap3A, %swap3A_415], %swap3A_418 {strides = array<i32>} : memref<16x64xf32, #tpu.memory_space<vmem>>, vector<1x16xf32>,
        %swap3A_419 = arith.index_cast %add3A_399 : i32 to index
        %swap3A_420 = arith.constant 16 : index
        %swap3A_421 = tpu.vector_load %arg17[%swap3A_419, %swap3A_420] {strides = array<i32>} : memref<16x64xf32, #tpu.memory_space<vmem>>, vector<1x16xf32>,
        %swap3A_422 = vector.shape_cast %swap3A_421 : vector<1x16xf32> to vector<16xf32>
        %swap3A_423 = vector.shape_cast %scan3A_413#1 : vector<16xf32> to vector<1x16xf32>
        tpu.vector_store %arg17[%swap3A_419, %swap3A_420], %swap3A_423 {strides = array<i32>} : memref<16x64xf32, #tpu.memory_space<vmem>>, vector<1x16xf32>,
        %swap3A_424 = arith.index_cast %add3A_399 : i32 to index
        %swap3A_425 = arith.constant 32 : index
        %swap3A_426 = tpu.vector_load %arg17[%swap3A_424, %swap3A_425] {strides = array<i32>} : memref<16x64xf32, #tpu.memory_space<vmem>>, vector<1x16xf32>,
        %swap3A_427 = vector.shape_cast %swap3A_426 : vector<1x16xf32> to vector<16xf32>
        %swap3A_428 = vector.shape_cast %scan3A_413#2 : vector<16xf32> to vector<1x16xf32>
        tpu.vector_store %arg17[%swap3A_424, %swap3A_425], %swap3A_428 {strides = array<i32>} : memref<16x64xf32, #tpu.memory_space<vmem>>, vector<1x16xf32>,
        %swap3A_429 = arith.index_cast %add3A_399 : i32 to index
        %swap3A_430 = arith.constant 48 : index
        %swap3A_431 = tpu.vector_load %arg17[%swap3A_429, %swap3A_430] {strides = array<i32>} : memref<16x64xf32, #tpu.memory_space<vmem>>, vector<1x16xf32>,
        %swap3A_432 = vector.shape_cast %swap3A_431 : vector<1x16xf32> to vector<16xf32>
        %swap3A_433 = vector.shape_cast %scan3A_413#3 : vector<16xf32> to vector<1x16xf32>
        tpu.vector_store %arg17[%swap3A_429, %swap3A_430], %swap3A_433 {strides = array<i32>} : memref<16x64xf32, #tpu.memory_space<vmem>>, vector<1x16xf32>,
      }
      %scan3A_242 = arith.constant 4 : i32
      %sub3A = arith.constant 4 : i32
      %sub3A_243 = arith.subi %add3A_223, %sub3A : i32
      %add3A_244 = arith.constant 1 : i32
      %add3A_245 = arith.addi %sub3A_243, %add3A_244 : i32
      %mul3A_246 = arith.constant 4 : i32
      %mul3A_247 = arith.muli %add3A_245, %mul3A_246 : i32
      %add3A_248 = arith.addi %mul3A_2, %mul3A_247 : i32
      %multiple_of3A = tpu.assume_multiple %add3A_248, 8 : i32
      %dma_start3A_249 = arith.constant 0 : i32
      %dma_start3A_250 = tpu.memref_slice %arg10[%multiple_of3A, %dma_start3A_249] : memref<16384x64xf32, #tpu.memory_space<hbm>> -> memref<16x64xf32, #tpu.memory_space<hbm>>
      %dma_start3A_251 = arith.constant 0 : i32
      %dma_start3A_252 = tpu.memref_slice %arg10[%multiple_of3A, %dma_start3A_251] : memref<16384x64xf32, #tpu.memory_space<hbm>> -> memref<16x64xf32, #tpu.memory_space<hbm>>
      tpu.enqueue_dma source(%arg17 : memref<16x64xf32, #tpu.memory_space<vmem>>) target(%dma_start3A_252 : memref<16x64xf32, #tpu.memory_space<hbm>>) target_semaphore(%arg26 : memref<!tpu.dma_semaphore, #tpu.memory_space<semaphore_mem>>)
      %add3A_253 = arith.constant 2 : i32
      %add3A_254 = arith.addi %add3A_223, %add3A_253 : i32
      %lt3A_255 = arith.constant 128 : i32
      %lt3A_256 = arith.cmpi slt, %add3A_254, %lt3A_255 : i32
      %convert_element_type3A_257 = arith.extui %lt3A_256 : i1 to i32
      %cond3A_258 = arith.constant 0 : i32
      %cond3A_259 = arith.cmpi ne, %convert_element_type3A_257, %cond3A_258 : i32
      scf.if %cond3A_259 {
        %add3A_397 = arith.constant 2 : i32
        %add3A_398 = arith.addi %add3A_223, %add3A_397 : i32
        %mul3A_399 = arith.constant 224 : i32
        %mul3A_400 = arith.muli %add3A_398, %mul3A_399 : i32
        %add3A_401 = arith.addi %mul3A_59, %mul3A_400 : i32
        %dma_start3A_402 = arith.constant 0 : i32
        %dma_start3A_403 = tpu.memref_slice %arg14[%dma_start3A_402] : memref<256xi32, #tpu.memory_space<vmem>> -> memref<224xi32, #tpu.memory_space<vmem>>
        %dma_start3A_404 = tpu.memref_slice %arg4[%add3A_401] : memref<917504xi32, #tpu.memory_space<hbm>> -> memref<224xi32, #tpu.memory_space<hbm>>
        %dma_start3A_405 = arith.constant 0 : i32
        %dma_start3A_406 = tpu.memref_slice %arg14[%dma_start3A_405] : memref<256xi32, #tpu.memory_space<vmem>> -> memref<224xi32, #tpu.memory_space<vmem>>
        %dma_start3A_407 = tpu.memref_slice %arg4[%add3A_401] : memref<917504xi32, #tpu.memory_space<hbm>> -> memref<224xi32, #tpu.memory_space<hbm>>
        tpu.enqueue_dma source(%dma_start3A_407 : memref<224xi32, #tpu.memory_space<hbm>>) target(%dma_start3A_406 : memref<224xi32, #tpu.memory_space<vmem>>) target_semaphore(%arg25 : memref<!tpu.dma_semaphore, #tpu.memory_space<semaphore_mem>>)
      } else {
      }
      %mul3A_260 = arith.constant 8 : i32
      %mul3A_261 = arith.muli %scan3A_128, %mul3A_260 : i32
      %add3A_262 = arith.constant 4 : i32
      %add3A_263 = arith.addi %mul3A_261, %add3A_262 : i32
      %add3A_264 = arith.constant 1 : i32
      %add3A_265 = arith.addi %add3A_263, %add3A_264 : i32
      %lt3A_266 = arith.constant 128 : i32
      %lt3A_267 = arith.cmpi slt, %add3A_265, %lt3A_266 : i32
      %convert_element_type3A_268 = arith.extui %lt3A_267 : i1 to i32
      %cond3A_269 = arith.constant 0 : i32
      %cond3A_270 = arith.cmpi ne, %convert_element_type3A_268, %cond3A_269 : i32
      scf.if %cond3A_270 {
        %add3A_397 = arith.constant 1 : i32
        %add3A_398 = arith.addi %add3A_263, %add3A_397 : i32
        %mul3A_399 = arith.constant 224 : i32
        %mul3A_400 = arith.muli %add3A_398, %mul3A_399 : i32
        %add3A_401 = arith.addi %mul3A_59, %mul3A_400 : i32
        %dma_wait3A_402 = arith.constant 0 : i32
        %dma_wait3A_403 = tpu.memref_slice %arg14[%dma_wait3A_402] : memref<256xi32, #tpu.memory_space<vmem>> -> memref<224xi32, #tpu.memory_space<vmem>>
        %dma_wait3A_404 = tpu.memref_slice %arg4[%add3A_401] : memref<917504xi32, #tpu.memory_space<hbm>> -> memref<224xi32, #tpu.memory_space<hbm>>
        %dma_wait3A_405 = arith.constant 0 : i32
        %dma_wait3A_406 = tpu.memref_slice %arg14[%dma_wait3A_405] : memref<256xi32, #tpu.memory_space<vmem>> -> memref<224xi32, #tpu.memory_space<vmem>>
        %dma_wait3A_407 = tpu.memref_slice %arg4[%add3A_401] : memref<917504xi32, #tpu.memory_space<hbm>> -> memref<224xi32, #tpu.memory_space<hbm>>
        tpu.wait_dma2 semaphore(%arg25 : memref<!tpu.dma_semaphore, #tpu.memory_space<semaphore_mem>>) src(%dma_wait3A_407 : memref<224xi32, #tpu.memory_space<hbm>>) dst(%dma_wait3A_406 : memref<224xi32, #tpu.memory_space<vmem>>)
        %scan3A_408 = arith.constant 0 : i32
        %scan3A_409 = arith.constant 0 : i32
        %scan3A_410 = arith.constant 14 : i32
        %scan3A_411 = arith.addi %scan3A_409, %scan3A_410 : i32
        %scan3A_412 = arith.constant 1 : i32
        scf.for %scan3A_414 = %scan3A_409 to %scan3A_411 step %scan3A_412  : i32 {
          %mul3A_415 = arith.constant 16 : i32
          %mul3A_416 = arith.muli %scan3A_414, %mul3A_415 : i32
          %multiple_of3A_417 = tpu.assume_multiple %mul3A_416, 8 : i32
          %get3A = arith.index_cast %multiple_of3A_417 : i32 to index
          %get3A_418 = tpu.vector_load %arg14[%get3A] {strides = array<i32>} : memref<256xi32, #tpu.memory_space<vmem>>, vector<16xi32>,
          %get3A_419 = vector.shape_cast %get3A_418 : vector<16xi32> to vector<16xi32>
          %dma_start3A_420 = arith.constant 0 : i32
          %dma_start3A_421 = tpu.memref_slice %arg16[%multiple_of3A_417, %dma_start3A_420] : memref<256x64xf32, #tpu.memory_space<vmem>> -> memref<16x64xf32, #tpu.memory_space<vmem>>
          %dma_start3A_422 = arith.constant 0 : i32
          %dma_start3A_423 = arith.constant 0 : i32
          %dma_start3A_424 = tpu.memref_slice %arg7[%dma_start3A_422, %dma_start3A_423] : memref<1000000x64xf32, #tpu.memory_space<hbm>> -> memref<1000000x64xf32, #tpu.memory_space<hbm>>
          tpu.enqueue_indirect_dma source(%dma_start3A_424 : memref<1000000x64xf32, #tpu.memory_space<hbm>>) target(%dma_start3A_421 : memref<16x64xf32, #tpu.memory_space<vmem>>) offsets(%get3A_419 : vector<16xi32>) semaphore(%arg23 : memref<!tpu.dma_semaphore, #tpu.memory_space<semaphore_mem>>)
        }
        %scan3A_413 = arith.constant 14 : i32
      } else {
      }
      %scan3A_271 = arith.constant 0 : i32
      %scan3A_272 = arith.constant 0 : i32
      %scan3A_273 = arith.constant 14 : i32
      %scan3A_274 = arith.addi %scan3A_272, %scan3A_273 : i32
      %scan3A_275 = arith.constant 1 : i32
      scf.for %scan3A_397 = %scan3A_272 to %scan3A_274 step %scan3A_275  : i32 {
        %mul3A_398 = arith.constant 16 : i32
        %mul3A_399 = arith.muli %scan3A_397, %mul3A_398 : i32
        %multiple_of3A_400 = tpu.assume_multiple %mul3A_399, 8 : i32
        %get3A = arith.index_cast %multiple_of3A_400 : i32 to index
        %get3A_401 = tpu.vector_load %arg13[%get3A] {strides = array<i32>} : memref<256xi32, #tpu.memory_space<vmem>>, vector<16xi32>,
        %get3A_402 = vector.shape_cast %get3A_401 : vector<16xi32> to vector<16xi32>
        %dma_wait3A_403 = arith.constant 0 : i32
        %dma_wait3A_404 = tpu.memref_slice %arg15[%multiple_of3A_400, %dma_wait3A_403] : memref<256x64xf32, #tpu.memory_space<vmem>> -> memref<16x64xf32, #tpu.memory_space<vmem>>
        %dma_wait3A_405 = arith.constant 0 : i32
        %dma_wait3A_406 = arith.constant 0 : i32
        %dma_wait3A_407 = tpu.memref_slice %arg7[%dma_wait3A_405, %dma_wait3A_406] : memref<1000000x64xf32, #tpu.memory_space<hbm>> -> memref<1000000x64xf32, #tpu.memory_space<hbm>>
        tpu.wait_indirect_dma semaphore(%arg22 : memref<!tpu.dma_semaphore, #tpu.memory_space<semaphore_mem>>) src(%dma_wait3A_407 : memref<1000000x64xf32, #tpu.memory_space<hbm>>) dst(%dma_wait3A_404 : memref<16x64xf32, #tpu.memory_space<vmem>>)
      }
      %scan3A_276 = arith.constant 14 : i32
      %ge3A_277 = arith.constant 8 : i32
      %ge3A_278 = arith.cmpi sge, %add3A_263, %ge3A_277 : i32
      %convert_element_type3A_279 = arith.extui %ge3A_278 : i1 to i32
      %cond3A_280 = arith.constant 0 : i32
      %cond3A_281 = arith.cmpi ne, %convert_element_type3A_279, %cond3A_280 : i32
      scf.if %cond3A_281 {
        %sub3A_397 = arith.constant 8 : i32
        %sub3A_398 = arith.subi %add3A_263, %sub3A_397 : i32
        %mul3A_399 = arith.constant 4 : i32
        %mul3A_400 = arith.muli %sub3A_398, %mul3A_399 : i32
        %add3A_401 = arith.addi %mul3A_2, %mul3A_400 : i32
        %multiple_of3A_402 = tpu.assume_multiple %add3A_401, 8 : i32
        %dma_wait3A_403 = arith.constant 0 : i32
        %dma_wait3A_404 = tpu.memref_slice %arg10[%multiple_of3A_402, %dma_wait3A_403] : memref<16384x64xf32, #tpu.memory_space<hbm>> -> memref<16x64xf32, #tpu.memory_space<hbm>>
        %dma_wait3A_405 = arith.constant 0 : i32
        %dma_wait3A_406 = tpu.memref_slice %arg10[%multiple_of3A_402, %dma_wait3A_405] : memref<16384x64xf32, #tpu.memory_space<hbm>> -> memref<16x64xf32, #tpu.memory_space<hbm>>
        tpu.wait_dma2 semaphore(%arg27 : memref<!tpu.dma_semaphore, #tpu.memory_space<semaphore_mem>>) src(%arg18 : memref<16x64xf32, #tpu.memory_space<vmem>>) dst(%dma_wait3A_406 : memref<16x64xf32, #tpu.memory_space<hbm>>)
      } else {
      }
      %scan3A_282 = arith.constant 0 : i32
      %scan3A_283 = arith.constant 0 : i32
      %scan3A_284 = arith.constant 4 : i32
      %scan3A_285 = arith.addi %scan3A_283, %scan3A_284 : i32
      %scan3A_286 = arith.constant 1 : i32
      scf.for %scan3A_397 = %scan3A_283 to %scan3A_285 step %scan3A_286  : i32 {
        %add3A_398 = arith.constant 0 : i32
        %add3A_399 = arith.addi %add3A_398, %scan3A_397 : i32
        %mul3A_400 = arith.constant 56 : i32
        %mul3A_401 = arith.muli %scan3A_397, %mul3A_400 : i32
        %broadcast_in_dim3A = arith.constant 0.000000e+00 : f32
        %broadcast_in_dim3A_402 = vector.broadcast %broadcast_in_dim3A : f32 to vector<16xf32>
        %broadcast_in_dim3A_403 = arith.constant 0.000000e+00 : f32
        %broadcast_in_dim3A_404 = vector.broadcast %broadcast_in_dim3A_403 : f32 to vector<16xf32>
        %broadcast_in_dim3A_405 = arith.constant 0.000000e+00 : f32
        %broadcast_in_dim3A_406 = vector.broadcast %broadcast_in_dim3A_405 : f32 to vector<16xf32>
        %broadcast_in_dim3A_407 = arith.constant 0.000000e+00 : f32
        %broadcast_in_dim3A_408 = vector.broadcast %broadcast_in_dim3A_407 : f32 to vector<16xf32>
        %scan3A_409 = arith.constant 0 : i32
        %scan3A_410 = arith.constant 56 : i32
        %scan3A_411 = arith.addi %scan3A_409, %scan3A_410 : i32
        %scan3A_412 = arith.constant 1 : i32
        %scan3A_413:4 = scf.for %scan3A_434 = %scan3A_409 to %scan3A_411 step %scan3A_412 iter_args(%scan3A_435 = %broadcast_in_dim3A_402, %scan3A_436 = %broadcast_in_dim3A_404, %scan3A_437 = %broadcast_in_dim3A_406, %scan3A_438 = %broadcast_in_dim3A_408) -> (vector<16xf32>, vector<16xf32>, vector<16xf32>, vector<16xf32>)  : i32 {
          %add3A_439 = arith.addi %mul3A_401, %scan3A_434 : i32
          %get3A = arith.index_cast %add3A_439 : i32 to index
          %get3A_440 = arith.constant 0 : index
          %get3A_441 = tpu.vector_load %arg15[%get3A, %get3A_440] {strides = array<i32>} : memref<256x64xf32, #tpu.memory_space<vmem>>, vector<1x16xf32>,
          %get3A_442 = vector.shape_cast %get3A_441 : vector<1x16xf32> to vector<16xf32>
          %add3A_443 = arith.addf %scan3A_435, %get3A_442 : vector<16xf32>
          %add3A_444 = arith.addi %mul3A_401, %scan3A_434 : i32
          %get3A_445 = arith.index_cast %add3A_444 : i32 to index
          %get3A_446 = arith.constant 16 : index
          %get3A_447 = tpu.vector_load %arg15[%get3A_445, %get3A_446] {strides = array<i32>} : memref<256x64xf32, #tpu.memory_space<vmem>>, vector<1x16xf32>,
          %get3A_448 = vector.shape_cast %get3A_447 : vector<1x16xf32> to vector<16xf32>
          %add3A_449 = arith.addf %scan3A_436, %get3A_448 : vector<16xf32>
          %add3A_450 = arith.addi %mul3A_401, %scan3A_434 : i32
          %get3A_451 = arith.index_cast %add3A_450 : i32 to index
          %get3A_452 = arith.constant 32 : index
          %get3A_453 = tpu.vector_load %arg15[%get3A_451, %get3A_452] {strides = array<i32>} : memref<256x64xf32, #tpu.memory_space<vmem>>, vector<1x16xf32>,
          %get3A_454 = vector.shape_cast %get3A_453 : vector<1x16xf32> to vector<16xf32>
          %add3A_455 = arith.addf %scan3A_437, %get3A_454 : vector<16xf32>
          %add3A_456 = arith.addi %mul3A_401, %scan3A_434 : i32
          %get3A_457 = arith.index_cast %add3A_456 : i32 to index
          %get3A_458 = arith.constant 48 : index
          %get3A_459 = tpu.vector_load %arg15[%get3A_457, %get3A_458] {strides = array<i32>} : memref<256x64xf32, #tpu.memory_space<vmem>>, vector<1x16xf32>,
          %get3A_460 = vector.shape_cast %get3A_459 : vector<1x16xf32> to vector<16xf32>
          %add3A_461 = arith.addf %scan3A_438, %get3A_460 : vector<16xf32>
          scf.yield %add3A_443, %add3A_449, %add3A_455, %add3A_461 : vector<16xf32>, vector<16xf32>, vector<16xf32>, vector<16xf32>
        }
        %scan3A_414 = arith.constant 56 : i32
        %swap3A = arith.index_cast %add3A_399 : i32 to index
        %swap3A_415 = arith.constant 0 : index
        %swap3A_416 = tpu.vector_load %arg18[%swap3A, %swap3A_415] {strides = array<i32>} : memref<16x64xf32, #tpu.memory_space<vmem>>, vector<1x16xf32>,
        %swap3A_417 = vector.shape_cast %swap3A_416 : vector<1x16xf32> to vector<16xf32>
        %swap3A_418 = vector.shape_cast %scan3A_413#0 : vector<16xf32> to vector<1x16xf32>
        tpu.vector_store %arg18[%swap3A, %swap3A_415], %swap3A_418 {strides = array<i32>} : memref<16x64xf32, #tpu.memory_space<vmem>>, vector<1x16xf32>,
        %swap3A_419 = arith.index_cast %add3A_399 : i32 to index
        %swap3A_420 = arith.constant 16 : index
        %swap3A_421 = tpu.vector_load %arg18[%swap3A_419, %swap3A_420] {strides = array<i32>} : memref<16x64xf32, #tpu.memory_space<vmem>>, vector<1x16xf32>,
        %swap3A_422 = vector.shape_cast %swap3A_421 : vector<1x16xf32> to vector<16xf32>
        %swap3A_423 = vector.shape_cast %scan3A_413#1 : vector<16xf32> to vector<1x16xf32>
        tpu.vector_store %arg18[%swap3A_419, %swap3A_420], %swap3A_423 {strides = array<i32>} : memref<16x64xf32, #tpu.memory_space<vmem>>, vector<1x16xf32>,
        %swap3A_424 = arith.index_cast %add3A_399 : i32 to index
        %swap3A_425 = arith.constant 32 : index
        %swap3A_426 = tpu.vector_load %arg18[%swap3A_424, %swap3A_425] {strides = array<i32>} : memref<16x64xf32, #tpu.memory_space<vmem>>, vector<1x16xf32>,
        %swap3A_427 = vector.shape_cast %swap3A_426 : vector<1x16xf32> to vector<16xf32>
        %swap3A_428 = vector.shape_cast %scan3A_413#2 : vector<16xf32> to vector<1x16xf32>
        tpu.vector_store %arg18[%swap3A_424, %swap3A_425], %swap3A_428 {strides = array<i32>} : memref<16x64xf32, #tpu.memory_space<vmem>>, vector<1x16xf32>,
        %swap3A_429 = arith.index_cast %add3A_399 : i32 to index
        %swap3A_430 = arith.constant 48 : index
        %swap3A_431 = tpu.vector_load %arg18[%swap3A_429, %swap3A_430] {strides = array<i32>} : memref<16x64xf32, #tpu.memory_space<vmem>>, vector<1x16xf32>,
        %swap3A_432 = vector.shape_cast %swap3A_431 : vector<1x16xf32> to vector<16xf32>
        %swap3A_433 = vector.shape_cast %scan3A_413#3 : vector<16xf32> to vector<1x16xf32>
        tpu.vector_store %arg18[%swap3A_429, %swap3A_430], %swap3A_433 {strides = array<i32>} : memref<16x64xf32, #tpu.memory_space<vmem>>, vector<1x16xf32>,
      }
      %scan3A_287 = arith.constant 4 : i32
      %add3A_288 = arith.constant 2 : i32
      %add3A_289 = arith.addi %add3A_263, %add3A_288 : i32
      %lt3A_290 = arith.constant 128 : i32
      %lt3A_291 = arith.cmpi slt, %add3A_289, %lt3A_290 : i32
      %convert_element_type3A_292 = arith.extui %lt3A_291 : i1 to i32
      %cond3A_293 = arith.constant 0 : i32
      %cond3A_294 = arith.cmpi ne, %convert_element_type3A_292, %cond3A_293 : i32
      scf.if %cond3A_294 {
        %add3A_397 = arith.constant 2 : i32
        %add3A_398 = arith.addi %add3A_263, %add3A_397 : i32
        %mul3A_399 = arith.constant 224 : i32
        %mul3A_400 = arith.muli %add3A_398, %mul3A_399 : i32
        %add3A_401 = arith.addi %mul3A_59, %mul3A_400 : i32
        %dma_start3A_402 = arith.constant 0 : i32
        %dma_start3A_403 = tpu.memref_slice %arg13[%dma_start3A_402] : memref<256xi32, #tpu.memory_space<vmem>> -> memref<224xi32, #tpu.memory_space<vmem>>
        %dma_start3A_404 = tpu.memref_slice %arg4[%add3A_401] : memref<917504xi32, #tpu.memory_space<hbm>> -> memref<224xi32, #tpu.memory_space<hbm>>
        %dma_start3A_405 = arith.constant 0 : i32
        %dma_start3A_406 = tpu.memref_slice %arg13[%dma_start3A_405] : memref<256xi32, #tpu.memory_space<vmem>> -> memref<224xi32, #tpu.memory_space<vmem>>
        %dma_start3A_407 = tpu.memref_slice %arg4[%add3A_401] : memref<917504xi32, #tpu.memory_space<hbm>> -> memref<224xi32, #tpu.memory_space<hbm>>
        tpu.enqueue_dma source(%dma_start3A_407 : memref<224xi32, #tpu.memory_space<hbm>>) target(%dma_start3A_406 : memref<224xi32, #tpu.memory_space<vmem>>) target_semaphore(%arg24 : memref<!tpu.dma_semaphore, #tpu.memory_space<semaphore_mem>>)
      } else {
      }
      %mul3A_295 = arith.constant 8 : i32
      %mul3A_296 = arith.muli %scan3A_128, %mul3A_295 : i32
      %add3A_297 = arith.constant 5 : i32
      %add3A_298 = arith.addi %mul3A_296, %add3A_297 : i32
      %add3A_299 = arith.constant 1 : i32
      %add3A_300 = arith.addi %add3A_298, %add3A_299 : i32
      %lt3A_301 = arith.constant 128 : i32
      %lt3A_302 = arith.cmpi slt, %add3A_300, %lt3A_301 : i32
      %convert_element_type3A_303 = arith.extui %lt3A_302 : i1 to i32
      %cond3A_304 = arith.constant 0 : i32
      %cond3A_305 = arith.cmpi ne, %convert_element_type3A_303, %cond3A_304 : i32
      scf.if %cond3A_305 {
        %add3A_397 = arith.constant 1 : i32
        %add3A_398 = arith.addi %add3A_298, %add3A_397 : i32
        %mul3A_399 = arith.constant 224 : i32
        %mul3A_400 = arith.muli %add3A_398, %mul3A_399 : i32
        %add3A_401 = arith.addi %mul3A_59, %mul3A_400 : i32
        %dma_wait3A_402 = arith.constant 0 : i32
        %dma_wait3A_403 = tpu.memref_slice %arg13[%dma_wait3A_402] : memref<256xi32, #tpu.memory_space<vmem>> -> memref<224xi32, #tpu.memory_space<vmem>>
        %dma_wait3A_404 = tpu.memref_slice %arg4[%add3A_401] : memref<917504xi32, #tpu.memory_space<hbm>> -> memref<224xi32, #tpu.memory_space<hbm>>
        %dma_wait3A_405 = arith.constant 0 : i32
        %dma_wait3A_406 = tpu.memref_slice %arg13[%dma_wait3A_405] : memref<256xi32, #tpu.memory_space<vmem>> -> memref<224xi32, #tpu.memory_space<vmem>>
        %dma_wait3A_407 = tpu.memref_slice %arg4[%add3A_401] : memref<917504xi32, #tpu.memory_space<hbm>> -> memref<224xi32, #tpu.memory_space<hbm>>
        tpu.wait_dma2 semaphore(%arg24 : memref<!tpu.dma_semaphore, #tpu.memory_space<semaphore_mem>>) src(%dma_wait3A_407 : memref<224xi32, #tpu.memory_space<hbm>>) dst(%dma_wait3A_406 : memref<224xi32, #tpu.memory_space<vmem>>)
        %scan3A_408 = arith.constant 0 : i32
        %scan3A_409 = arith.constant 0 : i32
        %scan3A_410 = arith.constant 14 : i32
        %scan3A_411 = arith.addi %scan3A_409, %scan3A_410 : i32
        %scan3A_412 = arith.constant 1 : i32
        scf.for %scan3A_414 = %scan3A_409 to %scan3A_411 step %scan3A_412  : i32 {
          %mul3A_415 = arith.constant 16 : i32
          %mul3A_416 = arith.muli %scan3A_414, %mul3A_415 : i32
          %multiple_of3A_417 = tpu.assume_multiple %mul3A_416, 8 : i32
          %get3A = arith.index_cast %multiple_of3A_417 : i32 to index
          %get3A_418 = tpu.vector_load %arg13[%get3A] {strides = array<i32>} : memref<256xi32, #tpu.memory_space<vmem>>, vector<16xi32>,
          %get3A_419 = vector.shape_cast %get3A_418 : vector<16xi32> to vector<16xi32>
          %dma_start3A_420 = arith.constant 0 : i32
          %dma_start3A_421 = tpu.memref_slice %arg15[%multiple_of3A_417, %dma_start3A_420] : memref<256x64xf32, #tpu.memory_space<vmem>> -> memref<16x64xf32, #tpu.memory_space<vmem>>
          %dma_start3A_422 = arith.constant 0 : i32
          %dma_start3A_423 = arith.constant 0 : i32
          %dma_start3A_424 = tpu.memref_slice %arg7[%dma_start3A_422, %dma_start3A_423] : memref<1000000x64xf32, #tpu.memory_space<hbm>> -> memref<1000000x64xf32, #tpu.memory_space<hbm>>
          tpu.enqueue_indirect_dma source(%dma_start3A_424 : memref<1000000x64xf32, #tpu.memory_space<hbm>>) target(%dma_start3A_421 : memref<16x64xf32, #tpu.memory_space<vmem>>) offsets(%get3A_419 : vector<16xi32>) semaphore(%arg22 : memref<!tpu.dma_semaphore, #tpu.memory_space<semaphore_mem>>)
        }
        %scan3A_413 = arith.constant 14 : i32
      } else {
      }
      %scan3A_306 = arith.constant 0 : i32
      %scan3A_307 = arith.constant 0 : i32
      %scan3A_308 = arith.constant 14 : i32
      %scan3A_309 = arith.addi %scan3A_307, %scan3A_308 : i32
      %scan3A_310 = arith.constant 1 : i32
      scf.for %scan3A_397 = %scan3A_307 to %scan3A_309 step %scan3A_310  : i32 {
        %mul3A_398 = arith.constant 16 : i32
        %mul3A_399 = arith.muli %scan3A_397, %mul3A_398 : i32
        %multiple_of3A_400 = tpu.assume_multiple %mul3A_399, 8 : i32
        %get3A = arith.index_cast %multiple_of3A_400 : i32 to index
        %get3A_401 = tpu.vector_load %arg14[%get3A] {strides = array<i32>} : memref<256xi32, #tpu.memory_space<vmem>>, vector<16xi32>,
        %get3A_402 = vector.shape_cast %get3A_401 : vector<16xi32> to vector<16xi32>
        %dma_wait3A_403 = arith.constant 0 : i32
        %dma_wait3A_404 = tpu.memref_slice %arg16[%multiple_of3A_400, %dma_wait3A_403] : memref<256x64xf32, #tpu.memory_space<vmem>> -> memref<16x64xf32, #tpu.memory_space<vmem>>
        %dma_wait3A_405 = arith.constant 0 : i32
        %dma_wait3A_406 = arith.constant 0 : i32
        %dma_wait3A_407 = tpu.memref_slice %arg7[%dma_wait3A_405, %dma_wait3A_406] : memref<1000000x64xf32, #tpu.memory_space<hbm>> -> memref<1000000x64xf32, #tpu.memory_space<hbm>>
        tpu.wait_indirect_dma semaphore(%arg23 : memref<!tpu.dma_semaphore, #tpu.memory_space<semaphore_mem>>) src(%dma_wait3A_407 : memref<1000000x64xf32, #tpu.memory_space<hbm>>) dst(%dma_wait3A_404 : memref<16x64xf32, #tpu.memory_space<vmem>>)
      }
      %scan3A_311 = arith.constant 14 : i32
      %scan3A_312 = arith.constant 0 : i32
      %scan3A_313 = arith.constant 0 : i32
      %scan3A_314 = arith.constant 4 : i32
      %scan3A_315 = arith.addi %scan3A_313, %scan3A_314 : i32
      %scan3A_316 = arith.constant 1 : i32
      scf.for %scan3A_397 = %scan3A_313 to %scan3A_315 step %scan3A_316  : i32 {
        %add3A_398 = arith.constant 4 : i32
        %add3A_399 = arith.addi %add3A_398, %scan3A_397 : i32
        %mul3A_400 = arith.constant 56 : i32
        %mul3A_401 = arith.muli %scan3A_397, %mul3A_400 : i32
        %broadcast_in_dim3A = arith.constant 0.000000e+00 : f32
        %broadcast_in_dim3A_402 = vector.broadcast %broadcast_in_dim3A : f32 to vector<16xf32>
        %broadcast_in_dim3A_403 = arith.constant 0.000000e+00 : f32
        %broadcast_in_dim3A_404 = vector.broadcast %broadcast_in_dim3A_403 : f32 to vector<16xf32>
        %broadcast_in_dim3A_405 = arith.constant 0.000000e+00 : f32
        %broadcast_in_dim3A_406 = vector.broadcast %broadcast_in_dim3A_405 : f32 to vector<16xf32>
        %broadcast_in_dim3A_407 = arith.constant 0.000000e+00 : f32
        %broadcast_in_dim3A_408 = vector.broadcast %broadcast_in_dim3A_407 : f32 to vector<16xf32>
        %scan3A_409 = arith.constant 0 : i32
        %scan3A_410 = arith.constant 56 : i32
        %scan3A_411 = arith.addi %scan3A_409, %scan3A_410 : i32
        %scan3A_412 = arith.constant 1 : i32
        %scan3A_413:4 = scf.for %scan3A_434 = %scan3A_409 to %scan3A_411 step %scan3A_412 iter_args(%scan3A_435 = %broadcast_in_dim3A_402, %scan3A_436 = %broadcast_in_dim3A_404, %scan3A_437 = %broadcast_in_dim3A_406, %scan3A_438 = %broadcast_in_dim3A_408) -> (vector<16xf32>, vector<16xf32>, vector<16xf32>, vector<16xf32>)  : i32 {
          %add3A_439 = arith.addi %mul3A_401, %scan3A_434 : i32
          %get3A = arith.index_cast %add3A_439 : i32 to index
          %get3A_440 = arith.constant 0 : index
          %get3A_441 = tpu.vector_load %arg16[%get3A, %get3A_440] {strides = array<i32>} : memref<256x64xf32, #tpu.memory_space<vmem>>, vector<1x16xf32>,
          %get3A_442 = vector.shape_cast %get3A_441 : vector<1x16xf32> to vector<16xf32>
          %add3A_443 = arith.addf %scan3A_435, %get3A_442 : vector<16xf32>
          %add3A_444 = arith.addi %mul3A_401, %scan3A_434 : i32
          %get3A_445 = arith.index_cast %add3A_444 : i32 to index
          %get3A_446 = arith.constant 16 : index
          %get3A_447 = tpu.vector_load %arg16[%get3A_445, %get3A_446] {strides = array<i32>} : memref<256x64xf32, #tpu.memory_space<vmem>>, vector<1x16xf32>,
          %get3A_448 = vector.shape_cast %get3A_447 : vector<1x16xf32> to vector<16xf32>
          %add3A_449 = arith.addf %scan3A_436, %get3A_448 : vector<16xf32>
          %add3A_450 = arith.addi %mul3A_401, %scan3A_434 : i32
          %get3A_451 = arith.index_cast %add3A_450 : i32 to index
          %get3A_452 = arith.constant 32 : index
          %get3A_453 = tpu.vector_load %arg16[%get3A_451, %get3A_452] {strides = array<i32>} : memref<256x64xf32, #tpu.memory_space<vmem>>, vector<1x16xf32>,
          %get3A_454 = vector.shape_cast %get3A_453 : vector<1x16xf32> to vector<16xf32>
          %add3A_455 = arith.addf %scan3A_437, %get3A_454 : vector<16xf32>
          %add3A_456 = arith.addi %mul3A_401, %scan3A_434 : i32
          %get3A_457 = arith.index_cast %add3A_456 : i32 to index
          %get3A_458 = arith.constant 48 : index
          %get3A_459 = tpu.vector_load %arg16[%get3A_457, %get3A_458] {strides = array<i32>} : memref<256x64xf32, #tpu.memory_space<vmem>>, vector<1x16xf32>,
          %get3A_460 = vector.shape_cast %get3A_459 : vector<1x16xf32> to vector<16xf32>
          %add3A_461 = arith.addf %scan3A_438, %get3A_460 : vector<16xf32>
          scf.yield %add3A_443, %add3A_449, %add3A_455, %add3A_461 : vector<16xf32>, vector<16xf32>, vector<16xf32>, vector<16xf32>
        }
        %scan3A_414 = arith.constant 56 : i32
        %swap3A = arith.index_cast %add3A_399 : i32 to index
        %swap3A_415 = arith.constant 0 : index
        %swap3A_416 = tpu.vector_load %arg18[%swap3A, %swap3A_415] {strides = array<i32>} : memref<16x64xf32, #tpu.memory_space<vmem>>, vector<1x16xf32>,
        %swap3A_417 = vector.shape_cast %swap3A_416 : vector<1x16xf32> to vector<16xf32>
        %swap3A_418 = vector.shape_cast %scan3A_413#0 : vector<16xf32> to vector<1x16xf32>
        tpu.vector_store %arg18[%swap3A, %swap3A_415], %swap3A_418 {strides = array<i32>} : memref<16x64xf32, #tpu.memory_space<vmem>>, vector<1x16xf32>,
        %swap3A_419 = arith.index_cast %add3A_399 : i32 to index
        %swap3A_420 = arith.constant 16 : index
        %swap3A_421 = tpu.vector_load %arg18[%swap3A_419, %swap3A_420] {strides = array<i32>} : memref<16x64xf32, #tpu.memory_space<vmem>>, vector<1x16xf32>,
        %swap3A_422 = vector.shape_cast %swap3A_421 : vector<1x16xf32> to vector<16xf32>
        %swap3A_423 = vector.shape_cast %scan3A_413#1 : vector<16xf32> to vector<1x16xf32>
        tpu.vector_store %arg18[%swap3A_419, %swap3A_420], %swap3A_423 {strides = array<i32>} : memref<16x64xf32, #tpu.memory_space<vmem>>, vector<1x16xf32>,
        %swap3A_424 = arith.index_cast %add3A_399 : i32 to index
        %swap3A_425 = arith.constant 32 : index
        %swap3A_426 = tpu.vector_load %arg18[%swap3A_424, %swap3A_425] {strides = array<i32>} : memref<16x64xf32, #tpu.memory_space<vmem>>, vector<1x16xf32>,
        %swap3A_427 = vector.shape_cast %swap3A_426 : vector<1x16xf32> to vector<16xf32>
        %swap3A_428 = vector.shape_cast %scan3A_413#2 : vector<16xf32> to vector<1x16xf32>
        tpu.vector_store %arg18[%swap3A_424, %swap3A_425], %swap3A_428 {strides = array<i32>} : memref<16x64xf32, #tpu.memory_space<vmem>>, vector<1x16xf32>,
        %swap3A_429 = arith.index_cast %add3A_399 : i32 to index
        %swap3A_430 = arith.constant 48 : index
        %swap3A_431 = tpu.vector_load %arg18[%swap3A_429, %swap3A_430] {strides = array<i32>} : memref<16x64xf32, #tpu.memory_space<vmem>>, vector<1x16xf32>,
        %swap3A_432 = vector.shape_cast %swap3A_431 : vector<1x16xf32> to vector<16xf32>
        %swap3A_433 = vector.shape_cast %scan3A_413#3 : vector<16xf32> to vector<1x16xf32>
        tpu.vector_store %arg18[%swap3A_429, %swap3A_430], %swap3A_433 {strides = array<i32>} : memref<16x64xf32, #tpu.memory_space<vmem>>, vector<1x16xf32>,
      }
      %scan3A_317 = arith.constant 4 : i32
      %add3A_318 = arith.constant 2 : i32
      %add3A_319 = arith.addi %add3A_298, %add3A_318 : i32
      %lt3A_320 = arith.constant 128 : i32
      %lt3A_321 = arith.cmpi slt, %add3A_319, %lt3A_320 : i32
      %convert_element_type3A_322 = arith.extui %lt3A_321 : i1 to i32
      %cond3A_323 = arith.constant 0 : i32
      %cond3A_324 = arith.cmpi ne, %convert_element_type3A_322, %cond3A_323 : i32
      scf.if %cond3A_324 {
        %add3A_397 = arith.constant 2 : i32
        %add3A_398 = arith.addi %add3A_298, %add3A_397 : i32
        %mul3A_399 = arith.constant 224 : i32
        %mul3A_400 = arith.muli %add3A_398, %mul3A_399 : i32
        %add3A_401 = arith.addi %mul3A_59, %mul3A_400 : i32
        %dma_start3A_402 = arith.constant 0 : i32
        %dma_start3A_403 = tpu.memref_slice %arg14[%dma_start3A_402] : memref<256xi32, #tpu.memory_space<vmem>> -> memref<224xi32, #tpu.memory_space<vmem>>
        %dma_start3A_404 = tpu.memref_slice %arg4[%add3A_401] : memref<917504xi32, #tpu.memory_space<hbm>> -> memref<224xi32, #tpu.memory_space<hbm>>
        %dma_start3A_405 = arith.constant 0 : i32
        %dma_start3A_406 = tpu.memref_slice %arg14[%dma_start3A_405] : memref<256xi32, #tpu.memory_space<vmem>> -> memref<224xi32, #tpu.memory_space<vmem>>
        %dma_start3A_407 = tpu.memref_slice %arg4[%add3A_401] : memref<917504xi32, #tpu.memory_space<hbm>> -> memref<224xi32, #tpu.memory_space<hbm>>
        tpu.enqueue_dma source(%dma_start3A_407 : memref<224xi32, #tpu.memory_space<hbm>>) target(%dma_start3A_406 : memref<224xi32, #tpu.memory_space<vmem>>) target_semaphore(%arg25 : memref<!tpu.dma_semaphore, #tpu.memory_space<semaphore_mem>>)
      } else {
      }
      %mul3A_325 = arith.constant 8 : i32
      %mul3A_326 = arith.muli %scan3A_128, %mul3A_325 : i32
      %add3A_327 = arith.constant 6 : i32
      %add3A_328 = arith.addi %mul3A_326, %add3A_327 : i32
      %add3A_329 = arith.constant 1 : i32
      %add3A_330 = arith.addi %add3A_328, %add3A_329 : i32
      %lt3A_331 = arith.constant 128 : i32
      %lt3A_332 = arith.cmpi slt, %add3A_330, %lt3A_331 : i32
      %convert_element_type3A_333 = arith.extui %lt3A_332 : i1 to i32
      %cond3A_334 = arith.constant 0 : i32
      %cond3A_335 = arith.cmpi ne, %convert_element_type3A_333, %cond3A_334 : i32
      scf.if %cond3A_335 {
        %add3A_397 = arith.constant 1 : i32
        %add3A_398 = arith.addi %add3A_328, %add3A_397 : i32
        %mul3A_399 = arith.constant 224 : i32
        %mul3A_400 = arith.muli %add3A_398, %mul3A_399 : i32
        %add3A_401 = arith.addi %mul3A_59, %mul3A_400 : i32
        %dma_wait3A_402 = arith.constant 0 : i32
        %dma_wait3A_403 = tpu.memref_slice %arg14[%dma_wait3A_402] : memref<256xi32, #tpu.memory_space<vmem>> -> memref<224xi32, #tpu.memory_space<vmem>>
        %dma_wait3A_404 = tpu.memref_slice %arg4[%add3A_401] : memref<917504xi32, #tpu.memory_space<hbm>> -> memref<224xi32, #tpu.memory_space<hbm>>
        %dma_wait3A_405 = arith.constant 0 : i32
        %dma_wait3A_406 = tpu.memref_slice %arg14[%dma_wait3A_405] : memref<256xi32, #tpu.memory_space<vmem>> -> memref<224xi32, #tpu.memory_space<vmem>>
        %dma_wait3A_407 = tpu.memref_slice %arg4[%add3A_401] : memref<917504xi32, #tpu.memory_space<hbm>> -> memref<224xi32, #tpu.memory_space<hbm>>
        tpu.wait_dma2 semaphore(%arg25 : memref<!tpu.dma_semaphore, #tpu.memory_space<semaphore_mem>>) src(%dma_wait3A_407 : memref<224xi32, #tpu.memory_space<hbm>>) dst(%dma_wait3A_406 : memref<224xi32, #tpu.memory_space<vmem>>)
        %scan3A_408 = arith.constant 0 : i32
        %scan3A_409 = arith.constant 0 : i32
        %scan3A_410 = arith.constant 14 : i32
        %scan3A_411 = arith.addi %scan3A_409, %scan3A_410 : i32
        %scan3A_412 = arith.constant 1 : i32
        scf.for %scan3A_414 = %scan3A_409 to %scan3A_411 step %scan3A_412  : i32 {
          %mul3A_415 = arith.constant 16 : i32
          %mul3A_416 = arith.muli %scan3A_414, %mul3A_415 : i32
          %multiple_of3A_417 = tpu.assume_multiple %mul3A_416, 8 : i32
          %get3A = arith.index_cast %multiple_of3A_417 : i32 to index
          %get3A_418 = tpu.vector_load %arg14[%get3A] {strides = array<i32>} : memref<256xi32, #tpu.memory_space<vmem>>, vector<16xi32>,
          %get3A_419 = vector.shape_cast %get3A_418 : vector<16xi32> to vector<16xi32>
          %dma_start3A_420 = arith.constant 0 : i32
          %dma_start3A_421 = tpu.memref_slice %arg16[%multiple_of3A_417, %dma_start3A_420] : memref<256x64xf32, #tpu.memory_space<vmem>> -> memref<16x64xf32, #tpu.memory_space<vmem>>
          %dma_start3A_422 = arith.constant 0 : i32
          %dma_start3A_423 = arith.constant 0 : i32
          %dma_start3A_424 = tpu.memref_slice %arg7[%dma_start3A_422, %dma_start3A_423] : memref<1000000x64xf32, #tpu.memory_space<hbm>> -> memref<1000000x64xf32, #tpu.memory_space<hbm>>
          tpu.enqueue_indirect_dma source(%dma_start3A_424 : memref<1000000x64xf32, #tpu.memory_space<hbm>>) target(%dma_start3A_421 : memref<16x64xf32, #tpu.memory_space<vmem>>) offsets(%get3A_419 : vector<16xi32>) semaphore(%arg23 : memref<!tpu.dma_semaphore, #tpu.memory_space<semaphore_mem>>)
        }
        %scan3A_413 = arith.constant 14 : i32
      } else {
      }
      %scan3A_336 = arith.constant 0 : i32
      %scan3A_337 = arith.constant 0 : i32
      %scan3A_338 = arith.constant 14 : i32
      %scan3A_339 = arith.addi %scan3A_337, %scan3A_338 : i32
      %scan3A_340 = arith.constant 1 : i32
      scf.for %scan3A_397 = %scan3A_337 to %scan3A_339 step %scan3A_340  : i32 {
        %mul3A_398 = arith.constant 16 : i32
        %mul3A_399 = arith.muli %scan3A_397, %mul3A_398 : i32
        %multiple_of3A_400 = tpu.assume_multiple %mul3A_399, 8 : i32
        %get3A = arith.index_cast %multiple_of3A_400 : i32 to index
        %get3A_401 = tpu.vector_load %arg13[%get3A] {strides = array<i32>} : memref<256xi32, #tpu.memory_space<vmem>>, vector<16xi32>,
        %get3A_402 = vector.shape_cast %get3A_401 : vector<16xi32> to vector<16xi32>
        %dma_wait3A_403 = arith.constant 0 : i32
        %dma_wait3A_404 = tpu.memref_slice %arg15[%multiple_of3A_400, %dma_wait3A_403] : memref<256x64xf32, #tpu.memory_space<vmem>> -> memref<16x64xf32, #tpu.memory_space<vmem>>
        %dma_wait3A_405 = arith.constant 0 : i32
        %dma_wait3A_406 = arith.constant 0 : i32
        %dma_wait3A_407 = tpu.memref_slice %arg7[%dma_wait3A_405, %dma_wait3A_406] : memref<1000000x64xf32, #tpu.memory_space<hbm>> -> memref<1000000x64xf32, #tpu.memory_space<hbm>>
        tpu.wait_indirect_dma semaphore(%arg22 : memref<!tpu.dma_semaphore, #tpu.memory_space<semaphore_mem>>) src(%dma_wait3A_407 : memref<1000000x64xf32, #tpu.memory_space<hbm>>) dst(%dma_wait3A_404 : memref<16x64xf32, #tpu.memory_space<vmem>>)
      }
      %scan3A_341 = arith.constant 14 : i32
      %scan3A_342 = arith.constant 0 : i32
      %scan3A_343 = arith.constant 0 : i32
      %scan3A_344 = arith.constant 4 : i32
      %scan3A_345 = arith.addi %scan3A_343, %scan3A_344 : i32
      %scan3A_346 = arith.constant 1 : i32
      scf.for %scan3A_397 = %scan3A_343 to %scan3A_345 step %scan3A_346  : i32 {
        %add3A_398 = arith.constant 8 : i32
        %add3A_399 = arith.addi %add3A_398, %scan3A_397 : i32
        %mul3A_400 = arith.constant 56 : i32
        %mul3A_401 = arith.muli %scan3A_397, %mul3A_400 : i32
        %broadcast_in_dim3A = arith.constant 0.000000e+00 : f32
        %broadcast_in_dim3A_402 = vector.broadcast %broadcast_in_dim3A : f32 to vector<16xf32>
        %broadcast_in_dim3A_403 = arith.constant 0.000000e+00 : f32
        %broadcast_in_dim3A_404 = vector.broadcast %broadcast_in_dim3A_403 : f32 to vector<16xf32>
        %broadcast_in_dim3A_405 = arith.constant 0.000000e+00 : f32
        %broadcast_in_dim3A_406 = vector.broadcast %broadcast_in_dim3A_405 : f32 to vector<16xf32>
        %broadcast_in_dim3A_407 = arith.constant 0.000000e+00 : f32
        %broadcast_in_dim3A_408 = vector.broadcast %broadcast_in_dim3A_407 : f32 to vector<16xf32>
        %scan3A_409 = arith.constant 0 : i32
        %scan3A_410 = arith.constant 56 : i32
        %scan3A_411 = arith.addi %scan3A_409, %scan3A_410 : i32
        %scan3A_412 = arith.constant 1 : i32
        %scan3A_413:4 = scf.for %scan3A_434 = %scan3A_409 to %scan3A_411 step %scan3A_412 iter_args(%scan3A_435 = %broadcast_in_dim3A_402, %scan3A_436 = %broadcast_in_dim3A_404, %scan3A_437 = %broadcast_in_dim3A_406, %scan3A_438 = %broadcast_in_dim3A_408) -> (vector<16xf32>, vector<16xf32>, vector<16xf32>, vector<16xf32>)  : i32 {
          %add3A_439 = arith.addi %mul3A_401, %scan3A_434 : i32
          %get3A = arith.index_cast %add3A_439 : i32 to index
          %get3A_440 = arith.constant 0 : index
          %get3A_441 = tpu.vector_load %arg15[%get3A, %get3A_440] {strides = array<i32>} : memref<256x64xf32, #tpu.memory_space<vmem>>, vector<1x16xf32>,
          %get3A_442 = vector.shape_cast %get3A_441 : vector<1x16xf32> to vector<16xf32>
          %add3A_443 = arith.addf %scan3A_435, %get3A_442 : vector<16xf32>
          %add3A_444 = arith.addi %mul3A_401, %scan3A_434 : i32
          %get3A_445 = arith.index_cast %add3A_444 : i32 to index
          %get3A_446 = arith.constant 16 : index
          %get3A_447 = tpu.vector_load %arg15[%get3A_445, %get3A_446] {strides = array<i32>} : memref<256x64xf32, #tpu.memory_space<vmem>>, vector<1x16xf32>,
          %get3A_448 = vector.shape_cast %get3A_447 : vector<1x16xf32> to vector<16xf32>
          %add3A_449 = arith.addf %scan3A_436, %get3A_448 : vector<16xf32>
          %add3A_450 = arith.addi %mul3A_401, %scan3A_434 : i32
          %get3A_451 = arith.index_cast %add3A_450 : i32 to index
          %get3A_452 = arith.constant 32 : index
          %get3A_453 = tpu.vector_load %arg15[%get3A_451, %get3A_452] {strides = array<i32>} : memref<256x64xf32, #tpu.memory_space<vmem>>, vector<1x16xf32>,
          %get3A_454 = vector.shape_cast %get3A_453 : vector<1x16xf32> to vector<16xf32>
          %add3A_455 = arith.addf %scan3A_437, %get3A_454 : vector<16xf32>
          %add3A_456 = arith.addi %mul3A_401, %scan3A_434 : i32
          %get3A_457 = arith.index_cast %add3A_456 : i32 to index
          %get3A_458 = arith.constant 48 : index
          %get3A_459 = tpu.vector_load %arg15[%get3A_457, %get3A_458] {strides = array<i32>} : memref<256x64xf32, #tpu.memory_space<vmem>>, vector<1x16xf32>,
          %get3A_460 = vector.shape_cast %get3A_459 : vector<1x16xf32> to vector<16xf32>
          %add3A_461 = arith.addf %scan3A_438, %get3A_460 : vector<16xf32>
          scf.yield %add3A_443, %add3A_449, %add3A_455, %add3A_461 : vector<16xf32>, vector<16xf32>, vector<16xf32>, vector<16xf32>
        }
        %scan3A_414 = arith.constant 56 : i32
        %swap3A = arith.index_cast %add3A_399 : i32 to index
        %swap3A_415 = arith.constant 0 : index
        %swap3A_416 = tpu.vector_load %arg18[%swap3A, %swap3A_415] {strides = array<i32>} : memref<16x64xf32, #tpu.memory_space<vmem>>, vector<1x16xf32>,
        %swap3A_417 = vector.shape_cast %swap3A_416 : vector<1x16xf32> to vector<16xf32>
        %swap3A_418 = vector.shape_cast %scan3A_413#0 : vector<16xf32> to vector<1x16xf32>
        tpu.vector_store %arg18[%swap3A, %swap3A_415], %swap3A_418 {strides = array<i32>} : memref<16x64xf32, #tpu.memory_space<vmem>>, vector<1x16xf32>,
        %swap3A_419 = arith.index_cast %add3A_399 : i32 to index
        %swap3A_420 = arith.constant 16 : index
        %swap3A_421 = tpu.vector_load %arg18[%swap3A_419, %swap3A_420] {strides = array<i32>} : memref<16x64xf32, #tpu.memory_space<vmem>>, vector<1x16xf32>,
        %swap3A_422 = vector.shape_cast %swap3A_421 : vector<1x16xf32> to vector<16xf32>
        %swap3A_423 = vector.shape_cast %scan3A_413#1 : vector<16xf32> to vector<1x16xf32>
        tpu.vector_store %arg18[%swap3A_419, %swap3A_420], %swap3A_423 {strides = array<i32>} : memref<16x64xf32, #tpu.memory_space<vmem>>, vector<1x16xf32>,
        %swap3A_424 = arith.index_cast %add3A_399 : i32 to index
        %swap3A_425 = arith.constant 32 : index
        %swap3A_426 = tpu.vector_load %arg18[%swap3A_424, %swap3A_425] {strides = array<i32>} : memref<16x64xf32, #tpu.memory_space<vmem>>, vector<1x16xf32>,
        %swap3A_427 = vector.shape_cast %swap3A_426 : vector<1x16xf32> to vector<16xf32>
        %swap3A_428 = vector.shape_cast %scan3A_413#2 : vector<16xf32> to vector<1x16xf32>
        tpu.vector_store %arg18[%swap3A_424, %swap3A_425], %swap3A_428 {strides = array<i32>} : memref<16x64xf32, #tpu.memory_space<vmem>>, vector<1x16xf32>,
        %swap3A_429 = arith.index_cast %add3A_399 : i32 to index
        %swap3A_430 = arith.constant 48 : index
        %swap3A_431 = tpu.vector_load %arg18[%swap3A_429, %swap3A_430] {strides = array<i32>} : memref<16x64xf32, #tpu.memory_space<vmem>>, vector<1x16xf32>,
        %swap3A_432 = vector.shape_cast %swap3A_431 : vector<1x16xf32> to vector<16xf32>
        %swap3A_433 = vector.shape_cast %scan3A_413#3 : vector<16xf32> to vector<1x16xf32>
        tpu.vector_store %arg18[%swap3A_429, %swap3A_430], %swap3A_433 {strides = array<i32>} : memref<16x64xf32, #tpu.memory_space<vmem>>, vector<1x16xf32>,
      }
      %scan3A_347 = arith.constant 4 : i32
      %add3A_348 = arith.constant 2 : i32
      %add3A_349 = arith.addi %add3A_328, %add3A_348 : i32
      %lt3A_350 = arith.constant 128 : i32
      %lt3A_351 = arith.cmpi slt, %add3A_349, %lt3A_350 : i32
      %convert_element_type3A_352 = arith.extui %lt3A_351 : i1 to i32
      %cond3A_353 = arith.constant 0 : i32
      %cond3A_354 = arith.cmpi ne, %convert_element_type3A_352, %cond3A_353 : i32
      scf.if %cond3A_354 {
        %add3A_397 = arith.constant 2 : i32
        %add3A_398 = arith.addi %add3A_328, %add3A_397 : i32
        %mul3A_399 = arith.constant 224 : i32
        %mul3A_400 = arith.muli %add3A_398, %mul3A_399 : i32
        %add3A_401 = arith.addi %mul3A_59, %mul3A_400 : i32
        %dma_start3A_402 = arith.constant 0 : i32
        %dma_start3A_403 = tpu.memref_slice %arg13[%dma_start3A_402] : memref<256xi32, #tpu.memory_space<vmem>> -> memref<224xi32, #tpu.memory_space<vmem>>
        %dma_start3A_404 = tpu.memref_slice %arg4[%add3A_401] : memref<917504xi32, #tpu.memory_space<hbm>> -> memref<224xi32, #tpu.memory_space<hbm>>
        %dma_start3A_405 = arith.constant 0 : i32
        %dma_start3A_406 = tpu.memref_slice %arg13[%dma_start3A_405] : memref<256xi32, #tpu.memory_space<vmem>> -> memref<224xi32, #tpu.memory_space<vmem>>
        %dma_start3A_407 = tpu.memref_slice %arg4[%add3A_401] : memref<917504xi32, #tpu.memory_space<hbm>> -> memref<224xi32, #tpu.memory_space<hbm>>
        tpu.enqueue_dma source(%dma_start3A_407 : memref<224xi32, #tpu.memory_space<hbm>>) target(%dma_start3A_406 : memref<224xi32, #tpu.memory_space<vmem>>) target_semaphore(%arg24 : memref<!tpu.dma_semaphore, #tpu.memory_space<semaphore_mem>>)
      } else {
      }
      %mul3A_355 = arith.constant 8 : i32
      %mul3A_356 = arith.muli %scan3A_128, %mul3A_355 : i32
      %add3A_357 = arith.constant 7 : i32
      %add3A_358 = arith.addi %mul3A_356, %add3A_357 : i32
      %add3A_359 = arith.constant 1 : i32
      %add3A_360 = arith.addi %add3A_358, %add3A_359 : i32
      %lt3A_361 = arith.constant 128 : i32
      %lt3A_362 = arith.cmpi slt, %add3A_360, %lt3A_361 : i32
      %convert_element_type3A_363 = arith.extui %lt3A_362 : i1 to i32
      %cond3A_364 = arith.constant 0 : i32
      %cond3A_365 = arith.cmpi ne, %convert_element_type3A_363, %cond3A_364 : i32
      scf.if %cond3A_365 {
        %add3A_397 = arith.constant 1 : i32
        %add3A_398 = arith.addi %add3A_358, %add3A_397 : i32
        %mul3A_399 = arith.constant 224 : i32
        %mul3A_400 = arith.muli %add3A_398, %mul3A_399 : i32
        %add3A_401 = arith.addi %mul3A_59, %mul3A_400 : i32
        %dma_wait3A_402 = arith.constant 0 : i32
        %dma_wait3A_403 = tpu.memref_slice %arg13[%dma_wait3A_402] : memref<256xi32, #tpu.memory_space<vmem>> -> memref<224xi32, #tpu.memory_space<vmem>>
        %dma_wait3A_404 = tpu.memref_slice %arg4[%add3A_401] : memref<917504xi32, #tpu.memory_space<hbm>> -> memref<224xi32, #tpu.memory_space<hbm>>
        %dma_wait3A_405 = arith.constant 0 : i32
        %dma_wait3A_406 = tpu.memref_slice %arg13[%dma_wait3A_405] : memref<256xi32, #tpu.memory_space<vmem>> -> memref<224xi32, #tpu.memory_space<vmem>>
        %dma_wait3A_407 = tpu.memref_slice %arg4[%add3A_401] : memref<917504xi32, #tpu.memory_space<hbm>> -> memref<224xi32, #tpu.memory_space<hbm>>
        tpu.wait_dma2 semaphore(%arg24 : memref<!tpu.dma_semaphore, #tpu.memory_space<semaphore_mem>>) src(%dma_wait3A_407 : memref<224xi32, #tpu.memory_space<hbm>>) dst(%dma_wait3A_406 : memref<224xi32, #tpu.memory_space<vmem>>)
        %scan3A_408 = arith.constant 0 : i32
        %scan3A_409 = arith.constant 0 : i32
        %scan3A_410 = arith.constant 14 : i32
        %scan3A_411 = arith.addi %scan3A_409, %scan3A_410 : i32
        %scan3A_412 = arith.constant 1 : i32
        scf.for %scan3A_414 = %scan3A_409 to %scan3A_411 step %scan3A_412  : i32 {
          %mul3A_415 = arith.constant 16 : i32
          %mul3A_416 = arith.muli %scan3A_414, %mul3A_415 : i32
          %multiple_of3A_417 = tpu.assume_multiple %mul3A_416, 8 : i32
          %get3A = arith.index_cast %multiple_of3A_417 : i32 to index
          %get3A_418 = tpu.vector_load %arg13[%get3A] {strides = array<i32>} : memref<256xi32, #tpu.memory_space<vmem>>, vector<16xi32>,
          %get3A_419 = vector.shape_cast %get3A_418 : vector<16xi32> to vector<16xi32>
          %dma_start3A_420 = arith.constant 0 : i32
          %dma_start3A_421 = tpu.memref_slice %arg15[%multiple_of3A_417, %dma_start3A_420] : memref<256x64xf32, #tpu.memory_space<vmem>> -> memref<16x64xf32, #tpu.memory_space<vmem>>
          %dma_start3A_422 = arith.constant 0 : i32
          %dma_start3A_423 = arith.constant 0 : i32
          %dma_start3A_424 = tpu.memref_slice %arg7[%dma_start3A_422, %dma_start3A_423] : memref<1000000x64xf32, #tpu.memory_space<hbm>> -> memref<1000000x64xf32, #tpu.memory_space<hbm>>
          tpu.enqueue_indirect_dma source(%dma_start3A_424 : memref<1000000x64xf32, #tpu.memory_space<hbm>>) target(%dma_start3A_421 : memref<16x64xf32, #tpu.memory_space<vmem>>) offsets(%get3A_419 : vector<16xi32>) semaphore(%arg22 : memref<!tpu.dma_semaphore, #tpu.memory_space<semaphore_mem>>)
        }
        %scan3A_413 = arith.constant 14 : i32
      } else {
      }
      %scan3A_366 = arith.constant 0 : i32
      %scan3A_367 = arith.constant 0 : i32
      %scan3A_368 = arith.constant 14 : i32
      %scan3A_369 = arith.addi %scan3A_367, %scan3A_368 : i32
      %scan3A_370 = arith.constant 1 : i32
      scf.for %scan3A_397 = %scan3A_367 to %scan3A_369 step %scan3A_370  : i32 {
        %mul3A_398 = arith.constant 16 : i32
        %mul3A_399 = arith.muli %scan3A_397, %mul3A_398 : i32
        %multiple_of3A_400 = tpu.assume_multiple %mul3A_399, 8 : i32
        %get3A = arith.index_cast %multiple_of3A_400 : i32 to index
        %get3A_401 = tpu.vector_load %arg14[%get3A] {strides = array<i32>} : memref<256xi32, #tpu.memory_space<vmem>>, vector<16xi32>,
        %get3A_402 = vector.shape_cast %get3A_401 : vector<16xi32> to vector<16xi32>
        %dma_wait3A_403 = arith.constant 0 : i32
        %dma_wait3A_404 = tpu.memref_slice %arg16[%multiple_of3A_400, %dma_wait3A_403] : memref<256x64xf32, #tpu.memory_space<vmem>> -> memref<16x64xf32, #tpu.memory_space<vmem>>
        %dma_wait3A_405 = arith.constant 0 : i32
        %dma_wait3A_406 = arith.constant 0 : i32
        %dma_wait3A_407 = tpu.memref_slice %arg7[%dma_wait3A_405, %dma_wait3A_406] : memref<1000000x64xf32, #tpu.memory_space<hbm>> -> memref<1000000x64xf32, #tpu.memory_space<hbm>>
        tpu.wait_indirect_dma semaphore(%arg23 : memref<!tpu.dma_semaphore, #tpu.memory_space<semaphore_mem>>) src(%dma_wait3A_407 : memref<1000000x64xf32, #tpu.memory_space<hbm>>) dst(%dma_wait3A_404 : memref<16x64xf32, #tpu.memory_space<vmem>>)
      }
      %scan3A_371 = arith.constant 14 : i32
      %scan3A_372 = arith.constant 0 : i32
      %scan3A_373 = arith.constant 0 : i32
      %scan3A_374 = arith.constant 4 : i32
      %scan3A_375 = arith.addi %scan3A_373, %scan3A_374 : i32
      %scan3A_376 = arith.constant 1 : i32
      scf.for %scan3A_397 = %scan3A_373 to %scan3A_375 step %scan3A_376  : i32 {
        %add3A_398 = arith.constant 12 : i32
        %add3A_399 = arith.addi %add3A_398, %scan3A_397 : i32
        %mul3A_400 = arith.constant 56 : i32
        %mul3A_401 = arith.muli %scan3A_397, %mul3A_400 : i32
        %broadcast_in_dim3A = arith.constant 0.000000e+00 : f32
        %broadcast_in_dim3A_402 = vector.broadcast %broadcast_in_dim3A : f32 to vector<16xf32>
        %broadcast_in_dim3A_403 = arith.constant 0.000000e+00 : f32
        %broadcast_in_dim3A_404 = vector.broadcast %broadcast_in_dim3A_403 : f32 to vector<16xf32>
        %broadcast_in_dim3A_405 = arith.constant 0.000000e+00 : f32
        %broadcast_in_dim3A_406 = vector.broadcast %broadcast_in_dim3A_405 : f32 to vector<16xf32>
        %broadcast_in_dim3A_407 = arith.constant 0.000000e+00 : f32
        %broadcast_in_dim3A_408 = vector.broadcast %broadcast_in_dim3A_407 : f32 to vector<16xf32>
        %scan3A_409 = arith.constant 0 : i32
        %scan3A_410 = arith.constant 56 : i32
        %scan3A_411 = arith.addi %scan3A_409, %scan3A_410 : i32
        %scan3A_412 = arith.constant 1 : i32
        %scan3A_413:4 = scf.for %scan3A_434 = %scan3A_409 to %scan3A_411 step %scan3A_412 iter_args(%scan3A_435 = %broadcast_in_dim3A_402, %scan3A_436 = %broadcast_in_dim3A_404, %scan3A_437 = %broadcast_in_dim3A_406, %scan3A_438 = %broadcast_in_dim3A_408) -> (vector<16xf32>, vector<16xf32>, vector<16xf32>, vector<16xf32>)  : i32 {
          %add3A_439 = arith.addi %mul3A_401, %scan3A_434 : i32
          %get3A = arith.index_cast %add3A_439 : i32 to index
          %get3A_440 = arith.constant 0 : index
          %get3A_441 = tpu.vector_load %arg16[%get3A, %get3A_440] {strides = array<i32>} : memref<256x64xf32, #tpu.memory_space<vmem>>, vector<1x16xf32>,
          %get3A_442 = vector.shape_cast %get3A_441 : vector<1x16xf32> to vector<16xf32>
          %add3A_443 = arith.addf %scan3A_435, %get3A_442 : vector<16xf32>
          %add3A_444 = arith.addi %mul3A_401, %scan3A_434 : i32
          %get3A_445 = arith.index_cast %add3A_444 : i32 to index
          %get3A_446 = arith.constant 16 : index
          %get3A_447 = tpu.vector_load %arg16[%get3A_445, %get3A_446] {strides = array<i32>} : memref<256x64xf32, #tpu.memory_space<vmem>>, vector<1x16xf32>,
          %get3A_448 = vector.shape_cast %get3A_447 : vector<1x16xf32> to vector<16xf32>
          %add3A_449 = arith.addf %scan3A_436, %get3A_448 : vector<16xf32>
          %add3A_450 = arith.addi %mul3A_401, %scan3A_434 : i32
          %get3A_451 = arith.index_cast %add3A_450 : i32 to index
          %get3A_452 = arith.constant 32 : index
          %get3A_453 = tpu.vector_load %arg16[%get3A_451, %get3A_452] {strides = array<i32>} : memref<256x64xf32, #tpu.memory_space<vmem>>, vector<1x16xf32>,
          %get3A_454 = vector.shape_cast %get3A_453 : vector<1x16xf32> to vector<16xf32>
          %add3A_455 = arith.addf %scan3A_437, %get3A_454 : vector<16xf32>
          %add3A_456 = arith.addi %mul3A_401, %scan3A_434 : i32
          %get3A_457 = arith.index_cast %add3A_456 : i32 to index
          %get3A_458 = arith.constant 48 : index
          %get3A_459 = tpu.vector_load %arg16[%get3A_457, %get3A_458] {strides = array<i32>} : memref<256x64xf32, #tpu.memory_space<vmem>>, vector<1x16xf32>,
          %get3A_460 = vector.shape_cast %get3A_459 : vector<1x16xf32> to vector<16xf32>
          %add3A_461 = arith.addf %scan3A_438, %get3A_460 : vector<16xf32>
          scf.yield %add3A_443, %add3A_449, %add3A_455, %add3A_461 : vector<16xf32>, vector<16xf32>, vector<16xf32>, vector<16xf32>
        }
        %scan3A_414 = arith.constant 56 : i32
        %swap3A = arith.index_cast %add3A_399 : i32 to index
        %swap3A_415 = arith.constant 0 : index
        %swap3A_416 = tpu.vector_load %arg18[%swap3A, %swap3A_415] {strides = array<i32>} : memref<16x64xf32, #tpu.memory_space<vmem>>, vector<1x16xf32>,
        %swap3A_417 = vector.shape_cast %swap3A_416 : vector<1x16xf32> to vector<16xf32>
        %swap3A_418 = vector.shape_cast %scan3A_413#0 : vector<16xf32> to vector<1x16xf32>
        tpu.vector_store %arg18[%swap3A, %swap3A_415], %swap3A_418 {strides = array<i32>} : memref<16x64xf32, #tpu.memory_space<vmem>>, vector<1x16xf32>,
        %swap3A_419 = arith.index_cast %add3A_399 : i32 to index
        %swap3A_420 = arith.constant 16 : index
        %swap3A_421 = tpu.vector_load %arg18[%swap3A_419, %swap3A_420] {strides = array<i32>} : memref<16x64xf32, #tpu.memory_space<vmem>>, vector<1x16xf32>,
        %swap3A_422 = vector.shape_cast %swap3A_421 : vector<1x16xf32> to vector<16xf32>
        %swap3A_423 = vector.shape_cast %scan3A_413#1 : vector<16xf32> to vector<1x16xf32>
        tpu.vector_store %arg18[%swap3A_419, %swap3A_420], %swap3A_423 {strides = array<i32>} : memref<16x64xf32, #tpu.memory_space<vmem>>, vector<1x16xf32>,
        %swap3A_424 = arith.index_cast %add3A_399 : i32 to index
        %swap3A_425 = arith.constant 32 : index
        %swap3A_426 = tpu.vector_load %arg18[%swap3A_424, %swap3A_425] {strides = array<i32>} : memref<16x64xf32, #tpu.memory_space<vmem>>, vector<1x16xf32>,
        %swap3A_427 = vector.shape_cast %swap3A_426 : vector<1x16xf32> to vector<16xf32>
        %swap3A_428 = vector.shape_cast %scan3A_413#2 : vector<16xf32> to vector<1x16xf32>
        tpu.vector_store %arg18[%swap3A_424, %swap3A_425], %swap3A_428 {strides = array<i32>} : memref<16x64xf32, #tpu.memory_space<vmem>>, vector<1x16xf32>,
        %swap3A_429 = arith.index_cast %add3A_399 : i32 to index
        %swap3A_430 = arith.constant 48 : index
        %swap3A_431 = tpu.vector_load %arg18[%swap3A_429, %swap3A_430] {strides = array<i32>} : memref<16x64xf32, #tpu.memory_space<vmem>>, vector<1x16xf32>,
        %swap3A_432 = vector.shape_cast %swap3A_431 : vector<1x16xf32> to vector<16xf32>
        %swap3A_433 = vector.shape_cast %scan3A_413#3 : vector<16xf32> to vector<1x16xf32>
        tpu.vector_store %arg18[%swap3A_429, %swap3A_430], %swap3A_433 {strides = array<i32>} : memref<16x64xf32, #tpu.memory_space<vmem>>, vector<1x16xf32>,
      }
      %scan3A_377 = arith.constant 4 : i32
      %sub3A_378 = arith.constant 4 : i32
      %sub3A_379 = arith.subi %add3A_358, %sub3A_378 : i32
      %add3A_380 = arith.constant 1 : i32
      %add3A_381 = arith.addi %sub3A_379, %add3A_380 : i32
      %mul3A_382 = arith.constant 4 : i32
      %mul3A_383 = arith.muli %add3A_381, %mul3A_382 : i32
      %add3A_384 = arith.addi %mul3A_2, %mul3A_383 : i32
      %multiple_of3A_385 = tpu.assume_multiple %add3A_384, 8 : i32
      %dma_start3A_386 = arith.constant 0 : i32
      %dma_start3A_387 = tpu.memref_slice %arg10[%multiple_of3A_385, %dma_start3A_386] : memref<16384x64xf32, #tpu.memory_space<hbm>> -> memref<16x64xf32, #tpu.memory_space<hbm>>
      %dma_start3A_388 = arith.constant 0 : i32
      %dma_start3A_389 = tpu.memref_slice %arg10[%multiple_of3A_385, %dma_start3A_388] : memref<16384x64xf32, #tpu.memory_space<hbm>> -> memref<16x64xf32, #tpu.memory_space<hbm>>
      tpu.enqueue_dma source(%arg18 : memref<16x64xf32, #tpu.memory_space<vmem>>) target(%dma_start3A_389 : memref<16x64xf32, #tpu.memory_space<hbm>>) target_semaphore(%arg27 : memref<!tpu.dma_semaphore, #tpu.memory_space<semaphore_mem>>)
      %add3A_390 = arith.constant 2 : i32
      %add3A_391 = arith.addi %add3A_358, %add3A_390 : i32
      %lt3A_392 = arith.constant 128 : i32
      %lt3A_393 = arith.cmpi slt, %add3A_391, %lt3A_392 : i32
      %convert_element_type3A_394 = arith.extui %lt3A_393 : i1 to i32
      %cond3A_395 = arith.constant 0 : i32
      %cond3A_396 = arith.cmpi ne, %convert_element_type3A_394, %cond3A_395 : i32
      scf.if %cond3A_396 {
        %add3A_397 = arith.constant 2 : i32
        %add3A_398 = arith.addi %add3A_358, %add3A_397 : i32
        %mul3A_399 = arith.constant 224 : i32
        %mul3A_400 = arith.muli %add3A_398, %mul3A_399 : i32
        %add3A_401 = arith.addi %mul3A_59, %mul3A_400 : i32
        %dma_start3A_402 = arith.constant 0 : i32
        %dma_start3A_403 = tpu.memref_slice %arg14[%dma_start3A_402] : memref<256xi32, #tpu.memory_space<vmem>> -> memref<224xi32, #tpu.memory_space<vmem>>
        %dma_start3A_404 = tpu.memref_slice %arg4[%add3A_401] : memref<917504xi32, #tpu.memory_space<hbm>> -> memref<224xi32, #tpu.memory_space<hbm>>
        %dma_start3A_405 = arith.constant 0 : i32
        %dma_start3A_406 = tpu.memref_slice %arg14[%dma_start3A_405] : memref<256xi32, #tpu.memory_space<vmem>> -> memref<224xi32, #tpu.memory_space<vmem>>
        %dma_start3A_407 = tpu.memref_slice %arg4[%add3A_401] : memref<917504xi32, #tpu.memory_space<hbm>> -> memref<224xi32, #tpu.memory_space<hbm>>
        tpu.enqueue_dma source(%dma_start3A_407 : memref<224xi32, #tpu.memory_space<hbm>>) target(%dma_start3A_406 : memref<224xi32, #tpu.memory_space<vmem>>) target_semaphore(%arg25 : memref<!tpu.dma_semaphore, #tpu.memory_space<semaphore_mem>>)
      } else {
      }
    }
    %scan3A_80 = arith.constant 16 : i32
    %add3A_81 = arith.constant 480 : i32
    %add3A_82 = arith.addi %mul3A_2, %add3A_81 : i32
    %dma_wait3A = arith.constant 0 : i32
    %dma_wait3A_83 = tpu.memref_slice %arg10[%add3A_82, %dma_wait3A] : memref<16384x64xf32, #tpu.memory_space<hbm>> -> memref<16x64xf32, #tpu.memory_space<hbm>>
    %dma_wait3A_84 = arith.constant 0 : i32
    %dma_wait3A_85 = tpu.memref_slice %arg10[%add3A_82, %dma_wait3A_84] : memref<16384x64xf32, #tpu.memory_space<hbm>> -> memref<16x64xf32, #tpu.memory_space<hbm>>
    tpu.wait_dma2 semaphore(%arg26 : memref<!tpu.dma_semaphore, #tpu.memory_space<semaphore_mem>>) src(%arg17 : memref<16x64xf32, #tpu.memory_space<vmem>>) dst(%dma_wait3A_85 : memref<16x64xf32, #tpu.memory_space<hbm>>)
    %add3A_86 = arith.constant 496 : i32
    %add3A_87 = arith.addi %mul3A_2, %add3A_86 : i32
    %dma_wait3A_88 = arith.constant 0 : i32
    %dma_wait3A_89 = tpu.memref_slice %arg10[%add3A_87, %dma_wait3A_88] : memref<16384x64xf32, #tpu.memory_space<hbm>> -> memref<16x64xf32, #tpu.memory_space<hbm>>
    %dma_wait3A_90 = arith.constant 0 : i32
    %dma_wait3A_91 = tpu.memref_slice %arg10[%add3A_87, %dma_wait3A_90] : memref<16384x64xf32, #tpu.memory_space<hbm>> -> memref<16x64xf32, #tpu.memory_space<hbm>>
    tpu.wait_dma2 semaphore(%arg27 : memref<!tpu.dma_semaphore, #tpu.memory_space<semaphore_mem>>) src(%arg18 : memref<16x64xf32, #tpu.memory_space<vmem>>) dst(%dma_wait3A_91 : memref<16x64xf32, #tpu.memory_space<hbm>>)
    %mul3A_92 = arith.constant 8 : i32
    %mul3A_93 = arith.muli %mul3A_2, %mul3A_92 : i32
    %add3A_94 = arith.constant 0 : i32
    %add3A_95 = arith.addi %mul3A_93, %add3A_94 : i32
    "tpu.region"() ({
      %run_scoped3A = tpu.sem_alloc : memref<!tpu.dma_semaphore, #tpu.memory_space<semaphore_mem>>
      %dma_start3A_128 = arith.constant 0 : i32
      %dma_start3A_129 = tpu.memref_slice %arg13[%dma_start3A_128] : memref<256xi32, #tpu.memory_space<vmem>> -> memref<256xi32, #tpu.memory_space<vmem>>
      %dma_start3A_130 = tpu.memref_slice %arg5[%add3A_95] : memref<131072xi32, #tpu.memory_space<hbm>> -> memref<256xi32, #tpu.memory_space<hbm>>
      %dma_start3A_131 = arith.constant 0 : i32
      %dma_start3A_132 = tpu.memref_slice %arg13[%dma_start3A_131] : memref<256xi32, #tpu.memory_space<vmem>> -> memref<256xi32, #tpu.memory_space<vmem>>
      %dma_start3A_133 = tpu.memref_slice %arg5[%add3A_95] : memref<131072xi32, #tpu.memory_space<hbm>> -> memref<256xi32, #tpu.memory_space<hbm>>
      tpu.enqueue_dma source(%dma_start3A_133 : memref<256xi32, #tpu.memory_space<hbm>>) target(%dma_start3A_132 : memref<256xi32, #tpu.memory_space<vmem>>) target_semaphore(%run_scoped3A : memref<!tpu.dma_semaphore, #tpu.memory_space<semaphore_mem>>)
      %dma_wait3A_134 = arith.constant 0 : i32
      %dma_wait3A_135 = tpu.memref_slice %arg13[%dma_wait3A_134] : memref<256xi32, #tpu.memory_space<vmem>> -> memref<256xi32, #tpu.memory_space<vmem>>
      %dma_wait3A_136 = tpu.memref_slice %arg5[%add3A_95] : memref<131072xi32, #tpu.memory_space<hbm>> -> memref<256xi32, #tpu.memory_space<hbm>>
      %dma_wait3A_137 = arith.constant 0 : i32
      %dma_wait3A_138 = tpu.memref_slice %arg13[%dma_wait3A_137] : memref<256xi32, #tpu.memory_space<vmem>> -> memref<256xi32, #tpu.memory_space<vmem>>
      %dma_wait3A_139 = tpu.memref_slice %arg5[%add3A_95] : memref<131072xi32, #tpu.memory_space<hbm>> -> memref<256xi32, #tpu.memory_space<hbm>>
      tpu.wait_dma2 semaphore(%run_scoped3A : memref<!tpu.dma_semaphore, #tpu.memory_space<semaphore_mem>>) src(%dma_wait3A_139 : memref<256xi32, #tpu.memory_space<hbm>>) dst(%dma_wait3A_138 : memref<256xi32, #tpu.memory_space<vmem>>)
      tpu.yield
    }) : () -> ()
    %scan3A_96 = arith.constant 0 : i32
    %scan3A_97 = arith.constant 0 : i32
    %scan3A_98 = arith.constant 16 : i32
    %scan3A_99 = arith.addi %scan3A_97, %scan3A_98 : i32
    %scan3A_100 = arith.constant 1 : i32
    scf.for %scan3A_128 = %scan3A_97 to %scan3A_99 step %scan3A_100  : i32 {
      %mul3A_129 = arith.constant 16 : i32
      %mul3A_130 = arith.muli %scan3A_128, %mul3A_129 : i32
      %multiple_of3A = tpu.assume_multiple %mul3A_130, 8 : i32
      %get3A = arith.index_cast %multiple_of3A : i32 to index
      %get3A_131 = tpu.vector_load %arg13[%get3A] {strides = array<i32>} : memref<256xi32, #tpu.memory_space<vmem>>, vector<16xi32>,
      %get3A_132 = vector.shape_cast %get3A_131 : vector<16xi32> to vector<16xi32>
      %dma_start3A_133 = arith.constant 0 : i32
      %dma_start3A_134 = tpu.memref_slice %arg15[%multiple_of3A, %dma_start3A_133] : memref<256x64xf32, #tpu.memory_space<vmem>> -> memref<16x64xf32, #tpu.memory_space<vmem>>
      %dma_start3A_135 = arith.constant 0 : i32
      %dma_start3A_136 = arith.constant 0 : i32
      %dma_start3A_137 = tpu.memref_slice %arg8[%dma_start3A_135, %dma_start3A_136] : memref<1000x64xf32, #tpu.memory_space<hbm>> -> memref<1000x64xf32, #tpu.memory_space<hbm>>
      tpu.enqueue_indirect_dma source(%dma_start3A_137 : memref<1000x64xf32, #tpu.memory_space<hbm>>) target(%dma_start3A_134 : memref<16x64xf32, #tpu.memory_space<vmem>>) offsets(%get3A_132 : vector<16xi32>) semaphore(%arg22 : memref<!tpu.dma_semaphore, #tpu.memory_space<semaphore_mem>>)
    }
    %scan3A_101 = arith.constant 16 : i32
    %add3A_102 = arith.constant 256 : i32
    %add3A_103 = arith.addi %mul3A_93, %add3A_102 : i32
    %dma_start3A_104 = arith.constant 0 : i32
    %dma_start3A_105 = tpu.memref_slice %arg14[%dma_start3A_104] : memref<256xi32, #tpu.memory_space<vmem>> -> memref<256xi32, #tpu.memory_space<vmem>>
    %dma_start3A_106 = tpu.memref_slice %arg5[%add3A_103] : memref<131072xi32, #tpu.memory_space<hbm>> -> memref<256xi32, #tpu.memory_space<hbm>>
    %dma_start3A_107 = arith.constant 0 : i32
    %dma_start3A_108 = tpu.memref_slice %arg14[%dma_start3A_107] : memref<256xi32, #tpu.memory_space<vmem>> -> memref<256xi32, #tpu.memory_space<vmem>>
    %dma_start3A_109 = tpu.memref_slice %arg5[%add3A_103] : memref<131072xi32, #tpu.memory_space<hbm>> -> memref<256xi32, #tpu.memory_space<hbm>>
    tpu.enqueue_dma source(%dma_start3A_109 : memref<256xi32, #tpu.memory_space<hbm>>) target(%dma_start3A_108 : memref<256xi32, #tpu.memory_space<vmem>>) target_semaphore(%arg25 : memref<!tpu.dma_semaphore, #tpu.memory_space<semaphore_mem>>)
    %scan3A_110 = arith.constant 0 : i32
    %scan3A_111 = arith.constant 0 : i32
    %scan3A_112 = arith.constant 8 : i32
    %scan3A_113 = arith.addi %scan3A_111, %scan3A_112 : i32
    %scan3A_114 = arith.constant 1 : i32
    scf.for %scan3A_128 = %scan3A_111 to %scan3A_113 step %scan3A_114  : i32 {
      %mul3A_129 = arith.constant 2 : i32
      %mul3A_130 = arith.muli %scan3A_128, %mul3A_129 : i32
      %add3A_131 = arith.constant 0 : i32
      %add3A_132 = arith.addi %mul3A_130, %add3A_131 : i32
      %add3A_133 = arith.constant 1 : i32
      %add3A_134 = arith.addi %add3A_132, %add3A_133 : i32
      %lt3A = arith.constant 16 : i32
      %lt3A_135 = arith.cmpi slt, %add3A_134, %lt3A : i32
      %convert_element_type3A = arith.extui %lt3A_135 : i1 to i32
      %cond3A = arith.constant 0 : i32
      %cond3A_136 = arith.cmpi ne, %convert_element_type3A, %cond3A : i32
      scf.if %cond3A_136 {
        %add3A_217 = arith.constant 1 : i32
        %add3A_218 = arith.addi %add3A_132, %add3A_217 : i32
        %mul3A_219 = arith.constant 256 : i32
        %mul3A_220 = arith.muli %add3A_218, %mul3A_219 : i32
        %add3A_221 = arith.addi %mul3A_93, %mul3A_220 : i32
        %dma_wait3A_222 = arith.constant 0 : i32
        %dma_wait3A_223 = tpu.memref_slice %arg14[%dma_wait3A_222] : memref<256xi32, #tpu.memory_space<vmem>> -> memref<256xi32, #tpu.memory_space<vmem>>
        %dma_wait3A_224 = tpu.memref_slice %arg5[%add3A_221] : memref<131072xi32, #tpu.memory_space<hbm>> -> memref<256xi32, #tpu.memory_space<hbm>>
        %dma_wait3A_225 = arith.constant 0 : i32
        %dma_wait3A_226 = tpu.memref_slice %arg14[%dma_wait3A_225] : memref<256xi32, #tpu.memory_space<vmem>> -> memref<256xi32, #tpu.memory_space<vmem>>
        %dma_wait3A_227 = tpu.memref_slice %arg5[%add3A_221] : memref<131072xi32, #tpu.memory_space<hbm>> -> memref<256xi32, #tpu.memory_space<hbm>>
        tpu.wait_dma2 semaphore(%arg25 : memref<!tpu.dma_semaphore, #tpu.memory_space<semaphore_mem>>) src(%dma_wait3A_227 : memref<256xi32, #tpu.memory_space<hbm>>) dst(%dma_wait3A_226 : memref<256xi32, #tpu.memory_space<vmem>>)
        %scan3A_228 = arith.constant 0 : i32
        %scan3A_229 = arith.constant 0 : i32
        %scan3A_230 = arith.constant 16 : i32
        %scan3A_231 = arith.addi %scan3A_229, %scan3A_230 : i32
        %scan3A_232 = arith.constant 1 : i32
        scf.for %scan3A_234 = %scan3A_229 to %scan3A_231 step %scan3A_232  : i32 {
          %mul3A_235 = arith.constant 16 : i32
          %mul3A_236 = arith.muli %scan3A_234, %mul3A_235 : i32
          %multiple_of3A_237 = tpu.assume_multiple %mul3A_236, 8 : i32
          %get3A = arith.index_cast %multiple_of3A_237 : i32 to index
          %get3A_238 = tpu.vector_load %arg14[%get3A] {strides = array<i32>} : memref<256xi32, #tpu.memory_space<vmem>>, vector<16xi32>,
          %get3A_239 = vector.shape_cast %get3A_238 : vector<16xi32> to vector<16xi32>
          %dma_start3A_240 = arith.constant 0 : i32
          %dma_start3A_241 = tpu.memref_slice %arg16[%multiple_of3A_237, %dma_start3A_240] : memref<256x64xf32, #tpu.memory_space<vmem>> -> memref<16x64xf32, #tpu.memory_space<vmem>>
          %dma_start3A_242 = arith.constant 0 : i32
          %dma_start3A_243 = arith.constant 0 : i32
          %dma_start3A_244 = tpu.memref_slice %arg8[%dma_start3A_242, %dma_start3A_243] : memref<1000x64xf32, #tpu.memory_space<hbm>> -> memref<1000x64xf32, #tpu.memory_space<hbm>>
          tpu.enqueue_indirect_dma source(%dma_start3A_244 : memref<1000x64xf32, #tpu.memory_space<hbm>>) target(%dma_start3A_241 : memref<16x64xf32, #tpu.memory_space<vmem>>) offsets(%get3A_239 : vector<16xi32>) semaphore(%arg23 : memref<!tpu.dma_semaphore, #tpu.memory_space<semaphore_mem>>)
        }
        %scan3A_233 = arith.constant 16 : i32
      } else {
      }
      %scan3A_137 = arith.constant 0 : i32
      %scan3A_138 = arith.constant 0 : i32
      %scan3A_139 = arith.constant 16 : i32
      %scan3A_140 = arith.addi %scan3A_138, %scan3A_139 : i32
      %scan3A_141 = arith.constant 1 : i32
      scf.for %scan3A_217 = %scan3A_138 to %scan3A_140 step %scan3A_141  : i32 {
        %mul3A_218 = arith.constant 16 : i32
        %mul3A_219 = arith.muli %scan3A_217, %mul3A_218 : i32
        %multiple_of3A_220 = tpu.assume_multiple %mul3A_219, 8 : i32
        %get3A = arith.index_cast %multiple_of3A_220 : i32 to index
        %get3A_221 = tpu.vector_load %arg13[%get3A] {strides = array<i32>} : memref<256xi32, #tpu.memory_space<vmem>>, vector<16xi32>,
        %get3A_222 = vector.shape_cast %get3A_221 : vector<16xi32> to vector<16xi32>
        %dma_wait3A_223 = arith.constant 0 : i32
        %dma_wait3A_224 = tpu.memref_slice %arg15[%multiple_of3A_220, %dma_wait3A_223] : memref<256x64xf32, #tpu.memory_space<vmem>> -> memref<16x64xf32, #tpu.memory_space<vmem>>
        %dma_wait3A_225 = arith.constant 0 : i32
        %dma_wait3A_226 = arith.constant 0 : i32
        %dma_wait3A_227 = tpu.memref_slice %arg8[%dma_wait3A_225, %dma_wait3A_226] : memref<1000x64xf32, #tpu.memory_space<hbm>> -> memref<1000x64xf32, #tpu.memory_space<hbm>>
        tpu.wait_indirect_dma semaphore(%arg22 : memref<!tpu.dma_semaphore, #tpu.memory_space<semaphore_mem>>) src(%dma_wait3A_227 : memref<1000x64xf32, #tpu.memory_space<hbm>>) dst(%dma_wait3A_224 : memref<16x64xf32, #tpu.memory_space<vmem>>)
      }
      %scan3A_142 = arith.constant 16 : i32
      %ge3A = arith.constant 2 : i32
      %ge3A_143 = arith.cmpi sge, %add3A_132, %ge3A : i32
      %convert_element_type3A_144 = arith.extui %ge3A_143 : i1 to i32
      %cond3A_145 = arith.constant 0 : i32
      %cond3A_146 = arith.cmpi ne, %convert_element_type3A_144, %cond3A_145 : i32
      scf.if %cond3A_146 {
        %sub3A_217 = arith.constant 2 : i32
        %sub3A_218 = arith.subi %add3A_132, %sub3A_217 : i32
        %mul3A_219 = arith.constant 32 : i32
        %mul3A_220 = arith.muli %sub3A_218, %mul3A_219 : i32
        %add3A_221 = arith.addi %mul3A_2, %mul3A_220 : i32
        %multiple_of3A_222 = tpu.assume_multiple %add3A_221, 8 : i32
        %dma_wait3A_223 = arith.constant 0 : i32
        %dma_wait3A_224 = tpu.memref_slice %arg12[%multiple_of3A_222, %dma_wait3A_223] : memref<16384x64xf32, #tpu.memory_space<hbm>> -> memref<32x64xf32, #tpu.memory_space<hbm>>
        %dma_wait3A_225 = arith.constant 0 : i32
        %dma_wait3A_226 = tpu.memref_slice %arg12[%multiple_of3A_222, %dma_wait3A_225] : memref<16384x64xf32, #tpu.memory_space<hbm>> -> memref<32x64xf32, #tpu.memory_space<hbm>>
        tpu.wait_dma2 semaphore(%arg26 : memref<!tpu.dma_semaphore, #tpu.memory_space<semaphore_mem>>) src(%arg19 : memref<32x64xf32, #tpu.memory_space<vmem>>) dst(%dma_wait3A_226 : memref<32x64xf32, #tpu.memory_space<hbm>>)
      } else {
      }
      %scan3A_147 = arith.constant 0 : i32
      %scan3A_148 = arith.constant 0 : i32
      %scan3A_149 = arith.constant 32 : i32
      %scan3A_150 = arith.addi %scan3A_148, %scan3A_149 : i32
      %scan3A_151 = arith.constant 1 : i32
      scf.for %scan3A_217 = %scan3A_148 to %scan3A_150 step %scan3A_151  : i32 {
        %add3A_218 = arith.constant 0 : i32
        %add3A_219 = arith.addi %add3A_218, %scan3A_217 : i32
        %mul3A_220 = arith.constant 8 : i32
        %mul3A_221 = arith.muli %scan3A_217, %mul3A_220 : i32
        %broadcast_in_dim3A = arith.constant 0.000000e+00 : f32
        %broadcast_in_dim3A_222 = vector.broadcast %broadcast_in_dim3A : f32 to vector<16xf32>
        %broadcast_in_dim3A_223 = arith.constant 0.000000e+00 : f32
        %broadcast_in_dim3A_224 = vector.broadcast %broadcast_in_dim3A_223 : f32 to vector<16xf32>
        %broadcast_in_dim3A_225 = arith.constant 0.000000e+00 : f32
        %broadcast_in_dim3A_226 = vector.broadcast %broadcast_in_dim3A_225 : f32 to vector<16xf32>
        %broadcast_in_dim3A_227 = arith.constant 0.000000e+00 : f32
        %broadcast_in_dim3A_228 = vector.broadcast %broadcast_in_dim3A_227 : f32 to vector<16xf32>
        %scan3A_229 = arith.constant 0 : i32
        %scan3A_230 = arith.constant 8 : i32
        %scan3A_231 = arith.addi %scan3A_229, %scan3A_230 : i32
        %scan3A_232 = arith.constant 1 : i32
        %scan3A_233:4 = scf.for %scan3A_254 = %scan3A_229 to %scan3A_231 step %scan3A_232 iter_args(%scan3A_255 = %broadcast_in_dim3A_222, %scan3A_256 = %broadcast_in_dim3A_224, %scan3A_257 = %broadcast_in_dim3A_226, %scan3A_258 = %broadcast_in_dim3A_228) -> (vector<16xf32>, vector<16xf32>, vector<16xf32>, vector<16xf32>)  : i32 {
          %add3A_259 = arith.addi %mul3A_221, %scan3A_254 : i32
          %get3A = arith.index_cast %add3A_259 : i32 to index
          %get3A_260 = arith.constant 0 : index
          %get3A_261 = tpu.vector_load %arg15[%get3A, %get3A_260] {strides = array<i32>} : memref<256x64xf32, #tpu.memory_space<vmem>>, vector<1x16xf32>,
          %get3A_262 = vector.shape_cast %get3A_261 : vector<1x16xf32> to vector<16xf32>
          %add3A_263 = arith.addf %scan3A_255, %get3A_262 : vector<16xf32>
          %add3A_264 = arith.addi %mul3A_221, %scan3A_254 : i32
          %get3A_265 = arith.index_cast %add3A_264 : i32 to index
          %get3A_266 = arith.constant 16 : index
          %get3A_267 = tpu.vector_load %arg15[%get3A_265, %get3A_266] {strides = array<i32>} : memref<256x64xf32, #tpu.memory_space<vmem>>, vector<1x16xf32>,
          %get3A_268 = vector.shape_cast %get3A_267 : vector<1x16xf32> to vector<16xf32>
          %add3A_269 = arith.addf %scan3A_256, %get3A_268 : vector<16xf32>
          %add3A_270 = arith.addi %mul3A_221, %scan3A_254 : i32
          %get3A_271 = arith.index_cast %add3A_270 : i32 to index
          %get3A_272 = arith.constant 32 : index
          %get3A_273 = tpu.vector_load %arg15[%get3A_271, %get3A_272] {strides = array<i32>} : memref<256x64xf32, #tpu.memory_space<vmem>>, vector<1x16xf32>,
          %get3A_274 = vector.shape_cast %get3A_273 : vector<1x16xf32> to vector<16xf32>
          %add3A_275 = arith.addf %scan3A_257, %get3A_274 : vector<16xf32>
          %add3A_276 = arith.addi %mul3A_221, %scan3A_254 : i32
          %get3A_277 = arith.index_cast %add3A_276 : i32 to index
          %get3A_278 = arith.constant 48 : index
          %get3A_279 = tpu.vector_load %arg15[%get3A_277, %get3A_278] {strides = array<i32>} : memref<256x64xf32, #tpu.memory_space<vmem>>, vector<1x16xf32>,
          %get3A_280 = vector.shape_cast %get3A_279 : vector<1x16xf32> to vector<16xf32>
          %add3A_281 = arith.addf %scan3A_258, %get3A_280 : vector<16xf32>
          scf.yield %add3A_263, %add3A_269, %add3A_275, %add3A_281 : vector<16xf32>, vector<16xf32>, vector<16xf32>, vector<16xf32>
        }
        %scan3A_234 = arith.constant 8 : i32
        %swap3A = arith.index_cast %add3A_219 : i32 to index
        %swap3A_235 = arith.constant 0 : index
        %swap3A_236 = tpu.vector_load %arg19[%swap3A, %swap3A_235] {strides = array<i32>} : memref<32x64xf32, #tpu.memory_space<vmem>>, vector<1x16xf32>,
        %swap3A_237 = vector.shape_cast %swap3A_236 : vector<1x16xf32> to vector<16xf32>
        %swap3A_238 = vector.shape_cast %scan3A_233#0 : vector<16xf32> to vector<1x16xf32>
        tpu.vector_store %arg19[%swap3A, %swap3A_235], %swap3A_238 {strides = array<i32>} : memref<32x64xf32, #tpu.memory_space<vmem>>, vector<1x16xf32>,
        %swap3A_239 = arith.index_cast %add3A_219 : i32 to index
        %swap3A_240 = arith.constant 16 : index
        %swap3A_241 = tpu.vector_load %arg19[%swap3A_239, %swap3A_240] {strides = array<i32>} : memref<32x64xf32, #tpu.memory_space<vmem>>, vector<1x16xf32>,
        %swap3A_242 = vector.shape_cast %swap3A_241 : vector<1x16xf32> to vector<16xf32>
        %swap3A_243 = vector.shape_cast %scan3A_233#1 : vector<16xf32> to vector<1x16xf32>
        tpu.vector_store %arg19[%swap3A_239, %swap3A_240], %swap3A_243 {strides = array<i32>} : memref<32x64xf32, #tpu.memory_space<vmem>>, vector<1x16xf32>,
        %swap3A_244 = arith.index_cast %add3A_219 : i32 to index
        %swap3A_245 = arith.constant 32 : index
        %swap3A_246 = tpu.vector_load %arg19[%swap3A_244, %swap3A_245] {strides = array<i32>} : memref<32x64xf32, #tpu.memory_space<vmem>>, vector<1x16xf32>,
        %swap3A_247 = vector.shape_cast %swap3A_246 : vector<1x16xf32> to vector<16xf32>
        %swap3A_248 = vector.shape_cast %scan3A_233#2 : vector<16xf32> to vector<1x16xf32>
        tpu.vector_store %arg19[%swap3A_244, %swap3A_245], %swap3A_248 {strides = array<i32>} : memref<32x64xf32, #tpu.memory_space<vmem>>, vector<1x16xf32>,
        %swap3A_249 = arith.index_cast %add3A_219 : i32 to index
        %swap3A_250 = arith.constant 48 : index
        %swap3A_251 = tpu.vector_load %arg19[%swap3A_249, %swap3A_250] {strides = array<i32>} : memref<32x64xf32, #tpu.memory_space<vmem>>, vector<1x16xf32>,
        %swap3A_252 = vector.shape_cast %swap3A_251 : vector<1x16xf32> to vector<16xf32>
        %swap3A_253 = vector.shape_cast %scan3A_233#3 : vector<16xf32> to vector<1x16xf32>
        tpu.vector_store %arg19[%swap3A_249, %swap3A_250], %swap3A_253 {strides = array<i32>} : memref<32x64xf32, #tpu.memory_space<vmem>>, vector<1x16xf32>,
      }
      %scan3A_152 = arith.constant 32 : i32
      %sub3A = arith.constant 1 : i32
      %sub3A_153 = arith.subi %add3A_132, %sub3A : i32
      %add3A_154 = arith.constant 1 : i32
      %add3A_155 = arith.addi %sub3A_153, %add3A_154 : i32
      %mul3A_156 = arith.constant 32 : i32
      %mul3A_157 = arith.muli %add3A_155, %mul3A_156 : i32
      %add3A_158 = arith.addi %mul3A_2, %mul3A_157 : i32
      %multiple_of3A = tpu.assume_multiple %add3A_158, 8 : i32
      %dma_start3A_159 = arith.constant 0 : i32
      %dma_start3A_160 = tpu.memref_slice %arg12[%multiple_of3A, %dma_start3A_159] : memref<16384x64xf32, #tpu.memory_space<hbm>> -> memref<32x64xf32, #tpu.memory_space<hbm>>
      %dma_start3A_161 = arith.constant 0 : i32
      %dma_start3A_162 = tpu.memref_slice %arg12[%multiple_of3A, %dma_start3A_161] : memref<16384x64xf32, #tpu.memory_space<hbm>> -> memref<32x64xf32, #tpu.memory_space<hbm>>
      tpu.enqueue_dma source(%arg19 : memref<32x64xf32, #tpu.memory_space<vmem>>) target(%dma_start3A_162 : memref<32x64xf32, #tpu.memory_space<hbm>>) target_semaphore(%arg26 : memref<!tpu.dma_semaphore, #tpu.memory_space<semaphore_mem>>)
      %add3A_163 = arith.constant 2 : i32
      %add3A_164 = arith.addi %add3A_132, %add3A_163 : i32
      %lt3A_165 = arith.constant 16 : i32
      %lt3A_166 = arith.cmpi slt, %add3A_164, %lt3A_165 : i32
      %convert_element_type3A_167 = arith.extui %lt3A_166 : i1 to i32
      %cond3A_168 = arith.constant 0 : i32
      %cond3A_169 = arith.cmpi ne, %convert_element_type3A_167, %cond3A_168 : i32
      scf.if %cond3A_169 {
        %add3A_217 = arith.constant 2 : i32
        %add3A_218 = arith.addi %add3A_132, %add3A_217 : i32
        %mul3A_219 = arith.constant 256 : i32
        %mul3A_220 = arith.muli %add3A_218, %mul3A_219 : i32
        %add3A_221 = arith.addi %mul3A_93, %mul3A_220 : i32
        %dma_start3A_222 = arith.constant 0 : i32
        %dma_start3A_223 = tpu.memref_slice %arg13[%dma_start3A_222] : memref<256xi32, #tpu.memory_space<vmem>> -> memref<256xi32, #tpu.memory_space<vmem>>
        %dma_start3A_224 = tpu.memref_slice %arg5[%add3A_221] : memref<131072xi32, #tpu.memory_space<hbm>> -> memref<256xi32, #tpu.memory_space<hbm>>
        %dma_start3A_225 = arith.constant 0 : i32
        %dma_start3A_226 = tpu.memref_slice %arg13[%dma_start3A_225] : memref<256xi32, #tpu.memory_space<vmem>> -> memref<256xi32, #tpu.memory_space<vmem>>
        %dma_start3A_227 = tpu.memref_slice %arg5[%add3A_221] : memref<131072xi32, #tpu.memory_space<hbm>> -> memref<256xi32, #tpu.memory_space<hbm>>
        tpu.enqueue_dma source(%dma_start3A_227 : memref<256xi32, #tpu.memory_space<hbm>>) target(%dma_start3A_226 : memref<256xi32, #tpu.memory_space<vmem>>) target_semaphore(%arg24 : memref<!tpu.dma_semaphore, #tpu.memory_space<semaphore_mem>>)
      } else {
      }
      %mul3A_170 = arith.constant 2 : i32
      %mul3A_171 = arith.muli %scan3A_128, %mul3A_170 : i32
      %add3A_172 = arith.constant 1 : i32
      %add3A_173 = arith.addi %mul3A_171, %add3A_172 : i32
      %add3A_174 = arith.constant 1 : i32
      %add3A_175 = arith.addi %add3A_173, %add3A_174 : i32
      %lt3A_176 = arith.constant 16 : i32
      %lt3A_177 = arith.cmpi slt, %add3A_175, %lt3A_176 : i32
      %convert_element_type3A_178 = arith.extui %lt3A_177 : i1 to i32
      %cond3A_179 = arith.constant 0 : i32
      %cond3A_180 = arith.cmpi ne, %convert_element_type3A_178, %cond3A_179 : i32
      scf.if %cond3A_180 {
        %add3A_217 = arith.constant 1 : i32
        %add3A_218 = arith.addi %add3A_173, %add3A_217 : i32
        %mul3A_219 = arith.constant 256 : i32
        %mul3A_220 = arith.muli %add3A_218, %mul3A_219 : i32
        %add3A_221 = arith.addi %mul3A_93, %mul3A_220 : i32
        %dma_wait3A_222 = arith.constant 0 : i32
        %dma_wait3A_223 = tpu.memref_slice %arg13[%dma_wait3A_222] : memref<256xi32, #tpu.memory_space<vmem>> -> memref<256xi32, #tpu.memory_space<vmem>>
        %dma_wait3A_224 = tpu.memref_slice %arg5[%add3A_221] : memref<131072xi32, #tpu.memory_space<hbm>> -> memref<256xi32, #tpu.memory_space<hbm>>
        %dma_wait3A_225 = arith.constant 0 : i32
        %dma_wait3A_226 = tpu.memref_slice %arg13[%dma_wait3A_225] : memref<256xi32, #tpu.memory_space<vmem>> -> memref<256xi32, #tpu.memory_space<vmem>>
        %dma_wait3A_227 = tpu.memref_slice %arg5[%add3A_221] : memref<131072xi32, #tpu.memory_space<hbm>> -> memref<256xi32, #tpu.memory_space<hbm>>
        tpu.wait_dma2 semaphore(%arg24 : memref<!tpu.dma_semaphore, #tpu.memory_space<semaphore_mem>>) src(%dma_wait3A_227 : memref<256xi32, #tpu.memory_space<hbm>>) dst(%dma_wait3A_226 : memref<256xi32, #tpu.memory_space<vmem>>)
        %scan3A_228 = arith.constant 0 : i32
        %scan3A_229 = arith.constant 0 : i32
        %scan3A_230 = arith.constant 16 : i32
        %scan3A_231 = arith.addi %scan3A_229, %scan3A_230 : i32
        %scan3A_232 = arith.constant 1 : i32
        scf.for %scan3A_234 = %scan3A_229 to %scan3A_231 step %scan3A_232  : i32 {
          %mul3A_235 = arith.constant 16 : i32
          %mul3A_236 = arith.muli %scan3A_234, %mul3A_235 : i32
          %multiple_of3A_237 = tpu.assume_multiple %mul3A_236, 8 : i32
          %get3A = arith.index_cast %multiple_of3A_237 : i32 to index
          %get3A_238 = tpu.vector_load %arg13[%get3A] {strides = array<i32>} : memref<256xi32, #tpu.memory_space<vmem>>, vector<16xi32>,
          %get3A_239 = vector.shape_cast %get3A_238 : vector<16xi32> to vector<16xi32>
          %dma_start3A_240 = arith.constant 0 : i32
          %dma_start3A_241 = tpu.memref_slice %arg15[%multiple_of3A_237, %dma_start3A_240] : memref<256x64xf32, #tpu.memory_space<vmem>> -> memref<16x64xf32, #tpu.memory_space<vmem>>
          %dma_start3A_242 = arith.constant 0 : i32
          %dma_start3A_243 = arith.constant 0 : i32
          %dma_start3A_244 = tpu.memref_slice %arg8[%dma_start3A_242, %dma_start3A_243] : memref<1000x64xf32, #tpu.memory_space<hbm>> -> memref<1000x64xf32, #tpu.memory_space<hbm>>
          tpu.enqueue_indirect_dma source(%dma_start3A_244 : memref<1000x64xf32, #tpu.memory_space<hbm>>) target(%dma_start3A_241 : memref<16x64xf32, #tpu.memory_space<vmem>>) offsets(%get3A_239 : vector<16xi32>) semaphore(%arg22 : memref<!tpu.dma_semaphore, #tpu.memory_space<semaphore_mem>>)
        }
        %scan3A_233 = arith.constant 16 : i32
      } else {
      }
      %scan3A_181 = arith.constant 0 : i32
      %scan3A_182 = arith.constant 0 : i32
      %scan3A_183 = arith.constant 16 : i32
      %scan3A_184 = arith.addi %scan3A_182, %scan3A_183 : i32
      %scan3A_185 = arith.constant 1 : i32
      scf.for %scan3A_217 = %scan3A_182 to %scan3A_184 step %scan3A_185  : i32 {
        %mul3A_218 = arith.constant 16 : i32
        %mul3A_219 = arith.muli %scan3A_217, %mul3A_218 : i32
        %multiple_of3A_220 = tpu.assume_multiple %mul3A_219, 8 : i32
        %get3A = arith.index_cast %multiple_of3A_220 : i32 to index
        %get3A_221 = tpu.vector_load %arg14[%get3A] {strides = array<i32>} : memref<256xi32, #tpu.memory_space<vmem>>, vector<16xi32>,
        %get3A_222 = vector.shape_cast %get3A_221 : vector<16xi32> to vector<16xi32>
        %dma_wait3A_223 = arith.constant 0 : i32
        %dma_wait3A_224 = tpu.memref_slice %arg16[%multiple_of3A_220, %dma_wait3A_223] : memref<256x64xf32, #tpu.memory_space<vmem>> -> memref<16x64xf32, #tpu.memory_space<vmem>>
        %dma_wait3A_225 = arith.constant 0 : i32
        %dma_wait3A_226 = arith.constant 0 : i32
        %dma_wait3A_227 = tpu.memref_slice %arg8[%dma_wait3A_225, %dma_wait3A_226] : memref<1000x64xf32, #tpu.memory_space<hbm>> -> memref<1000x64xf32, #tpu.memory_space<hbm>>
        tpu.wait_indirect_dma semaphore(%arg23 : memref<!tpu.dma_semaphore, #tpu.memory_space<semaphore_mem>>) src(%dma_wait3A_227 : memref<1000x64xf32, #tpu.memory_space<hbm>>) dst(%dma_wait3A_224 : memref<16x64xf32, #tpu.memory_space<vmem>>)
      }
      %scan3A_186 = arith.constant 16 : i32
      %ge3A_187 = arith.constant 2 : i32
      %ge3A_188 = arith.cmpi sge, %add3A_173, %ge3A_187 : i32
      %convert_element_type3A_189 = arith.extui %ge3A_188 : i1 to i32
      %cond3A_190 = arith.constant 0 : i32
      %cond3A_191 = arith.cmpi ne, %convert_element_type3A_189, %cond3A_190 : i32
      scf.if %cond3A_191 {
        %sub3A_217 = arith.constant 2 : i32
        %sub3A_218 = arith.subi %add3A_173, %sub3A_217 : i32
        %mul3A_219 = arith.constant 32 : i32
        %mul3A_220 = arith.muli %sub3A_218, %mul3A_219 : i32
        %add3A_221 = arith.addi %mul3A_2, %mul3A_220 : i32
        %multiple_of3A_222 = tpu.assume_multiple %add3A_221, 8 : i32
        %dma_wait3A_223 = arith.constant 0 : i32
        %dma_wait3A_224 = tpu.memref_slice %arg12[%multiple_of3A_222, %dma_wait3A_223] : memref<16384x64xf32, #tpu.memory_space<hbm>> -> memref<32x64xf32, #tpu.memory_space<hbm>>
        %dma_wait3A_225 = arith.constant 0 : i32
        %dma_wait3A_226 = tpu.memref_slice %arg12[%multiple_of3A_222, %dma_wait3A_225] : memref<16384x64xf32, #tpu.memory_space<hbm>> -> memref<32x64xf32, #tpu.memory_space<hbm>>
        tpu.wait_dma2 semaphore(%arg27 : memref<!tpu.dma_semaphore, #tpu.memory_space<semaphore_mem>>) src(%arg20 : memref<32x64xf32, #tpu.memory_space<vmem>>) dst(%dma_wait3A_226 : memref<32x64xf32, #tpu.memory_space<hbm>>)
      } else {
      }
      %scan3A_192 = arith.constant 0 : i32
      %scan3A_193 = arith.constant 0 : i32
      %scan3A_194 = arith.constant 32 : i32
      %scan3A_195 = arith.addi %scan3A_193, %scan3A_194 : i32
      %scan3A_196 = arith.constant 1 : i32
      scf.for %scan3A_217 = %scan3A_193 to %scan3A_195 step %scan3A_196  : i32 {
        %add3A_218 = arith.constant 0 : i32
        %add3A_219 = arith.addi %add3A_218, %scan3A_217 : i32
        %mul3A_220 = arith.constant 8 : i32
        %mul3A_221 = arith.muli %scan3A_217, %mul3A_220 : i32
        %broadcast_in_dim3A = arith.constant 0.000000e+00 : f32
        %broadcast_in_dim3A_222 = vector.broadcast %broadcast_in_dim3A : f32 to vector<16xf32>
        %broadcast_in_dim3A_223 = arith.constant 0.000000e+00 : f32
        %broadcast_in_dim3A_224 = vector.broadcast %broadcast_in_dim3A_223 : f32 to vector<16xf32>
        %broadcast_in_dim3A_225 = arith.constant 0.000000e+00 : f32
        %broadcast_in_dim3A_226 = vector.broadcast %broadcast_in_dim3A_225 : f32 to vector<16xf32>
        %broadcast_in_dim3A_227 = arith.constant 0.000000e+00 : f32
        %broadcast_in_dim3A_228 = vector.broadcast %broadcast_in_dim3A_227 : f32 to vector<16xf32>
        %scan3A_229 = arith.constant 0 : i32
        %scan3A_230 = arith.constant 8 : i32
        %scan3A_231 = arith.addi %scan3A_229, %scan3A_230 : i32
        %scan3A_232 = arith.constant 1 : i32
        %scan3A_233:4 = scf.for %scan3A_254 = %scan3A_229 to %scan3A_231 step %scan3A_232 iter_args(%scan3A_255 = %broadcast_in_dim3A_222, %scan3A_256 = %broadcast_in_dim3A_224, %scan3A_257 = %broadcast_in_dim3A_226, %scan3A_258 = %broadcast_in_dim3A_228) -> (vector<16xf32>, vector<16xf32>, vector<16xf32>, vector<16xf32>)  : i32 {
          %add3A_259 = arith.addi %mul3A_221, %scan3A_254 : i32
          %get3A = arith.index_cast %add3A_259 : i32 to index
          %get3A_260 = arith.constant 0 : index
          %get3A_261 = tpu.vector_load %arg16[%get3A, %get3A_260] {strides = array<i32>} : memref<256x64xf32, #tpu.memory_space<vmem>>, vector<1x16xf32>,
          %get3A_262 = vector.shape_cast %get3A_261 : vector<1x16xf32> to vector<16xf32>
          %add3A_263 = arith.addf %scan3A_255, %get3A_262 : vector<16xf32>
          %add3A_264 = arith.addi %mul3A_221, %scan3A_254 : i32
          %get3A_265 = arith.index_cast %add3A_264 : i32 to index
          %get3A_266 = arith.constant 16 : index
          %get3A_267 = tpu.vector_load %arg16[%get3A_265, %get3A_266] {strides = array<i32>} : memref<256x64xf32, #tpu.memory_space<vmem>>, vector<1x16xf32>,
          %get3A_268 = vector.shape_cast %get3A_267 : vector<1x16xf32> to vector<16xf32>
          %add3A_269 = arith.addf %scan3A_256, %get3A_268 : vector<16xf32>
          %add3A_270 = arith.addi %mul3A_221, %scan3A_254 : i32
          %get3A_271 = arith.index_cast %add3A_270 : i32 to index
          %get3A_272 = arith.constant 32 : index
          %get3A_273 = tpu.vector_load %arg16[%get3A_271, %get3A_272] {strides = array<i32>} : memref<256x64xf32, #tpu.memory_space<vmem>>, vector<1x16xf32>,
          %get3A_274 = vector.shape_cast %get3A_273 : vector<1x16xf32> to vector<16xf32>
          %add3A_275 = arith.addf %scan3A_257, %get3A_274 : vector<16xf32>
          %add3A_276 = arith.addi %mul3A_221, %scan3A_254 : i32
          %get3A_277 = arith.index_cast %add3A_276 : i32 to index
          %get3A_278 = arith.constant 48 : index
          %get3A_279 = tpu.vector_load %arg16[%get3A_277, %get3A_278] {strides = array<i32>} : memref<256x64xf32, #tpu.memory_space<vmem>>, vector<1x16xf32>,
          %get3A_280 = vector.shape_cast %get3A_279 : vector<1x16xf32> to vector<16xf32>
          %add3A_281 = arith.addf %scan3A_258, %get3A_280 : vector<16xf32>
          scf.yield %add3A_263, %add3A_269, %add3A_275, %add3A_281 : vector<16xf32>, vector<16xf32>, vector<16xf32>, vector<16xf32>
        }
        %scan3A_234 = arith.constant 8 : i32
        %swap3A = arith.index_cast %add3A_219 : i32 to index
        %swap3A_235 = arith.constant 0 : index
        %swap3A_236 = tpu.vector_load %arg20[%swap3A, %swap3A_235] {strides = array<i32>} : memref<32x64xf32, #tpu.memory_space<vmem>>, vector<1x16xf32>,
        %swap3A_237 = vector.shape_cast %swap3A_236 : vector<1x16xf32> to vector<16xf32>
        %swap3A_238 = vector.shape_cast %scan3A_233#0 : vector<16xf32> to vector<1x16xf32>
        tpu.vector_store %arg20[%swap3A, %swap3A_235], %swap3A_238 {strides = array<i32>} : memref<32x64xf32, #tpu.memory_space<vmem>>, vector<1x16xf32>,
        %swap3A_239 = arith.index_cast %add3A_219 : i32 to index
        %swap3A_240 = arith.constant 16 : index
        %swap3A_241 = tpu.vector_load %arg20[%swap3A_239, %swap3A_240] {strides = array<i32>} : memref<32x64xf32, #tpu.memory_space<vmem>>, vector<1x16xf32>,
        %swap3A_242 = vector.shape_cast %swap3A_241 : vector<1x16xf32> to vector<16xf32>
        %swap3A_243 = vector.shape_cast %scan3A_233#1 : vector<16xf32> to vector<1x16xf32>
        tpu.vector_store %arg20[%swap3A_239, %swap3A_240], %swap3A_243 {strides = array<i32>} : memref<32x64xf32, #tpu.memory_space<vmem>>, vector<1x16xf32>,
        %swap3A_244 = arith.index_cast %add3A_219 : i32 to index
        %swap3A_245 = arith.constant 32 : index
        %swap3A_246 = tpu.vector_load %arg20[%swap3A_244, %swap3A_245] {strides = array<i32>} : memref<32x64xf32, #tpu.memory_space<vmem>>, vector<1x16xf32>,
        %swap3A_247 = vector.shape_cast %swap3A_246 : vector<1x16xf32> to vector<16xf32>
        %swap3A_248 = vector.shape_cast %scan3A_233#2 : vector<16xf32> to vector<1x16xf32>
        tpu.vector_store %arg20[%swap3A_244, %swap3A_245], %swap3A_248 {strides = array<i32>} : memref<32x64xf32, #tpu.memory_space<vmem>>, vector<1x16xf32>,
        %swap3A_249 = arith.index_cast %add3A_219 : i32 to index
        %swap3A_250 = arith.constant 48 : index
        %swap3A_251 = tpu.vector_load %arg20[%swap3A_249, %swap3A_250] {strides = array<i32>} : memref<32x64xf32, #tpu.memory_space<vmem>>, vector<1x16xf32>,
        %swap3A_252 = vector.shape_cast %swap3A_251 : vector<1x16xf32> to vector<16xf32>
        %swap3A_253 = vector.shape_cast %scan3A_233#3 : vector<16xf32> to vector<1x16xf32>
        tpu.vector_store %arg20[%swap3A_249, %swap3A_250], %swap3A_253 {strides = array<i32>} : memref<32x64xf32, #tpu.memory_space<vmem>>, vector<1x16xf32>,
      }
      %scan3A_197 = arith.constant 32 : i32
      %sub3A_198 = arith.constant 1 : i32
      %sub3A_199 = arith.subi %add3A_173, %sub3A_198 : i32
      %add3A_200 = arith.constant 1 : i32
      %add3A_201 = arith.addi %sub3A_199, %add3A_200 : i32
      %mul3A_202 = arith.constant 32 : i32
      %mul3A_203 = arith.muli %add3A_201, %mul3A_202 : i32
      %add3A_204 = arith.addi %mul3A_2, %mul3A_203 : i32
      %multiple_of3A_205 = tpu.assume_multiple %add3A_204, 8 : i32
      %dma_start3A_206 = arith.constant 0 : i32
      %dma_start3A_207 = tpu.memref_slice %arg12[%multiple_of3A_205, %dma_start3A_206] : memref<16384x64xf32, #tpu.memory_space<hbm>> -> memref<32x64xf32, #tpu.memory_space<hbm>>
      %dma_start3A_208 = arith.constant 0 : i32
      %dma_start3A_209 = tpu.memref_slice %arg12[%multiple_of3A_205, %dma_start3A_208] : memref<16384x64xf32, #tpu.memory_space<hbm>> -> memref<32x64xf32, #tpu.memory_space<hbm>>
      tpu.enqueue_dma source(%arg20 : memref<32x64xf32, #tpu.memory_space<vmem>>) target(%dma_start3A_209 : memref<32x64xf32, #tpu.memory_space<hbm>>) target_semaphore(%arg27 : memref<!tpu.dma_semaphore, #tpu.memory_space<semaphore_mem>>)
      %add3A_210 = arith.constant 2 : i32
      %add3A_211 = arith.addi %add3A_173, %add3A_210 : i32
      %lt3A_212 = arith.constant 16 : i32
      %lt3A_213 = arith.cmpi slt, %add3A_211, %lt3A_212 : i32
      %convert_element_type3A_214 = arith.extui %lt3A_213 : i1 to i32
      %cond3A_215 = arith.constant 0 : i32
      %cond3A_216 = arith.cmpi ne, %convert_element_type3A_214, %cond3A_215 : i32
      scf.if %cond3A_216 {
        %add3A_217 = arith.constant 2 : i32
        %add3A_218 = arith.addi %add3A_173, %add3A_217 : i32
        %mul3A_219 = arith.constant 256 : i32
        %mul3A_220 = arith.muli %add3A_218, %mul3A_219 : i32
        %add3A_221 = arith.addi %mul3A_93, %mul3A_220 : i32
        %dma_start3A_222 = arith.constant 0 : i32
        %dma_start3A_223 = tpu.memref_slice %arg14[%dma_start3A_222] : memref<256xi32, #tpu.memory_space<vmem>> -> memref<256xi32, #tpu.memory_space<vmem>>
        %dma_start3A_224 = tpu.memref_slice %arg5[%add3A_221] : memref<131072xi32, #tpu.memory_space<hbm>> -> memref<256xi32, #tpu.memory_space<hbm>>
        %dma_start3A_225 = arith.constant 0 : i32
        %dma_start3A_226 = tpu.memref_slice %arg14[%dma_start3A_225] : memref<256xi32, #tpu.memory_space<vmem>> -> memref<256xi32, #tpu.memory_space<vmem>>
        %dma_start3A_227 = tpu.memref_slice %arg5[%add3A_221] : memref<131072xi32, #tpu.memory_space<hbm>> -> memref<256xi32, #tpu.memory_space<hbm>>
        tpu.enqueue_dma source(%dma_start3A_227 : memref<256xi32, #tpu.memory_space<hbm>>) target(%dma_start3A_226 : memref<256xi32, #tpu.memory_space<vmem>>) target_semaphore(%arg25 : memref<!tpu.dma_semaphore, #tpu.memory_space<semaphore_mem>>)
      } else {
      }
    }
    %scan3A_115 = arith.constant 8 : i32
    %add3A_116 = arith.constant 448 : i32
    %add3A_117 = arith.addi %mul3A_2, %add3A_116 : i32
    %dma_wait3A_118 = arith.constant 0 : i32
    %dma_wait3A_119 = tpu.memref_slice %arg12[%add3A_117, %dma_wait3A_118] : memref<16384x64xf32, #tpu.memory_space<hbm>> -> memref<32x64xf32, #tpu.memory_space<hbm>>
    %dma_wait3A_120 = arith.constant 0 : i32
    %dma_wait3A_121 = tpu.memref_slice %arg12[%add3A_117, %dma_wait3A_120] : memref<16384x64xf32, #tpu.memory_space<hbm>> -> memref<32x64xf32, #tpu.memory_space<hbm>>
    tpu.wait_dma2 semaphore(%arg26 : memref<!tpu.dma_semaphore, #tpu.memory_space<semaphore_mem>>) src(%arg19 : memref<32x64xf32, #tpu.memory_space<vmem>>) dst(%dma_wait3A_121 : memref<32x64xf32, #tpu.memory_space<hbm>>)
    %add3A_122 = arith.constant 480 : i32
    %add3A_123 = arith.addi %mul3A_2, %add3A_122 : i32
    %dma_wait3A_124 = arith.constant 0 : i32
    %dma_wait3A_125 = tpu.memref_slice %arg12[%add3A_123, %dma_wait3A_124] : memref<16384x64xf32, #tpu.memory_space<hbm>> -> memref<32x64xf32, #tpu.memory_space<hbm>>
    %dma_wait3A_126 = arith.constant 0 : i32
    %dma_wait3A_127 = tpu.memref_slice %arg12[%add3A_123, %dma_wait3A_126] : memref<16384x64xf32, #tpu.memory_space<hbm>> -> memref<32x64xf32, #tpu.memory_space<hbm>>
    tpu.wait_dma2 semaphore(%arg27 : memref<!tpu.dma_semaphore, #tpu.memory_space<semaphore_mem>>) src(%arg20 : memref<32x64xf32, #tpu.memory_space<vmem>>) dst(%dma_wait3A_127 : memref<32x64xf32, #tpu.memory_space<hbm>>)
    return
  }
}

module attributes {stable_mosaic.version = 14 : i64} {
  func.func @body(%arg0: i32, %arg1: memref<2048x50xi32, #tpu.memory_space<vmem>>, %arg2: memref<2048x5xi32, #tpu.memory_space<vmem>>, %arg3: memref<2048x64xf32, #tpu.memory_space<vmem>>, %arg4: memref<2048x64xf32, #tpu.memory_space<vmem>>, %arg5: memref<2048x64xf32, #tpu.memory_space<vmem>>, %arg6: memref<2048x64xf32, #tpu.memory_space<vmem>>, %arg7: memref<64x128xf32, #tpu.memory_space<vmem>>, %arg8: memref<64x128xf32, #tpu.memory_space<vmem>>, %arg9: memref<1x128xf32, #tpu.memory_space<vmem>>, %arg10: memref<128x64xf32, #tpu.memory_space<vmem>>, %arg11: memref<1x64xf32, #tpu.memory_space<vmem>>, %arg12: memref<64x128xf32, #tpu.memory_space<vmem>>, %arg13: memref<64x128xf32, #tpu.memory_space<vmem>>, %arg14: memref<1x128xf32, #tpu.memory_space<vmem>>, %arg15: memref<128x64xf32, #tpu.memory_space<vmem>>, %arg16: memref<1x64xf32, #tpu.memory_space<vmem>>, %arg17: memref<2048xf32, #tpu.memory_space<vmem>>) attributes {dimension_semantics = [#tpu.dimension_semantics<arbitrary>], iteration_bounds = array<i64: 8>, scalar_prefetch = 0 : i64, scratch_operands = 0 : i64, tpu.core_type = #tpu.core_type<tc>, window_params = [{transform_indices = @transform_0, window_bounds = array<i64: 2048, 50>}, {transform_indices = @transform_1, window_bounds = array<i64: 2048, 5>}, {transform_indices = @transform_2, window_bounds = array<i64: 2048, 64>}, {transform_indices = @transform_3, window_bounds = array<i64: 2048, 64>}, {transform_indices = @transform_4, window_bounds = array<i64: 2048, 64>}, {transform_indices = @transform_5, window_bounds = array<i64: 2048, 64>}, {pipeline_mode = #tpu.pipeline_mode<synchronous>, transform_indices = @transform_6, window_bounds = array<i64: 64, 128>}, {pipeline_mode = #tpu.pipeline_mode<synchronous>, transform_indices = @transform_7, window_bounds = array<i64: 64, 128>}, {pipeline_mode = #tpu.pipeline_mode<synchronous>, transform_indices = @transform_8, window_bounds = array<i64: 1, 128>}, {pipeline_mode = #tpu.pipeline_mode<synchronous>, transform_indices = @transform_9, window_bounds = array<i64: 128, 64>}, {pipeline_mode = #tpu.pipeline_mode<synchronous>, transform_indices = @transform_10, window_bounds = array<i64: 1, 64>}, {pipeline_mode = #tpu.pipeline_mode<synchronous>, transform_indices = @transform_11, window_bounds = array<i64: 64, 128>}, {pipeline_mode = #tpu.pipeline_mode<synchronous>, transform_indices = @transform_12, window_bounds = array<i64: 64, 128>}, {pipeline_mode = #tpu.pipeline_mode<synchronous>, transform_indices = @transform_13, window_bounds = array<i64: 1, 128>}, {pipeline_mode = #tpu.pipeline_mode<synchronous>, transform_indices = @transform_14, window_bounds = array<i64: 128, 64>}, {pipeline_mode = #tpu.pipeline_mode<synchronous>, transform_indices = @transform_15, window_bounds = array<i64: 1, 64>}, {transform_indices = @transform_16, window_bounds = array<i64: 2048>}]} {
    %get3A = arith.constant 0 : index
    %get3A_0 = arith.constant 0 : index
    %get3A_1 = vector.load %arg1[%get3A, %get3A_0] : memref<2048x50xi32, #tpu.memory_space<vmem>>, vector<2048x50xi32>
    %ne3A = arith.constant 0 : i32
    %ne3A_2 = vector.broadcast %ne3A : i32 to vector<2048x50xi32>
    %ne3A_3 = arith.cmpi ne, %get3A_1, %ne3A_2 : vector<2048x50xi32>
    %convert_element_type3A = arith.extui %ne3A_3 : vector<2048x50xi1> to vector<2048x50xi32>
    %convert_element_type3A_4 = arith.sitofp %convert_element_type3A : vector<2048x50xi32> to vector<2048x50xf32>
    %reduce_sum3A = arith.constant dense<0.000000e+00> : vector<2048xf32>
    %reduce_sum3A_5 = vector.multi_reduction <add>, %convert_element_type3A_4, %reduce_sum3A [1] : vector<2048x50xf32> to vector<2048xf32>
    %broadcast_in_dim3A = vector.shape_cast %reduce_sum3A_5 : vector<2048xf32> to vector<2048x1xf32>
    %get3A_6 = arith.constant 0 : index
    %get3A_7 = arith.constant 0 : index
    %get3A_8 = vector.load %arg4[%get3A_6, %get3A_7] : memref<2048x64xf32, #tpu.memory_space<vmem>>, vector<2048x64xf32>
    %add3A = arith.constant 9.99999993E-9 : f32
    %add3A_9 = vector.broadcast %add3A : f32 to vector<2048x1xf32>
    %add3A_10 = arith.addf %broadcast_in_dim3A, %add3A_9 : vector<2048x1xf32>
    %div3A = vector.broadcast %add3A_10 : vector<2048x1xf32> to vector<2048x64xf32>
    %div3A_11 = arith.divf %get3A_8, %div3A : vector<2048x64xf32>
    %get3A_12 = arith.constant 0 : index
    %get3A_13 = arith.constant 0 : index
    %get3A_14 = vector.load %arg3[%get3A_12, %get3A_13] : memref<2048x64xf32, #tpu.memory_space<vmem>>, vector<2048x64xf32>
    %get3A_15 = arith.constant 0 : index
    %get3A_16 = arith.constant 0 : index
    %get3A_17 = vector.load %arg7[%get3A_15, %get3A_16] : memref<64x128xf32, #tpu.memory_space<vmem>>, vector<64x128xf32>
    %dot_general3A = arith.constant dense<0.000000e+00> : vector<2048x128xf32>
    %dot_general3A_18 = tpu.matmul %get3A_14, %get3A_17, %dot_general3A {dimension_numbers = #tpu.dot_dimension_numbers<[1], [0], [0], [1], [0, 0, 1, 1], [], []>, transpose_lhs_hint = false} : vector<2048x64xf32>, vector<64x128xf32>, vector<2048x128xf32> -> vector<2048x128xf32>
    %get3A_19 = arith.constant 0 : index
    %get3A_20 = arith.constant 0 : index
    %get3A_21 = vector.load %arg8[%get3A_19, %get3A_20] : memref<64x128xf32, #tpu.memory_space<vmem>>, vector<64x128xf32>
    %dot_general3A_22 = arith.constant dense<0.000000e+00> : vector<2048x128xf32>
    %dot_general3A_23 = tpu.matmul %div3A_11, %get3A_21, %dot_general3A_22 {dimension_numbers = #tpu.dot_dimension_numbers<[1], [0], [0], [1], [0, 0, 1, 1], [], []>, transpose_lhs_hint = false} : vector<2048x64xf32>, vector<64x128xf32>, vector<2048x128xf32> -> vector<2048x128xf32>
    %add3A_24 = arith.addf %dot_general3A_18, %dot_general3A_23 : vector<2048x128xf32>
    %get3A_25 = arith.constant 0 : index
    %get3A_26 = arith.constant 0 : index
    %get3A_27 = vector.load %arg9[%get3A_25, %get3A_26] : memref<1x128xf32, #tpu.memory_space<vmem>>, vector<1x128xf32>
    %add3A_28 = vector.broadcast %get3A_27 : vector<1x128xf32> to vector<2048x128xf32>
    %add3A_29 = arith.addf %add3A_24, %add3A_28 : vector<2048x128xf32>
    %max3A = arith.constant 0.000000e+00 : f32
    %max3A_30 = vector.broadcast %max3A : f32 to vector<2048x128xf32>
    %max3A_31 = arith.maximumf %add3A_29, %max3A_30 : vector<2048x128xf32>
    %get3A_32 = arith.constant 0 : index
    %get3A_33 = arith.constant 0 : index
    %get3A_34 = vector.load %arg10[%get3A_32, %get3A_33] : memref<128x64xf32, #tpu.memory_space<vmem>>, vector<128x64xf32>
    %dot_general3A_35 = arith.constant dense<0.000000e+00> : vector<2048x64xf32>
    %dot_general3A_36 = tpu.matmul %max3A_31, %get3A_34, %dot_general3A_35 {dimension_numbers = #tpu.dot_dimension_numbers<[1], [0], [0], [1], [0, 0, 1, 1], [], []>, transpose_lhs_hint = false} : vector<2048x128xf32>, vector<128x64xf32>, vector<2048x64xf32> -> vector<2048x64xf32>
    %get3A_37 = arith.constant 0 : index
    %get3A_38 = arith.constant 0 : index
    %get3A_39 = vector.load %arg11[%get3A_37, %get3A_38] : memref<1x64xf32, #tpu.memory_space<vmem>>, vector<1x64xf32>
    %add3A_40 = vector.broadcast %get3A_39 : vector<1x64xf32> to vector<2048x64xf32>
    %add3A_41 = arith.addf %dot_general3A_36, %add3A_40 : vector<2048x64xf32>
    %get3A_42 = arith.constant 0 : index
    %get3A_43 = arith.constant 0 : index
    %get3A_44 = vector.load %arg2[%get3A_42, %get3A_43] : memref<2048x5xi32, #tpu.memory_space<vmem>>, vector<2048x5xi32>
    %ne3A_45 = arith.constant 0 : i32
    %ne3A_46 = vector.broadcast %ne3A_45 : i32 to vector<2048x5xi32>
    %ne3A_47 = arith.cmpi ne, %get3A_44, %ne3A_46 : vector<2048x5xi32>
    %convert_element_type3A_48 = arith.extui %ne3A_47 : vector<2048x5xi1> to vector<2048x5xi32>
    %convert_element_type3A_49 = arith.sitofp %convert_element_type3A_48 : vector<2048x5xi32> to vector<2048x5xf32>
    %reduce_sum3A_50 = arith.constant dense<0.000000e+00> : vector<2048xf32>
    %reduce_sum3A_51 = vector.multi_reduction <add>, %convert_element_type3A_49, %reduce_sum3A_50 [1] : vector<2048x5xf32> to vector<2048xf32>
    %broadcast_in_dim3A_52 = vector.shape_cast %reduce_sum3A_51 : vector<2048xf32> to vector<2048x1xf32>
    %get3A_53 = arith.constant 0 : index
    %get3A_54 = arith.constant 0 : index
    %get3A_55 = vector.load %arg6[%get3A_53, %get3A_54] : memref<2048x64xf32, #tpu.memory_space<vmem>>, vector<2048x64xf32>
    %add3A_56 = arith.constant 9.99999993E-9 : f32
    %add3A_57 = vector.broadcast %add3A_56 : f32 to vector<2048x1xf32>
    %add3A_58 = arith.addf %broadcast_in_dim3A_52, %add3A_57 : vector<2048x1xf32>
    %div3A_59 = vector.broadcast %add3A_58 : vector<2048x1xf32> to vector<2048x64xf32>
    %div3A_60 = arith.divf %get3A_55, %div3A_59 : vector<2048x64xf32>
    %get3A_61 = arith.constant 0 : index
    %get3A_62 = arith.constant 0 : index
    %get3A_63 = vector.load %arg5[%get3A_61, %get3A_62] : memref<2048x64xf32, #tpu.memory_space<vmem>>, vector<2048x64xf32>
    %get3A_64 = arith.constant 0 : index
    %get3A_65 = arith.constant 0 : index
    %get3A_66 = vector.load %arg12[%get3A_64, %get3A_65] : memref<64x128xf32, #tpu.memory_space<vmem>>, vector<64x128xf32>
    %dot_general3A_67 = arith.constant dense<0.000000e+00> : vector<2048x128xf32>
    %dot_general3A_68 = tpu.matmul %get3A_63, %get3A_66, %dot_general3A_67 {dimension_numbers = #tpu.dot_dimension_numbers<[1], [0], [0], [1], [0, 0, 1, 1], [], []>, transpose_lhs_hint = false} : vector<2048x64xf32>, vector<64x128xf32>, vector<2048x128xf32> -> vector<2048x128xf32>
    %get3A_69 = arith.constant 0 : index
    %get3A_70 = arith.constant 0 : index
    %get3A_71 = vector.load %arg13[%get3A_69, %get3A_70] : memref<64x128xf32, #tpu.memory_space<vmem>>, vector<64x128xf32>
    %dot_general3A_72 = arith.constant dense<0.000000e+00> : vector<2048x128xf32>
    %dot_general3A_73 = tpu.matmul %div3A_60, %get3A_71, %dot_general3A_72 {dimension_numbers = #tpu.dot_dimension_numbers<[1], [0], [0], [1], [0, 0, 1, 1], [], []>, transpose_lhs_hint = false} : vector<2048x64xf32>, vector<64x128xf32>, vector<2048x128xf32> -> vector<2048x128xf32>
    %add3A_74 = arith.addf %dot_general3A_68, %dot_general3A_73 : vector<2048x128xf32>
    %get3A_75 = arith.constant 0 : index
    %get3A_76 = arith.constant 0 : index
    %get3A_77 = vector.load %arg14[%get3A_75, %get3A_76] : memref<1x128xf32, #tpu.memory_space<vmem>>, vector<1x128xf32>
    %add3A_78 = vector.broadcast %get3A_77 : vector<1x128xf32> to vector<2048x128xf32>
    %add3A_79 = arith.addf %add3A_74, %add3A_78 : vector<2048x128xf32>
    %max3A_80 = arith.constant 0.000000e+00 : f32
    %max3A_81 = vector.broadcast %max3A_80 : f32 to vector<2048x128xf32>
    %max3A_82 = arith.maximumf %add3A_79, %max3A_81 : vector<2048x128xf32>
    %get3A_83 = arith.constant 0 : index
    %get3A_84 = arith.constant 0 : index
    %get3A_85 = vector.load %arg15[%get3A_83, %get3A_84] : memref<128x64xf32, #tpu.memory_space<vmem>>, vector<128x64xf32>
    %dot_general3A_86 = arith.constant dense<0.000000e+00> : vector<2048x64xf32>
    %dot_general3A_87 = tpu.matmul %max3A_82, %get3A_85, %dot_general3A_86 {dimension_numbers = #tpu.dot_dimension_numbers<[1], [0], [0], [1], [0, 0, 1, 1], [], []>, transpose_lhs_hint = false} : vector<2048x128xf32>, vector<128x64xf32>, vector<2048x64xf32> -> vector<2048x64xf32>
    %get3A_88 = arith.constant 0 : index
    %get3A_89 = arith.constant 0 : index
    %get3A_90 = vector.load %arg16[%get3A_88, %get3A_89] : memref<1x64xf32, #tpu.memory_space<vmem>>, vector<1x64xf32>
    %add3A_91 = vector.broadcast %get3A_90 : vector<1x64xf32> to vector<2048x64xf32>
    %add3A_92 = arith.addf %dot_general3A_87, %add3A_91 : vector<2048x64xf32>
    %mul3A = arith.mulf %add3A_41, %add3A_92 : vector<2048x64xf32>
    %reduce_sum3A_93 = arith.constant dense<0.000000e+00> : vector<2048xf32>
    %reduce_sum3A_94 = vector.multi_reduction <add>, %mul3A, %reduce_sum3A_93 [1] : vector<2048x64xf32> to vector<2048xf32>
    %neg3A = arith.constant 0.000000e+00 : f32
    %neg3A_95 = vector.broadcast %neg3A : f32 to vector<2048xf32>
    %neg3A_96 = arith.subf %neg3A_95, %reduce_sum3A_94 : vector<2048xf32>
    %exp3A = math.exp %neg3A_96 : vector<2048xf32>
    %add3A_97 = arith.constant 1.000000e+00 : f32
    %add3A_98 = vector.broadcast %add3A_97 : f32 to vector<2048xf32>
    %add3A_99 = arith.addf %add3A_98, %exp3A : vector<2048xf32>
    %div3A_100 = arith.constant 1.000000e+00 : f32
    %div3A_101 = vector.broadcast %div3A_100 : f32 to vector<2048xf32>
    %div3A_102 = arith.divf %div3A_101, %add3A_99 : vector<2048xf32>
    %swap3A = arith.constant 0 : index
    %swap3A_103 = vector.load %arg17[%swap3A] : memref<2048xf32, #tpu.memory_space<vmem>>, vector<2048xf32>
    tpu.vector_store %arg17[%swap3A], %div3A_102 {strides = array<i32>} : memref<2048xf32, #tpu.memory_space<vmem>>, vector<2048xf32>,
    return
  }
  func.func @transform_0(%arg0: i32) -> (i32, i32) {
    %c0_i32 = arith.constant 0 : i32
    %c0_i32_0 = arith.constant 0 : i32
    return %arg0, %c0_i32 : i32, i32
  }
  func.func @transform_1(%arg0: i32) -> (i32, i32) {
    %c0_i32 = arith.constant 0 : i32
    %c0_i32_0 = arith.constant 0 : i32
    return %arg0, %c0_i32 : i32, i32
  }
  func.func @transform_2(%arg0: i32) -> (i32, i32) {
    %c0_i32 = arith.constant 0 : i32
    %c0_i32_0 = arith.constant 0 : i32
    return %arg0, %c0_i32 : i32, i32
  }
  func.func @transform_3(%arg0: i32) -> (i32, i32) {
    %c0_i32 = arith.constant 0 : i32
    %c0_i32_0 = arith.constant 0 : i32
    return %arg0, %c0_i32 : i32, i32
  }
  func.func @transform_4(%arg0: i32) -> (i32, i32) {
    %c0_i32 = arith.constant 0 : i32
    %c0_i32_0 = arith.constant 0 : i32
    return %arg0, %c0_i32 : i32, i32
  }
  func.func @transform_5(%arg0: i32) -> (i32, i32) {
    %c0_i32 = arith.constant 0 : i32
    %c0_i32_0 = arith.constant 0 : i32
    return %arg0, %c0_i32 : i32, i32
  }
  func.func @transform_6(%arg0: i32) -> (i32, i32) {
    %c0_i32 = arith.constant 0 : i32
    %c0_i32_0 = arith.constant 0 : i32
    %c0_i32_1 = arith.constant 0 : i32
    return %c0_i32, %c0_i32_0 : i32, i32
  }
  func.func @transform_7(%arg0: i32) -> (i32, i32) {
    %c0_i32 = arith.constant 0 : i32
    %c0_i32_0 = arith.constant 0 : i32
    %c0_i32_1 = arith.constant 0 : i32
    return %c0_i32, %c0_i32_0 : i32, i32
  }
  func.func @transform_8(%arg0: i32) -> (i32, i32) {
    %c0_i32 = arith.constant 0 : i32
    %c0_i32_0 = arith.constant 0 : i32
    %c0_i32_1 = arith.constant 0 : i32
    return %c0_i32, %c0_i32_0 : i32, i32
  }
  func.func @transform_9(%arg0: i32) -> (i32, i32) {
    %c0_i32 = arith.constant 0 : i32
    %c0_i32_0 = arith.constant 0 : i32
    %c0_i32_1 = arith.constant 0 : i32
    return %c0_i32, %c0_i32_0 : i32, i32
  }
  func.func @transform_10(%arg0: i32) -> (i32, i32) {
    %c0_i32 = arith.constant 0 : i32
    %c0_i32_0 = arith.constant 0 : i32
    %c0_i32_1 = arith.constant 0 : i32
    return %c0_i32, %c0_i32_0 : i32, i32
  }
  func.func @transform_11(%arg0: i32) -> (i32, i32) {
    %c0_i32 = arith.constant 0 : i32
    %c0_i32_0 = arith.constant 0 : i32
    %c0_i32_1 = arith.constant 0 : i32
    return %c0_i32, %c0_i32_0 : i32, i32
  }
  func.func @transform_12(%arg0: i32) -> (i32, i32) {
    %c0_i32 = arith.constant 0 : i32
    %c0_i32_0 = arith.constant 0 : i32
    %c0_i32_1 = arith.constant 0 : i32
    return %c0_i32, %c0_i32_0 : i32, i32
  }
  func.func @transform_13(%arg0: i32) -> (i32, i32) {
    %c0_i32 = arith.constant 0 : i32
    %c0_i32_0 = arith.constant 0 : i32
    %c0_i32_1 = arith.constant 0 : i32
    return %c0_i32, %c0_i32_0 : i32, i32
  }
  func.func @transform_14(%arg0: i32) -> (i32, i32) {
    %c0_i32 = arith.constant 0 : i32
    %c0_i32_0 = arith.constant 0 : i32
    %c0_i32_1 = arith.constant 0 : i32
    return %c0_i32, %c0_i32_0 : i32, i32
  }
  func.func @transform_15(%arg0: i32) -> (i32, i32) {
    %c0_i32 = arith.constant 0 : i32
    %c0_i32_0 = arith.constant 0 : i32
    %c0_i32_1 = arith.constant 0 : i32
    return %c0_i32, %c0_i32_0 : i32, i32
  }
  func.func @transform_16(%arg0: i32) -> i32 {
    %c0_i32 = arith.constant 0 : i32
    return %arg0 : i32
  }
}

</mosaic_0001>

<sc_bundles>
// kernel: kernel.4.cloned.1.call-start
scs
__scs_entry_jumppad:
0x0: {  	(pc) =	sbr.rel $0x88, $3  }
0x1: {  	(tag) =	ssettag $0x0;
	lr =	simm.s32 $0x1  }
0x2: {  	[smem:$0x3F92] =	sst lr;
	_ =	strace $0xD0000000  }
0x3: {  	_ = 	snop  }
0x4: {  	_ = 	snop  }
0x5: {  	_ = 	snop  }
0x6: {  	_ = 	snop  }
0x7: {  	_ = 	snop  }
__scs_overlays_trampoline_lowered:
0x8: {  	[smem:$0x3FA1] =	sst s0  }
0x9: {  	[smem:$0x3FA2] =	sst s1  }
0xa: {  	[smem:$0x3FA3] =	sst s2  }
0xb: {  	[smem:$0x3FA4] =	sst s3  }
0xc: {  	[smem:$0x3FA5] =	sst s4  }
0xd: {  	[smem:$0x3FA6] =	sst s5  }
0xe: {  	[smem:$0x3FA7] =	sst s6  }
0xf: {  	[smem:$0x3FA8] =	sst s7  }
0x10: {  	[smem:$0x3FA9] =	sst s8  }
0x11: {  	[smem:$0x3FAA] =	sst s9;
	s0 =	simm.s32 @!p0 $0x0  }
0x12: {  	s1 =	sld [smem:$0x3F90];
	s0 =	simm.s32 @p0 $0x1  }
0x13: {  	[smem:$0x3FAB] =	sst s0;
	s0 =	simm.s32 @!p1 $0x0  }
0x14: {  	s2 =	sld [smem:$0x3F8F];
	s0 =	simm.s32 @p1 $0x1  }
0x15: {  	[smem:$0x3FAC] =	sst s0;
	s0 =	simm.s32 @!p2 $0x0  }
0x16: {  	s3 =	sld [smem:$0x3FDB];
	s0 =	simm.s32 @p2 $0x1  }
0x17: {  	s4 =	simm.s32 $0x1BF5;
	[smem:$0x3FAE] =	sst s0  }
0x18: {  	s0 =	sld [smem:$0x3F91];
	_ =	swait.ge [sflag:s4], $0x0  }
0x19: {  	s7 =	sld [smem:$0x3F92]  }
0x1a: {  	s8 =	sadd.s32 $0xFFFFE003, lr  }
0x1b: {  	s9 =	sadd.s32 $0xFFFFFEF7, lr;
	s5 =	simm.s32 $0xFFFFFFFF;
	p2 =	slt.u32 s8, $0xFFFFF086  }
0x1c: {  	p1 =	slt.u32 s9, $0xF7A;
	s5 =	simm.s32 @!p2 $0x0  }
0x1d: {  	s5 =	simm.s32 @p1 $0x1;
	p0 =	seq.s32 s7, s2  }
0x1e: {  	s7 =	smul.u32 @!p0 $0xF7A, s2;
	p2 =	seq.s32 @!p0 s5, $0x0  }
0x1f: {  	s9 =	smul.u32 $0xF7A, s1;
	s8 =	simm.s32 @!p0 $0x1BF5;
	p2 =	por !p2, p0  }
0x20: {  	[sflag:s8] =	ssyncset.s32 @!p0 $0xFFFFF086;
	s6 =	sadd.s32 @!p0 s3, s7;
	s7 =	simm.s32 @!p0 $0x108  }
0x21: {  	s3 =	sadd.s32 s3, s9;
	s6 =	sadd.s32 @!p0 $0x88, s6;
	s7 =	simm.s32 @p2 $0x1082  }
0x22: {  	[simem:s7], [sflag:s8] =	dma.local @!p0 [hbm:s6], $0xF7A  }
0x23: {  	s9 =	sor.u32 $0xD0000000, s2;
	s6 =	simm.s32 $0x108;
	_ =	swait.ge @!p0 [sflag:s8], $0x0  }
0x24: {  	s3 =	sadd.s32 $0x88, s3;
	s6 =	simm.s32 @!p1 $0x1082;
	[sflag:s4] =	ssyncset.s32 $0xFFFFF086  }
0x25: {  	[simem:s6], [sflag:s4] =	dma.local [hbm:s3], $0xF7A  }
0x26: {  	[smem:$0x3F92] =	sst s1;
	(tag) =	ssettag s2;
	_ =	strace s9  }
0x27: {  	s1 =	sld [smem:$0x3FA2]  }
0x28: {  	s2 =	sld [smem:$0x3FA3]  }
0x29: {  	s4 =	sld [smem:$0x3FA5]  }
0x2a: {  	p0 =	seq.s32 s5, $0x0;
	s5 =	sld [smem:$0x3FA6]  }
0x2b: {  	s6 =	sld [smem:$0x3FA7]  }
0x2c: {  	s7 =	sld [smem:$0x3FA8]  }
0x2d: {  	s3 =	simm.s32 $0x108;
	s8 =	sld [smem:$0x3FA9]  }
0x2e: {  	s3 =	simm.s32 @!p0 $0x1082;
	s9 =	sld [smem:$0x3FAA]  }
0x2f: {  	lr =	sadd.s32 s0, s3;
	s0 =	sld [smem:$0x3FA1]  }
0x30: {  	s3 =	sld [smem:$0x3FA4]  }
0x31: {  	[smem:$0x3FAD] =	sst s10  }
0x32: {  	s10 =	sld [smem:$0x3FAB];
	_ =	sdelay $0x3  }
0x33: {  	p0 =	seq.s32 s10, $0x1;
	s10 =	sld [smem:$0x3FAD];
	_ =	sdelay $0x3  }
0x34: {  	[smem:$0x3FAD] =	sst s10  }
0x35: {  	s10 =	sld [smem:$0x3FAC];
	_ =	sdelay $0x3  }
0x36: {  	p1 =	seq.s32 s10, $0x1;
	s10 =	sld [smem:$0x3FAD];
	_ =	sdelay $0x3  }
0x37: {  	[smem:$0x3FAD] =	sst s10  }
0x38: {  	s10 =	sld [smem:$0x3FAE]  }
0x39: {  	_ = 	snop;
	(pc) =	sbr.ind lr, $3  }
0x3a: {  	_ = 	snop  }
0x3b: {  	_ = 	snop  }
0x3c: {  	p2 =	seq.s32 s10, $0x1;
	s10 =	sld [smem:$0x3FAD]  }
0x3d: {  	_ =	shalt  }
0x3e: {  	_ =	shalt  }
0x3f: {  	_ =	shalt  }
0x40: {  	_ =	shalt  }
0x41: {  	_ =	shalt  }
0x42: {  	_ =	shalt  }
0x43: {  	_ =	shalt  }
0x44: {  	_ =	shalt  }
0x45: {  	_ =	shalt  }
0x46: {  	_ =	shalt  }
0x47: {  	_ =	shalt  }
0x48: {  	_ =	shalt  }
0x49: {  	_ =	shalt  }
0x4a: {  	_ =	shalt  }
0x4b: {  	_ =	shalt  }
0x4c: {  	_ =	shalt  }
0x4d: {  	_ =	shalt  }
0x4e: {  	_ =	shalt  }
0x4f: {  	_ =	shalt  }
0x50: {  	_ =	shalt  }
0x51: {  	_ =	shalt  }
0x52: {  	_ =	shalt  }
0x53: {  	_ =	shalt  }
0x54: {  	_ =	shalt  }
0x55: {  	_ =	shalt  }
0x56: {  	_ =	shalt  }
0x57: {  	_ =	shalt  }
0x58: {  	_ =	shalt  }
0x59: {  	_ =	shalt  }
0x5a: {  	_ =	shalt  }
0x5b: {  	_ =	shalt  }
0x5c: {  	_ =	shalt  }
0x5d: {  	_ =	shalt  }
0x5e: {  	_ =	shalt  }
0x5f: {  	_ =	shalt  }
0x60: {  	_ =	shalt  }
0x61: {  	_ =	shalt  }
0x62: {  	_ =	shalt  }
0x63: {  	_ =	shalt  }
0x64: {  	_ =	shalt  }
0x65: {  	_ =	shalt  }
0x66: {  	_ =	shalt  }
0x67: {  	_ =	shalt  }
0x68: {  	_ =	shalt  }
0x69: {  	_ =	shalt  }
0x6a: {  	_ =	shalt  }
0x6b: {  	_ =	shalt  }
0x6c: {  	_ =	shalt  }
0x6d: {  	_ =	shalt  }
0x6e: {  	_ =	shalt  }
0x6f: {  	_ =	shalt  }
0x70: {  	_ =	shalt  }
0x71: {  	_ =	shalt  }
0x72: {  	_ =	shalt  }
0x73: {  	_ =	shalt  }
0x74: {  	_ =	shalt  }
0x75: {  	_ =	shalt  }
0x76: {  	_ =	shalt  }
0x77: {  	_ =	shalt  }
0x78: {  	_ =	shalt  }
0x79: {  	_ =	shalt  }
0x7a: {  	_ =	shalt  }
0x7b: {  	_ =	shalt  }
0x7c: {  	_ =	shalt  }
0x7d: {  	_ =	shalt  }
0x7e: {  	_ =	shalt  }
0x7f: {  	_ =	shalt  }
0x80: {  	_ =	shalt  }
0x81: {  	_ =	shalt  }
0x82: {  	_ =	shalt  }
0x83: {  	_ =	shalt  }
0x84: {  	_ =	shalt  }
0x85: {  	_ =	shalt  }
0x86: {  	_ =	shalt  }
0x87: {  	_ =	shalt  }
.Lfunc_end0:
.L_simem_size_0:
called_computation_lowered:
.L_overlay_start_0:
0x88: {  	s2 =	sld [smem:$0x3FD9]  }
0x89: {  	s3 =	sld [smem:$0x3FFE];
	_ =	sdelay $0x1  }
0x8a: {  	s1 =	srdreg.scid  }
0x8b: {  	s0 =	sand.u32 $0x1, s1  }
0x8c: {  	s17 =	sshll.u32 s0, $0xA;
	s2 =	sadd.s32 s3, s2  }
0x8d: {  	s2 =	sadd.s32 s2, s17  }
0x8e: {  	[smem:$0x3FB9] =	sst s2  }
0x8f: {  	_ = 	snop  }
0x90: {  	s2 =	sld [smem:$0x3FC9]  }
0x91: {  	s18 =	sld [smem:$0x3FC7];
	(tm) =	ssettm $0x1  }
0x92: {  	s4 =	sld [smem:$0x3FFB];
	_ =	sdelay $0x3  }
0x93: {  	_ =	strace s4  }
0x94: {  	s4 =	sld [smem:$0x3FFC];
	_ =	sdelay $0x3  }
0x95: {  	_ =	strace s4  }
0x96: {  	s4 =	sld [smem:$0x3FFD];
	_ =	sdelay $0x3  }
0x97: {  	_ =	strace s4  }
0x98: {  	_ =	strace $0x8FFFFFFF  }
0x99: {  	s19 =	sld [smem:$0x3FDB];
	_ =	sdelay $0x1  }
0x9a: {  	s5 =	simm.s32 $_scs_section_size  }
0x9b: {  	s6 =	simm.s32 $_size__tile_overlayer_lowered;
	s7 =	simm.s32 $_tile_overlayer_lowered  }
0x9c: {  	s22 =	simm.s32 $0x1BFF;
	s21 =	sshll.u32 s7, $0x1;
	s4 =	sadd.s32 s5, s19  }
0x9d: {  	s8 =	simm.s32 $0x0;
	s20 =	sshll.u32 s6, $0x1;
	s6 =	sadd.s32 s21, s4  }
0x9e: {  	[timem:s8], [sflag:s22] =	dma.local [hbm:s6], s20  }
0x9f: {  	_ =	swait.ge [sflag:s22], s20  }
0xa0: {  	s5 =	ssub.s32 $0x0, s20;
	[sflag:s22] =	ssyncset.done $0x0  }
0xa1: {  	[sflag:s22] =	ssyncadd.s32 s5;
	_ =	sdelay $0x1  }
0xa2: {  	s23 =	simm.s32 $0x1B8B  }
0xa3: {  	_ =	swait.ge [sflag:s23], $0x1  }
0xa4: {  	[sflag:s23] =	ssyncset.done $0x0  }
0xa5: {  	s25 =	simm.s32 $0x1B8E;
	s24 =	sld [smem:$0x3FFE];
	[sflag:s23] =	ssyncadd.s32 $0xFFFFFFFF  }
0xa6: {  	s26 =	simm.s32 $execute0_lowered;
	[smem:$0x3FD2] =	sst s25  }
0xa7: {  	s6 =	sshll.u32 s26, $0x1;
	_ =	strace $0x80000046;
	[dreg:$0x1] =	wrdreg $0xFFFFFFFF  }
0xa8: {  	s28 =	simm.s32 $_size_execute0_lowered;
	s4 =	sadd.s32 s4, s6;
	[dreg:$0x0] =	wrdreg $0x0  }
0xa9: {  	s6 =	sshll.u32 s28, $0x1;
	[dreg:$0x2] =	wrdreg s4  }
0xaa: {  	[dreg:$0x3] =	wrdreg s6  }
0xab: {  	[dreg:$0x4] =	wrdreg $0xC0  }
0xac: {  	_ =	task [dreg:s8], $0x5FFFF  }
0xad: {  	[dreg:$0x1] =	wrdreg $0xFFFFFFFF  }
0xae: {  	[dreg:$0x0] =	wrdreg $0x60  }
0xaf: {  	[dreg:$0x2] =	wrdreg s2  }
0xb0: {  	[dreg:$0x3] =	wrdreg s18  }
0xb1: {  	[dreg:$0x4] =	wrdreg s24  }
0xb2: {  	[dreg:$0x5] =	wrdreg $0x9  }
0xb3: {  	_ =	task.clear_ibuf [dreg:s8], $0x6FFFF;
	_ =	strace $0x90000046  }
0xb4: {  	s29 =	simm.s32 $0x9;
	_ =	strace $0x80000048  }
0xb5: {  	_ =	swait.ge [sflag:s29], $0x1  }
0xb6: {  	[sflag:s29] =	ssyncadd.s32 $0xFFFFFFFF  }
0xb7: {  	_ =	strace $0x90000048  }
0xb8: {  	_ =	sfence  }
0xb9: {  	s30 =	sld [smem:$0x0];
	_ =	sdelay $0x2  }
0xba: {  	s31 =	sshll.u32 s1, $0xD;
	s1 =	sshrl.u32 s1, $0x2  }
0xbb: {  	s3 =	sand.u32 $0x4000, s31;
	s1 =	sadd.s32 s1, s30  }
0xbc: {  	s0 =	sor.u32 s3, s0;
	s1 =	sshll.u32 s1, $0x11  }
0xbd: {  	s0 =	sor.u32 s1, s0  }
0xbe: {  	s0 =	sadd.s32 $0x8F2B, s0  }
0xbf: {  	[sflag:s0] =	ssyncadd.remote.s32 $0x1  }
0xc0: {  	_ =	sfence.sel $0xFFFF  }
0xc1: {  	[dreg:$0x0] =	wrdreg $0xFFFFFFFF;
	(pc) =	sbr.abs _section_cstart, $3  }
0xc2: {  	[dreg:$0x1] =	wrdreg $0xFFFFFFFF  }
0xc3: {  	_ =	task.clear_ibuf [dreg:s8], $0x2FFFF;
	_ =	strace $0x9FFFFFFF  }
0xc4: {  	(tm) =	ssettm $0x7FFFFFFF  }
0xc5: {  	_ =	shalt  }
tec
execute0_lowered:
.L_overlay_start_1:
0x0: {  	(tag) =	ssettag $0x1  }
0x1: {  	s0 =	rddreg [dreg:$0x0]  }
0x2: {  	s1 =	rddreg [dreg:$0x1]  }
0x3: {  	s4 =	rddreg [dreg:$0x2];
	s2 =	simm.s32 $0x0;
	s5 =	srdreg.scid  }
0x4: {  	s6 =	stileid.u32;
	s28 =	simm.s32 $0x4A00;
	s29 =	simm.s32 $0x4E00  }
0x5: {  	s30 =	simm.s32 $0x5200;
	s31 =	simm.s32 $0x5600;
	[smem:$0x7FF] =	sst s2  }
0x6: {  	s3 =	sadd.s32 $0x2A00, s4;
	s5 =	sand.u32 $0x1, s5;
	s6 =	sshll.u32 s6, $0x1  }
0x7: {  	s15 =	sadd.s32 $0x1EA00, s4;
	s7 =	sadd.s32 $0x16E6000, s4;
	s9 =	sadd.s32 $0x84A00, s4  }
0x8: {  	s11 =	sadd.s32 $0x44A00, s4;
	s12 =	sadd.s32 $0x24A00, s4;
	_ =	strace $0x80000047  }
0x9: {  	[dreg:$0x5] =	wrdreg s7;
	s8 =	sor.u32 s5, s6;
	s6 =	sadd.s32 $0xF44E00, s4  }
0xa: {  	s7 =	sadd.s32 $0x22A00, s4;
	s5 =	ssub.s32 $0x2, s5;
	[dreg:$0x7] =	wrdreg s12  }
0xb: {  	[dreg:$0x4] =	wrdreg s15;
	s16 =	sshll.u32 s8, $0xC;
	s13 =	sshll.u32 s8, $0x6  }
0xc: {  	s18 =	sshrl.u32 s5, $0x1;
	s14 =	sadd.s32 s0, s13;
	[dreg:$0x6] =	wrdreg s16  }
0xd: {  	s19 =	sshll.u32 s8, $0x9;
	s21 =	sadd.s32 s9, s16;
	[dreg:$0x8] =	wrdreg s14  }
0xe: {  	s17 =	smul.u32 $0x7000, s8;
	s25 =	sadd.s32 s1, s13;
	[dreg:$0xa] =	wrdreg s21  }
0xf: {  	s8 =	simm.s32 $0x100;
	s26 =	sadd.s32 s11, s16;
	[dreg:$0xd] =	wrdreg s25  }
0x10: {  	s10 =	sadd.s32 s16, s4;
	s5 =	ssub.s32 s5, s18;
	[dreg:$0xe] =	wrdreg s26  }
0x11: {  	s20 =	sor.u32 $0x100, s19;
	s13 =	sadd.s32 $0x64A00, s10;
	[dreg:$0x9] =	wrdreg s17  }
0x12: {  	s22 =	sshrl.u32 s20, $0x3;
	s18 =	smax.u32 s5, $0x1;
	[smem:$0x7FD] =	sst s13  }
0x13: {  	s14 =	sshll.u32 s20, $0x3;
	s20 =	sor.u32 $0x460, s17;
	[dreg:$0x16] =	wrdreg s18  }
0x14: {  	s24 =	sshrl.u32 s17, $0x3;
	s21 =	sor.u32 $0x540, s17;
	[dreg:$0x18] =	wrdreg s20  }
0x15: {  	s25 =	sor.u32 $0x200, s16;
	s26 =	sor.u32 $0x300, s16;
	[dreg:$0x19] =	wrdreg s21  }
0x16: {  	s10 =	simm.s32 $0x5E00;
	s16 =	simm.s32 $0x6600;
	[dreg:$0x1e] =	wrdreg s25  }
0x17: {  	s5 =	simm.s32 $0x0;
	s0 =	sadd.s32 s0, s22;
	[dreg:$0x1f] =	wrdreg s26  }
0x18: {  	s23 =	sadd.s32 s9, s14;
	s1 =	sadd.s32 s1, s22;
	[dreg:$0xb] =	wrdreg s0  }
0x19: {  	s9 =	sadd.s32 s11, s14;
	s11 =	sor.u32 $0x1C0, s17;
	[dreg:$0xc] =	wrdreg s23  }
0x1a: {  	s14 =	sadd.s32 s15, s19;
	s15 =	sadd.s32 $0x24B00, s4;
	[dreg:$0x10] =	wrdreg s1  }
0x1b: {  	s19 =	sor.u32 $0x2A0, s17;
	s22 =	sor.u32 $0x620, s17;
	[dreg:$0x11] =	wrdreg s9  }
0x1c: {  	s21 =	simm.s32 $0x5;
	s26 =	simm.s32 $0x4600;
	[dreg:$0x13] =	wrdreg s11  }
0x1d: {  	s18 =	simm.s32 $0x6A00;
	s20 =	simm.s32 $0x7200;
	[dreg:$0x15] =	wrdreg s15  }
0x1e: {  	s25 =	simm.s32 $0x7600;
	s0 =	sadd.s32 s3, s24;
	[dreg:$0x17] =	wrdreg s19  }
0x1f: {  	[dreg:$0x1a] =	wrdreg s22;
	s23 =	sor.u32 $0x700, s17;
	s24 =	sor.u32 $0x7E0, s17  }
0x20: {  	[dreg:$0x14] =	wrdreg s14;
	s22 =	simm.s32 $0x3A00;
	s9 =	simm.s32 $0x1  }
.Ltmp0:
0x21: {  	s11 =	simm.s32 $0x5A00;
	[dreg:$0xf] =	wrdreg s0;
	(pc) =	sbr.rel .LBB2_1-.Ltmp0, $4  }
0x22: {  	s15 =	simm.s32 $0x6200;
	s19 =	simm.s32 $0x6E00;
	[dreg:$0x1b] =	wrdreg s23  }
0x23: {  	s1 =	simm.s32 $0x2;
	s0 =	sadd.s32 $0x1C, s0;
	[dreg:$0x1c] =	wrdreg s24  }
0x24: {  	s17 =	simm.s32 $0x4;
	[dreg:$0x12] =	wrdreg s0;
	s0 =	sadd.s32 $0x20, s14  }
0x25: {  	vm0 =	vmmov $0xffff;
	s24 =	simm.s32 $0x4200;
	s23 =	simm.s32 $0x3;
	[dreg:$0x1d] =	wrdreg s0  }
.LBB2_75:
0x26: {  	s0 =	simm.s32 $0x6  }
0x27: {  	_ =	swait.ge [sflag:s0], $0x800  }
0x28: {  	[sflag:s0] =	ssyncset.done $0x0  }
0x29: {  	s4 =	simm.s32 $0x7;
	[sflag:s0] =	ssyncadd.s32 $0xFFFFF800  }
0x2a: {  	_ =	swait.ge [sflag:s4], $0x800  }
0x2b: {  	s5 =	sld [smem:$0x7FC];
	_ =	sdelay $0x2  }
0x2c: {  	s14 =	rddreg [dreg:$0x16];
	s5 =	sadd.s32 $0x1, s5  }
0x2d: {  	p0 =	sne.s32 s5, s14  }
.Ltmp1:
0x2e: {  	_ = 	snop;
	(pc) =	sbr.rel @!p0 .LBB2_76-.Ltmp1, $3  }
0x2f: {  	_ =	sdelay $0x1  }
0x30: {  	[sflag:s4] =	ssyncset.done $0x0  }
0x31: {  	[sflag:s4] =	ssyncadd.s32 $0xFFFFF800  }
.LBB2_1:
0x32: {  	[smem:$0x7FC] =	sst s5  }
0x33: {  	s0 =	rddreg [dreg:$0x8];
	s5 =	simm.s32 $0x8  }
0x34: {  	[tilespmem:s2], [sflag:$0x8] =	stream.linear.gather [hbm4b:s0+s2], $0x100, $0x38;
	[tilespmem:$0x9A00] =	vst v63  }
0x35: {  	_ =	swait.ge [sflag:s5], $0x100  }
0x36: {  	[sflag:s5] =	ssyncset.done $0x0  }
0x37: {  	[sflag:s5] =	ssyncadd.s32 $0xFFFFFF00  }
0x38: {  	v0 =	vld [tilespmem:$0x0];
	_ =	sdelay $0x6  }
0x39: {  	s12 =	simm.s32 $0x200;
	s0 =	rddreg [dreg:$0x5]  }
0x3a: {  	[tilespmem:s12], [sflag:$0x1] =	stream.indirect_vreg.gather [hbm4b:s0+s2], $0x40, v0, vm0, $0xb8;
	[tilespmem:$0x9A00] =	vst v63  }
0x3b: {  	v0 =	vld [tilespmem:$0x10];
	_ =	sdelay $0x6  }
0x3c: {  	s4 =	simm.s32 $0x600  }
0x3d: {  	[tilespmem:s4], [sflag:$0x1] =	stream.indirect_vreg.gather [hbm4b:s0+s2], $0x40, v0, vm0, $0xb8;
	[tilespmem:$0x9A00] =	vst v63  }
0x3e: {  	v0 =	vld [tilespmem:$0x20];
	_ =	sdelay $0x6  }
0x3f: {  	s14 =	simm.s32 $0xA00  }
0x40: {  	[tilespmem:s14], [sflag:$0x1] =	stream.indirect_vreg.gather [hbm4b:s0+s2], $0x40, v0, vm0, $0xb8;
	[tilespmem:$0x9A00] =	vst v63  }
0x41: {  	v0 =	vld [tilespmem:$0x30];
	_ =	sdelay $0x6  }
0x42: {  	s14 =	simm.s32 $0xE00  }
0x43: {  	[tilespmem:s14], [sflag:$0x1] =	stream.indirect_vreg.gather [hbm4b:s0+s2], $0x40, v0, vm0, $0xb8;
	[tilespmem:$0x9A00] =	vst v63  }
0x44: {  	v0 =	vld [tilespmem:$0x40];
	_ =	sdelay $0x6  }
0x45: {  	s14 =	simm.s32 $0x1200  }
0x46: {  	[tilespmem:s14], [sflag:$0x1] =	stream.indirect_vreg.gather [hbm4b:s0+s2], $0x40, v0, vm0, $0xb8;
	[tilespmem:$0x9A00] =	vst v63  }
0x47: {  	v0 =	vld [tilespmem:$0x50];
	_ =	sdelay $0x6  }
0x48: {  	s14 =	simm.s32 $0x1600  }
0x49: {  	[tilespmem:s14], [sflag:$0x1] =	stream.indirect_vreg.gather [hbm4b:s0+s2], $0x40, v0, vm0, $0xb8;
	[tilespmem:$0x9A00] =	vst v63  }
0x4a: {  	v0 =	vld [tilespmem:$0x60];
	_ =	sdelay $0x6  }
0x4b: {  	s14 =	simm.s32 $0x1A00  }
0x4c: {  	[tilespmem:s14], [sflag:$0x1] =	stream.indirect_vreg.gather [hbm4b:s0+s2], $0x40, v0, vm0, $0xb8;
	[tilespmem:$0x9A00] =	vst v63  }
0x4d: {  	v0 =	vld [tilespmem:$0x70];
	_ =	sdelay $0x6  }
0x4e: {  	s14 =	simm.s32 $0x1E00  }
0x4f: {  	[tilespmem:s14], [sflag:$0x1] =	stream.indirect_vreg.gather [hbm4b:s0+s2], $0x40, v0, vm0, $0xb8;
	[tilespmem:$0x9A00] =	vst v63  }
0x50: {  	v0 =	vld [tilespmem:$0x80];
	_ =	sdelay $0x6  }
0x51: {  	s14 =	simm.s32 $0x2200  }
0x52: {  	[tilespmem:s14], [sflag:$0x1] =	stream.indirect_vreg.gather [hbm4b:s0+s2], $0x40, v0, vm0, $0xb8;
	[tilespmem:$0x9A00] =	vst v63  }
0x53: {  	v0 =	vld [tilespmem:$0x90];
	_ =	sdelay $0x6  }
0x54: {  	s14 =	simm.s32 $0x2600  }
0x55: {  	[tilespmem:s14], [sflag:$0x1] =	stream.indirect_vreg.gather [hbm4b:s0+s2], $0x40, v0, vm0, $0xb8;
	[tilespmem:$0x9A00] =	vst v63  }
0x56: {  	v0 =	vld [tilespmem:$0xA0];
	_ =	sdelay $0x6  }
0x57: {  	s14 =	simm.s32 $0x2A00  }
0x58: {  	[tilespmem:s14], [sflag:$0x1] =	stream.indirect_vreg.gather [hbm4b:s0+s2], $0x40, v0, vm0, $0xb8;
	[tilespmem:$0x9A00] =	vst v63  }
0x59: {  	v0 =	vld [tilespmem:$0xB0];
	_ =	sdelay $0x6  }
0x5a: {  	s14 =	simm.s32 $0x2E00  }
0x5b: {  	[tilespmem:s14], [sflag:$0x1] =	stream.indirect_vreg.gather [hbm4b:s0+s2], $0x40, v0, vm0, $0xb8;
	[tilespmem:$0x9A00] =	vst v63  }
0x5c: {  	v0 =	vld [tilespmem:$0xC0];
	_ =	sdelay $0x6  }
0x5d: {  	s14 =	simm.s32 $0x3200  }
0x5e: {  	[tilespmem:s14], [sflag:$0x1] =	stream.indirect_vreg.gather [hbm4b:s0+s2], $0x40, v0, vm0, $0xb8;
	[tilespmem:$0x9A00] =	vst v63  }
0x5f: {  	v0 =	vld [tilespmem:$0xD0];
	_ =	sdelay $0x6  }
0x60: {  	s14 =	simm.s32 $0x3600  }
0x61: {  	[tilespmem:s14], [sflag:$0x1] =	stream.indirect_vreg.gather [hbm4b:s0+s2], $0x40, v0, vm0, $0xb8;
	[tilespmem:$0x9A00] =	vst v63  }
0x62: {  	v0 =	vld [tilespmem:$0xE0];
	_ =	sdelay $0x7  }
0x63: {  	[tilespmem:s22], [sflag:$0x1] =	stream.indirect_vreg.gather [hbm4b:s0+s2], $0x40, v0, vm0, $0xb8;
	[tilespmem:$0x9A00] =	vst v63  }
0x64: {  	v0 =	vld [tilespmem:$0xF0];
	_ =	sdelay $0x6  }
0x65: {  	s22 =	simm.s32 $0x3E00  }
0x66: {  	[tilespmem:s22], [sflag:$0x1] =	stream.indirect_vreg.gather [hbm4b:s0+s2], $0x40, v0, vm0, $0xb8;
	[tilespmem:$0x9A00] =	vst v63  }
0x67: {  	_ =	swait.ge [sflag:s9], $0x400  }
0x68: {  	[sflag:s9] =	ssyncset.done $0x0  }
0x69: {  	[sflag:s9] =	ssyncadd.s32 $0xFFFFFC00  }
0x6a: {  	_ =	swait.ge [sflag:s9], $0x400  }
0x6b: {  	[sflag:s9] =	ssyncset.done $0x0  }
0x6c: {  	[sflag:s9] =	ssyncadd.s32 $0xFFFFFC00  }
0x6d: {  	_ =	swait.ge [sflag:s9], $0x400  }
0x6e: {  	[sflag:s9] =	ssyncset.done $0x0  }
0x6f: {  	[sflag:s9] =	ssyncadd.s32 $0xFFFFFC00  }
0x70: {  	_ =	swait.ge [sflag:s9], $0x400  }
0x71: {  	[sflag:s9] =	ssyncset.done $0x0  }
0x72: {  	[sflag:s9] =	ssyncadd.s32 $0xFFFFFC00  }
0x73: {  	_ =	swait.ge [sflag:s9], $0x400  }
0x74: {  	[sflag:s9] =	ssyncset.done $0x0  }
0x75: {  	[sflag:s9] =	ssyncadd.s32 $0xFFFFFC00  }
0x76: {  	_ =	swait.ge [sflag:s9], $0x400  }
0x77: {  	[sflag:s9] =	ssyncset.done $0x0  }
0x78: {  	[sflag:s9] =	ssyncadd.s32 $0xFFFFFC00  }
0x79: {  	_ =	swait.ge [sflag:s9], $0x400  }
0x7a: {  	[sflag:s9] =	ssyncset.done $0x0  }
0x7b: {  	[sflag:s9] =	ssyncadd.s32 $0xFFFFFC00  }
0x7c: {  	_ =	swait.ge [sflag:s9], $0x400  }
0x7d: {  	[sflag:s9] =	ssyncset.done $0x0  }
0x7e: {  	[sflag:s9] =	ssyncadd.s32 $0xFFFFFC00  }
0x7f: {  	_ =	swait.ge [sflag:s9], $0x400  }
0x80: {  	[sflag:s9] =	ssyncset.done $0x0  }
0x81: {  	[sflag:s9] =	ssyncadd.s32 $0xFFFFFC00  }
0x82: {  	_ =	swait.ge [sflag:s9], $0x400  }
0x83: {  	[sflag:s9] =	ssyncset.done $0x0  }
0x84: {  	[sflag:s9] =	ssyncadd.s32 $0xFFFFFC00  }
0x85: {  	_ =	swait.ge [sflag:s9], $0x400  }
0x86: {  	[sflag:s9] =	ssyncset.done $0x0  }
0x87: {  	[sflag:s9] =	ssyncadd.s32 $0xFFFFFC00  }
0x88: {  	_ =	swait.ge [sflag:s9], $0x400  }
0x89: {  	[sflag:s9] =	ssyncset.done $0x0  }
0x8a: {  	[sflag:s9] =	ssyncadd.s32 $0xFFFFFC00  }
0x8b: {  	_ =	swait.ge [sflag:s9], $0x400  }
0x8c: {  	[sflag:s9] =	ssyncset.done $0x0  }
0x8d: {  	[sflag:s9] =	ssyncadd.s32 $0xFFFFFC00  }
0x8e: {  	_ =	swait.ge [sflag:s9], $0x400  }
0x8f: {  	[sflag:s9] =	ssyncset.done $0x0  }
0x90: {  	[sflag:s9] =	ssyncadd.s32 $0xFFFFFC00  }
0x91: {  	_ =	swait.ge [sflag:s9], $0x400  }
0x92: {  	[sflag:s9] =	ssyncset.done $0x0  }
0x93: {  	[sflag:s9] =	ssyncadd.s32 $0xFFFFFC00  }
0x94: {  	_ =	swait.ge [sflag:s9], $0x400  }
0x95: {  	[sflag:s9] =	ssyncset.done $0x0  }
0x96: {  	s14 =	rddreg [dreg:$0xa];
	[sflag:s9] =	ssyncadd.s32 $0xFFFFFC00  }
0x97: {  	[hbm4b:s14+s2] =	stream.linear.scatter [tilespmem:s12], [sflag:$0x8], $0x4000, $0x38;
	[tilespmem:$0x9A00] =	vst v63  }
0x98: {  	_ =	swait.ge [sflag:s5], $0x4000  }
0x99: {  	[sflag:s5] =	ssyncset.done $0x0  }
0x9a: {  	s22 =	rddreg [dreg:$0xb];
	[sflag:s5] =	ssyncadd.s32 $0xFFFFC000  }
0x9b: {  	[tilespmem:s2], [sflag:$0x8] =	stream.linear.gather [hbm4b:s22+s2], $0x100, $0x38;
	[tilespmem:$0x9A00] =	vst v63  }
0x9c: {  	_ =	swait.ge [sflag:s5], $0x100  }
0x9d: {  	[sflag:s5] =	ssyncset.done $0x0  }
0x9e: {  	[sflag:s5] =	ssyncadd.s32 $0xFFFFFF00  }
0x9f: {  	v60 =	vld [tilespmem:$0x0];
	_ =	sdelay $0x7  }
0xa0: {  	[tilespmem:s12], [sflag:$0x1] =	stream.indirect_vreg.gather [hbm4b:s0+s2], $0x40, v60, vm0, $0xb8;
	[tilespmem:$0x9A00] =	vst v63  }
0xa1: {  	v0 =	vld [tilespmem:$0x10];
	_ =	sdelay $0x6  }
0xa2: {  	s13 =	simm.s32 $0x600  }
0xa3: {  	[tilespmem:s13], [sflag:$0x1] =	stream.indirect_vreg.gather [hbm4b:s0+s2], $0x40, v0, vm0, $0xb8;
	[tilespmem:$0x9A00] =	vst v63  }
0xa4: {  	v0 =	vld [tilespmem:$0x20];
	_ =	sdelay $0x6  }
0xa5: {  	s13 =	simm.s32 $0xA00  }
0xa6: {  	[tilespmem:s13], [sflag:$0x1] =	stream.indirect_vreg.gather [hbm4b:s0+s2], $0x40, v0, vm0, $0xb8;
	[tilespmem:$0x9A00] =	vst v63  }
0xa7: {  	v0 =	vld [tilespmem:$0x30];
	_ =	sdelay $0x6  }
0xa8: {  	s22 =	simm.s32 $0xE00  }
0xa9: {  	[tilespmem:s22], [sflag:$0x1] =	stream.indirect_vreg.gather [hbm4b:s0+s2], $0x40, v0, vm0, $0xb8;
	[tilespmem:$0x9A00] =	vst v63  }
0xaa: {  	v0 =	vld [tilespmem:$0x40];
	_ =	sdelay $0x6  }
0xab: {  	s14 =	simm.s32 $0x1200  }
0xac: {  	[tilespmem:s14], [sflag:$0x1] =	stream.indirect_vreg.gather [hbm4b:s0+s2], $0x40, v0, vm0, $0xb8;
	[tilespmem:$0x9A00] =	vst v63  }
0xad: {  	v0 =	vld [tilespmem:$0x50];
	_ =	sdelay $0x6  }
0xae: {  	s14 =	simm.s32 $0x1600  }
0xaf: {  	[tilespmem:s14], [sflag:$0x1] =	stream.indirect_vreg.gather [hbm4b:s0+s2], $0x40, v0, vm0, $0xb8;
	[tilespmem:$0x9A00] =	vst v63  }
0xb0: {  	v0 =	vld [tilespmem:$0x60];
	_ =	sdelay $0x6  }
0xb1: {  	s13 =	simm.s32 $0x1A00  }
0xb2: {  	[tilespmem:s13], [sflag:$0x1] =	stream.indirect_vreg.gather [hbm4b:s0+s2], $0x40, v0, vm0, $0xb8;
	[tilespmem:$0x9A00] =	vst v63  }
0xb3: {  	v0 =	vld [tilespmem:$0x70];
	_ =	sdelay $0x6  }
0xb4: {  	s13 =	simm.s32 $0x1E00  }
0xb5: {  	[tilespmem:s13], [sflag:$0x1] =	stream.indirect_vreg.gather [hbm4b:s0+s2], $0x40, v0, vm0, $0xb8;
	[tilespmem:$0x9A00] =	vst v63  }
0xb6: {  	v0 =	vld [tilespmem:$0x80];
	_ =	sdelay $0x6  }
0xb7: {  	s13 =	simm.s32 $0x2200  }
0xb8: {  	[tilespmem:s13], [sflag:$0x1] =	stream.indirect_vreg.gather [hbm4b:s0+s2], $0x40, v0, vm0, $0xb8;
	[tilespmem:$0x9A00] =	vst v63  }
0xb9: {  	v0 =	vld [tilespmem:$0x90];
	_ =	sdelay $0x6  }
0xba: {  	s13 =	simm.s32 $0x2600  }
0xbb: {  	[tilespmem:s13], [sflag:$0x1] =	stream.indirect_vreg.gather [hbm4b:s0+s2], $0x40, v0, vm0, $0xb8;
	[tilespmem:$0x9A00] =	vst v63  }
0xbc: {  	v0 =	vld [tilespmem:$0xA0];
	_ =	sdelay $0x6  }
0xbd: {  	s13 =	simm.s32 $0x2A00  }
0xbe: {  	[tilespmem:s13], [sflag:$0x1] =	stream.indirect_vreg.gather [hbm4b:s0+s2], $0x40, v0, vm0, $0xb8;
	[tilespmem:$0x9A00] =	vst v63  }
0xbf: {  	v0 =	vld [tilespmem:$0xB0];
	_ =	sdelay $0x6  }
0xc0: {  	s13 =	simm.s32 $0x2E00  }
0xc1: {  	[tilespmem:s13], [sflag:$0x1] =	stream.indirect_vreg.gather [hbm4b:s0+s2], $0x40, v0, vm0, $0xb8;
	[tilespmem:$0x9A00] =	vst v63  }
0xc2: {  	v0 =	vld [tilespmem:$0xC0];
	_ =	sdelay $0x6  }
0xc3: {  	s13 =	simm.s32 $0x3200  }
0xc4: {  	[tilespmem:s13], [sflag:$0x1] =	stream.indirect_vreg.gather [hbm4b:s0+s2], $0x40, v0, vm0, $0xb8;
	[tilespmem:$0x9A00] =	vst v63  }
0xc5: {  	v0 =	vld [tilespmem:$0xD0];
	_ =	sdelay $0x6  }
0xc6: {  	s13 =	simm.s32 $0x3600  }
0xc7: {  	[tilespmem:s13], [sflag:$0x1] =	stream.indirect_vreg.gather [hbm4b:s0+s2], $0x40, v0, vm0, $0xb8;
	[tilespmem:$0x9A00] =	vst v63  }
0xc8: {  	v0 =	vld [tilespmem:$0xE0];
	_ =	sdelay $0x6  }
0xc9: {  	s4 =	simm.s32 $0x3A00  }
0xca: {  	[tilespmem:s4], [sflag:$0x1] =	stream.indirect_vreg.gather [hbm4b:s0+s2], $0x40, v0, vm0, $0xb8;
	[tilespmem:$0x9A00] =	vst v63  }
0xcb: {  	v0 =	vld [tilespmem:$0xF0];
	_ =	sdelay $0x6  }
0xcc: {  	s4 =	simm.s32 $0x3E00  }
0xcd: {  	[tilespmem:s4], [sflag:$0x1] =	stream.indirect_vreg.gather [hbm4b:s0+s2], $0x40, v0, vm0, $0xb8;
	[tilespmem:$0x9A00] =	vst v63  }
0xce: {  	_ =	swait.ge [sflag:s9], $0x400  }
0xcf: {  	[sflag:s9] =	ssyncset.done $0x0  }
0xd0: {  	[sflag:s9] =	ssyncadd.s32 $0xFFFFFC00  }
0xd1: {  	_ =	swait.ge [sflag:s9], $0x400  }
0xd2: {  	[sflag:s9] =	ssyncset.done $0x0  }
0xd3: {  	[sflag:s9] =	ssyncadd.s32 $0xFFFFFC00  }
0xd4: {  	_ =	swait.ge [sflag:s9], $0x400  }
0xd5: {  	[sflag:s9] =	ssyncset.done $0x0  }
0xd6: {  	[sflag:s9] =	ssyncadd.s32 $0xFFFFFC00  }
0xd7: {  	_ =	swait.ge [sflag:s9], $0x400  }
0xd8: {  	[sflag:s9] =	ssyncset.done $0x0  }
0xd9: {  	[sflag:s9] =	ssyncadd.s32 $0xFFFFFC00  }
0xda: {  	_ =	swait.ge [sflag:s9], $0x400  }
0xdb: {  	[sflag:s9] =	ssyncset.done $0x0  }
0xdc: {  	[sflag:s9] =	ssyncadd.s32 $0xFFFFFC00  }
0xdd: {  	_ =	swait.ge [sflag:s9], $0x400  }
0xde: {  	[sflag:s9] =	ssyncset.done $0x0  }
0xdf: {  	[sflag:s9] =	ssyncadd.s32 $0xFFFFFC00  }
0xe0: {  	_ =	swait.ge [sflag:s9], $0x400  }
0xe1: {  	[sflag:s9] =	ssyncset.done $0x0  }
0xe2: {  	[sflag:s9] =	ssyncadd.s32 $0xFFFFFC00  }
0xe3: {  	_ =	swait.ge [sflag:s9], $0x400  }
0xe4: {  	[sflag:s9] =	ssyncset.done $0x0  }
0xe5: {  	[sflag:s9] =	ssyncadd.s32 $0xFFFFFC00  }
0xe6: {  	_ =	swait.ge [sflag:s9], $0x400  }
0xe7: {  	[sflag:s9] =	ssyncset.done $0x0  }
0xe8: {  	[sflag:s9] =	ssyncadd.s32 $0xFFFFFC00  }
0xe9: {  	_ =	swait.ge [sflag:s9], $0x400  }
0xea: {  	[sflag:s9] =	ssyncset.done $0x0  }
0xeb: {  	[sflag:s9] =	ssyncadd.s32 $0xFFFFFC00  }
0xec: {  	_ =	swait.ge [sflag:s9], $0x400  }
0xed: {  	[sflag:s9] =	ssyncset.done $0x0  }
0xee: {  	[sflag:s9] =	ssyncadd.s32 $0xFFFFFC00  }
0xef: {  	_ =	swait.ge [sflag:s9], $0x400  }
0xf0: {  	[sflag:s9] =	ssyncset.done $0x0  }
0xf1: {  	[sflag:s9] =	ssyncadd.s32 $0xFFFFFC00  }
0xf2: {  	_ =	swait.ge [sflag:s9], $0x400  }
0xf3: {  	[sflag:s9] =	ssyncset.done $0x0  }
0xf4: {  	[sflag:s9] =	ssyncadd.s32 $0xFFFFFC00  }
0xf5: {  	_ =	swait.ge [sflag:s9], $0x400  }
0xf6: {  	[sflag:s9] =	ssyncset.done $0x0  }
0xf7: {  	[sflag:s9] =	ssyncadd.s32 $0xFFFFFC00  }
0xf8: {  	_ =	swait.ge [sflag:s9], $0x400  }
0xf9: {  	[sflag:s9] =	ssyncset.done $0x0  }
0xfa: {  	[sflag:s9] =	ssyncadd.s32 $0xFFFFFC00  }
0xfb: {  	_ =	swait.ge [sflag:s9], $0x400  }
0xfc: {  	[sflag:s9] =	ssyncset.done $0x0  }
0xfd: {  	s0 =	rddreg [dreg:$0xc];
	[sflag:s9] =	ssyncadd.s32 $0xFFFFFC00  }
0xfe: {  	[hbm4b:s0+s2] =	stream.linear.scatter [tilespmem:s12], [sflag:$0x8], $0x4000, $0x38;
	[tilespmem:$0x9A00] =	vst v63  }
0xff: {  	_ =	swait.ge [sflag:s5], $0x4000  }
0x100: {  	[sflag:s5] =	ssyncset.done $0x0  }
0x101: {  	s0 =	rddreg [dreg:$0xd];
	[sflag:s5] =	ssyncadd.s32 $0xFFFFC000  }
0x102: {  	[tilespmem:s2], [sflag:$0x8] =	stream.linear.gather [hbm4b:s0+s2], $0x100, $0x38;
	[tilespmem:$0x9A00] =	vst v63  }
0x103: {  	_ =	swait.ge [sflag:s5], $0x100  }
0x104: {  	[sflag:s5] =	ssyncset.done $0x0  }
0x105: {  	[sflag:s5] =	ssyncadd.s32 $0xFFFFFF00  }
0x106: {  	v61 =	vld [tilespmem:$0x0];
	_ =	sdelay $0x7  }
0x107: {  	[tilespmem:s12], [sflag:$0x1] =	stream.indirect_vreg.gather [hbm4b:s6+s2], $0x40, v61, vm0, $0xb8;
	[tilespmem:$0x9A00] =	vst v63  }
0x108: {  	v0 =	vld [tilespmem:$0x10];
	_ =	sdelay $0x6  }
0x109: {  	s0 =	simm.s32 $0x600  }
0x10a: {  	[tilespmem:s0], [sflag:$0x1] =	stream.indirect_vreg.gather [hbm4b:s6+s2], $0x40, v0, vm0, $0xb8;
	[tilespmem:$0x9A00] =	vst v63  }
0x10b: {  	v0 =	vld [tilespmem:$0x20];
	_ =	sdelay $0x6  }
0x10c: {  	s0 =	simm.s32 $0xA00  }
0x10d: {  	[tilespmem:s0], [sflag:$0x1] =	stream.indirect_vreg.gather [hbm4b:s6+s2], $0x40, v0, vm0, $0xb8;
	[tilespmem:$0x9A00] =	vst v63  }
0x10e: {  	v0 =	vld [tilespmem:$0x30];
	_ =	sdelay $0x7  }
0x10f: {  	[tilespmem:s22], [sflag:$0x1] =	stream.indirect_vreg.gather [hbm4b:s6+s2], $0x40, v0, vm0, $0xb8;
	[tilespmem:$0x9A00] =	vst v63  }
0x110: {  	v0 =	vld [tilespmem:$0x40];
	_ =	sdelay $0x6  }
0x111: {  	s0 =	simm.s32 $0x1200  }
0x112: {  	[tilespmem:s0], [sflag:$0x1] =	stream.indirect_vreg.gather [hbm4b:s6+s2], $0x40, v0, vm0, $0xb8;
	[tilespmem:$0x9A00] =	vst v63  }
0x113: {  	v0 =	vld [tilespmem:$0x50];
	_ =	sdelay $0x7  }
0x114: {  	[tilespmem:s14], [sflag:$0x1] =	stream.indirect_vreg.gather [hbm4b:s6+s2], $0x40, v0, vm0, $0xb8;
	[tilespmem:$0x9A00] =	vst v63  }
0x115: {  	v0 =	vld [tilespmem:$0x60];
	_ =	sdelay $0x6  }
0x116: {  	s0 =	simm.s32 $0x1A00  }
0x117: {  	[tilespmem:s0], [sflag:$0x1] =	stream.indirect_vreg.gather [hbm4b:s6+s2], $0x40, v0, vm0, $0xb8;
	[tilespmem:$0x9A00] =	vst v63  }
0x118: {  	v0 =	vld [tilespmem:$0x70];
	_ =	sdelay $0x6  }
0x119: {  	s0 =	simm.s32 $0x1E00  }
0x11a: {  	[tilespmem:s0], [sflag:$0x1] =	stream.indirect_vreg.gather [hbm4b:s6+s2], $0x40, v0, vm0, $0xb8;
	[tilespmem:$0x9A00] =	vst v63  }
0x11b: {  	v0 =	vld [tilespmem:$0x80];
	_ =	sdelay $0x6  }
0x11c: {  	s0 =	simm.s32 $0x2200  }
0x11d: {  	[tilespmem:s0], [sflag:$0x1] =	stream.indirect_vreg.gather [hbm4b:s6+s2], $0x40, v0, vm0, $0xb8;
	[tilespmem:$0x9A00] =	vst v63  }
0x11e: {  	v0 =	vld [tilespmem:$0x90];
	_ =	sdelay $0x6  }
0x11f: {  	s0 =	simm.s32 $0x2600  }
0x120: {  	[tilespmem:s0], [sflag:$0x1] =	stream.indirect_vreg.gather [hbm4b:s6+s2], $0x40, v0, vm0, $0xb8;
	[tilespmem:$0x9A00] =	vst v63  }
0x121: {  	v0 =	vld [tilespmem:$0xA0];
	_ =	sdelay $0x6  }
0x122: {  	s0 =	simm.s32 $0x2A00  }
0x123: {  	[tilespmem:s0], [sflag:$0x1] =	stream.indirect_vreg.gather [hbm4b:s6+s2], $0x40, v0, vm0, $0xb8;
	[tilespmem:$0x9A00] =	vst v63  }
0x124: {  	v0 =	vld [tilespmem:$0xB0];
	_ =	sdelay $0x6  }
0x125: {  	s0 =	simm.s32 $0x2E00  }
0x126: {  	[tilespmem:s0], [sflag:$0x1] =	stream.indirect_vreg.gather [hbm4b:s6+s2], $0x40, v0, vm0, $0xb8;
	[tilespmem:$0x9A00] =	vst v63  }
0x127: {  	v0 =	vld [tilespmem:$0xC0];
	_ =	sdelay $0x6  }
0x128: {  	s0 =	simm.s32 $0x3200  }
0x129: {  	[tilespmem:s0], [sflag:$0x1] =	stream.indirect_vreg.gather [hbm4b:s6+s2], $0x40, v0, vm0, $0xb8;
	[tilespmem:$0x9A00] =	vst v63  }
0x12a: {  	v0 =	vld [tilespmem:$0xD0];
	_ =	sdelay $0x7  }
0x12b: {  	[tilespmem:s13], [sflag:$0x1] =	stream.indirect_vreg.gather [hbm4b:s6+s2], $0x40, v0, vm0, $0xb8;
	[tilespmem:$0x9A00] =	vst v63  }
0x12c: {  	v0 =	vld [tilespmem:$0xE0];
	_ =	sdelay $0x6  }
0x12d: {  	s13 =	simm.s32 $0x3A00  }
0x12e: {  	[tilespmem:s13], [sflag:$0x1] =	stream.indirect_vreg.gather [hbm4b:s6+s2], $0x40, v0, vm0, $0xb8;
	[tilespmem:$0x9A00] =	vst v63  }
0x12f: {  	v0 =	vld [tilespmem:$0xF0];
	_ =	sdelay $0x7  }
0x130: {  	[tilespmem:s4], [sflag:$0x1] =	stream.indirect_vreg.gather [hbm4b:s6+s2], $0x40, v0, vm0, $0xb8;
	[tilespmem:$0x9A00] =	vst v63  }
0x131: {  	_ =	swait.ge [sflag:s9], $0x400  }
0x132: {  	[sflag:s9] =	ssyncset.done $0x0  }
0x133: {  	[sflag:s9] =	ssyncadd.s32 $0xFFFFFC00  }
0x134: {  	_ =	swait.ge [sflag:s9], $0x400  }
0x135: {  	[sflag:s9] =	ssyncset.done $0x0  }
0x136: {  	[sflag:s9] =	ssyncadd.s32 $0xFFFFFC00  }
0x137: {  	_ =	swait.ge [sflag:s9], $0x400  }
0x138: {  	[sflag:s9] =	ssyncset.done $0x0  }
0x139: {  	[sflag:s9] =	ssyncadd.s32 $0xFFFFFC00  }
0x13a: {  	_ =	swait.ge [sflag:s9], $0x400  }
0x13b: {  	[sflag:s9] =	ssyncset.done $0x0  }
0x13c: {  	[sflag:s9] =	ssyncadd.s32 $0xFFFFFC00  }
0x13d: {  	_ =	swait.ge [sflag:s9], $0x400  }
0x13e: {  	[sflag:s9] =	ssyncset.done $0x0  }
0x13f: {  	[sflag:s9] =	ssyncadd.s32 $0xFFFFFC00  }
0x140: {  	_ =	swait.ge [sflag:s9], $0x400  }
0x141: {  	[sflag:s9] =	ssyncset.done $0x0  }
0x142: {  	[sflag:s9] =	ssyncadd.s32 $0xFFFFFC00  }
0x143: {  	_ =	swait.ge [sflag:s9], $0x400  }
0x144: {  	[sflag:s9] =	ssyncset.done $0x0  }
0x145: {  	[sflag:s9] =	ssyncadd.s32 $0xFFFFFC00  }
0x146: {  	_ =	swait.ge [sflag:s9], $0x400  }
0x147: {  	[sflag:s9] =	ssyncset.done $0x0  }
0x148: {  	[sflag:s9] =	ssyncadd.s32 $0xFFFFFC00  }
0x149: {  	_ =	swait.ge [sflag:s9], $0x400  }
0x14a: {  	[sflag:s9] =	ssyncset.done $0x0  }
0x14b: {  	[sflag:s9] =	ssyncadd.s32 $0xFFFFFC00  }
0x14c: {  	_ =	swait.ge [sflag:s9], $0x400  }
0x14d: {  	[sflag:s9] =	ssyncset.done $0x0  }
0x14e: {  	[sflag:s9] =	ssyncadd.s32 $0xFFFFFC00  }
0x14f: {  	_ =	swait.ge [sflag:s9], $0x400  }
0x150: {  	[sflag:s9] =	ssyncset.done $0x0  }
0x151: {  	[sflag:s9] =	ssyncadd.s32 $0xFFFFFC00  }
0x152: {  	_ =	swait.ge [sflag:s9], $0x400  }
0x153: {  	[sflag:s9] =	ssyncset.done $0x0  }
0x154: {  	[sflag:s9] =	ssyncadd.s32 $0xFFFFFC00  }
0x155: {  	_ =	swait.ge [sflag:s9], $0x400  }
0x156: {  	[sflag:s9] =	ssyncset.done $0x0  }
0x157: {  	[sflag:s9] =	ssyncadd.s32 $0xFFFFFC00  }
0x158: {  	_ =	swait.ge [sflag:s9], $0x400  }
0x159: {  	[sflag:s9] =	ssyncset.done $0x0  }
0x15a: {  	[sflag:s9] =	ssyncadd.s32 $0xFFFFFC00  }
0x15b: {  	_ =	swait.ge [sflag:s9], $0x400  }
0x15c: {  	[sflag:s9] =	ssyncset.done $0x0  }
0x15d: {  	[sflag:s9] =	ssyncadd.s32 $0xFFFFFC00  }
0x15e: {  	_ =	swait.ge [sflag:s9], $0x400  }
0x15f: {  	[sflag:s9] =	ssyncset.done $0x0  }
0x160: {  	s13 =	rddreg [dreg:$0xe];
	[sflag:s9] =	ssyncadd.s32 $0xFFFFFC00  }
0x161: {  	[hbm4b:s13+s2] =	stream.linear.scatter [tilespmem:s12], [sflag:$0x8], $0x4000, $0x38;
	[tilespmem:$0x9A00] =	vst v63  }
0x162: {  	_ =	swait.ge [sflag:s5], $0x4000  }
0x163: {  	[sflag:s5] =	ssyncset.done $0x0  }
0x164: {  	s13 =	rddreg [dreg:$0x10];
	[sflag:s5] =	ssyncadd.s32 $0xFFFFC000  }
0x165: {  	[tilespmem:s2], [sflag:$0x8] =	stream.linear.gather [hbm4b:s13+s2], $0x100, $0x38;
	[tilespmem:$0x9A00] =	vst v63  }
0x166: {  	_ =	swait.ge [sflag:s5], $0x100  }
0x167: {  	[sflag:s5] =	ssyncset.done $0x0  }
0x168: {  	[sflag:s5] =	ssyncadd.s32 $0xFFFFFF00  }
0x169: {  	v62 =	vld [tilespmem:$0x0];
	_ =	sdelay $0x7  }
0x16a: {  	[tilespmem:s12], [sflag:$0x1] =	stream.indirect_vreg.gather [hbm4b:s6+s2], $0x40, v62, vm0, $0xb8;
	[tilespmem:$0x9A00] =	vst v63  }
0x16b: {  	v0 =	vld [tilespmem:$0x10];
	_ =	sdelay $0x6  }
0x16c: {  	s13 =	simm.s32 $0x600  }
0x16d: {  	[tilespmem:s13], [sflag:$0x1] =	stream.indirect_vreg.gather [hbm4b:s6+s2], $0x40, v0, vm0, $0xb8;
	[tilespmem:$0x9A00] =	vst v63  }
0x16e: {  	v0 =	vld [tilespmem:$0x20];
	_ =	sdelay $0x6  }
0x16f: {  	s13 =	simm.s32 $0xA00  }
0x170: {  	[tilespmem:s13], [sflag:$0x1] =	stream.indirect_vreg.gather [hbm4b:s6+s2], $0x40, v0, vm0, $0xb8;
	[tilespmem:$0x9A00] =	vst v63  }
0x171: {  	v0 =	vld [tilespmem:$0x30];
	_ =	sdelay $0x6  }
0x172: {  	s22 =	simm.s32 $0xE00  }
0x173: {  	[tilespmem:s22], [sflag:$0x1] =	stream.indirect_vreg.gather [hbm4b:s6+s2], $0x40, v0, vm0, $0xb8;
	[tilespmem:$0x9A00] =	vst v63  }
0x174: {  	v0 =	vld [tilespmem:$0x40];
	_ =	sdelay $0x6  }
0x175: {  	s22 =	simm.s32 $0x1200  }
0x176: {  	[tilespmem:s22], [sflag:$0x1] =	stream.indirect_vreg.gather [hbm4b:s6+s2], $0x40, v0, vm0, $0xb8;
	[tilespmem:$0x9A00] =	vst v63  }
0x177: {  	v0 =	vld [tilespmem:$0x50];
	_ =	sdelay $0x6  }
0x178: {  	s14 =	simm.s32 $0x1600  }
0x179: {  	[tilespmem:s14], [sflag:$0x1] =	stream.indirect_vreg.gather [hbm4b:s6+s2], $0x40, v0, vm0, $0xb8;
	[tilespmem:$0x9A00] =	vst v63  }
0x17a: {  	v0 =	vld [tilespmem:$0x60];
	_ =	sdelay $0x6  }
0x17b: {  	s14 =	simm.s32 $0x1A00  }
0x17c: {  	[tilespmem:s14], [sflag:$0x1] =	stream.indirect_vreg.gather [hbm4b:s6+s2], $0x40, v0, vm0, $0xb8;
	[tilespmem:$0x9A00] =	vst v63  }
0x17d: {  	v0 =	vld [tilespmem:$0x70];
	_ =	sdelay $0x6  }
0x17e: {  	s22 =	simm.s32 $0x1E00  }
0x17f: {  	[tilespmem:s22], [sflag:$0x1] =	stream.indirect_vreg.gather [hbm4b:s6+s2], $0x40, v0, vm0, $0xb8;
	[tilespmem:$0x9A00] =	vst v63  }
0x180: {  	v0 =	vld [tilespmem:$0x80];
	_ =	sdelay $0x6  }
0x181: {  	s14 =	simm.s32 $0x2200  }
0x182: {  	[tilespmem:s14], [sflag:$0x1] =	stream.indirect_vreg.gather [hbm4b:s6+s2], $0x40, v0, vm0, $0xb8;
	[tilespmem:$0x9A00] =	vst v63  }
0x183: {  	v0 =	vld [tilespmem:$0x90];
	_ =	sdelay $0x6  }
0x184: {  	s22 =	simm.s32 $0x2600  }
0x185: {  	[tilespmem:s22], [sflag:$0x1] =	stream.indirect_vreg.gather [hbm4b:s6+s2], $0x40, v0, vm0, $0xb8;
	[tilespmem:$0x9A00] =	vst v63  }
0x186: {  	v0 =	vld [tilespmem:$0xA0];
	_ =	sdelay $0x6  }
0x187: {  	s14 =	simm.s32 $0x2A00  }
0x188: {  	[tilespmem:s14], [sflag:$0x1] =	stream.indirect_vreg.gather [hbm4b:s6+s2], $0x40, v0, vm0, $0xb8;
	[tilespmem:$0x9A00] =	vst v63  }
0x189: {  	v0 =	vld [tilespmem:$0xB0];
	_ =	sdelay $0x6  }
0x18a: {  	s22 =	simm.s32 $0x2E00  }
0x18b: {  	[tilespmem:s22], [sflag:$0x1] =	stream.indirect_vreg.gather [hbm4b:s6+s2], $0x40, v0, vm0, $0xb8;
	[tilespmem:$0x9A00] =	vst v63  }
0x18c: {  	v0 =	vld [tilespmem:$0xC0];
	_ =	sdelay $0x6  }
0x18d: {  	s14 =	simm.s32 $0x3200  }
0x18e: {  	[tilespmem:s14], [sflag:$0x1] =	stream.indirect_vreg.gather [hbm4b:s6+s2], $0x40, v0, vm0, $0xb8;
	[tilespmem:$0x9A00] =	vst v63  }
0x18f: {  	v0 =	vld [tilespmem:$0xD0];
	_ =	sdelay $0x6  }
0x190: {  	s22 =	simm.s32 $0x3600  }
0x191: {  	[tilespmem:s22], [sflag:$0x1] =	stream.indirect_vreg.gather [hbm4b:s6+s2], $0x40, v0, vm0, $0xb8;
	[tilespmem:$0x9A00] =	vst v63  }
0x192: {  	v0 =	vld [tilespmem:$0xE0];
	_ =	sdelay $0x6  }
0x193: {  	s14 =	simm.s32 $0x3A00  }
0x194: {  	[tilespmem:s14], [sflag:$0x1] =	stream.indirect_vreg.gather [hbm4b:s6+s2], $0x40, v0, vm0, $0xb8;
	[tilespmem:$0x9A00] =	vst v63  }
0x195: {  	v0 =	vld [tilespmem:$0xF0];
	_ =	sdelay $0x6  }
0x196: {  	s4 =	simm.s32 $0x3E00  }
0x197: {  	[tilespmem:s4], [sflag:$0x1] =	stream.indirect_vreg.gather [hbm4b:s6+s2], $0x40, v0, vm0, $0xb8;
	[tilespmem:$0x9A00] =	vst v63  }
0x198: {  	_ =	swait.ge [sflag:s9], $0x400  }
0x199: {  	[sflag:s9] =	ssyncset.done $0x0  }
0x19a: {  	[sflag:s9] =	ssyncadd.s32 $0xFFFFFC00  }
0x19b: {  	_ =	swait.ge [sflag:s9], $0x400  }
0x19c: {  	[sflag:s9] =	ssyncset.done $0x0  }
0x19d: {  	[sflag:s9] =	ssyncadd.s32 $0xFFFFFC00  }
0x19e: {  	_ =	swait.ge [sflag:s9], $0x400  }
0x19f: {  	[sflag:s9] =	ssyncset.done $0x0  }
0x1a0: {  	[sflag:s9] =	ssyncadd.s32 $0xFFFFFC00  }
0x1a1: {  	_ =	swait.ge [sflag:s9], $0x400  }
0x1a2: {  	[sflag:s9] =	ssyncset.done $0x0  }
0x1a3: {  	[sflag:s9] =	ssyncadd.s32 $0xFFFFFC00  }
0x1a4: {  	_ =	swait.ge [sflag:s9], $0x400  }
0x1a5: {  	[sflag:s9] =	ssyncset.done $0x0  }
0x1a6: {  	[sflag:s9] =	ssyncadd.s32 $0xFFFFFC00  }
0x1a7: {  	_ =	swait.ge [sflag:s9], $0x400  }
0x1a8: {  	[sflag:s9] =	ssyncset.done $0x0  }
0x1a9: {  	[sflag:s9] =	ssyncadd.s32 $0xFFFFFC00  }
0x1aa: {  	_ =	swait.ge [sflag:s9], $0x400  }
0x1ab: {  	[sflag:s9] =	ssyncset.done $0x0  }
0x1ac: {  	[sflag:s9] =	ssyncadd.s32 $0xFFFFFC00  }
0x1ad: {  	_ =	swait.ge [sflag:s9], $0x400  }
0x1ae: {  	[sflag:s9] =	ssyncset.done $0x0  }
0x1af: {  	[sflag:s9] =	ssyncadd.s32 $0xFFFFFC00  }
0x1b0: {  	_ =	swait.ge [sflag:s9], $0x400  }
0x1b1: {  	[sflag:s9] =	ssyncset.done $0x0  }
0x1b2: {  	[sflag:s9] =	ssyncadd.s32 $0xFFFFFC00  }
0x1b3: {  	_ =	swait.ge [sflag:s9], $0x400  }
0x1b4: {  	[sflag:s9] =	ssyncset.done $0x0  }
0x1b5: {  	[sflag:s9] =	ssyncadd.s32 $0xFFFFFC00  }
0x1b6: {  	_ =	swait.ge [sflag:s9], $0x400  }
0x1b7: {  	[sflag:s9] =	ssyncset.done $0x0  }
0x1b8: {  	[sflag:s9] =	ssyncadd.s32 $0xFFFFFC00  }
0x1b9: {  	_ =	swait.ge [sflag:s9], $0x400  }
0x1ba: {  	[sflag:s9] =	ssyncset.done $0x0  }
0x1bb: {  	[sflag:s9] =	ssyncadd.s32 $0xFFFFFC00  }
0x1bc: {  	_ =	swait.ge [sflag:s9], $0x400  }
0x1bd: {  	[sflag:s9] =	ssyncset.done $0x0  }
0x1be: {  	[sflag:s9] =	ssyncadd.s32 $0xFFFFFC00  }
0x1bf: {  	_ =	swait.ge [sflag:s9], $0x400  }
0x1c0: {  	[sflag:s9] =	ssyncset.done $0x0  }
0x1c1: {  	[sflag:s9] =	ssyncadd.s32 $0xFFFFFC00  }
0x1c2: {  	_ =	swait.ge [sflag:s9], $0x400  }
0x1c3: {  	[sflag:s9] =	ssyncset.done $0x0  }
0x1c4: {  	[sflag:s9] =	ssyncadd.s32 $0xFFFFFC00  }
0x1c5: {  	_ =	swait.ge [sflag:s9], $0x400  }
0x1c6: {  	[sflag:s9] =	ssyncset.done $0x0  }
0x1c7: {  	s22 =	rddreg [dreg:$0x11];
	[sflag:s9] =	ssyncadd.s32 $0xFFFFFC00  }
0x1c8: {  	[hbm4b:s22+s2] =	stream.linear.scatter [tilespmem:s12], [sflag:$0x8], $0x4000, $0x38;
	[tilespmem:$0x9A00] =	vst v63  }
0x1c9: {  	_ =	swait.ge [sflag:s5], $0x4000  }
0x1ca: {  	[sflag:s5] =	ssyncset.done $0x0  }
0x1cb: {  	s4 =	rddreg [dreg:$0xf];
	[sflag:s5] =	ssyncadd.s32 $0xFFFFC000  }
0x1cc: {  	[tilespmem:s2], [sflag:$0x8] =	stream.linear.gather [hbm4b:s4+s2], $0xE0, $0x38;
	[tilespmem:$0x9A00] =	vst v63  }
0x1cd: {  	_ =	swait.ge [sflag:s5], $0xE0  }
0x1ce: {  	[sflag:s5] =	ssyncset.done $0x0  }
0x1cf: {  	[sflag:s5] =	ssyncadd.s32 $0xFFFFFF20  }
0x1d0: {  	v63 =	vld [tilespmem:$0x0];
	_ =	sdelay $0x7  }
0x1d1: {  	[tilespmem:s12], [sflag:$0x2] =	stream.indirect_vreg.gather [hbm4b:s6+s2], $0x40, v63, vm0, $0xb8;
	[tilespmem:$0x9A00] =	vst v63  }
0x1d2: {  	v0 =	vld [tilespmem:$0x10];
	_ =	sdelay $0x6  }
0x1d3: {  	s12 =	simm.s32 $0x600  }
0x1d4: {  	[tilespmem:s12], [sflag:$0x2] =	stream.indirect_vreg.gather [hbm4b:s6+s2], $0x40, v0, vm0, $0xb8;
	[tilespmem:$0x9A00] =	vst v63  }
0x1d5: {  	v0 =	vld [tilespmem:$0x20];
	_ =	sdelay $0x6  }
0x1d6: {  	s13 =	simm.s32 $0xA00  }
0x1d7: {  	[tilespmem:s13], [sflag:$0x2] =	stream.indirect_vreg.gather [hbm4b:s6+s2], $0x40, v0, vm0, $0xb8;
	[tilespmem:$0x9A00] =	vst v63  }
0x1d8: {  	v0 =	vld [tilespmem:$0x30];
	_ =	sdelay $0x6  }
0x1d9: {  	s4 =	simm.s32 $0xE00  }
0x1da: {  	[tilespmem:s4], [sflag:$0x2] =	stream.indirect_vreg.gather [hbm4b:s6+s2], $0x40, v0, vm0, $0xb8;
	[tilespmem:$0x9A00] =	vst v63  }
0x1db: {  	v0 =	vld [tilespmem:$0x40];
	_ =	sdelay $0x6  }
0x1dc: {  	s5 =	simm.s32 $0x1200  }
0x1dd: {  	[tilespmem:s5], [sflag:$0x2] =	stream.indirect_vreg.gather [hbm4b:s6+s2], $0x40, v0, vm0, $0xb8;
	[tilespmem:$0x9A00] =	vst v63  }
0x1de: {  	v0 =	vld [tilespmem:$0x50];
	_ =	sdelay $0x6  }
0x1df: {  	s12 =	simm.s32 $0x1600  }
0x1e0: {  	[tilespmem:s12], [sflag:$0x2] =	stream.indirect_vreg.gather [hbm4b:s6+s2], $0x40, v0, vm0, $0xb8;
	[tilespmem:$0x9A00] =	vst v63  }
0x1e1: {  	v0 =	vld [tilespmem:$0x60];
	_ =	sdelay $0x6  }
0x1e2: {  	s13 =	simm.s32 $0x1A00  }
0x1e3: {  	[tilespmem:s13], [sflag:$0x2] =	stream.indirect_vreg.gather [hbm4b:s6+s2], $0x40, v0, vm0, $0xb8;
	[tilespmem:$0x9A00] =	vst v63  }
0x1e4: {  	v0 =	vld [tilespmem:$0x70];
	_ =	sdelay $0x6  }
0x1e5: {  	s4 =	simm.s32 $0x1E00  }
0x1e6: {  	[tilespmem:s4], [sflag:$0x2] =	stream.indirect_vreg.gather [hbm4b:s6+s2], $0x40, v0, vm0, $0xb8;
	[tilespmem:$0x9A00] =	vst v63  }
0x1e7: {  	v0 =	vld [tilespmem:$0x80];
	_ =	sdelay $0x6  }
0x1e8: {  	s5 =	simm.s32 $0x2200  }
0x1e9: {  	[tilespmem:s5], [sflag:$0x2] =	stream.indirect_vreg.gather [hbm4b:s6+s2], $0x40, v0, vm0, $0xb8;
	[tilespmem:$0x9A00] =	vst v63  }
0x1ea: {  	v0 =	vld [tilespmem:$0x90];
	_ =	sdelay $0x6  }
0x1eb: {  	s12 =	simm.s32 $0x2600  }
0x1ec: {  	[tilespmem:s12], [sflag:$0x2] =	stream.indirect_vreg.gather [hbm4b:s6+s2], $0x40, v0, vm0, $0xb8;
	[tilespmem:$0x9A00] =	vst v63  }
0x1ed: {  	v0 =	vld [tilespmem:$0xA0];
	_ =	sdelay $0x6  }
0x1ee: {  	s13 =	simm.s32 $0x2A00  }
0x1ef: {  	[tilespmem:s13], [sflag:$0x2] =	stream.indirect_vreg.gather [hbm4b:s6+s2], $0x40, v0, vm0, $0xb8;
	[tilespmem:$0x9A00] =	vst v63  }
0x1f0: {  	v0 =	vld [tilespmem:$0xB0];
	_ =	sdelay $0x6  }
0x1f1: {  	s4 =	simm.s32 $0x2E00  }
0x1f2: {  	[tilespmem:s4], [sflag:$0x2] =	stream.indirect_vreg.gather [hbm4b:s6+s2], $0x40, v0, vm0, $0xb8;
	[tilespmem:$0x9A00] =	vst v63  }
0x1f3: {  	v0 =	vld [tilespmem:$0xC0];
	_ =	sdelay $0x6  }
0x1f4: {  	s5 =	simm.s32 $0x3200  }
0x1f5: {  	[tilespmem:s5], [sflag:$0x2] =	stream.indirect_vreg.gather [hbm4b:s6+s2], $0x40, v0, vm0, $0xb8;
	[tilespmem:$0x9A00] =	vst v63  }
0x1f6: {  	v0 =	vld [tilespmem:$0xD0];
	_ =	sdelay $0x6  }
0x1f7: {  	s12 =	simm.s32 $0x3600  }
0x1f8: {  	[tilespmem:s12], [sflag:$0x2] =	stream.indirect_vreg.gather [hbm4b:s6+s2], $0x40, v0, vm0, $0xb8;
	[tilespmem:$0x9A00] =	vst v63  }
0x1f9: {  	s13 =	rddreg [dreg:$0x12]  }
0x1fa: {  	[tilespmem:s8], [sflag:$0x5] =	stream.linear.gather [hbm4b:s13+s2], $0xE0, $0x38;
	[tilespmem:$0x9A00] =	vst v63  }
0x1fb: {  	s14 =	simm.s32 $0x200;
	s22 =	simm.s32 $0x600;
	s13 =	simm.s32 $0x0  }
.LBB2_2:
0x1fc: {  	_ =	swait.ge [sflag:s21], $0xE0  }
0x1fd: {  	[sflag:s21] =	ssyncset.done $0x0  }
0x1fe: {  	[sflag:s21] =	ssyncadd.s32 $0xFFFFFF20  }
0x1ff: {  	v0 =	vld [tilespmem:$0x100];
	_ =	sdelay $0x7  }
0x200: {  	[tilespmem:s24], [sflag:$0x3] =	stream.indirect_vreg.gather [hbm4b:s6+s2], $0x40, v0, vm0, $0xb8;
	[tilespmem:$0x9A00] =	vst v63  }
0x201: {  	v0 =	vld [tilespmem:$0x110];
	_ =	sdelay $0x7  }
0x202: {  	[tilespmem:s26], [sflag:$0x3] =	stream.indirect_vreg.gather [hbm4b:s6+s2], $0x40, v0, vm0, $0xb8;
	[tilespmem:$0x9A00] =	vst v63  }
0x203: {  	v0 =	vld [tilespmem:$0x120];
	_ =	sdelay $0x7  }
0x204: {  	[tilespmem:s28], [sflag:$0x3] =	stream.indirect_vreg.gather [hbm4b:s6+s2], $0x40, v0, vm0, $0xb8;
	[tilespmem:$0x9A00] =	vst v63  }
0x205: {  	v0 =	vld [tilespmem:$0x130];
	_ =	sdelay $0x7  }
0x206: {  	[tilespmem:s29], [sflag:$0x3] =	stream.indirect_vreg.gather [hbm4b:s6+s2], $0x40, v0, vm0, $0xb8;
	[tilespmem:$0x9A00] =	vst v63  }
0x207: {  	v0 =	vld [tilespmem:$0x140];
	_ =	sdelay $0x7  }
0x208: {  	[tilespmem:s30], [sflag:$0x3] =	stream.indirect_vreg.gather [hbm4b:s6+s2], $0x40, v0, vm0, $0xb8;
	[tilespmem:$0x9A00] =	vst v63  }
0x209: {  	v0 =	vld [tilespmem:$0x150];
	_ =	sdelay $0x7  }
0x20a: {  	[tilespmem:s31], [sflag:$0x3] =	stream.indirect_vreg.gather [hbm4b:s6+s2], $0x40, v0, vm0, $0xb8;
	[tilespmem:$0x9A00] =	vst v63  }
0x20b: {  	v0 =	vld [tilespmem:$0x160];
	_ =	sdelay $0x7  }
0x20c: {  	[tilespmem:s11], [sflag:$0x3] =	stream.indirect_vreg.gather [hbm4b:s6+s2], $0x40, v0, vm0, $0xb8;
	[tilespmem:$0x9A00] =	vst v63  }
0x20d: {  	v0 =	vld [tilespmem:$0x170];
	_ =	sdelay $0x7  }
0x20e: {  	[tilespmem:s10], [sflag:$0x3] =	stream.indirect_vreg.gather [hbm4b:s6+s2], $0x40, v0, vm0, $0xb8;
	[tilespmem:$0x9A00] =	vst v63  }
0x20f: {  	v0 =	vld [tilespmem:$0x180];
	_ =	sdelay $0x7  }
0x210: {  	[tilespmem:s15], [sflag:$0x3] =	stream.indirect_vreg.gather [hbm4b:s6+s2], $0x40, v0, vm0, $0xb8;
	[tilespmem:$0x9A00] =	vst v63  }
0x211: {  	v0 =	vld [tilespmem:$0x190];
	_ =	sdelay $0x7  }
0x212: {  	[tilespmem:s16], [sflag:$0x3] =	stream.indirect_vreg.gather [hbm4b:s6+s2], $0x40, v0, vm0, $0xb8;
	[tilespmem:$0x9A00] =	vst v63  }
0x213: {  	v0 =	vld [tilespmem:$0x1A0];
	_ =	sdelay $0x7  }
0x214: {  	[tilespmem:s18], [sflag:$0x3] =	stream.indirect_vreg.gather [hbm4b:s6+s2], $0x40, v0, vm0, $0xb8;
	[tilespmem:$0x9A00] =	vst v63  }
0x215: {  	v0 =	vld [tilespmem:$0x1B0];
	_ =	sdelay $0x7  }
0x216: {  	[tilespmem:s19], [sflag:$0x3] =	stream.indirect_vreg.gather [hbm4b:s6+s2], $0x40, v0, vm0, $0xb8;
	[tilespmem:$0x9A00] =	vst v63  }
0x217: {  	v0 =	vld [tilespmem:$0x1C0];
	_ =	sdelay $0x7  }
0x218: {  	[tilespmem:s20], [sflag:$0x3] =	stream.indirect_vreg.gather [hbm4b:s6+s2], $0x40, v0, vm0, $0xb8;
	[tilespmem:$0x9A00] =	vst v63  }
0x219: {  	v0 =	vld [tilespmem:$0x1D0];
	_ =	sdelay $0x7  }
0x21a: {  	[tilespmem:s25], [sflag:$0x3] =	stream.indirect_vreg.gather [hbm4b:s6+s2], $0x40, v0, vm0, $0xb8;
	[tilespmem:$0x9A00] =	vst v63  }
0x21b: {  	_ =	swait.ge [sflag:s1], $0x400  }
0x21c: {  	[sflag:s1] =	ssyncset.done $0x0  }
0x21d: {  	[sflag:s1] =	ssyncadd.s32 $0xFFFFFC00  }
0x21e: {  	_ =	swait.ge [sflag:s1], $0x400  }
0x21f: {  	[sflag:s1] =	ssyncset.done $0x0  }
0x220: {  	[sflag:s1] =	ssyncadd.s32 $0xFFFFFC00  }
0x221: {  	_ =	swait.ge [sflag:s1], $0x400  }
0x222: {  	[sflag:s1] =	ssyncset.done $0x0  }
0x223: {  	[sflag:s1] =	ssyncadd.s32 $0xFFFFFC00  }
0x224: {  	_ =	swait.ge [sflag:s1], $0x400  }
0x225: {  	[sflag:s1] =	ssyncset.done $0x0  }
0x226: {  	[sflag:s1] =	ssyncadd.s32 $0xFFFFFC00  }
0x227: {  	_ =	swait.ge [sflag:s1], $0x400  }
0x228: {  	[sflag:s1] =	ssyncset.done $0x0  }
0x229: {  	[sflag:s1] =	ssyncadd.s32 $0xFFFFFC00  }
0x22a: {  	_ =	swait.ge [sflag:s1], $0x400  }
0x22b: {  	[sflag:s1] =	ssyncset.done $0x0  }
0x22c: {  	[sflag:s1] =	ssyncadd.s32 $0xFFFFFC00  }
0x22d: {  	_ =	swait.ge [sflag:s1], $0x400  }
0x22e: {  	[sflag:s1] =	ssyncset.done $0x0  }
0x22f: {  	[sflag:s1] =	ssyncadd.s32 $0xFFFFFC00  }
0x230: {  	_ =	swait.ge [sflag:s1], $0x400  }
0x231: {  	[sflag:s1] =	ssyncset.done $0x0  }
0x232: {  	[sflag:s1] =	ssyncadd.s32 $0xFFFFFC00  }
0x233: {  	_ =	swait.ge [sflag:s1], $0x400  }
0x234: {  	[sflag:s1] =	ssyncset.done $0x0  }
0x235: {  	[sflag:s1] =	ssyncadd.s32 $0xFFFFFC00  }
0x236: {  	_ =	swait.ge [sflag:s1], $0x400  }
0x237: {  	[sflag:s1] =	ssyncset.done $0x0  }
0x238: {  	[sflag:s1] =	ssyncadd.s32 $0xFFFFFC00  }
0x239: {  	_ =	swait.ge [sflag:s1], $0x400  }
0x23a: {  	[sflag:s1] =	ssyncset.done $0x0  }
0x23b: {  	[sflag:s1] =	ssyncadd.s32 $0xFFFFFC00  }
0x23c: {  	_ =	swait.ge [sflag:s1], $0x400  }
0x23d: {  	[sflag:s1] =	ssyncset.done $0x0  }
0x23e: {  	[sflag:s1] =	ssyncadd.s32 $0xFFFFFC00  }
0x23f: {  	_ =	swait.ge [sflag:s1], $0x400  }
0x240: {  	[sflag:s1] =	ssyncset.done $0x0  }
0x241: {  	[sflag:s1] =	ssyncadd.s32 $0xFFFFFC00  }
0x242: {  	_ =	swait.ge [sflag:s1], $0x400  }
0x243: {  	p0 =	seq.s32 s13, $0x0;
	[sflag:s1] =	ssyncset.done $0x0  }
0x244: {  	s0 =	simm.s32 @!p0 $0x6;
	[sflag:s1] =	ssyncadd.s32 $0xFFFFFC00  }
0x245: {  	_ =	swait.ge @!p0 [sflag:s0], $0x400  }
0x246: {  	[sflag:s0] =	ssyncset.done @!p0 $0x0  }
0x247: {  	s4 =	simm.s32 $0x0;
	[sflag:s0] =	ssyncadd.s32 @!p0 $0xFFFFFC00  }
0x248: {  	v1 =	vld [tilespmem:s4+$0x230]  }
0x249: {  	v2 =	vld [tilespmem:s4+$0x200]  }
0x24a: {  	v5 =	vimm.f32 $0.0e+00;
	v3 =	vld [tilespmem:s4+$0x210]  }
0x24b: {  	s12 =	sshll.u32 s13, $0x3;
	v6 =	vimm.f32 $0.0e+00;
	v7 =	vimm.f32 $0.0e+00;
	v0 =	vimm.f32 $0.0e+00;
	s0 =	simm.s32 $0x100;
	v4 =	vld [tilespmem:s4+$0x220]  }
.LBB2_3:
0x24c: {  	p1 =	sne.s32 s0, $0x3700  }
.Ltmp2:
0x24d: {  	s4 =	sshra.s32 s0, $0x2;
	s0 =	sadd.s32 $0x100, s0;
	v0 =	vadd.f32 v1, v0;
	(pc) =	sbr.rel @p1 .LBB2_3-.Ltmp2, $4  }
0x24e: {  	v1 =	vld [tilespmem:s4+$0x230];
	v5 =	vadd.f32 v2, v5  }
0x24f: {  	v2 =	vld [tilespmem:s4+$0x200];
	v6 =	vadd.f32 v3, v6  }
0x250: {  	v3 =	vld [tilespmem:s4+$0x210];
	v7 =	vadd.f32 v4, v7  }
0x251: {  	v4 =	vld [tilespmem:s4+$0x220]  }
0x252: {  	_ = 	snop  }
0x253: {  	v0 =	vadd.f32 v1, v0  }
0x254: {  	v2 =	vadd.f32 v2, v5  }
0x255: {  	v3 =	vadd.f32 v3, v6;
	[tilespmem:$0x8230] =	vst v0  }
0x256: {  	v4 =	vadd.f32 v4, v7;
	[tilespmem:$0x8200] =	vst v2  }
0x257: {  	[tilespmem:$0x8210] =	vst v3  }
0x258: {  	s4 =	simm.s32 $0x0;
	[tilespmem:$0x8220] =	vst v4  }
0x259: {  	v1 =	vld [tilespmem:s4+$0x1030]  }
0x25a: {  	v2 =	vld [tilespmem:s4+$0x1000]  }
0x25b: {  	v5 =	vimm.f32 $0.0e+00;
	v3 =	vld [tilespmem:s4+$0x1010]  }
0x25c: {  	s0 =	simm.s32 $0x100;
	v0 =	vimm.f32 $0.0e+00;
	v6 =	vimm.f32 $0.0e+00;
	v7 =	vimm.f32 $0.0e+00;
	v4 =	vld [tilespmem:s4+$0x1020]  }
.LBB2_5:
0x25d: {  	p1 =	sne.s32 s0, $0x3700  }
.Ltmp3:
0x25e: {  	s4 =	sshra.s32 s0, $0x2;
	s0 =	sadd.s32 $0x100, s0;
	v0 =	vadd.f32 v1, v0;
	(pc) =	sbr.rel @p1 .LBB2_5-.Ltmp3, $4  }
0x25f: {  	v1 =	vld [tilespmem:s4+$0x1030];
	v5 =	vadd.f32 v2, v5  }
0x260: {  	v2 =	vld [tilespmem:s4+$0x1000];
	v6 =	vadd.f32 v3, v6  }
0x261: {  	v3 =	vld [tilespmem:s4+$0x1010];
	v7 =	vadd.f32 v4, v7  }
0x262: {  	v4 =	vld [tilespmem:s4+$0x1020]  }
0x263: {  	_ = 	snop  }
0x264: {  	v0 =	vadd.f32 v1, v0  }
0x265: {  	v2 =	vadd.f32 v2, v5  }
0x266: {  	v3 =	vadd.f32 v3, v6;
	[tilespmem:$0x8270] =	vst v0  }
0x267: {  	v4 =	vadd.f32 v4, v7;
	[tilespmem:$0x8240] =	vst v2  }
0x268: {  	[tilespmem:$0x8250] =	vst v3  }
0x269: {  	s4 =	simm.s32 $0x0;
	[tilespmem:$0x8260] =	vst v4  }
0x26a: {  	v1 =	vld [tilespmem:s4+$0x1E30]  }
0x26b: {  	v2 =	vld [tilespmem:s4+$0x1E00]  }
0x26c: {  	v5 =	vimm.f32 $0.0e+00;
	v3 =	vld [tilespmem:s4+$0x1E10]  }
0x26d: {  	s0 =	simm.s32 $0x100;
	v0 =	vimm.f32 $0.0e+00;
	v6 =	vimm.f32 $0.0e+00;
	v7 =	vimm.f32 $0.0e+00;
	v4 =	vld [tilespmem:s4+$0x1E20]  }
.LBB2_7:
0x26e: {  	p1 =	sne.s32 s0, $0x3700  }
.Ltmp4:
0x26f: {  	s4 =	sshra.s32 s0, $0x2;
	s0 =	sadd.s32 $0x100, s0;
	v0 =	vadd.f32 v1, v0;
	(pc) =	sbr.rel @p1 .LBB2_7-.Ltmp4, $4  }
0x270: {  	v1 =	vld [tilespmem:s4+$0x1E30];
	v5 =	vadd.f32 v2, v5  }
0x271: {  	v2 =	vld [tilespmem:s4+$0x1E00];
	v6 =	vadd.f32 v3, v6  }
0x272: {  	v3 =	vld [tilespmem:s4+$0x1E10];
	v7 =	vadd.f32 v4, v7  }
0x273: {  	v4 =	vld [tilespmem:s4+$0x1E20]  }
0x274: {  	_ = 	snop  }
0x275: {  	v0 =	vadd.f32 v1, v0  }
0x276: {  	v2 =	vadd.f32 v2, v5  }
0x277: {  	v3 =	vadd.f32 v3, v6;
	[tilespmem:$0x82B0] =	vst v0  }
0x278: {  	v4 =	vadd.f32 v4, v7;
	[tilespmem:$0x8280] =	vst v2  }
0x279: {  	[tilespmem:$0x8290] =	vst v3  }
0x27a: {  	s4 =	simm.s32 $0x0;
	[tilespmem:$0x82A0] =	vst v4  }
0x27b: {  	v1 =	vld [tilespmem:s4+$0x2C30]  }
0x27c: {  	v2 =	vld [tilespmem:s4+$0x2C00]  }
0x27d: {  	v5 =	vimm.f32 $0.0e+00;
	v3 =	vld [tilespmem:s4+$0x2C10]  }
0x27e: {  	s0 =	simm.s32 $0x100;
	v0 =	vimm.f32 $0.0e+00;
	v6 =	vimm.f32 $0.0e+00;
	v7 =	vimm.f32 $0.0e+00;
	v4 =	vld [tilespmem:s4+$0x2C20]  }
.LBB2_9:
0x27f: {  	p1 =	sne.s32 s0, $0x3700  }
.Ltmp5:
0x280: {  	s4 =	sshra.s32 s0, $0x2;
	s0 =	sadd.s32 $0x100, s0;
	v0 =	vadd.f32 v1, v0;
	(pc) =	sbr.rel @p1 .LBB2_9-.Ltmp5, $4  }
0x281: {  	v1 =	vld [tilespmem:s4+$0x2C30];
	v6 =	vadd.f32 v2, v6  }
0x282: {  	v2 =	vld [tilespmem:s4+$0x2C00];
	v7 =	vadd.f32 v3, v7  }
0x283: {  	v3 =	vld [tilespmem:s4+$0x2C10];
	v5 =	vadd.f32 v4, v5  }
0x284: {  	v4 =	vld [tilespmem:s4+$0x2C20]  }
0x285: {  	_ = 	snop  }
0x286: {  	v0 =	vadd.f32 v1, v0  }
0x287: {  	s0 =	smul.u32 $0x700, s13;
	v2 =	vadd.f32 v2, v6  }
0x288: {  	s4 =	rddreg [dreg:$0x13];
	v3 =	vadd.f32 v3, v7;
	[tilespmem:$0x82F0] =	vst v0  }
0x289: {  	s4 =	sadd.s32 s0, s4;
	v4 =	vadd.f32 v4, v5;
	[tilespmem:$0x82C0] =	vst v2  }
0x28a: {  	s4 =	sshrl.u32 s4, $0x3;
	[tilespmem:$0x82D0] =	vst v3  }
0x28b: {  	s5 =	simm.s32 $0x0;
	s4 =	sadd.s32 s3, s4;
	[tilespmem:$0x82E0] =	vst v4  }
0x28c: {  	[tilespmem:s5], [sflag:$0x4] =	stream.linear.gather [hbm4b:s4+s5], $0xE0, $0x38;
	[tilespmem:$0x9A00] =	vst v63  }
0x28d: {  	_ =	swait.ge [sflag:s17], $0xE0  }
0x28e: {  	[sflag:s17] =	ssyncset.done $0x0  }
0x28f: {  	[sflag:s17] =	ssyncadd.s32 $0xFFFFFF20  }
0x290: {  	v0 =	vld [tilespmem:$0x0];
	_ =	sdelay $0x7  }
0x291: {  	[tilespmem:s14], [sflag:$0x2] =	stream.indirect_vreg.gather [hbm4b:s6+s5], $0x40, v0, vm0, $0xb8;
	[tilespmem:$0x9A00] =	vst v63  }
0x292: {  	v0 =	vld [tilespmem:$0x10];
	_ =	sdelay $0x7  }
0x293: {  	[tilespmem:s22], [sflag:$0x2] =	stream.indirect_vreg.gather [hbm4b:s6+s5], $0x40, v0, vm0, $0xb8;
	[tilespmem:$0x9A00] =	vst v63  }
0x294: {  	v0 =	vld [tilespmem:$0x20];
	_ =	sdelay $0x6  }
0x295: {  	s4 =	simm.s32 $0xA00  }
0x296: {  	[tilespmem:s4], [sflag:$0x2] =	stream.indirect_vreg.gather [hbm4b:s6+s5], $0x40, v0, vm0, $0xb8;
	[tilespmem:$0x9A00] =	vst v63  }
0x297: {  	v0 =	vld [tilespmem:$0x30];
	_ =	sdelay $0x6  }
0x298: {  	s4 =	simm.s32 $0xE00  }
0x299: {  	[tilespmem:s4], [sflag:$0x2] =	stream.indirect_vreg.gather [hbm4b:s6+s5], $0x40, v0, vm0, $0xb8;
	[tilespmem:$0x9A00] =	vst v63  }
0x29a: {  	v0 =	vld [tilespmem:$0x40];
	_ =	sdelay $0x6  }
0x29b: {  	s4 =	simm.s32 $0x1200  }
0x29c: {  	[tilespmem:s4], [sflag:$0x2] =	stream.indirect_vreg.gather [hbm4b:s6+s5], $0x40, v0, vm0, $0xb8;
	[tilespmem:$0x9A00] =	vst v63  }
0x29d: {  	v0 =	vld [tilespmem:$0x50];
	_ =	sdelay $0x6  }
0x29e: {  	s4 =	simm.s32 $0x1600  }
0x29f: {  	[tilespmem:s4], [sflag:$0x2] =	stream.indirect_vreg.gather [hbm4b:s6+s5], $0x40, v0, vm0, $0xb8;
	[tilespmem:$0x9A00] =	vst v63  }
0x2a0: {  	v0 =	vld [tilespmem:$0x60];
	_ =	sdelay $0x6  }
0x2a1: {  	s4 =	simm.s32 $0x1A00  }
0x2a2: {  	[tilespmem:s4], [sflag:$0x2] =	stream.indirect_vreg.gather [hbm4b:s6+s5], $0x40, v0, vm0, $0xb8;
	[tilespmem:$0x9A00] =	vst v63  }
0x2a3: {  	v0 =	vld [tilespmem:$0x70];
	_ =	sdelay $0x6  }
0x2a4: {  	s4 =	simm.s32 $0x1E00  }
0x2a5: {  	[tilespmem:s4], [sflag:$0x2] =	stream.indirect_vreg.gather [hbm4b:s6+s5], $0x40, v0, vm0, $0xb8;
	[tilespmem:$0x9A00] =	vst v63  }
0x2a6: {  	v0 =	vld [tilespmem:$0x80];
	_ =	sdelay $0x6  }
0x2a7: {  	s4 =	simm.s32 $0x2200  }
0x2a8: {  	[tilespmem:s4], [sflag:$0x2] =	stream.indirect_vreg.gather [hbm4b:s6+s5], $0x40, v0, vm0, $0xb8;
	[tilespmem:$0x9A00] =	vst v63  }
0x2a9: {  	v0 =	vld [tilespmem:$0x90];
	_ =	sdelay $0x6  }
0x2aa: {  	s4 =	simm.s32 $0x2600  }
0x2ab: {  	[tilespmem:s4], [sflag:$0x2] =	stream.indirect_vreg.gather [hbm4b:s6+s5], $0x40, v0, vm0, $0xb8;
	[tilespmem:$0x9A00] =	vst v63  }
0x2ac: {  	v0 =	vld [tilespmem:$0xA0];
	_ =	sdelay $0x6  }
0x2ad: {  	s4 =	simm.s32 $0x2A00  }
0x2ae: {  	[tilespmem:s4], [sflag:$0x2] =	stream.indirect_vreg.gather [hbm4b:s6+s5], $0x40, v0, vm0, $0xb8;
	[tilespmem:$0x9A00] =	vst v63  }
0x2af: {  	v0 =	vld [tilespmem:$0xB0];
	_ =	sdelay $0x6  }
0x2b0: {  	s4 =	simm.s32 $0x2E00  }
0x2b1: {  	[tilespmem:s4], [sflag:$0x2] =	stream.indirect_vreg.gather [hbm4b:s6+s5], $0x40, v0, vm0, $0xb8;
	[tilespmem:$0x9A00] =	vst v63  }
0x2b2: {  	v0 =	vld [tilespmem:$0xC0];
	_ =	sdelay $0x6  }
0x2b3: {  	s4 =	simm.s32 $0x3200  }
0x2b4: {  	[tilespmem:s4], [sflag:$0x2] =	stream.indirect_vreg.gather [hbm4b:s6+s5], $0x40, v0, vm0, $0xb8;
	[tilespmem:$0x9A00] =	vst v63  }
0x2b5: {  	v0 =	vld [tilespmem:$0xD0];
	_ =	sdelay $0x6  }
0x2b6: {  	s4 =	simm.s32 $0x3600  }
0x2b7: {  	[tilespmem:s4], [sflag:$0x2] =	stream.indirect_vreg.gather [hbm4b:s6+s5], $0x40, v0, vm0, $0xb8;
	[tilespmem:$0x9A00] =	vst v63  }
0x2b8: {  	_ =	swait.ge [sflag:s23], $0x400  }
0x2b9: {  	[sflag:s23] =	ssyncset.done $0x0  }
0x2ba: {  	[sflag:s23] =	ssyncadd.s32 $0xFFFFFC00  }
0x2bb: {  	_ =	swait.ge [sflag:s23], $0x400  }
0x2bc: {  	[sflag:s23] =	ssyncset.done $0x0  }
0x2bd: {  	[sflag:s23] =	ssyncadd.s32 $0xFFFFFC00  }
0x2be: {  	_ =	swait.ge [sflag:s23], $0x400  }
0x2bf: {  	[sflag:s23] =	ssyncset.done $0x0  }
0x2c0: {  	[sflag:s23] =	ssyncadd.s32 $0xFFFFFC00  }
0x2c1: {  	_ =	swait.ge [sflag:s23], $0x400  }
0x2c2: {  	[sflag:s23] =	ssyncset.done $0x0  }
0x2c3: {  	[sflag:s23] =	ssyncadd.s32 $0xFFFFFC00  }
0x2c4: {  	_ =	swait.ge [sflag:s23], $0x400  }
0x2c5: {  	[sflag:s23] =	ssyncset.done $0x0  }
0x2c6: {  	[sflag:s23] =	ssyncadd.s32 $0xFFFFFC00  }
0x2c7: {  	_ =	swait.ge [sflag:s23], $0x400  }
0x2c8: {  	[sflag:s23] =	ssyncset.done $0x0  }
0x2c9: {  	[sflag:s23] =	ssyncadd.s32 $0xFFFFFC00  }
0x2ca: {  	_ =	swait.ge [sflag:s23], $0x400  }
0x2cb: {  	[sflag:s23] =	ssyncset.done $0x0  }
0x2cc: {  	[sflag:s23] =	ssyncadd.s32 $0xFFFFFC00  }
0x2cd: {  	_ =	swait.ge [sflag:s23], $0x400  }
0x2ce: {  	[sflag:s23] =	ssyncset.done $0x0  }
0x2cf: {  	[sflag:s23] =	ssyncadd.s32 $0xFFFFFC00  }
0x2d0: {  	_ =	swait.ge [sflag:s23], $0x400  }
0x2d1: {  	[sflag:s23] =	ssyncset.done $0x0  }
0x2d2: {  	[sflag:s23] =	ssyncadd.s32 $0xFFFFFC00  }
0x2d3: {  	_ =	swait.ge [sflag:s23], $0x400  }
0x2d4: {  	[sflag:s23] =	ssyncset.done $0x0  }
0x2d5: {  	[sflag:s23] =	ssyncadd.s32 $0xFFFFFC00  }
0x2d6: {  	_ =	swait.ge [sflag:s23], $0x400  }
0x2d7: {  	[sflag:s23] =	ssyncset.done $0x0  }
0x2d8: {  	[sflag:s23] =	ssyncadd.s32 $0xFFFFFC00  }
0x2d9: {  	_ =	swait.ge [sflag:s23], $0x400  }
0x2da: {  	[sflag:s23] =	ssyncset.done $0x0  }
0x2db: {  	[sflag:s23] =	ssyncadd.s32 $0xFFFFFC00  }
0x2dc: {  	_ =	swait.ge [sflag:s23], $0x400  }
0x2dd: {  	[sflag:s23] =	ssyncset.done $0x0  }
0x2de: {  	[sflag:s23] =	ssyncadd.s32 $0xFFFFFC00  }
0x2df: {  	_ =	swait.ge [sflag:s23], $0x400  }
0x2e0: {  	[sflag:s23] =	ssyncset.done $0x0  }
0x2e1: {  	s5 =	simm.s32 $0x0;
	[sflag:s23] =	ssyncadd.s32 $0xFFFFFC00  }
0x2e2: {  	v1 =	vld [tilespmem:s5+$0x4230]  }
0x2e3: {  	v2 =	vld [tilespmem:s5+$0x4200]  }
0x2e4: {  	v6 =	vimm.f32 $0.0e+00;
	v3 =	vld [tilespmem:s5+$0x4210]  }
0x2e5: {  	v7 =	vimm.f32 $0.0e+00;
	v5 =	vimm.f32 $0.0e+00;
	v0 =	vimm.f32 $0.0e+00;
	s4 =	simm.s32 $0x100;
	v4 =	vld [tilespmem:s5+$0x4220]  }
.LBB2_11:
0x2e6: {  	p1 =	sne.s32 s4, $0x3700  }
.Ltmp6:
0x2e7: {  	s5 =	sshra.s32 s4, $0x2;
	s4 =	sadd.s32 $0x100, s4;
	v0 =	vadd.f32 v1, v0;
	(pc) =	sbr.rel @p1 .LBB2_11-.Ltmp6, $4  }
0x2e8: {  	v1 =	vld [tilespmem:s5+$0x4230];
	v5 =	vadd.f32 v2, v5  }
0x2e9: {  	v2 =	vld [tilespmem:s5+$0x4200];
	v6 =	vadd.f32 v3, v6  }
0x2ea: {  	v3 =	vld [tilespmem:s5+$0x4210];
	v7 =	vadd.f32 v4, v7  }
0x2eb: {  	v4 =	vld [tilespmem:s5+$0x4220]  }
0x2ec: {  	_ = 	snop  }
0x2ed: {  	v0 =	vadd.f32 v1, v0  }
0x2ee: {  	v2 =	vadd.f32 v2, v5  }
0x2ef: {  	v3 =	vadd.f32 v3, v6;
	[tilespmem:$0x8330] =	vst v0  }
0x2f0: {  	v4 =	vadd.f32 v4, v7;
	[tilespmem:$0x8300] =	vst v2  }
0x2f1: {  	[tilespmem:$0x8310] =	vst v3  }
0x2f2: {  	s5 =	simm.s32 $0x0;
	[tilespmem:$0x8320] =	vst v4  }
0x2f3: {  	v1 =	vld [tilespmem:s5+$0x5030]  }
0x2f4: {  	v2 =	vld [tilespmem:s5+$0x5000]  }
0x2f5: {  	v5 =	vimm.f32 $0.0e+00;
	v3 =	vld [tilespmem:s5+$0x5010]  }
0x2f6: {  	s4 =	simm.s32 $0x100;
	v0 =	vimm.f32 $0.0e+00;
	v6 =	vimm.f32 $0.0e+00;
	v7 =	vimm.f32 $0.0e+00;
	v4 =	vld [tilespmem:s5+$0x5020]  }
.LBB2_13:
0x2f7: {  	p1 =	sne.s32 s4, $0x3700  }
.Ltmp7:
0x2f8: {  	s5 =	sshra.s32 s4, $0x2;
	s4 =	sadd.s32 $0x100, s4;
	v0 =	vadd.f32 v1, v0;
	(pc) =	sbr.rel @p1 .LBB2_13-.Ltmp7, $4  }
0x2f9: {  	v1 =	vld [tilespmem:s5+$0x5030];
	v5 =	vadd.f32 v2, v5  }
0x2fa: {  	v2 =	vld [tilespmem:s5+$0x5000];
	v6 =	vadd.f32 v3, v6  }
0x2fb: {  	v3 =	vld [tilespmem:s5+$0x5010];
	v7 =	vadd.f32 v4, v7  }
0x2fc: {  	v4 =	vld [tilespmem:s5+$0x5020]  }
0x2fd: {  	_ = 	snop  }
0x2fe: {  	v0 =	vadd.f32 v1, v0  }
0x2ff: {  	v2 =	vadd.f32 v2, v5  }
0x300: {  	v3 =	vadd.f32 v3, v6;
	[tilespmem:$0x8370] =	vst v0  }
0x301: {  	v4 =	vadd.f32 v4, v7;
	[tilespmem:$0x8340] =	vst v2  }
0x302: {  	[tilespmem:$0x8350] =	vst v3  }
0x303: {  	s5 =	simm.s32 $0x0;
	[tilespmem:$0x8360] =	vst v4  }
0x304: {  	v1 =	vld [tilespmem:s5+$0x5E30]  }
0x305: {  	v2 =	vld [tilespmem:s5+$0x5E00]  }
0x306: {  	v5 =	vimm.f32 $0.0e+00;
	v3 =	vld [tilespmem:s5+$0x5E10]  }
0x307: {  	s4 =	simm.s32 $0x100;
	v0 =	vimm.f32 $0.0e+00;
	v6 =	vimm.f32 $0.0e+00;
	v7 =	vimm.f32 $0.0e+00;
	v4 =	vld [tilespmem:s5+$0x5E20]  }
.LBB2_15:
0x308: {  	p1 =	sne.s32 s4, $0x3700  }
.Ltmp8:
0x309: {  	s5 =	sshra.s32 s4, $0x2;
	s4 =	sadd.s32 $0x100, s4;
	v0 =	vadd.f32 v1, v0;
	(pc) =	sbr.rel @p1 .LBB2_15-.Ltmp8, $4  }
0x30a: {  	v1 =	vld [tilespmem:s5+$0x5E30];
	v5 =	vadd.f32 v2, v5  }
0x30b: {  	v2 =	vld [tilespmem:s5+$0x5E00];
	v6 =	vadd.f32 v3, v6  }
0x30c: {  	v3 =	vld [tilespmem:s5+$0x5E10];
	v7 =	vadd.f32 v4, v7  }
0x30d: {  	v4 =	vld [tilespmem:s5+$0x5E20]  }
0x30e: {  	_ = 	snop  }
0x30f: {  	v0 =	vadd.f32 v1, v0  }
0x310: {  	v2 =	vadd.f32 v2, v5  }
0x311: {  	v3 =	vadd.f32 v3, v6;
	[tilespmem:$0x83B0] =	vst v0  }
0x312: {  	v4 =	vadd.f32 v4, v7;
	[tilespmem:$0x8380] =	vst v2  }
0x313: {  	[tilespmem:$0x8390] =	vst v3  }
0x314: {  	s5 =	simm.s32 $0x0;
	[tilespmem:$0x83A0] =	vst v4  }
0x315: {  	v1 =	vld [tilespmem:s5+$0x6C30]  }
0x316: {  	v2 =	vld [tilespmem:s5+$0x6C00]  }
0x317: {  	v5 =	vimm.f32 $0.0e+00;
	v3 =	vld [tilespmem:s5+$0x6C10]  }
0x318: {  	s4 =	simm.s32 $0x100;
	v0 =	vimm.f32 $0.0e+00;
	v6 =	vimm.f32 $0.0e+00;
	v7 =	vimm.f32 $0.0e+00;
	v4 =	vld [tilespmem:s5+$0x6C20]  }
.LBB2_17:
0x319: {  	p1 =	sne.s32 s4, $0x3700  }
.Ltmp9:
0x31a: {  	s5 =	sshra.s32 s4, $0x2;
	s4 =	sadd.s32 $0x100, s4;
	v0 =	vadd.f32 v1, v0;
	(pc) =	sbr.rel @p1 .LBB2_17-.Ltmp9, $4  }
0x31b: {  	v1 =	vld [tilespmem:s5+$0x6C30];
	v5 =	vadd.f32 v2, v5  }
0x31c: {  	v2 =	vld [tilespmem:s5+$0x6C00];
	v6 =	vadd.f32 v3, v6  }
0x31d: {  	v3 =	vld [tilespmem:s5+$0x6C10];
	v7 =	vadd.f32 v4, v7  }
0x31e: {  	v4 =	vld [tilespmem:s5+$0x6C20]  }
0x31f: {  	_ = 	snop  }
0x320: {  	v0 =	vadd.f32 v1, v0  }
0x321: {  	v2 =	vadd.f32 v2, v5  }
0x322: {  	s4 =	rddreg [dreg:$0x17];
	v3 =	vadd.f32 v3, v6;
	[tilespmem:$0x83F0] =	vst v0  }
0x323: {  	s4 =	sadd.s32 s0, s4;
	v4 =	vadd.f32 v4, v7;
	[tilespmem:$0x83C0] =	vst v2  }
0x324: {  	s4 =	sshrl.u32 s4, $0x3;
	[tilespmem:$0x83D0] =	vst v3  }
0x325: {  	s5 =	simm.s32 $0x0;
	s4 =	sadd.s32 s3, s4;
	[tilespmem:$0x83E0] =	vst v4  }
0x326: {  	[tilespmem:s8], [sflag:$0x5] =	stream.linear.gather [hbm4b:s4+s5], $0xE0, $0x38;
	[tilespmem:$0x9A00] =	vst v63  }
0x327: {  	_ =	swait.ge [sflag:s21], $0xE0  }
0x328: {  	[sflag:s21] =	ssyncset.done $0x0  }
0x329: {  	[sflag:s21] =	ssyncadd.s32 $0xFFFFFF20  }
0x32a: {  	v0 =	vld [tilespmem:$0x100];
	_ =	sdelay $0x7  }
0x32b: {  	[tilespmem:s24], [sflag:$0x3] =	stream.indirect_vreg.gather [hbm4b:s6+s5], $0x40, v0, vm0, $0xb8;
	[tilespmem:$0x9A00] =	vst v63  }
0x32c: {  	v0 =	vld [tilespmem:$0x110];
	_ =	sdelay $0x7  }
0x32d: {  	[tilespmem:s26], [sflag:$0x3] =	stream.indirect_vreg.gather [hbm4b:s6+s5], $0x40, v0, vm0, $0xb8;
	[tilespmem:$0x9A00] =	vst v63  }
0x32e: {  	v0 =	vld [tilespmem:$0x120];
	_ =	sdelay $0x7  }
0x32f: {  	[tilespmem:s28], [sflag:$0x3] =	stream.indirect_vreg.gather [hbm4b:s6+s5], $0x40, v0, vm0, $0xb8;
	[tilespmem:$0x9A00] =	vst v63  }
0x330: {  	v0 =	vld [tilespmem:$0x130];
	_ =	sdelay $0x7  }
0x331: {  	[tilespmem:s29], [sflag:$0x3] =	stream.indirect_vreg.gather [hbm4b:s6+s5], $0x40, v0, vm0, $0xb8;
	[tilespmem:$0x9A00] =	vst v63  }
0x332: {  	v0 =	vld [tilespmem:$0x140];
	_ =	sdelay $0x7  }
0x333: {  	[tilespmem:s30], [sflag:$0x3] =	stream.indirect_vreg.gather [hbm4b:s6+s5], $0x40, v0, vm0, $0xb8;
	[tilespmem:$0x9A00] =	vst v63  }
0x334: {  	v0 =	vld [tilespmem:$0x150];
	_ =	sdelay $0x7  }
0x335: {  	[tilespmem:s31], [sflag:$0x3] =	stream.indirect_vreg.gather [hbm4b:s6+s5], $0x40, v0, vm0, $0xb8;
	[tilespmem:$0x9A00] =	vst v63  }
0x336: {  	v0 =	vld [tilespmem:$0x160];
	_ =	sdelay $0x7  }
0x337: {  	[tilespmem:s11], [sflag:$0x3] =	stream.indirect_vreg.gather [hbm4b:s6+s5], $0x40, v0, vm0, $0xb8;
	[tilespmem:$0x9A00] =	vst v63  }
0x338: {  	v0 =	vld [tilespmem:$0x170];
	_ =	sdelay $0x7  }
0x339: {  	[tilespmem:s10], [sflag:$0x3] =	stream.indirect_vreg.gather [hbm4b:s6+s5], $0x40, v0, vm0, $0xb8;
	[tilespmem:$0x9A00] =	vst v63  }
0x33a: {  	v0 =	vld [tilespmem:$0x180];
	_ =	sdelay $0x7  }
0x33b: {  	[tilespmem:s15], [sflag:$0x3] =	stream.indirect_vreg.gather [hbm4b:s6+s5], $0x40, v0, vm0, $0xb8;
	[tilespmem:$0x9A00] =	vst v63  }
0x33c: {  	v0 =	vld [tilespmem:$0x190];
	_ =	sdelay $0x7  }
0x33d: {  	[tilespmem:s16], [sflag:$0x3] =	stream.indirect_vreg.gather [hbm4b:s6+s5], $0x40, v0, vm0, $0xb8;
	[tilespmem:$0x9A00] =	vst v63  }
0x33e: {  	v0 =	vld [tilespmem:$0x1A0];
	_ =	sdelay $0x7  }
0x33f: {  	[tilespmem:s18], [sflag:$0x3] =	stream.indirect_vreg.gather [hbm4b:s6+s5], $0x40, v0, vm0, $0xb8;
	[tilespmem:$0x9A00] =	vst v63  }
0x340: {  	v0 =	vld [tilespmem:$0x1B0];
	_ =	sdelay $0x7  }
0x341: {  	[tilespmem:s19], [sflag:$0x3] =	stream.indirect_vreg.gather [hbm4b:s6+s5], $0x40, v0, vm0, $0xb8;
	[tilespmem:$0x9A00] =	vst v63  }
0x342: {  	v0 =	vld [tilespmem:$0x1C0];
	_ =	sdelay $0x7  }
0x343: {  	[tilespmem:s20], [sflag:$0x3] =	stream.indirect_vreg.gather [hbm4b:s6+s5], $0x40, v0, vm0, $0xb8;
	[tilespmem:$0x9A00] =	vst v63  }
0x344: {  	v0 =	vld [tilespmem:$0x1D0];
	_ =	sdelay $0x7  }
0x345: {  	[tilespmem:s25], [sflag:$0x3] =	stream.indirect_vreg.gather [hbm4b:s6+s5], $0x40, v0, vm0, $0xb8;
	[tilespmem:$0x9A00] =	vst v63  }
0x346: {  	_ =	swait.ge [sflag:s1], $0x400  }
0x347: {  	[sflag:s1] =	ssyncset.done $0x0  }
0x348: {  	[sflag:s1] =	ssyncadd.s32 $0xFFFFFC00  }
0x349: {  	_ =	swait.ge [sflag:s1], $0x400  }
0x34a: {  	[sflag:s1] =	ssyncset.done $0x0  }
0x34b: {  	[sflag:s1] =	ssyncadd.s32 $0xFFFFFC00  }
0x34c: {  	_ =	swait.ge [sflag:s1], $0x400  }
0x34d: {  	[sflag:s1] =	ssyncset.done $0x0  }
0x34e: {  	[sflag:s1] =	ssyncadd.s32 $0xFFFFFC00  }
0x34f: {  	_ =	swait.ge [sflag:s1], $0x400  }
0x350: {  	[sflag:s1] =	ssyncset.done $0x0  }
0x351: {  	[sflag:s1] =	ssyncadd.s32 $0xFFFFFC00  }
0x352: {  	_ =	swait.ge [sflag:s1], $0x400  }
0x353: {  	[sflag:s1] =	ssyncset.done $0x0  }
0x354: {  	[sflag:s1] =	ssyncadd.s32 $0xFFFFFC00  }
0x355: {  	_ =	swait.ge [sflag:s1], $0x400  }
0x356: {  	[sflag:s1] =	ssyncset.done $0x0  }
0x357: {  	[sflag:s1] =	ssyncadd.s32 $0xFFFFFC00  }
0x358: {  	_ =	swait.ge [sflag:s1], $0x400  }
0x359: {  	[sflag:s1] =	ssyncset.done $0x0  }
0x35a: {  	[sflag:s1] =	ssyncadd.s32 $0xFFFFFC00  }
0x35b: {  	_ =	swait.ge [sflag:s1], $0x400  }
0x35c: {  	[sflag:s1] =	ssyncset.done $0x0  }
0x35d: {  	[sflag:s1] =	ssyncadd.s32 $0xFFFFFC00  }
0x35e: {  	_ =	swait.ge [sflag:s1], $0x400  }
0x35f: {  	[sflag:s1] =	ssyncset.done $0x0  }
0x360: {  	[sflag:s1] =	ssyncadd.s32 $0xFFFFFC00  }
0x361: {  	_ =	swait.ge [sflag:s1], $0x400  }
0x362: {  	[sflag:s1] =	ssyncset.done $0x0  }
0x363: {  	[sflag:s1] =	ssyncadd.s32 $0xFFFFFC00  }
0x364: {  	_ =	swait.ge [sflag:s1], $0x400  }
0x365: {  	[sflag:s1] =	ssyncset.done $0x0  }
0x366: {  	[sflag:s1] =	ssyncadd.s32 $0xFFFFFC00  }
0x367: {  	_ =	swait.ge [sflag:s1], $0x400  }
0x368: {  	[sflag:s1] =	ssyncset.done $0x0  }
0x369: {  	[sflag:s1] =	ssyncadd.s32 $0xFFFFFC00  }
0x36a: {  	_ =	swait.ge [sflag:s1], $0x400  }
0x36b: {  	[sflag:s1] =	ssyncset.done $0x0  }
0x36c: {  	[sflag:s1] =	ssyncadd.s32 $0xFFFFFC00  }
0x36d: {  	_ =	swait.ge [sflag:s1], $0x400  }
0x36e: {  	[sflag:s1] =	ssyncset.done $0x0  }
0x36f: {  	s5 =	simm.s32 $0x0;
	[sflag:s1] =	ssyncadd.s32 $0xFFFFFC00  }
0x370: {  	v1 =	vld [tilespmem:s5+$0x230]  }
0x371: {  	v2 =	vld [tilespmem:s5+$0x200]  }
0x372: {  	v5 =	vimm.f32 $0.0e+00;
	v3 =	vld [tilespmem:s5+$0x210]  }
0x373: {  	v6 =	vimm.f32 $0.0e+00;
	v7 =	vimm.f32 $0.0e+00;
	s4 =	simm.s32 $0x100;
	v0 =	vimm.f32 $0.0e+00;
	v4 =	vld [tilespmem:s5+$0x220]  }
.LBB2_19:
0x374: {  	p1 =	sne.s32 s4, $0x3700  }
.Ltmp10:
0x375: {  	s5 =	sshra.s32 s4, $0x2;
	s4 =	sadd.s32 $0x100, s4;
	v0 =	vadd.f32 v1, v0;
	(pc) =	sbr.rel @p1 .LBB2_19-.Ltmp10, $4  }
0x376: {  	v1 =	vld [tilespmem:s5+$0x230];
	v5 =	vadd.f32 v2, v5  }
0x377: {  	v2 =	vld [tilespmem:s5+$0x200];
	v6 =	vadd.f32 v3, v6  }
0x378: {  	v3 =	vld [tilespmem:s5+$0x210];
	v7 =	vadd.f32 v4, v7  }
0x379: {  	v4 =	vld [tilespmem:s5+$0x220]  }
0x37a: {  	_ = 	snop  }
0x37b: {  	v0 =	vadd.f32 v1, v0  }
0x37c: {  	v2 =	vadd.f32 v2, v5  }
0x37d: {  	v3 =	vadd.f32 v3, v6;
	[tilespmem:$0x8430] =	vst v0  }
0x37e: {  	v4 =	vadd.f32 v4, v7;
	[tilespmem:$0x8400] =	vst v2  }
0x37f: {  	[tilespmem:$0x8410] =	vst v3  }
0x380: {  	s5 =	simm.s32 $0x0;
	[tilespmem:$0x8420] =	vst v4  }
0x381: {  	v1 =	vld [tilespmem:s5+$0x1030]  }
0x382: {  	v2 =	vld [tilespmem:s5+$0x1000]  }
0x383: {  	v5 =	vimm.f32 $0.0e+00;
	v3 =	vld [tilespmem:s5+$0x1010]  }
0x384: {  	s4 =	simm.s32 $0x100;
	v0 =	vimm.f32 $0.0e+00;
	v6 =	vimm.f32 $0.0e+00;
	v7 =	vimm.f32 $0.0e+00;
	v4 =	vld [tilespmem:s5+$0x1020]  }
.LBB2_21:
0x385: {  	p1 =	sne.s32 s4, $0x3700  }
.Ltmp11:
0x386: {  	s5 =	sshra.s32 s4, $0x2;
	s4 =	sadd.s32 $0x100, s4;
	v0 =	vadd.f32 v1, v0;
	(pc) =	sbr.rel @p1 .LBB2_21-.Ltmp11, $4  }
0x387: {  	v1 =	vld [tilespmem:s5+$0x1030];
	v5 =	vadd.f32 v2, v5  }
0x388: {  	v2 =	vld [tilespmem:s5+$0x1000];
	v6 =	vadd.f32 v3, v6  }
0x389: {  	v3 =	vld [tilespmem:s5+$0x1010];
	v7 =	vadd.f32 v4, v7  }
0x38a: {  	v4 =	vld [tilespmem:s5+$0x1020]  }
0x38b: {  	_ = 	snop  }
0x38c: {  	v0 =	vadd.f32 v1, v0  }
0x38d: {  	v2 =	vadd.f32 v2, v5  }
0x38e: {  	v3 =	vadd.f32 v3, v6;
	[tilespmem:$0x8470] =	vst v0  }
0x38f: {  	v4 =	vadd.f32 v4, v7;
	[tilespmem:$0x8440] =	vst v2  }
0x390: {  	[tilespmem:$0x8450] =	vst v3  }
0x391: {  	s5 =	simm.s32 $0x0;
	[tilespmem:$0x8460] =	vst v4  }
0x392: {  	v1 =	vld [tilespmem:s5+$0x1E30]  }
0x393: {  	v2 =	vld [tilespmem:s5+$0x1E00]  }
0x394: {  	v5 =	vimm.f32 $0.0e+00;
	v3 =	vld [tilespmem:s5+$0x1E10]  }
0x395: {  	s4 =	simm.s32 $0x100;
	v0 =	vimm.f32 $0.0e+00;
	v6 =	vimm.f32 $0.0e+00;
	v7 =	vimm.f32 $0.0e+00;
	v4 =	vld [tilespmem:s5+$0x1E20]  }
.LBB2_23:
0x396: {  	p1 =	sne.s32 s4, $0x3700  }
.Ltmp12:
0x397: {  	s5 =	sshra.s32 s4, $0x2;
	s4 =	sadd.s32 $0x100, s4;
	v0 =	vadd.f32 v1, v0;
	(pc) =	sbr.rel @p1 .LBB2_23-.Ltmp12, $4  }
0x398: {  	v1 =	vld [tilespmem:s5+$0x1E30];
	v5 =	vadd.f32 v2, v5  }
0x399: {  	v2 =	vld [tilespmem:s5+$0x1E00];
	v6 =	vadd.f32 v3, v6  }
0x39a: {  	v3 =	vld [tilespmem:s5+$0x1E10];
	v7 =	vadd.f32 v4, v7  }
0x39b: {  	v4 =	vld [tilespmem:s5+$0x1E20]  }
0x39c: {  	_ = 	snop  }
0x39d: {  	v0 =	vadd.f32 v1, v0  }
0x39e: {  	v2 =	vadd.f32 v2, v5  }
0x39f: {  	v3 =	vadd.f32 v3, v6;
	[tilespmem:$0x84B0] =	vst v0  }
0x3a0: {  	v4 =	vadd.f32 v4, v7;
	[tilespmem:$0x8480] =	vst v2  }
0x3a1: {  	[tilespmem:$0x8490] =	vst v3  }
0x3a2: {  	s5 =	simm.s32 $0x0;
	[tilespmem:$0x84A0] =	vst v4  }
0x3a3: {  	v1 =	vld [tilespmem:s5+$0x2C30]  }
0x3a4: {  	v2 =	vld [tilespmem:s5+$0x2C00]  }
0x3a5: {  	v5 =	vimm.f32 $0.0e+00;
	v3 =	vld [tilespmem:s5+$0x2C10]  }
0x3a6: {  	s4 =	simm.s32 $0x100;
	v0 =	vimm.f32 $0.0e+00;
	v6 =	vimm.f32 $0.0e+00;
	v7 =	vimm.f32 $0.0e+00;
	v4 =	vld [tilespmem:s5+$0x2C20]  }
.LBB2_25:
0x3a7: {  	p1 =	sne.s32 s4, $0x3700  }
.Ltmp13:
0x3a8: {  	s5 =	sshra.s32 s4, $0x2;
	s4 =	sadd.s32 $0x100, s4;
	v0 =	vadd.f32 v1, v0;
	(pc) =	sbr.rel @p1 .LBB2_25-.Ltmp13, $4  }
0x3a9: {  	v1 =	vld [tilespmem:s5+$0x2C30];
	v7 =	vadd.f32 v2, v7  }
0x3aa: {  	v2 =	vld [tilespmem:s5+$0x2C00];
	v6 =	vadd.f32 v3, v6  }
0x3ab: {  	v3 =	vld [tilespmem:s5+$0x2C10];
	v5 =	vadd.f32 v4, v5  }
0x3ac: {  	v4 =	vld [tilespmem:s5+$0x2C20]  }
0x3ad: {  	_ = 	snop  }
0x3ae: {  	s12 =	sor.u32 $0x4, s12;
	v0 =	vadd.f32 v1, v0  }
0x3af: {  	s4 =	smul.u32 $0xE0, s12;
	v2 =	vadd.f32 v2, v7  }
0x3b0: {  	s5 =	rddreg [dreg:$0x9];
	v3 =	vadd.f32 v3, v6;
	[tilespmem:$0x84F0] =	vst v0  }
0x3b1: {  	s4 =	sadd.s32 s5, s4;
	v4 =	vadd.f32 v4, v5;
	[tilespmem:$0x84C0] =	vst v2  }
0x3b2: {  	s4 =	sshrl.u32 s4, $0x3;
	[tilespmem:$0x84D0] =	vst v3  }
0x3b3: {  	s5 =	simm.s32 $0x0;
	s4 =	sadd.s32 s3, s4;
	[tilespmem:$0x84E0] =	vst v4  }
0x3b4: {  	[tilespmem:s5], [sflag:$0x4] =	stream.linear.gather [hbm4b:s4+s5], $0xE0, $0x38;
	[tilespmem:$0x9A00] =	vst v63  }
0x3b5: {  	_ =	swait.ge [sflag:s17], $0xE0  }
0x3b6: {  	[sflag:s17] =	ssyncset.done $0x0  }
0x3b7: {  	[sflag:s17] =	ssyncadd.s32 $0xFFFFFF20  }
0x3b8: {  	v0 =	vld [tilespmem:$0x0];
	_ =	sdelay $0x7  }
0x3b9: {  	[tilespmem:s14], [sflag:$0x2] =	stream.indirect_vreg.gather [hbm4b:s6+s5], $0x40, v0, vm0, $0xb8;
	[tilespmem:$0x9A00] =	vst v63  }
0x3ba: {  	v0 =	vld [tilespmem:$0x10];
	_ =	sdelay $0x7  }
0x3bb: {  	[tilespmem:s22], [sflag:$0x2] =	stream.indirect_vreg.gather [hbm4b:s6+s5], $0x40, v0, vm0, $0xb8;
	[tilespmem:$0x9A00] =	vst v63  }
0x3bc: {  	v0 =	vld [tilespmem:$0x20];
	_ =	sdelay $0x6  }
0x3bd: {  	s4 =	simm.s32 $0xA00  }
0x3be: {  	[tilespmem:s4], [sflag:$0x2] =	stream.indirect_vreg.gather [hbm4b:s6+s5], $0x40, v0, vm0, $0xb8;
	[tilespmem:$0x9A00] =	vst v63  }
0x3bf: {  	v0 =	vld [tilespmem:$0x30];
	_ =	sdelay $0x6  }
0x3c0: {  	s4 =	simm.s32 $0xE00  }
0x3c1: {  	[tilespmem:s4], [sflag:$0x2] =	stream.indirect_vreg.gather [hbm4b:s6+s5], $0x40, v0, vm0, $0xb8;
	[tilespmem:$0x9A00] =	vst v63  }
0x3c2: {  	v0 =	vld [tilespmem:$0x40];
	_ =	sdelay $0x6  }
0x3c3: {  	s4 =	simm.s32 $0x1200  }
0x3c4: {  	[tilespmem:s4], [sflag:$0x2] =	stream.indirect_vreg.gather [hbm4b:s6+s5], $0x40, v0, vm0, $0xb8;
	[tilespmem:$0x9A00] =	vst v63  }
0x3c5: {  	v0 =	vld [tilespmem:$0x50];
	_ =	sdelay $0x6  }
0x3c6: {  	s4 =	simm.s32 $0x1600  }
0x3c7: {  	[tilespmem:s4], [sflag:$0x2] =	stream.indirect_vreg.gather [hbm4b:s6+s5], $0x40, v0, vm0, $0xb8;
	[tilespmem:$0x9A00] =	vst v63  }
0x3c8: {  	v0 =	vld [tilespmem:$0x60];
	_ =	sdelay $0x6  }
0x3c9: {  	s4 =	simm.s32 $0x1A00  }
0x3ca: {  	[tilespmem:s4], [sflag:$0x2] =	stream.indirect_vreg.gather [hbm4b:s6+s5], $0x40, v0, vm0, $0xb8;
	[tilespmem:$0x9A00] =	vst v63  }
0x3cb: {  	v0 =	vld [tilespmem:$0x70];
	_ =	sdelay $0x6  }
0x3cc: {  	s4 =	simm.s32 $0x1E00  }
0x3cd: {  	[tilespmem:s4], [sflag:$0x2] =	stream.indirect_vreg.gather [hbm4b:s6+s5], $0x40, v0, vm0, $0xb8;
	[tilespmem:$0x9A00] =	vst v63  }
0x3ce: {  	v0 =	vld [tilespmem:$0x80];
	_ =	sdelay $0x6  }
0x3cf: {  	s4 =	simm.s32 $0x2200  }
0x3d0: {  	[tilespmem:s4], [sflag:$0x2] =	stream.indirect_vreg.gather [hbm4b:s6+s5], $0x40, v0, vm0, $0xb8;
	[tilespmem:$0x9A00] =	vst v63  }
0x3d1: {  	v0 =	vld [tilespmem:$0x90];
	_ =	sdelay $0x6  }
0x3d2: {  	s4 =	simm.s32 $0x2600  }
0x3d3: {  	[tilespmem:s4], [sflag:$0x2] =	stream.indirect_vreg.gather [hbm4b:s6+s5], $0x40, v0, vm0, $0xb8;
	[tilespmem:$0x9A00] =	vst v63  }
0x3d4: {  	v0 =	vld [tilespmem:$0xA0];
	_ =	sdelay $0x6  }
0x3d5: {  	s4 =	simm.s32 $0x2A00  }
0x3d6: {  	[tilespmem:s4], [sflag:$0x2] =	stream.indirect_vreg.gather [hbm4b:s6+s5], $0x40, v0, vm0, $0xb8;
	[tilespmem:$0x9A00] =	vst v63  }
0x3d7: {  	v0 =	vld [tilespmem:$0xB0];
	_ =	sdelay $0x6  }
0x3d8: {  	s4 =	simm.s32 $0x2E00  }
0x3d9: {  	[tilespmem:s4], [sflag:$0x2] =	stream.indirect_vreg.gather [hbm4b:s6+s5], $0x40, v0, vm0, $0xb8;
	[tilespmem:$0x9A00] =	vst v63  }
0x3da: {  	v0 =	vld [tilespmem:$0xC0];
	_ =	sdelay $0x6  }
0x3db: {  	s4 =	simm.s32 $0x3200  }
0x3dc: {  	[tilespmem:s4], [sflag:$0x2] =	stream.indirect_vreg.gather [hbm4b:s6+s5], $0x40, v0, vm0, $0xb8;
	[tilespmem:$0x9A00] =	vst v63  }
0x3dd: {  	v0 =	vld [tilespmem:$0xD0];
	_ =	sdelay $0x6  }
0x3de: {  	s4 =	simm.s32 $0x3600  }
0x3df: {  	[tilespmem:s4], [sflag:$0x2] =	stream.indirect_vreg.gather [hbm4b:s6+s5], $0x40, v0, vm0, $0xb8;
	[tilespmem:$0x9A00] =	vst v63  }
0x3e0: {  	_ =	swait.ge [sflag:s23], $0x400  }
0x3e1: {  	[sflag:s23] =	ssyncset.done $0x0  }
0x3e2: {  	[sflag:s23] =	ssyncadd.s32 $0xFFFFFC00  }
0x3e3: {  	_ =	swait.ge [sflag:s23], $0x400  }
0x3e4: {  	[sflag:s23] =	ssyncset.done $0x0  }
0x3e5: {  	[sflag:s23] =	ssyncadd.s32 $0xFFFFFC00  }
0x3e6: {  	_ =	swait.ge [sflag:s23], $0x400  }
0x3e7: {  	[sflag:s23] =	ssyncset.done $0x0  }
0x3e8: {  	[sflag:s23] =	ssyncadd.s32 $0xFFFFFC00  }
0x3e9: {  	_ =	swait.ge [sflag:s23], $0x400  }
0x3ea: {  	[sflag:s23] =	ssyncset.done $0x0  }
0x3eb: {  	[sflag:s23] =	ssyncadd.s32 $0xFFFFFC00  }
0x3ec: {  	_ =	swait.ge [sflag:s23], $0x400  }
0x3ed: {  	[sflag:s23] =	ssyncset.done $0x0  }
0x3ee: {  	[sflag:s23] =	ssyncadd.s32 $0xFFFFFC00  }
0x3ef: {  	_ =	swait.ge [sflag:s23], $0x400  }
0x3f0: {  	[sflag:s23] =	ssyncset.done $0x0  }
0x3f1: {  	[sflag:s23] =	ssyncadd.s32 $0xFFFFFC00  }
0x3f2: {  	_ =	swait.ge [sflag:s23], $0x400  }
0x3f3: {  	[sflag:s23] =	ssyncset.done $0x0  }
0x3f4: {  	[sflag:s23] =	ssyncadd.s32 $0xFFFFFC00  }
0x3f5: {  	_ =	swait.ge [sflag:s23], $0x400  }
0x3f6: {  	[sflag:s23] =	ssyncset.done $0x0  }
0x3f7: {  	[sflag:s23] =	ssyncadd.s32 $0xFFFFFC00  }
0x3f8: {  	_ =	swait.ge [sflag:s23], $0x400  }
0x3f9: {  	[sflag:s23] =	ssyncset.done $0x0  }
0x3fa: {  	[sflag:s23] =	ssyncadd.s32 $0xFFFFFC00  }
0x3fb: {  	_ =	swait.ge [sflag:s23], $0x400  }
0x3fc: {  	[sflag:s23] =	ssyncset.done $0x0  }
0x3fd: {  	[sflag:s23] =	ssyncadd.s32 $0xFFFFFC00  }
0x3fe: {  	_ =	swait.ge [sflag:s23], $0x400  }
0x3ff: {  	[sflag:s23] =	ssyncset.done $0x0  }
0x400: {  	[sflag:s23] =	ssyncadd.s32 $0xFFFFFC00  }
0x401: {  	_ =	swait.ge [sflag:s23], $0x400  }
0x402: {  	[sflag:s23] =	ssyncset.done $0x0  }
0x403: {  	[sflag:s23] =	ssyncadd.s32 $0xFFFFFC00  }
0x404: {  	_ =	swait.ge [sflag:s23], $0x400  }
0x405: {  	[sflag:s23] =	ssyncset.done $0x0  }
0x406: {  	[sflag:s23] =	ssyncadd.s32 $0xFFFFFC00  }
0x407: {  	_ =	swait.ge [sflag:s23], $0x400  }
0x408: {  	[sflag:s23] =	ssyncset.done $0x0  }
0x409: {  	s5 =	simm.s32 $0x0;
	[sflag:s23] =	ssyncadd.s32 $0xFFFFFC00  }
0x40a: {  	v1 =	vld [tilespmem:s5+$0x4230]  }
0x40b: {  	v2 =	vld [tilespmem:s5+$0x4200]  }
0x40c: {  	v7 =	vimm.f32 $0.0e+00;
	v3 =	vld [tilespmem:s5+$0x4210]  }
0x40d: {  	v6 =	vimm.f32 $0.0e+00;
	v5 =	vimm.f32 $0.0e+00;
	v0 =	vimm.f32 $0.0e+00;
	s4 =	simm.s32 $0x100;
	v4 =	vld [tilespmem:s5+$0x4220]  }
.LBB2_27:
0x40e: {  	p1 =	sne.s32 s4, $0x3700  }
.Ltmp14:
0x40f: {  	s5 =	sshra.s32 s4, $0x2;
	s4 =	sadd.s32 $0x100, s4;
	v0 =	vadd.f32 v1, v0;
	(pc) =	sbr.rel @p1 .LBB2_27-.Ltmp14, $4  }
0x410: {  	v1 =	vld [tilespmem:s5+$0x4230];
	v5 =	vadd.f32 v2, v5  }
0x411: {  	v2 =	vld [tilespmem:s5+$0x4200];
	v6 =	vadd.f32 v3, v6  }
0x412: {  	v3 =	vld [tilespmem:s5+$0x4210];
	v7 =	vadd.f32 v4, v7  }
0x413: {  	v4 =	vld [tilespmem:s5+$0x4220]  }
0x414: {  	_ = 	snop  }
0x415: {  	v0 =	vadd.f32 v1, v0  }
0x416: {  	v2 =	vadd.f32 v2, v5  }
0x417: {  	v3 =	vadd.f32 v3, v6;
	[tilespmem:$0x8530] =	vst v0  }
0x418: {  	v4 =	vadd.f32 v4, v7;
	[tilespmem:$0x8500] =	vst v2  }
0x419: {  	[tilespmem:$0x8510] =	vst v3  }
0x41a: {  	s5 =	simm.s32 $0x0;
	[tilespmem:$0x8520] =	vst v4  }
0x41b: {  	v1 =	vld [tilespmem:s5+$0x5030]  }
0x41c: {  	v2 =	vld [tilespmem:s5+$0x5000]  }
0x41d: {  	v5 =	vimm.f32 $0.0e+00;
	v3 =	vld [tilespmem:s5+$0x5010]  }
0x41e: {  	s4 =	simm.s32 $0x100;
	v0 =	vimm.f32 $0.0e+00;
	v6 =	vimm.f32 $0.0e+00;
	v7 =	vimm.f32 $0.0e+00;
	v4 =	vld [tilespmem:s5+$0x5020]  }
.LBB2_29:
0x41f: {  	p1 =	sne.s32 s4, $0x3700  }
.Ltmp15:
0x420: {  	s5 =	sshra.s32 s4, $0x2;
	s4 =	sadd.s32 $0x100, s4;
	v0 =	vadd.f32 v1, v0;
	(pc) =	sbr.rel @p1 .LBB2_29-.Ltmp15, $4  }
0x421: {  	v1 =	vld [tilespmem:s5+$0x5030];
	v5 =	vadd.f32 v2, v5  }
0x422: {  	v2 =	vld [tilespmem:s5+$0x5000];
	v6 =	vadd.f32 v3, v6  }
0x423: {  	v3 =	vld [tilespmem:s5+$0x5010];
	v7 =	vadd.f32 v4, v7  }
0x424: {  	v4 =	vld [tilespmem:s5+$0x5020]  }
0x425: {  	_ = 	snop  }
0x426: {  	v0 =	vadd.f32 v1, v0  }
0x427: {  	v2 =	vadd.f32 v2, v5  }
0x428: {  	v3 =	vadd.f32 v3, v6;
	[tilespmem:$0x8570] =	vst v0  }
0x429: {  	v4 =	vadd.f32 v4, v7;
	[tilespmem:$0x8540] =	vst v2  }
0x42a: {  	[tilespmem:$0x8550] =	vst v3  }
0x42b: {  	s5 =	simm.s32 $0x0;
	[tilespmem:$0x8560] =	vst v4  }
0x42c: {  	v1 =	vld [tilespmem:s5+$0x5E30]  }
0x42d: {  	v2 =	vld [tilespmem:s5+$0x5E00]  }
0x42e: {  	v5 =	vimm.f32 $0.0e+00;
	v3 =	vld [tilespmem:s5+$0x5E10]  }
0x42f: {  	s4 =	simm.s32 $0x100;
	v0 =	vimm.f32 $0.0e+00;
	v6 =	vimm.f32 $0.0e+00;
	v7 =	vimm.f32 $0.0e+00;
	v4 =	vld [tilespmem:s5+$0x5E20]  }
.LBB2_31:
0x430: {  	p1 =	sne.s32 s4, $0x3700  }
.Ltmp16:
0x431: {  	s5 =	sshra.s32 s4, $0x2;
	s4 =	sadd.s32 $0x100, s4;
	v0 =	vadd.f32 v1, v0;
	(pc) =	sbr.rel @p1 .LBB2_31-.Ltmp16, $4  }
0x432: {  	v1 =	vld [tilespmem:s5+$0x5E30];
	v5 =	vadd.f32 v2, v5  }
0x433: {  	v2 =	vld [tilespmem:s5+$0x5E00];
	v6 =	vadd.f32 v3, v6  }
0x434: {  	v3 =	vld [tilespmem:s5+$0x5E10];
	v7 =	vadd.f32 v4, v7  }
0x435: {  	v4 =	vld [tilespmem:s5+$0x5E20]  }
0x436: {  	_ = 	snop  }
0x437: {  	v0 =	vadd.f32 v1, v0  }
0x438: {  	v2 =	vadd.f32 v2, v5  }
0x439: {  	v3 =	vadd.f32 v3, v6;
	[tilespmem:$0x85B0] =	vst v0  }
0x43a: {  	v4 =	vadd.f32 v4, v7;
	[tilespmem:$0x8580] =	vst v2  }
0x43b: {  	[tilespmem:$0x8590] =	vst v3  }
0x43c: {  	s5 =	simm.s32 $0x0;
	[tilespmem:$0x85A0] =	vst v4  }
0x43d: {  	v1 =	vld [tilespmem:s5+$0x6C30]  }
0x43e: {  	v2 =	vld [tilespmem:s5+$0x6C00]  }
0x43f: {  	v5 =	vimm.f32 $0.0e+00;
	v3 =	vld [tilespmem:s5+$0x6C10]  }
0x440: {  	s4 =	simm.s32 $0x100;
	v0 =	vimm.f32 $0.0e+00;
	v6 =	vimm.f32 $0.0e+00;
	v7 =	vimm.f32 $0.0e+00;
	v4 =	vld [tilespmem:s5+$0x6C20]  }
.LBB2_33:
0x441: {  	p1 =	sne.s32 s4, $0x3700  }
.Ltmp17:
0x442: {  	s5 =	sshra.s32 s4, $0x2;
	s4 =	sadd.s32 $0x100, s4;
	v0 =	vadd.f32 v1, v0;
	(pc) =	sbr.rel @p1 .LBB2_33-.Ltmp17, $4  }
0x443: {  	v1 =	vld [tilespmem:s5+$0x6C30];
	v5 =	vadd.f32 v2, v5  }
0x444: {  	v2 =	vld [tilespmem:s5+$0x6C00];
	v6 =	vadd.f32 v3, v6  }
0x445: {  	v3 =	vld [tilespmem:s5+$0x6C10];
	v7 =	vadd.f32 v4, v7  }
0x446: {  	v4 =	vld [tilespmem:s5+$0x6C20]  }
0x447: {  	_ = 	snop  }
0x448: {  	v0 =	vadd.f32 v1, v0  }
0x449: {  	v2 =	vadd.f32 v2, v5  }
0x44a: {  	s5 =	sld [smem:$0x7FD];
	v3 =	vadd.f32 v3, v6;
	[tilespmem:$0x85F0] =	vst v0  }
0x44b: {  	v4 =	vadd.f32 v4, v7;
	[tilespmem:$0x85C0] =	vst v2  }
0x44c: {  	s4 =	sshll.u32 s13, $0x8;
	[tilespmem:$0x85D0] =	vst v3  }
0x44d: {  	s4 =	sadd.s32 s4, s5;
	s5 =	simm.s32 $0x8200;
	[tilespmem:$0x85E0] =	vst v4  }
0x44e: {  	[hbm4b:s4+s2] =	stream.linear.scatter [tilespmem:s5], [sflag:$0x6], $0x400, $0x38;
	[tilespmem:$0x9A00] =	vst v63  }
0x44f: {  	s5 =	rddreg [dreg:$0x18]  }
0x450: {  	s4 =	sadd.s32 s0, s5  }
0x451: {  	s4 =	sshrl.u32 s4, $0x3  }
0x452: {  	s4 =	sadd.s32 s3, s4  }
0x453: {  	[tilespmem:s8], [sflag:$0x5] =	stream.linear.gather [hbm4b:s4+s2], $0xE0, $0x38;
	[tilespmem:$0x9A00] =	vst v63  }
0x454: {  	_ =	swait.ge [sflag:s21], $0xE0  }
0x455: {  	[sflag:s21] =	ssyncset.done $0x0  }
0x456: {  	[sflag:s21] =	ssyncadd.s32 $0xFFFFFF20  }
0x457: {  	v0 =	vld [tilespmem:$0x100];
	_ =	sdelay $0x7  }
0x458: {  	[tilespmem:s24], [sflag:$0x3] =	stream.indirect_vreg.gather [hbm4b:s6+s2], $0x40, v0, vm0, $0xb8;
	[tilespmem:$0x9A00] =	vst v63  }
0x459: {  	v0 =	vld [tilespmem:$0x110];
	_ =	sdelay $0x7  }
0x45a: {  	[tilespmem:s26], [sflag:$0x3] =	stream.indirect_vreg.gather [hbm4b:s6+s2], $0x40, v0, vm0, $0xb8;
	[tilespmem:$0x9A00] =	vst v63  }
0x45b: {  	v0 =	vld [tilespmem:$0x120];
	_ =	sdelay $0x7  }
0x45c: {  	[tilespmem:s28], [sflag:$0x3] =	stream.indirect_vreg.gather [hbm4b:s6+s2], $0x40, v0, vm0, $0xb8;
	[tilespmem:$0x9A00] =	vst v63  }
0x45d: {  	v0 =	vld [tilespmem:$0x130];
	_ =	sdelay $0x7  }
0x45e: {  	[tilespmem:s29], [sflag:$0x3] =	stream.indirect_vreg.gather [hbm4b:s6+s2], $0x40, v0, vm0, $0xb8;
	[tilespmem:$0x9A00] =	vst v63  }
0x45f: {  	v0 =	vld [tilespmem:$0x140];
	_ =	sdelay $0x7  }
0x460: {  	[tilespmem:s30], [sflag:$0x3] =	stream.indirect_vreg.gather [hbm4b:s6+s2], $0x40, v0, vm0, $0xb8;
	[tilespmem:$0x9A00] =	vst v63  }
0x461: {  	v0 =	vld [tilespmem:$0x150];
	_ =	sdelay $0x7  }
0x462: {  	[tilespmem:s31], [sflag:$0x3] =	stream.indirect_vreg.gather [hbm4b:s6+s2], $0x40, v0, vm0, $0xb8;
	[tilespmem:$0x9A00] =	vst v63  }
0x463: {  	v0 =	vld [tilespmem:$0x160];
	_ =	sdelay $0x7  }
0x464: {  	[tilespmem:s11], [sflag:$0x3] =	stream.indirect_vreg.gather [hbm4b:s6+s2], $0x40, v0, vm0, $0xb8;
	[tilespmem:$0x9A00] =	vst v63  }
0x465: {  	v0 =	vld [tilespmem:$0x170];
	_ =	sdelay $0x7  }
0x466: {  	[tilespmem:s10], [sflag:$0x3] =	stream.indirect_vreg.gather [hbm4b:s6+s2], $0x40, v0, vm0, $0xb8;
	[tilespmem:$0x9A00] =	vst v63  }
0x467: {  	v0 =	vld [tilespmem:$0x180];
	_ =	sdelay $0x7  }
0x468: {  	[tilespmem:s15], [sflag:$0x3] =	stream.indirect_vreg.gather [hbm4b:s6+s2], $0x40, v0, vm0, $0xb8;
	[tilespmem:$0x9A00] =	vst v63  }
0x469: {  	v0 =	vld [tilespmem:$0x190];
	_ =	sdelay $0x7  }
0x46a: {  	[tilespmem:s16], [sflag:$0x3] =	stream.indirect_vreg.gather [hbm4b:s6+s2], $0x40, v0, vm0, $0xb8;
	[tilespmem:$0x9A00] =	vst v63  }
0x46b: {  	v0 =	vld [tilespmem:$0x1A0];
	_ =	sdelay $0x7  }
0x46c: {  	[tilespmem:s18], [sflag:$0x3] =	stream.indirect_vreg.gather [hbm4b:s6+s2], $0x40, v0, vm0, $0xb8;
	[tilespmem:$0x9A00] =	vst v63  }
0x46d: {  	v0 =	vld [tilespmem:$0x1B0];
	_ =	sdelay $0x7  }
0x46e: {  	[tilespmem:s19], [sflag:$0x3] =	stream.indirect_vreg.gather [hbm4b:s6+s2], $0x40, v0, vm0, $0xb8;
	[tilespmem:$0x9A00] =	vst v63  }
0x46f: {  	v0 =	vld [tilespmem:$0x1C0];
	_ =	sdelay $0x7  }
0x470: {  	[tilespmem:s20], [sflag:$0x3] =	stream.indirect_vreg.gather [hbm4b:s6+s2], $0x40, v0, vm0, $0xb8;
	[tilespmem:$0x9A00] =	vst v63  }
0x471: {  	v0 =	vld [tilespmem:$0x1D0];
	_ =	sdelay $0x7  }
0x472: {  	[tilespmem:s25], [sflag:$0x3] =	stream.indirect_vreg.gather [hbm4b:s6+s2], $0x40, v0, vm0, $0xb8;
	[tilespmem:$0x9A00] =	vst v63  }
0x473: {  	_ =	swait.ge [sflag:s1], $0x400  }
0x474: {  	[sflag:s1] =	ssyncset.done $0x0  }
0x475: {  	[sflag:s1] =	ssyncadd.s32 $0xFFFFFC00  }
0x476: {  	_ =	swait.ge [sflag:s1], $0x400  }
0x477: {  	[sflag:s1] =	ssyncset.done $0x0  }
0x478: {  	[sflag:s1] =	ssyncadd.s32 $0xFFFFFC00  }
0x479: {  	_ =	swait.ge [sflag:s1], $0x400  }
0x47a: {  	[sflag:s1] =	ssyncset.done $0x0  }
0x47b: {  	[sflag:s1] =	ssyncadd.s32 $0xFFFFFC00  }
0x47c: {  	_ =	swait.ge [sflag:s1], $0x400  }
0x47d: {  	[sflag:s1] =	ssyncset.done $0x0  }
0x47e: {  	[sflag:s1] =	ssyncadd.s32 $0xFFFFFC00  }
0x47f: {  	_ =	swait.ge [sflag:s1], $0x400  }
0x480: {  	[sflag:s1] =	ssyncset.done $0x0  }
0x481: {  	[sflag:s1] =	ssyncadd.s32 $0xFFFFFC00  }
0x482: {  	_ =	swait.ge [sflag:s1], $0x400  }
0x483: {  	[sflag:s1] =	ssyncset.done $0x0  }
0x484: {  	[sflag:s1] =	ssyncadd.s32 $0xFFFFFC00  }
0x485: {  	_ =	swait.ge [sflag:s1], $0x400  }
0x486: {  	[sflag:s1] =	ssyncset.done $0x0  }
0x487: {  	[sflag:s1] =	ssyncadd.s32 $0xFFFFFC00  }
0x488: {  	_ =	swait.ge [sflag:s1], $0x400  }
0x489: {  	[sflag:s1] =	ssyncset.done $0x0  }
0x48a: {  	[sflag:s1] =	ssyncadd.s32 $0xFFFFFC00  }
0x48b: {  	_ =	swait.ge [sflag:s1], $0x400  }
0x48c: {  	[sflag:s1] =	ssyncset.done $0x0  }
0x48d: {  	[sflag:s1] =	ssyncadd.s32 $0xFFFFFC00  }
0x48e: {  	_ =	swait.ge [sflag:s1], $0x400  }
0x48f: {  	[sflag:s1] =	ssyncset.done $0x0  }
0x490: {  	[sflag:s1] =	ssyncadd.s32 $0xFFFFFC00  }
0x491: {  	_ =	swait.ge [sflag:s1], $0x400  }
0x492: {  	[sflag:s1] =	ssyncset.done $0x0  }
0x493: {  	[sflag:s1] =	ssyncadd.s32 $0xFFFFFC00  }
0x494: {  	_ =	swait.ge [sflag:s1], $0x400  }
0x495: {  	[sflag:s1] =	ssyncset.done $0x0  }
0x496: {  	[sflag:s1] =	ssyncadd.s32 $0xFFFFFC00  }
0x497: {  	_ =	swait.ge [sflag:s1], $0x400  }
0x498: {  	[sflag:s1] =	ssyncset.done $0x0  }
0x499: {  	[sflag:s1] =	ssyncadd.s32 $0xFFFFFC00  }
0x49a: {  	_ =	swait.ge [sflag:s1], $0x400  }
0x49b: {  	[sflag:s1] =	ssyncset.done $0x0  }
0x49c: {  	s4 =	simm.s32 @!p0 $0x7;
	[sflag:s1] =	ssyncadd.s32 $0xFFFFFC00  }
0x49d: {  	_ =	swait.ge @!p0 [sflag:s4], $0x400  }
0x49e: {  	[sflag:s4] =	ssyncset.done @!p0 $0x0  }
0x49f: {  	s5 =	simm.s32 $0x0;
	[sflag:s4] =	ssyncadd.s32 @!p0 $0xFFFFFC00  }
0x4a0: {  	v1 =	vld [tilespmem:s5+$0x230]  }
0x4a1: {  	v2 =	vld [tilespmem:s5+$0x200]  }
0x4a2: {  	v5 =	vimm.f32 $0.0e+00;
	v3 =	vld [tilespmem:s5+$0x210]  }
0x4a3: {  	v6 =	vimm.f32 $0.0e+00;
	v7 =	vimm.f32 $0.0e+00;
	v0 =	vimm.f32 $0.0e+00;
	s4 =	simm.s32 $0x100;
	v4 =	vld [tilespmem:s5+$0x220]  }
.LBB2_35:
0x4a4: {  	p0 =	sne.s32 s4, $0x3700  }
.Ltmp18:
0x4a5: {  	s5 =	sshra.s32 s4, $0x2;
	s4 =	sadd.s32 $0x100, s4;
	v0 =	vadd.f32 v1, v0;
	(pc) =	sbr.rel @p0 .LBB2_35-.Ltmp18, $4  }
0x4a6: {  	v1 =	vld [tilespmem:s5+$0x230];
	v5 =	vadd.f32 v2, v5  }
0x4a7: {  	v2 =	vld [tilespmem:s5+$0x200];
	v6 =	vadd.f32 v3, v6  }
0x4a8: {  	v3 =	vld [tilespmem:s5+$0x210];
	v7 =	vadd.f32 v4, v7  }
0x4a9: {  	v4 =	vld [tilespmem:s5+$0x220]  }
0x4aa: {  	_ = 	snop  }
0x4ab: {  	v0 =	vadd.f32 v1, v0  }
0x4ac: {  	v2 =	vadd.f32 v2, v5  }
0x4ad: {  	v3 =	vadd.f32 v3, v6;
	[tilespmem:$0x8630] =	vst v0  }
0x4ae: {  	v4 =	vadd.f32 v4, v7;
	[tilespmem:$0x8600] =	vst v2  }
0x4af: {  	[tilespmem:$0x8610] =	vst v3  }
0x4b0: {  	s5 =	simm.s32 $0x0;
	[tilespmem:$0x8620] =	vst v4  }
0x4b1: {  	v1 =	vld [tilespmem:s5+$0x1030]  }
0x4b2: {  	v2 =	vld [tilespmem:s5+$0x1000]  }
0x4b3: {  	v5 =	vimm.f32 $0.0e+00;
	v3 =	vld [tilespmem:s5+$0x1010]  }
0x4b4: {  	s4 =	simm.s32 $0x100;
	v0 =	vimm.f32 $0.0e+00;
	v6 =	vimm.f32 $0.0e+00;
	v7 =	vimm.f32 $0.0e+00;
	v4 =	vld [tilespmem:s5+$0x1020]  }
.LBB2_37:
0x4b5: {  	p0 =	sne.s32 s4, $0x3700  }
.Ltmp19:
0x4b6: {  	s5 =	sshra.s32 s4, $0x2;
	s4 =	sadd.s32 $0x100, s4;
	v0 =	vadd.f32 v1, v0;
	(pc) =	sbr.rel @p0 .LBB2_37-.Ltmp19, $4  }
0x4b7: {  	v1 =	vld [tilespmem:s5+$0x1030];
	v5 =	vadd.f32 v2, v5  }
0x4b8: {  	v2 =	vld [tilespmem:s5+$0x1000];
	v6 =	vadd.f32 v3, v6  }
0x4b9: {  	v3 =	vld [tilespmem:s5+$0x1010];
	v7 =	vadd.f32 v4, v7  }
0x4ba: {  	v4 =	vld [tilespmem:s5+$0x1020]  }
0x4bb: {  	_ = 	snop  }
0x4bc: {  	v0 =	vadd.f32 v1, v0  }
0x4bd: {  	v2 =	vadd.f32 v2, v5  }
0x4be: {  	v3 =	vadd.f32 v3, v6;
	[tilespmem:$0x8670] =	vst v0  }
0x4bf: {  	v4 =	vadd.f32 v4, v7;
	[tilespmem:$0x8640] =	vst v2  }
0x4c0: {  	[tilespmem:$0x8650] =	vst v3  }
0x4c1: {  	s5 =	simm.s32 $0x0;
	[tilespmem:$0x8660] =	vst v4  }
0x4c2: {  	v1 =	vld [tilespmem:s5+$0x1E30]  }
0x4c3: {  	v2 =	vld [tilespmem:s5+$0x1E00]  }
0x4c4: {  	v5 =	vimm.f32 $0.0e+00;
	v3 =	vld [tilespmem:s5+$0x1E10]  }
0x4c5: {  	s4 =	simm.s32 $0x100;
	v0 =	vimm.f32 $0.0e+00;
	v6 =	vimm.f32 $0.0e+00;
	v7 =	vimm.f32 $0.0e+00;
	v4 =	vld [tilespmem:s5+$0x1E20]  }
.LBB2_39:
0x4c6: {  	p0 =	sne.s32 s4, $0x3700  }
.Ltmp20:
0x4c7: {  	s5 =	sshra.s32 s4, $0x2;
	s4 =	sadd.s32 $0x100, s4;
	v0 =	vadd.f32 v1, v0;
	(pc) =	sbr.rel @p0 .LBB2_39-.Ltmp20, $4  }
0x4c8: {  	v1 =	vld [tilespmem:s5+$0x1E30];
	v5 =	vadd.f32 v2, v5  }
0x4c9: {  	v2 =	vld [tilespmem:s5+$0x1E00];
	v6 =	vadd.f32 v3, v6  }
0x4ca: {  	v3 =	vld [tilespmem:s5+$0x1E10];
	v7 =	vadd.f32 v4, v7  }
0x4cb: {  	v4 =	vld [tilespmem:s5+$0x1E20]  }
0x4cc: {  	_ = 	snop  }
0x4cd: {  	v0 =	vadd.f32 v1, v0  }
0x4ce: {  	v2 =	vadd.f32 v2, v5  }
0x4cf: {  	v3 =	vadd.f32 v3, v6;
	[tilespmem:$0x86B0] =	vst v0  }
0x4d0: {  	v4 =	vadd.f32 v4, v7;
	[tilespmem:$0x8680] =	vst v2  }
0x4d1: {  	[tilespmem:$0x8690] =	vst v3  }
0x4d2: {  	s5 =	simm.s32 $0x0;
	[tilespmem:$0x86A0] =	vst v4  }
0x4d3: {  	v1 =	vld [tilespmem:s5+$0x2C30]  }
0x4d4: {  	v2 =	vld [tilespmem:s5+$0x2C00]  }
0x4d5: {  	v5 =	vimm.f32 $0.0e+00;
	v3 =	vld [tilespmem:s5+$0x2C10]  }
0x4d6: {  	s4 =	simm.s32 $0x100;
	v0 =	vimm.f32 $0.0e+00;
	v6 =	vimm.f32 $0.0e+00;
	v7 =	vimm.f32 $0.0e+00;
	v4 =	vld [tilespmem:s5+$0x2C20]  }
.LBB2_41:
0x4d7: {  	p0 =	sne.s32 s4, $0x3700  }
.Ltmp21:
0x4d8: {  	s5 =	sshra.s32 s4, $0x2;
	s4 =	sadd.s32 $0x100, s4;
	v0 =	vadd.f32 v1, v0;
	(pc) =	sbr.rel @p0 .LBB2_41-.Ltmp21, $4  }
0x4d9: {  	v1 =	vld [tilespmem:s5+$0x2C30];
	v5 =	vadd.f32 v2, v5  }
0x4da: {  	v2 =	vld [tilespmem:s5+$0x2C00];
	v6 =	vadd.f32 v3, v6  }
0x4db: {  	v3 =	vld [tilespmem:s5+$0x2C10];
	v7 =	vadd.f32 v4, v7  }
0x4dc: {  	v4 =	vld [tilespmem:s5+$0x2C20]  }
0x4dd: {  	_ = 	snop  }
0x4de: {  	v0 =	vadd.f32 v1, v0  }
0x4df: {  	v2 =	vadd.f32 v2, v5  }
0x4e0: {  	s4 =	rddreg [dreg:$0x19];
	v3 =	vadd.f32 v3, v6;
	[tilespmem:$0x86F0] =	vst v0  }
0x4e1: {  	s4 =	sadd.s32 s0, s4;
	v4 =	vadd.f32 v4, v7;
	[tilespmem:$0x86C0] =	vst v2  }
0x4e2: {  	s4 =	sshrl.u32 s4, $0x3;
	[tilespmem:$0x86D0] =	vst v3  }
0x4e3: {  	s5 =	simm.s32 $0x0;
	s4 =	sadd.s32 s3, s4;
	[tilespmem:$0x86E0] =	vst v4  }
0x4e4: {  	[tilespmem:s5], [sflag:$0x4] =	stream.linear.gather [hbm4b:s4+s5], $0xE0, $0x38;
	[tilespmem:$0x9A00] =	vst v63  }
0x4e5: {  	_ =	swait.ge [sflag:s17], $0xE0  }
0x4e6: {  	[sflag:s17] =	ssyncset.done $0x0  }
0x4e7: {  	[sflag:s17] =	ssyncadd.s32 $0xFFFFFF20  }
0x4e8: {  	v0 =	vld [tilespmem:$0x0];
	_ =	sdelay $0x7  }
0x4e9: {  	[tilespmem:s14], [sflag:$0x2] =	stream.indirect_vreg.gather [hbm4b:s6+s5], $0x40, v0, vm0, $0xb8;
	[tilespmem:$0x9A00] =	vst v63  }
0x4ea: {  	v0 =	vld [tilespmem:$0x10];
	_ =	sdelay $0x7  }
0x4eb: {  	[tilespmem:s22], [sflag:$0x2] =	stream.indirect_vreg.gather [hbm4b:s6+s5], $0x40, v0, vm0, $0xb8;
	[tilespmem:$0x9A00] =	vst v63  }
0x4ec: {  	v0 =	vld [tilespmem:$0x20];
	_ =	sdelay $0x6  }
0x4ed: {  	s4 =	simm.s32 $0xA00  }
0x4ee: {  	[tilespmem:s4], [sflag:$0x2] =	stream.indirect_vreg.gather [hbm4b:s6+s5], $0x40, v0, vm0, $0xb8;
	[tilespmem:$0x9A00] =	vst v63  }
0x4ef: {  	v0 =	vld [tilespmem:$0x30];
	_ =	sdelay $0x6  }
0x4f0: {  	s4 =	simm.s32 $0xE00  }
0x4f1: {  	[tilespmem:s4], [sflag:$0x2] =	stream.indirect_vreg.gather [hbm4b:s6+s5], $0x40, v0, vm0, $0xb8;
	[tilespmem:$0x9A00] =	vst v63  }
0x4f2: {  	v0 =	vld [tilespmem:$0x40];
	_ =	sdelay $0x6  }
0x4f3: {  	s4 =	simm.s32 $0x1200  }
0x4f4: {  	[tilespmem:s4], [sflag:$0x2] =	stream.indirect_vreg.gather [hbm4b:s6+s5], $0x40, v0, vm0, $0xb8;
	[tilespmem:$0x9A00] =	vst v63  }
0x4f5: {  	v0 =	vld [tilespmem:$0x50];
	_ =	sdelay $0x6  }
0x4f6: {  	s4 =	simm.s32 $0x1600  }
0x4f7: {  	[tilespmem:s4], [sflag:$0x2] =	stream.indirect_vreg.gather [hbm4b:s6+s5], $0x40, v0, vm0, $0xb8;
	[tilespmem:$0x9A00] =	vst v63  }
0x4f8: {  	v0 =	vld [tilespmem:$0x60];
	_ =	sdelay $0x6  }
0x4f9: {  	s4 =	simm.s32 $0x1A00  }
0x4fa: {  	[tilespmem:s4], [sflag:$0x2] =	stream.indirect_vreg.gather [hbm4b:s6+s5], $0x40, v0, vm0, $0xb8;
	[tilespmem:$0x9A00] =	vst v63  }
0x4fb: {  	v0 =	vld [tilespmem:$0x70];
	_ =	sdelay $0x6  }
0x4fc: {  	s4 =	simm.s32 $0x1E00  }
0x4fd: {  	[tilespmem:s4], [sflag:$0x2] =	stream.indirect_vreg.gather [hbm4b:s6+s5], $0x40, v0, vm0, $0xb8;
	[tilespmem:$0x9A00] =	vst v63  }
0x4fe: {  	v0 =	vld [tilespmem:$0x80];
	_ =	sdelay $0x6  }
0x4ff: {  	s4 =	simm.s32 $0x2200  }
0x500: {  	[tilespmem:s4], [sflag:$0x2] =	stream.indirect_vreg.gather [hbm4b:s6+s5], $0x40, v0, vm0, $0xb8;
	[tilespmem:$0x9A00] =	vst v63  }
0x501: {  	v0 =	vld [tilespmem:$0x90];
	_ =	sdelay $0x6  }
0x502: {  	s4 =	simm.s32 $0x2600  }
0x503: {  	[tilespmem:s4], [sflag:$0x2] =	stream.indirect_vreg.gather [hbm4b:s6+s5], $0x40, v0, vm0, $0xb8;
	[tilespmem:$0x9A00] =	vst v63  }
0x504: {  	v0 =	vld [tilespmem:$0xA0];
	_ =	sdelay $0x6  }
0x505: {  	s4 =	simm.s32 $0x2A00  }
0x506: {  	[tilespmem:s4], [sflag:$0x2] =	stream.indirect_vreg.gather [hbm4b:s6+s5], $0x40, v0, vm0, $0xb8;
	[tilespmem:$0x9A00] =	vst v63  }
0x507: {  	v0 =	vld [tilespmem:$0xB0];
	_ =	sdelay $0x6  }
0x508: {  	s4 =	simm.s32 $0x2E00  }
0x509: {  	[tilespmem:s4], [sflag:$0x2] =	stream.indirect_vreg.gather [hbm4b:s6+s5], $0x40, v0, vm0, $0xb8;
	[tilespmem:$0x9A00] =	vst v63  }
0x50a: {  	v0 =	vld [tilespmem:$0xC0];
	_ =	sdelay $0x6  }
0x50b: {  	s4 =	simm.s32 $0x3200  }
0x50c: {  	[tilespmem:s4], [sflag:$0x2] =	stream.indirect_vreg.gather [hbm4b:s6+s5], $0x40, v0, vm0, $0xb8;
	[tilespmem:$0x9A00] =	vst v63  }
0x50d: {  	v0 =	vld [tilespmem:$0xD0];
	_ =	sdelay $0x6  }
0x50e: {  	s4 =	simm.s32 $0x3600  }
0x50f: {  	[tilespmem:s4], [sflag:$0x2] =	stream.indirect_vreg.gather [hbm4b:s6+s5], $0x40, v0, vm0, $0xb8;
	[tilespmem:$0x9A00] =	vst v63  }
0x510: {  	_ =	swait.ge [sflag:s23], $0x400  }
0x511: {  	[sflag:s23] =	ssyncset.done $0x0  }
0x512: {  	[sflag:s23] =	ssyncadd.s32 $0xFFFFFC00  }
0x513: {  	_ =	swait.ge [sflag:s23], $0x400  }
0x514: {  	[sflag:s23] =	ssyncset.done $0x0  }
0x515: {  	[sflag:s23] =	ssyncadd.s32 $0xFFFFFC00  }
0x516: {  	_ =	swait.ge [sflag:s23], $0x400  }
0x517: {  	[sflag:s23] =	ssyncset.done $0x0  }
0x518: {  	[sflag:s23] =	ssyncadd.s32 $0xFFFFFC00  }
0x519: {  	_ =	swait.ge [sflag:s23], $0x400  }
0x51a: {  	[sflag:s23] =	ssyncset.done $0x0  }
0x51b: {  	[sflag:s23] =	ssyncadd.s32 $0xFFFFFC00  }
0x51c: {  	_ =	swait.ge [sflag:s23], $0x400  }
0x51d: {  	[sflag:s23] =	ssyncset.done $0x0  }
0x51e: {  	[sflag:s23] =	ssyncadd.s32 $0xFFFFFC00  }
0x51f: {  	_ =	swait.ge [sflag:s23], $0x400  }
0x520: {  	[sflag:s23] =	ssyncset.done $0x0  }
0x521: {  	[sflag:s23] =	ssyncadd.s32 $0xFFFFFC00  }
0x522: {  	_ =	swait.ge [sflag:s23], $0x400  }
0x523: {  	[sflag:s23] =	ssyncset.done $0x0  }
0x524: {  	[sflag:s23] =	ssyncadd.s32 $0xFFFFFC00  }
0x525: {  	_ =	swait.ge [sflag:s23], $0x400  }
0x526: {  	[sflag:s23] =	ssyncset.done $0x0  }
0x527: {  	[sflag:s23] =	ssyncadd.s32 $0xFFFFFC00  }
0x528: {  	_ =	swait.ge [sflag:s23], $0x400  }
0x529: {  	[sflag:s23] =	ssyncset.done $0x0  }
0x52a: {  	[sflag:s23] =	ssyncadd.s32 $0xFFFFFC00  }
0x52b: {  	_ =	swait.ge [sflag:s23], $0x400  }
0x52c: {  	[sflag:s23] =	ssyncset.done $0x0  }
0x52d: {  	[sflag:s23] =	ssyncadd.s32 $0xFFFFFC00  }
0x52e: {  	_ =	swait.ge [sflag:s23], $0x400  }
0x52f: {  	[sflag:s23] =	ssyncset.done $0x0  }
0x530: {  	[sflag:s23] =	ssyncadd.s32 $0xFFFFFC00  }
0x531: {  	_ =	swait.ge [sflag:s23], $0x400  }
0x532: {  	[sflag:s23] =	ssyncset.done $0x0  }
0x533: {  	[sflag:s23] =	ssyncadd.s32 $0xFFFFFC00  }
0x534: {  	_ =	swait.ge [sflag:s23], $0x400  }
0x535: {  	[sflag:s23] =	ssyncset.done $0x0  }
0x536: {  	[sflag:s23] =	ssyncadd.s32 $0xFFFFFC00  }
0x537: {  	_ =	swait.ge [sflag:s23], $0x400  }
0x538: {  	[sflag:s23] =	ssyncset.done $0x0  }
0x539: {  	s5 =	simm.s32 $0x0;
	[sflag:s23] =	ssyncadd.s32 $0xFFFFFC00  }
0x53a: {  	v1 =	vld [tilespmem:s5+$0x4230]  }
0x53b: {  	v2 =	vld [tilespmem:s5+$0x4200]  }
0x53c: {  	v5 =	vimm.f32 $0.0e+00;
	v3 =	vld [tilespmem:s5+$0x4210]  }
0x53d: {  	v6 =	vimm.f32 $0.0e+00;
	v7 =	vimm.f32 $0.0e+00;
	v0 =	vimm.f32 $0.0e+00;
	s4 =	simm.s32 $0x100;
	v4 =	vld [tilespmem:s5+$0x4220]  }
.LBB2_43:
0x53e: {  	p0 =	sne.s32 s4, $0x3700  }
.Ltmp22:
0x53f: {  	s5 =	sshra.s32 s4, $0x2;
	s4 =	sadd.s32 $0x100, s4;
	v0 =	vadd.f32 v1, v0;
	(pc) =	sbr.rel @p0 .LBB2_43-.Ltmp22, $4  }
0x540: {  	v1 =	vld [tilespmem:s5+$0x4230];
	v5 =	vadd.f32 v2, v5  }
0x541: {  	v2 =	vld [tilespmem:s5+$0x4200];
	v6 =	vadd.f32 v3, v6  }
0x542: {  	v3 =	vld [tilespmem:s5+$0x4210];
	v7 =	vadd.f32 v4, v7  }
0x543: {  	v4 =	vld [tilespmem:s5+$0x4220]  }
0x544: {  	_ = 	snop  }
0x545: {  	v0 =	vadd.f32 v1, v0  }
0x546: {  	v2 =	vadd.f32 v2, v5  }
0x547: {  	v3 =	vadd.f32 v3, v6;
	[tilespmem:$0x8730] =	vst v0  }
0x548: {  	v4 =	vadd.f32 v4, v7;
	[tilespmem:$0x8700] =	vst v2  }
0x549: {  	[tilespmem:$0x8710] =	vst v3  }
0x54a: {  	s5 =	simm.s32 $0x0;
	[tilespmem:$0x8720] =	vst v4  }
0x54b: {  	v1 =	vld [tilespmem:s5+$0x5030]  }
0x54c: {  	v2 =	vld [tilespmem:s5+$0x5000]  }
0x54d: {  	v5 =	vimm.f32 $0.0e+00;
	v3 =	vld [tilespmem:s5+$0x5010]  }
0x54e: {  	s4 =	simm.s32 $0x100;
	v0 =	vimm.f32 $0.0e+00;
	v6 =	vimm.f32 $0.0e+00;
	v7 =	vimm.f32 $0.0e+00;
	v4 =	vld [tilespmem:s5+$0x5020]  }
.LBB2_45:
0x54f: {  	p0 =	sne.s32 s4, $0x3700  }
.Ltmp23:
0x550: {  	s5 =	sshra.s32 s4, $0x2;
	s4 =	sadd.s32 $0x100, s4;
	v0 =	vadd.f32 v1, v0;
	(pc) =	sbr.rel @p0 .LBB2_45-.Ltmp23, $4  }
0x551: {  	v1 =	vld [tilespmem:s5+$0x5030];
	v5 =	vadd.f32 v2, v5  }
0x552: {  	v2 =	vld [tilespmem:s5+$0x5000];
	v6 =	vadd.f32 v3, v6  }
0x553: {  	v3 =	vld [tilespmem:s5+$0x5010];
	v7 =	vadd.f32 v4, v7  }
0x554: {  	v4 =	vld [tilespmem:s5+$0x5020]  }
0x555: {  	_ = 	snop  }
0x556: {  	v0 =	vadd.f32 v1, v0  }
0x557: {  	v2 =	vadd.f32 v2, v5  }
0x558: {  	v3 =	vadd.f32 v3, v6;
	[tilespmem:$0x8770] =	vst v0  }
0x559: {  	v4 =	vadd.f32 v4, v7;
	[tilespmem:$0x8740] =	vst v2  }
0x55a: {  	[tilespmem:$0x8750] =	vst v3  }
0x55b: {  	s5 =	simm.s32 $0x0;
	[tilespmem:$0x8760] =	vst v4  }
0x55c: {  	v1 =	vld [tilespmem:s5+$0x5E30]  }
0x55d: {  	v2 =	vld [tilespmem:s5+$0x5E00]  }
0x55e: {  	v5 =	vimm.f32 $0.0e+00;
	v3 =	vld [tilespmem:s5+$0x5E10]  }
0x55f: {  	s4 =	simm.s32 $0x100;
	v0 =	vimm.f32 $0.0e+00;
	v6 =	vimm.f32 $0.0e+00;
	v7 =	vimm.f32 $0.0e+00;
	v4 =	vld [tilespmem:s5+$0x5E20]  }
.LBB2_47:
0x560: {  	p0 =	sne.s32 s4, $0x3700  }
.Ltmp24:
0x561: {  	s5 =	sshra.s32 s4, $0x2;
	s4 =	sadd.s32 $0x100, s4;
	v0 =	vadd.f32 v1, v0;
	(pc) =	sbr.rel @p0 .LBB2_47-.Ltmp24, $4  }
0x562: {  	v1 =	vld [tilespmem:s5+$0x5E30];
	v5 =	vadd.f32 v2, v5  }
0x563: {  	v2 =	vld [tilespmem:s5+$0x5E00];
	v6 =	vadd.f32 v3, v6  }
0x564: {  	v3 =	vld [tilespmem:s5+$0x5E10];
	v7 =	vadd.f32 v4, v7  }
0x565: {  	v4 =	vld [tilespmem:s5+$0x5E20]  }
0x566: {  	_ = 	snop  }
0x567: {  	v0 =	vadd.f32 v1, v0  }
0x568: {  	v2 =	vadd.f32 v2, v5  }
0x569: {  	v3 =	vadd.f32 v3, v6;
	[tilespmem:$0x87B0] =	vst v0  }
0x56a: {  	v4 =	vadd.f32 v4, v7;
	[tilespmem:$0x8780] =	vst v2  }
0x56b: {  	[tilespmem:$0x8790] =	vst v3  }
0x56c: {  	s5 =	simm.s32 $0x0;
	[tilespmem:$0x87A0] =	vst v4  }
0x56d: {  	v1 =	vld [tilespmem:s5+$0x6C30]  }
0x56e: {  	v2 =	vld [tilespmem:s5+$0x6C00]  }
0x56f: {  	v5 =	vimm.f32 $0.0e+00;
	v3 =	vld [tilespmem:s5+$0x6C10]  }
0x570: {  	s4 =	simm.s32 $0x100;
	v0 =	vimm.f32 $0.0e+00;
	v6 =	vimm.f32 $0.0e+00;
	v7 =	vimm.f32 $0.0e+00;
	v4 =	vld [tilespmem:s5+$0x6C20]  }
.LBB2_49:
0x571: {  	p0 =	sne.s32 s4, $0x3700  }
.Ltmp25:
0x572: {  	s5 =	sshra.s32 s4, $0x2;
	s4 =	sadd.s32 $0x100, s4;
	v0 =	vadd.f32 v1, v0;
	(pc) =	sbr.rel @p0 .LBB2_49-.Ltmp25, $4  }
0x573: {  	v1 =	vld [tilespmem:s5+$0x6C30];
	v5 =	vadd.f32 v2, v5  }
0x574: {  	v2 =	vld [tilespmem:s5+$0x6C00];
	v6 =	vadd.f32 v3, v6  }
0x575: {  	v3 =	vld [tilespmem:s5+$0x6C10];
	v7 =	vadd.f32 v4, v7  }
0x576: {  	v4 =	vld [tilespmem:s5+$0x6C20]  }
0x577: {  	_ = 	snop  }
0x578: {  	v0 =	vadd.f32 v1, v0  }
0x579: {  	v2 =	vadd.f32 v2, v5  }
0x57a: {  	s4 =	rddreg [dreg:$0x1a];
	v3 =	vadd.f32 v3, v6;
	[tilespmem:$0x87F0] =	vst v0  }
0x57b: {  	s4 =	sadd.s32 s0, s4;
	v4 =	vadd.f32 v4, v7;
	[tilespmem:$0x87C0] =	vst v2  }
0x57c: {  	s4 =	sshrl.u32 s4, $0x3;
	[tilespmem:$0x87D0] =	vst v3  }
0x57d: {  	s5 =	simm.s32 $0x0;
	s4 =	sadd.s32 s3, s4;
	[tilespmem:$0x87E0] =	vst v4  }
0x57e: {  	[tilespmem:s8], [sflag:$0x5] =	stream.linear.gather [hbm4b:s4+s5], $0xE0, $0x38;
	[tilespmem:$0x9A00] =	vst v63  }
0x57f: {  	_ =	swait.ge [sflag:s21], $0xE0  }
0x580: {  	[sflag:s21] =	ssyncset.done $0x0  }
0x581: {  	[sflag:s21] =	ssyncadd.s32 $0xFFFFFF20  }
0x582: {  	v0 =	vld [tilespmem:$0x100];
	_ =	sdelay $0x7  }
0x583: {  	[tilespmem:s24], [sflag:$0x3] =	stream.indirect_vreg.gather [hbm4b:s6+s5], $0x40, v0, vm0, $0xb8;
	[tilespmem:$0x9A00] =	vst v63  }
0x584: {  	v0 =	vld [tilespmem:$0x110];
	_ =	sdelay $0x7  }
0x585: {  	[tilespmem:s26], [sflag:$0x3] =	stream.indirect_vreg.gather [hbm4b:s6+s5], $0x40, v0, vm0, $0xb8;
	[tilespmem:$0x9A00] =	vst v63  }
0x586: {  	v0 =	vld [tilespmem:$0x120];
	_ =	sdelay $0x7  }
0x587: {  	[tilespmem:s28], [sflag:$0x3] =	stream.indirect_vreg.gather [hbm4b:s6+s5], $0x40, v0, vm0, $0xb8;
	[tilespmem:$0x9A00] =	vst v63  }
0x588: {  	v0 =	vld [tilespmem:$0x130];
	_ =	sdelay $0x7  }
0x589: {  	[tilespmem:s29], [sflag:$0x3] =	stream.indirect_vreg.gather [hbm4b:s6+s5], $0x40, v0, vm0, $0xb8;
	[tilespmem:$0x9A00] =	vst v63  }
0x58a: {  	v0 =	vld [tilespmem:$0x140];
	_ =	sdelay $0x7  }
0x58b: {  	[tilespmem:s30], [sflag:$0x3] =	stream.indirect_vreg.gather [hbm4b:s6+s5], $0x40, v0, vm0, $0xb8;
	[tilespmem:$0x9A00] =	vst v63  }
0x58c: {  	v0 =	vld [tilespmem:$0x150];
	_ =	sdelay $0x7  }
0x58d: {  	[tilespmem:s31], [sflag:$0x3] =	stream.indirect_vreg.gather [hbm4b:s6+s5], $0x40, v0, vm0, $0xb8;
	[tilespmem:$0x9A00] =	vst v63  }
0x58e: {  	v0 =	vld [tilespmem:$0x160];
	_ =	sdelay $0x7  }
0x58f: {  	[tilespmem:s11], [sflag:$0x3] =	stream.indirect_vreg.gather [hbm4b:s6+s5], $0x40, v0, vm0, $0xb8;
	[tilespmem:$0x9A00] =	vst v63  }
0x590: {  	v0 =	vld [tilespmem:$0x170];
	_ =	sdelay $0x7  }
0x591: {  	[tilespmem:s10], [sflag:$0x3] =	stream.indirect_vreg.gather [hbm4b:s6+s5], $0x40, v0, vm0, $0xb8;
	[tilespmem:$0x9A00] =	vst v63  }
0x592: {  	v0 =	vld [tilespmem:$0x180];
	_ =	sdelay $0x7  }
0x593: {  	[tilespmem:s15], [sflag:$0x3] =	stream.indirect_vreg.gather [hbm4b:s6+s5], $0x40, v0, vm0, $0xb8;
	[tilespmem:$0x9A00] =	vst v63  }
0x594: {  	v0 =	vld [tilespmem:$0x190];
	_ =	sdelay $0x7  }
0x595: {  	[tilespmem:s16], [sflag:$0x3] =	stream.indirect_vreg.gather [hbm4b:s6+s5], $0x40, v0, vm0, $0xb8;
	[tilespmem:$0x9A00] =	vst v63  }
0x596: {  	v0 =	vld [tilespmem:$0x1A0];
	_ =	sdelay $0x7  }
0x597: {  	[tilespmem:s18], [sflag:$0x3] =	stream.indirect_vreg.gather [hbm4b:s6+s5], $0x40, v0, vm0, $0xb8;
	[tilespmem:$0x9A00] =	vst v63  }
0x598: {  	v0 =	vld [tilespmem:$0x1B0];
	_ =	sdelay $0x7  }
0x599: {  	[tilespmem:s19], [sflag:$0x3] =	stream.indirect_vreg.gather [hbm4b:s6+s5], $0x40, v0, vm0, $0xb8;
	[tilespmem:$0x9A00] =	vst v63  }
0x59a: {  	v0 =	vld [tilespmem:$0x1C0];
	_ =	sdelay $0x7  }
0x59b: {  	[tilespmem:s20], [sflag:$0x3] =	stream.indirect_vreg.gather [hbm4b:s6+s5], $0x40, v0, vm0, $0xb8;
	[tilespmem:$0x9A00] =	vst v63  }
0x59c: {  	v0 =	vld [tilespmem:$0x1D0];
	_ =	sdelay $0x7  }
0x59d: {  	[tilespmem:s25], [sflag:$0x3] =	stream.indirect_vreg.gather [hbm4b:s6+s5], $0x40, v0, vm0, $0xb8;
	[tilespmem:$0x9A00] =	vst v63  }
0x59e: {  	_ =	swait.ge [sflag:s1], $0x400  }
0x59f: {  	[sflag:s1] =	ssyncset.done $0x0  }
0x5a0: {  	[sflag:s1] =	ssyncadd.s32 $0xFFFFFC00  }
0x5a1: {  	_ =	swait.ge [sflag:s1], $0x400  }
0x5a2: {  	[sflag:s1] =	ssyncset.done $0x0  }
0x5a3: {  	[sflag:s1] =	ssyncadd.s32 $0xFFFFFC00  }
0x5a4: {  	_ =	swait.ge [sflag:s1], $0x400  }
0x5a5: {  	[sflag:s1] =	ssyncset.done $0x0  }
0x5a6: {  	[sflag:s1] =	ssyncadd.s32 $0xFFFFFC00  }
0x5a7: {  	_ =	swait.ge [sflag:s1], $0x400  }
0x5a8: {  	[sflag:s1] =	ssyncset.done $0x0  }
0x5a9: {  	[sflag:s1] =	ssyncadd.s32 $0xFFFFFC00  }
0x5aa: {  	_ =	swait.ge [sflag:s1], $0x400  }
0x5ab: {  	[sflag:s1] =	ssyncset.done $0x0  }
0x5ac: {  	[sflag:s1] =	ssyncadd.s32 $0xFFFFFC00  }
0x5ad: {  	_ =	swait.ge [sflag:s1], $0x400  }
0x5ae: {  	[sflag:s1] =	ssyncset.done $0x0  }
0x5af: {  	[sflag:s1] =	ssyncadd.s32 $0xFFFFFC00  }
0x5b0: {  	_ =	swait.ge [sflag:s1], $0x400  }
0x5b1: {  	[sflag:s1] =	ssyncset.done $0x0  }
0x5b2: {  	[sflag:s1] =	ssyncadd.s32 $0xFFFFFC00  }
0x5b3: {  	_ =	swait.ge [sflag:s1], $0x400  }
0x5b4: {  	[sflag:s1] =	ssyncset.done $0x0  }
0x5b5: {  	[sflag:s1] =	ssyncadd.s32 $0xFFFFFC00  }
0x5b6: {  	_ =	swait.ge [sflag:s1], $0x400  }
0x5b7: {  	[sflag:s1] =	ssyncset.done $0x0  }
0x5b8: {  	[sflag:s1] =	ssyncadd.s32 $0xFFFFFC00  }
0x5b9: {  	_ =	swait.ge [sflag:s1], $0x400  }
0x5ba: {  	[sflag:s1] =	ssyncset.done $0x0  }
0x5bb: {  	[sflag:s1] =	ssyncadd.s32 $0xFFFFFC00  }
0x5bc: {  	_ =	swait.ge [sflag:s1], $0x400  }
0x5bd: {  	[sflag:s1] =	ssyncset.done $0x0  }
0x5be: {  	[sflag:s1] =	ssyncadd.s32 $0xFFFFFC00  }
0x5bf: {  	_ =	swait.ge [sflag:s1], $0x400  }
0x5c0: {  	[sflag:s1] =	ssyncset.done $0x0  }
0x5c1: {  	[sflag:s1] =	ssyncadd.s32 $0xFFFFFC00  }
0x5c2: {  	_ =	swait.ge [sflag:s1], $0x400  }
0x5c3: {  	[sflag:s1] =	ssyncset.done $0x0  }
0x5c4: {  	[sflag:s1] =	ssyncadd.s32 $0xFFFFFC00  }
0x5c5: {  	_ =	swait.ge [sflag:s1], $0x400  }
0x5c6: {  	[sflag:s1] =	ssyncset.done $0x0  }
0x5c7: {  	s5 =	simm.s32 $0x0;
	[sflag:s1] =	ssyncadd.s32 $0xFFFFFC00  }
0x5c8: {  	v1 =	vld [tilespmem:s5+$0x230]  }
0x5c9: {  	v2 =	vld [tilespmem:s5+$0x200]  }
0x5ca: {  	v5 =	vimm.f32 $0.0e+00;
	v3 =	vld [tilespmem:s5+$0x210]  }
0x5cb: {  	v6 =	vimm.f32 $0.0e+00;
	v7 =	vimm.f32 $0.0e+00;
	s4 =	simm.s32 $0x100;
	v0 =	vimm.f32 $0.0e+00;
	v4 =	vld [tilespmem:s5+$0x220]  }
.LBB2_51:
0x5cc: {  	p0 =	sne.s32 s4, $0x3700  }
.Ltmp26:
0x5cd: {  	s5 =	sshra.s32 s4, $0x2;
	s4 =	sadd.s32 $0x100, s4;
	v0 =	vadd.f32 v1, v0;
	(pc) =	sbr.rel @p0 .LBB2_51-.Ltmp26, $4  }
0x5ce: {  	v1 =	vld [tilespmem:s5+$0x230];
	v5 =	vadd.f32 v2, v5  }
0x5cf: {  	v2 =	vld [tilespmem:s5+$0x200];
	v6 =	vadd.f32 v3, v6  }
0x5d0: {  	v3 =	vld [tilespmem:s5+$0x210];
	v7 =	vadd.f32 v4, v7  }
0x5d1: {  	v4 =	vld [tilespmem:s5+$0x220]  }
0x5d2: {  	_ = 	snop  }
0x5d3: {  	v0 =	vadd.f32 v1, v0  }
0x5d4: {  	v2 =	vadd.f32 v2, v5  }
0x5d5: {  	v3 =	vadd.f32 v3, v6;
	[tilespmem:$0x8830] =	vst v0  }
0x5d6: {  	v4 =	vadd.f32 v4, v7;
	[tilespmem:$0x8800] =	vst v2  }
0x5d7: {  	[tilespmem:$0x8810] =	vst v3  }
0x5d8: {  	s5 =	simm.s32 $0x0;
	[tilespmem:$0x8820] =	vst v4  }
0x5d9: {  	v1 =	vld [tilespmem:s5+$0x1030]  }
0x5da: {  	v2 =	vld [tilespmem:s5+$0x1000]  }
0x5db: {  	v5 =	vimm.f32 $0.0e+00;
	v3 =	vld [tilespmem:s5+$0x1010]  }
0x5dc: {  	s4 =	simm.s32 $0x100;
	v0 =	vimm.f32 $0.0e+00;
	v6 =	vimm.f32 $0.0e+00;
	v7 =	vimm.f32 $0.0e+00;
	v4 =	vld [tilespmem:s5+$0x1020]  }
.LBB2_53:
0x5dd: {  	p0 =	sne.s32 s4, $0x3700  }
.Ltmp27:
0x5de: {  	s5 =	sshra.s32 s4, $0x2;
	s4 =	sadd.s32 $0x100, s4;
	v0 =	vadd.f32 v1, v0;
	(pc) =	sbr.rel @p0 .LBB2_53-.Ltmp27, $4  }
0x5df: {  	v1 =	vld [tilespmem:s5+$0x1030];
	v5 =	vadd.f32 v2, v5  }
0x5e0: {  	v2 =	vld [tilespmem:s5+$0x1000];
	v6 =	vadd.f32 v3, v6  }
0x5e1: {  	v3 =	vld [tilespmem:s5+$0x1010];
	v7 =	vadd.f32 v4, v7  }
0x5e2: {  	v4 =	vld [tilespmem:s5+$0x1020]  }
0x5e3: {  	_ = 	snop  }
0x5e4: {  	v0 =	vadd.f32 v1, v0  }
0x5e5: {  	v2 =	vadd.f32 v2, v5  }
0x5e6: {  	v3 =	vadd.f32 v3, v6;
	[tilespmem:$0x8870] =	vst v0  }
0x5e7: {  	v4 =	vadd.f32 v4, v7;
	[tilespmem:$0x8840] =	vst v2  }
0x5e8: {  	[tilespmem:$0x8850] =	vst v3  }
0x5e9: {  	s5 =	simm.s32 $0x0;
	[tilespmem:$0x8860] =	vst v4  }
0x5ea: {  	v1 =	vld [tilespmem:s5+$0x1E30]  }
0x5eb: {  	v2 =	vld [tilespmem:s5+$0x1E00]  }
0x5ec: {  	v5 =	vimm.f32 $0.0e+00;
	v3 =	vld [tilespmem:s5+$0x1E10]  }
0x5ed: {  	s4 =	simm.s32 $0x100;
	v0 =	vimm.f32 $0.0e+00;
	v6 =	vimm.f32 $0.0e+00;
	v7 =	vimm.f32 $0.0e+00;
	v4 =	vld [tilespmem:s5+$0x1E20]  }
.LBB2_55:
0x5ee: {  	p0 =	sne.s32 s4, $0x3700  }
.Ltmp28:
0x5ef: {  	s5 =	sshra.s32 s4, $0x2;
	s4 =	sadd.s32 $0x100, s4;
	v0 =	vadd.f32 v1, v0;
	(pc) =	sbr.rel @p0 .LBB2_55-.Ltmp28, $4  }
0x5f0: {  	v1 =	vld [tilespmem:s5+$0x1E30];
	v5 =	vadd.f32 v2, v5  }
0x5f1: {  	v2 =	vld [tilespmem:s5+$0x1E00];
	v6 =	vadd.f32 v3, v6  }
0x5f2: {  	v3 =	vld [tilespmem:s5+$0x1E10];
	v7 =	vadd.f32 v4, v7  }
0x5f3: {  	v4 =	vld [tilespmem:s5+$0x1E20]  }
0x5f4: {  	_ = 	snop  }
0x5f5: {  	v0 =	vadd.f32 v1, v0  }
0x5f6: {  	v2 =	vadd.f32 v2, v5  }
0x5f7: {  	v3 =	vadd.f32 v3, v6;
	[tilespmem:$0x88B0] =	vst v0  }
0x5f8: {  	v4 =	vadd.f32 v4, v7;
	[tilespmem:$0x8880] =	vst v2  }
0x5f9: {  	[tilespmem:$0x8890] =	vst v3  }
0x5fa: {  	s5 =	simm.s32 $0x0;
	[tilespmem:$0x88A0] =	vst v4  }
0x5fb: {  	v1 =	vld [tilespmem:s5+$0x2C30]  }
0x5fc: {  	v2 =	vld [tilespmem:s5+$0x2C00]  }
0x5fd: {  	v5 =	vimm.f32 $0.0e+00;
	v3 =	vld [tilespmem:s5+$0x2C10]  }
0x5fe: {  	s4 =	simm.s32 $0x100;
	v0 =	vimm.f32 $0.0e+00;
	v6 =	vimm.f32 $0.0e+00;
	v7 =	vimm.f32 $0.0e+00;
	v4 =	vld [tilespmem:s5+$0x2C20]  }
.LBB2_57:
0x5ff: {  	p0 =	sne.s32 s4, $0x3700  }
.Ltmp29:
0x600: {  	s5 =	sshra.s32 s4, $0x2;
	s4 =	sadd.s32 $0x100, s4;
	v0 =	vadd.f32 v1, v0;
	(pc) =	sbr.rel @p0 .LBB2_57-.Ltmp29, $4  }
0x601: {  	v1 =	vld [tilespmem:s5+$0x2C30];
	v5 =	vadd.f32 v2, v5  }
0x602: {  	v2 =	vld [tilespmem:s5+$0x2C00];
	v6 =	vadd.f32 v3, v6  }
0x603: {  	v3 =	vld [tilespmem:s5+$0x2C10];
	v7 =	vadd.f32 v4, v7  }
0x604: {  	v4 =	vld [tilespmem:s5+$0x2C20]  }
0x605: {  	_ = 	snop  }
0x606: {  	v0 =	vadd.f32 v1, v0  }
0x607: {  	v2 =	vadd.f32 v2, v5  }
0x608: {  	p0 =	seq.s32 s13, $0xF;
	s4 =	rddreg [dreg:$0x1b];
	v3 =	vadd.f32 v3, v6;
	[tilespmem:$0x88F0] =	vst v0  }
0x609: {  	s4 =	sadd.s32 @!p0 s0, s4;
	v4 =	vadd.f32 v4, v7;
	[tilespmem:$0x88C0] =	vst v2  }
0x60a: {  	s4 =	sshrl.u32 @!p0 s4, $0x3;
	[tilespmem:$0x88D0] =	vst v3  }
0x60b: {  	s5 =	simm.s32 @!p0 $0x0;
	s4 =	sadd.s32 @!p0 s3, s4;
	[tilespmem:$0x88E0] =	vst v4  }
0x60c: {  	[tilespmem:s5], [sflag:$0x4] =	stream.linear.gather @!p0 [hbm4b:s4+s5], $0xE0, $0x38;
	[tilespmem:$0x9A00] =	vst v63  }
0x60d: {  	s4 =	simm.s32 @!p0 $0x4  }
0x60e: {  	_ =	swait.ge @!p0 [sflag:s4], $0xE0  }
0x60f: {  	[sflag:s4] =	ssyncset.done @!p0 $0x0  }
0x610: {  	[sflag:s4] =	ssyncadd.s32 @!p0 $0xFFFFFF20  }
0x611: {  	v0 =	vld @!p0 [tilespmem:$0x0];
	_ =	sdelay $0x6  }
0x612: {  	vm1 =	vmmov @!p0 $0xffff;
	s4 =	simm.s32 @!p0 $0x200  }
0x613: {  	[tilespmem:s4], [sflag:$0x2] =	stream.indirect_vreg.gather @!p0 [hbm4b:s6+s5], $0x40, v0, vm1, $0xb8;
	[tilespmem:$0x9A00] =	vst v63  }
0x614: {  	v0 =	vld @!p0 [tilespmem:$0x10];
	_ =	sdelay $0x6  }
0x615: {  	s4 =	simm.s32 @!p0 $0x600  }
0x616: {  	[tilespmem:s4], [sflag:$0x2] =	stream.indirect_vreg.gather @!p0 [hbm4b:s6+s5], $0x40, v0, vm1, $0xb8;
	[tilespmem:$0x9A00] =	vst v63  }
0x617: {  	v0 =	vld @!p0 [tilespmem:$0x20];
	_ =	sdelay $0x6  }
0x618: {  	s4 =	simm.s32 @!p0 $0xA00  }
0x619: {  	[tilespmem:s4], [sflag:$0x2] =	stream.indirect_vreg.gather @!p0 [hbm4b:s6+s5], $0x40, v0, vm1, $0xb8;
	[tilespmem:$0x9A00] =	vst v63  }
0x61a: {  	v0 =	vld @!p0 [tilespmem:$0x30];
	_ =	sdelay $0x6  }
0x61b: {  	s4 =	simm.s32 @!p0 $0xE00  }
0x61c: {  	[tilespmem:s4], [sflag:$0x2] =	stream.indirect_vreg.gather @!p0 [hbm4b:s6+s5], $0x40, v0, vm1, $0xb8;
	[tilespmem:$0x9A00] =	vst v63  }
0x61d: {  	v0 =	vld @!p0 [tilespmem:$0x40];
	_ =	sdelay $0x6  }
0x61e: {  	s4 =	simm.s32 @!p0 $0x1200  }
0x61f: {  	[tilespmem:s4], [sflag:$0x2] =	stream.indirect_vreg.gather @!p0 [hbm4b:s6+s5], $0x40, v0, vm1, $0xb8;
	[tilespmem:$0x9A00] =	vst v63  }
0x620: {  	v0 =	vld @!p0 [tilespmem:$0x50];
	_ =	sdelay $0x6  }
0x621: {  	s4 =	simm.s32 @!p0 $0x1600  }
0x622: {  	[tilespmem:s4], [sflag:$0x2] =	stream.indirect_vreg.gather @!p0 [hbm4b:s6+s5], $0x40, v0, vm1, $0xb8;
	[tilespmem:$0x9A00] =	vst v63  }
0x623: {  	v0 =	vld @!p0 [tilespmem:$0x60];
	_ =	sdelay $0x6  }
0x624: {  	s4 =	simm.s32 @!p0 $0x1A00  }
0x625: {  	[tilespmem:s4], [sflag:$0x2] =	stream.indirect_vreg.gather @!p0 [hbm4b:s6+s5], $0x40, v0, vm1, $0xb8;
	[tilespmem:$0x9A00] =	vst v63  }
0x626: {  	v0 =	vld @!p0 [tilespmem:$0x70];
	_ =	sdelay $0x6  }
0x627: {  	s4 =	simm.s32 @!p0 $0x1E00  }
0x628: {  	[tilespmem:s4], [sflag:$0x2] =	stream.indirect_vreg.gather @!p0 [hbm4b:s6+s5], $0x40, v0, vm1, $0xb8;
	[tilespmem:$0x9A00] =	vst v63  }
0x629: {  	v0 =	vld @!p0 [tilespmem:$0x80];
	_ =	sdelay $0x6  }
0x62a: {  	s4 =	simm.s32 @!p0 $0x2200  }
0x62b: {  	[tilespmem:s4], [sflag:$0x2] =	stream.indirect_vreg.gather @!p0 [hbm4b:s6+s5], $0x40, v0, vm1, $0xb8;
	[tilespmem:$0x9A00] =	vst v63  }
0x62c: {  	v0 =	vld @!p0 [tilespmem:$0x90];
	_ =	sdelay $0x6  }
0x62d: {  	s4 =	simm.s32 @!p0 $0x2600  }
0x62e: {  	[tilespmem:s4], [sflag:$0x2] =	stream.indirect_vreg.gather @!p0 [hbm4b:s6+s5], $0x40, v0, vm1, $0xb8;
	[tilespmem:$0x9A00] =	vst v63  }
0x62f: {  	v0 =	vld @!p0 [tilespmem:$0xA0];
	_ =	sdelay $0x6  }
0x630: {  	s4 =	simm.s32 @!p0 $0x2A00  }
0x631: {  	[tilespmem:s4], [sflag:$0x2] =	stream.indirect_vreg.gather @!p0 [hbm4b:s6+s5], $0x40, v0, vm1, $0xb8;
	[tilespmem:$0x9A00] =	vst v63  }
0x632: {  	v0 =	vld @!p0 [tilespmem:$0xB0];
	_ =	sdelay $0x6  }
0x633: {  	s4 =	simm.s32 @!p0 $0x2E00  }
0x634: {  	[tilespmem:s4], [sflag:$0x2] =	stream.indirect_vreg.gather @!p0 [hbm4b:s6+s5], $0x40, v0, vm1, $0xb8;
	[tilespmem:$0x9A00] =	vst v63  }
0x635: {  	v0 =	vld @!p0 [tilespmem:$0xC0];
	_ =	sdelay $0x6  }
0x636: {  	s4 =	simm.s32 @!p0 $0x3200  }
0x637: {  	[tilespmem:s4], [sflag:$0x2] =	stream.indirect_vreg.gather @!p0 [hbm4b:s6+s5], $0x40, v0, vm1, $0xb8;
	[tilespmem:$0x9A00] =	vst v63  }
0x638: {  	v0 =	vld @!p0 [tilespmem:$0xD0];
	_ =	sdelay $0x6  }
0x639: {  	s4 =	simm.s32 @!p0 $0x3600  }
0x63a: {  	[tilespmem:s4], [sflag:$0x2] =	stream.indirect_vreg.gather @!p0 [hbm4b:s6+s5], $0x40, v0, vm1, $0xb8;
	[tilespmem:$0x9A00] =	vst v63  }
0x63b: {  	_ =	swait.ge [sflag:s23], $0x400  }
0x63c: {  	[sflag:s23] =	ssyncset.done $0x0  }
0x63d: {  	[sflag:s23] =	ssyncadd.s32 $0xFFFFFC00  }
0x63e: {  	_ =	swait.ge [sflag:s23], $0x400  }
0x63f: {  	[sflag:s23] =	ssyncset.done $0x0  }
0x640: {  	[sflag:s23] =	ssyncadd.s32 $0xFFFFFC00  }
0x641: {  	_ =	swait.ge [sflag:s23], $0x400  }
0x642: {  	[sflag:s23] =	ssyncset.done $0x0  }
0x643: {  	[sflag:s23] =	ssyncadd.s32 $0xFFFFFC00  }
0x644: {  	_ =	swait.ge [sflag:s23], $0x400  }
0x645: {  	[sflag:s23] =	ssyncset.done $0x0  }
0x646: {  	[sflag:s23] =	ssyncadd.s32 $0xFFFFFC00  }
0x647: {  	_ =	swait.ge [sflag:s23], $0x400  }
0x648: {  	[sflag:s23] =	ssyncset.done $0x0  }
0x649: {  	[sflag:s23] =	ssyncadd.s32 $0xFFFFFC00  }
0x64a: {  	_ =	swait.ge [sflag:s23], $0x400  }
0x64b: {  	[sflag:s23] =	ssyncset.done $0x0  }
0x64c: {  	[sflag:s23] =	ssyncadd.s32 $0xFFFFFC00  }
0x64d: {  	_ =	swait.ge [sflag:s23], $0x400  }
0x64e: {  	[sflag:s23] =	ssyncset.done $0x0  }
0x64f: {  	[sflag:s23] =	ssyncadd.s32 $0xFFFFFC00  }
0x650: {  	_ =	swait.ge [sflag:s23], $0x400  }
0x651: {  	[sflag:s23] =	ssyncset.done $0x0  }
0x652: {  	[sflag:s23] =	ssyncadd.s32 $0xFFFFFC00  }
0x653: {  	_ =	swait.ge [sflag:s23], $0x400  }
0x654: {  	[sflag:s23] =	ssyncset.done $0x0  }
0x655: {  	[sflag:s23] =	ssyncadd.s32 $0xFFFFFC00  }
0x656: {  	_ =	swait.ge [sflag:s23], $0x400  }
0x657: {  	[sflag:s23] =	ssyncset.done $0x0  }
0x658: {  	[sflag:s23] =	ssyncadd.s32 $0xFFFFFC00  }
0x659: {  	_ =	swait.ge [sflag:s23], $0x400  }
0x65a: {  	[sflag:s23] =	ssyncset.done $0x0  }
0x65b: {  	[sflag:s23] =	ssyncadd.s32 $0xFFFFFC00  }
0x65c: {  	_ =	swait.ge [sflag:s23], $0x400  }
0x65d: {  	[sflag:s23] =	ssyncset.done $0x0  }
0x65e: {  	[sflag:s23] =	ssyncadd.s32 $0xFFFFFC00  }
0x65f: {  	_ =	swait.ge [sflag:s23], $0x400  }
0x660: {  	[sflag:s23] =	ssyncset.done $0x0  }
0x661: {  	[sflag:s23] =	ssyncadd.s32 $0xFFFFFC00  }
0x662: {  	_ =	swait.ge [sflag:s23], $0x400  }
0x663: {  	[sflag:s23] =	ssyncset.done $0x0  }
0x664: {  	s5 =	simm.s32 $0x0;
	[sflag:s23] =	ssyncadd.s32 $0xFFFFFC00  }
0x665: {  	v1 =	vld [tilespmem:s5+$0x4230]  }
0x666: {  	v2 =	vld [tilespmem:s5+$0x4200]  }
0x667: {  	v5 =	vimm.f32 $0.0e+00;
	v3 =	vld [tilespmem:s5+$0x4210]  }
0x668: {  	v6 =	vimm.f32 $0.0e+00;
	v7 =	vimm.f32 $0.0e+00;
	v0 =	vimm.f32 $0.0e+00;
	s4 =	simm.s32 $0x100;
	v4 =	vld [tilespmem:s5+$0x4220]  }
.LBB2_59:
0x669: {  	p1 =	sne.s32 s4, $0x3700  }
.Ltmp30:
0x66a: {  	s5 =	sshra.s32 s4, $0x2;
	s4 =	sadd.s32 $0x100, s4;
	v0 =	vadd.f32 v1, v0;
	(pc) =	sbr.rel @p1 .LBB2_59-.Ltmp30, $4  }
0x66b: {  	v1 =	vld [tilespmem:s5+$0x4230];
	v5 =	vadd.f32 v2, v5  }
0x66c: {  	v2 =	vld [tilespmem:s5+$0x4200];
	v6 =	vadd.f32 v3, v6  }
0x66d: {  	v3 =	vld [tilespmem:s5+$0x4210];
	v7 =	vadd.f32 v4, v7  }
0x66e: {  	v4 =	vld [tilespmem:s5+$0x4220]  }
0x66f: {  	_ = 	snop  }
0x670: {  	v0 =	vadd.f32 v1, v0  }
0x671: {  	v2 =	vadd.f32 v2, v5  }
0x672: {  	v3 =	vadd.f32 v3, v6;
	[tilespmem:$0x8930] =	vst v0  }
0x673: {  	v4 =	vadd.f32 v4, v7;
	[tilespmem:$0x8900] =	vst v2  }
0x674: {  	[tilespmem:$0x8910] =	vst v3  }
0x675: {  	s5 =	simm.s32 $0x0;
	[tilespmem:$0x8920] =	vst v4  }
0x676: {  	v1 =	vld [tilespmem:s5+$0x5030]  }
0x677: {  	v2 =	vld [tilespmem:s5+$0x5000]  }
0x678: {  	v5 =	vimm.f32 $0.0e+00;
	v3 =	vld [tilespmem:s5+$0x5010]  }
0x679: {  	s4 =	simm.s32 $0x100;
	v0 =	vimm.f32 $0.0e+00;
	v6 =	vimm.f32 $0.0e+00;
	v7 =	vimm.f32 $0.0e+00;
	v4 =	vld [tilespmem:s5+$0x5020]  }
.LBB2_61:
0x67a: {  	p1 =	sne.s32 s4, $0x3700  }
.Ltmp31:
0x67b: {  	s5 =	sshra.s32 s4, $0x2;
	s4 =	sadd.s32 $0x100, s4;
	v0 =	vadd.f32 v1, v0;
	(pc) =	sbr.rel @p1 .LBB2_61-.Ltmp31, $4  }
0x67c: {  	v1 =	vld [tilespmem:s5+$0x5030];
	v5 =	vadd.f32 v2, v5  }
0x67d: {  	v2 =	vld [tilespmem:s5+$0x5000];
	v6 =	vadd.f32 v3, v6  }
0x67e: {  	v3 =	vld [tilespmem:s5+$0x5010];
	v7 =	vadd.f32 v4, v7  }
0x67f: {  	v4 =	vld [tilespmem:s5+$0x5020]  }
0x680: {  	_ = 	snop  }
0x681: {  	v0 =	vadd.f32 v1, v0  }
0x682: {  	v2 =	vadd.f32 v2, v5  }
0x683: {  	v3 =	vadd.f32 v3, v6;
	[tilespmem:$0x8970] =	vst v0  }
0x684: {  	v4 =	vadd.f32 v4, v7;
	[tilespmem:$0x8940] =	vst v2  }
0x685: {  	[tilespmem:$0x8950] =	vst v3  }
0x686: {  	s5 =	simm.s32 $0x0;
	[tilespmem:$0x8960] =	vst v4  }
0x687: {  	v1 =	vld [tilespmem:s5+$0x5E30]  }
0x688: {  	v2 =	vld [tilespmem:s5+$0x5E00]  }
0x689: {  	v5 =	vimm.f32 $0.0e+00;
	v3 =	vld [tilespmem:s5+$0x5E10]  }
0x68a: {  	s4 =	simm.s32 $0x100;
	v0 =	vimm.f32 $0.0e+00;
	v6 =	vimm.f32 $0.0e+00;
	v7 =	vimm.f32 $0.0e+00;
	v4 =	vld [tilespmem:s5+$0x5E20]  }
.LBB2_63:
0x68b: {  	p1 =	sne.s32 s4, $0x3700  }
.Ltmp32:
0x68c: {  	s5 =	sshra.s32 s4, $0x2;
	s4 =	sadd.s32 $0x100, s4;
	v0 =	vadd.f32 v1, v0;
	(pc) =	sbr.rel @p1 .LBB2_63-.Ltmp32, $4  }
0x68d: {  	v1 =	vld [tilespmem:s5+$0x5E30];
	v5 =	vadd.f32 v2, v5  }
0x68e: {  	v2 =	vld [tilespmem:s5+$0x5E00];
	v6 =	vadd.f32 v3, v6  }
0x68f: {  	v3 =	vld [tilespmem:s5+$0x5E10];
	v7 =	vadd.f32 v4, v7  }
0x690: {  	v4 =	vld [tilespmem:s5+$0x5E20]  }
0x691: {  	_ = 	snop  }
0x692: {  	v0 =	vadd.f32 v1, v0  }
0x693: {  	v2 =	vadd.f32 v2, v5  }
0x694: {  	v3 =	vadd.f32 v3, v6;
	[tilespmem:$0x89B0] =	vst v0  }
0x695: {  	v4 =	vadd.f32 v4, v7;
	[tilespmem:$0x8980] =	vst v2  }
0x696: {  	[tilespmem:$0x8990] =	vst v3  }
0x697: {  	s5 =	simm.s32 $0x0;
	[tilespmem:$0x89A0] =	vst v4  }
0x698: {  	v1 =	vld [tilespmem:s5+$0x6C30]  }
0x699: {  	v2 =	vld [tilespmem:s5+$0x6C00]  }
0x69a: {  	v5 =	vimm.f32 $0.0e+00;
	v3 =	vld [tilespmem:s5+$0x6C10]  }
0x69b: {  	s4 =	simm.s32 $0x100;
	v0 =	vimm.f32 $0.0e+00;
	v6 =	vimm.f32 $0.0e+00;
	v7 =	vimm.f32 $0.0e+00;
	v4 =	vld [tilespmem:s5+$0x6C20]  }
.LBB2_65:
0x69c: {  	p1 =	sne.s32 s4, $0x3700  }
.Ltmp33:
0x69d: {  	s5 =	sshra.s32 s4, $0x2;
	s4 =	sadd.s32 $0x100, s4;
	v0 =	vadd.f32 v1, v0;
	(pc) =	sbr.rel @p1 .LBB2_65-.Ltmp33, $4  }
0x69e: {  	v1 =	vld [tilespmem:s5+$0x6C30];
	v5 =	vadd.f32 v2, v5  }
0x69f: {  	v2 =	vld [tilespmem:s5+$0x6C00];
	v6 =	vadd.f32 v3, v6  }
0x6a0: {  	v3 =	vld [tilespmem:s5+$0x6C10];
	v7 =	vadd.f32 v4, v7  }
0x6a1: {  	v4 =	vld [tilespmem:s5+$0x6C20]  }
0x6a2: {  	_ = 	snop  }
0x6a3: {  	v0 =	vadd.f32 v1, v0  }
0x6a4: {  	v2 =	vadd.f32 v2, v5  }
.Ltmp34:
0x6a5: {  	s5 =	sld [smem:$0x7FD];
	v3 =	vadd.f32 v3, v6;
	[tilespmem:$0x89F0] =	vst v0;
	(pc) =	sbr.rel @p0 .LBB2_68-.Ltmp34, $4  }
0x6a6: {  	v4 =	vadd.f32 v4, v7;
	[tilespmem:$0x89C0] =	vst v2  }
0x6a7: {  	s4 =	sshll.u32 s12, $0x5;
	[tilespmem:$0x89D0] =	vst v3  }
0x6a8: {  	s12 =	simm.s32 $0x8600;
	s4 =	sadd.s32 s4, s5;
	[tilespmem:$0x89E0] =	vst v4  }
0x6a9: {  	[hbm4b:s4+s2] =	stream.linear.scatter [tilespmem:s12], [sflag:$0x7], $0x400, $0x38;
	[tilespmem:$0x9A00] =	vst v63  }
.Ltmp35:
0x6aa: {  	s4 =	rddreg [dreg:$0x1c];
	(pc) =	sbr.rel .LBB2_2-.Ltmp35, $4  }
0x6ab: {  	s0 =	sadd.s32 s0, s4  }
0x6ac: {  	s0 =	sshrl.u32 s0, $0x3  }
0x6ad: {  	s13 =	sadd.s32 $0x1, s13;
	s0 =	sadd.s32 s3, s0  }
0x6ae: {  	[tilespmem:s8], [sflag:$0x5] =	stream.linear.gather [hbm4b:s0+s2], $0xE0, $0x38;
	[tilespmem:$0x9A00] =	vst v63  }
.LBB2_68:
0x6af: {  	s0 =	simm.s32 $0x6  }
0x6b0: {  	_ =	swait.ge [sflag:s0], $0x400  }
0x6b1: {  	[sflag:s0] =	ssyncset.done $0x0  }
0x6b2: {  	s12 =	simm.s32 $0x7;
	[sflag:s0] =	ssyncadd.s32 $0xFFFFFC00  }
0x6b3: {  	_ =	swait.ge [sflag:s12], $0x400  }
0x6b4: {  	s13 =	simm.s32 $0x8;
	[sflag:s12] =	ssyncset.done $0x0  }
0x6b5: {  	s0 =	simm.s32 $0x0;
	s4 =	rddreg [dreg:$0x14];
	[sflag:s12] =	ssyncadd.s32 $0xFFFFFC00  }
0x6b6: {  	[tilespmem:s0], [sflag:$0x8] =	stream.linear.gather [hbm4b:s4+s0], $0x100, $0x38;
	[tilespmem:$0x9A00] =	vst v63  }
0x6b7: {  	_ =	swait.ge [sflag:s13], $0x100  }
0x6b8: {  	[sflag:s13] =	ssyncset.done $0x0  }
0x6b9: {  	[sflag:s13] =	ssyncadd.s32 $0xFFFFFF00  }
0x6ba: {  	v0 =	vld [tilespmem:$0x0];
	_ =	sdelay $0x7  }
0x6bb: {  	[tilespmem:s14], [sflag:$0x2] =	stream.indirect_vreg.gather [hbm4b:s7+s0], $0x40, v0, vm0, $0xb8;
	[tilespmem:$0x9A00] =	vst v63  }
0x6bc: {  	v0 =	vld [tilespmem:$0x10];
	_ =	sdelay $0x7  }
0x6bd: {  	[tilespmem:s22], [sflag:$0x2] =	stream.indirect_vreg.gather [hbm4b:s7+s0], $0x40, v0, vm0, $0xb8;
	[tilespmem:$0x9A00] =	vst v63  }
0x6be: {  	v0 =	vld [tilespmem:$0x20];
	_ =	sdelay $0x6  }
0x6bf: {  	s5 =	simm.s32 $0xA00  }
0x6c0: {  	[tilespmem:s5], [sflag:$0x2] =	stream.indirect_vreg.gather [hbm4b:s7+s0], $0x40, v0, vm0, $0xb8;
	[tilespmem:$0x9A00] =	vst v63  }
0x6c1: {  	v0 =	vld [tilespmem:$0x30];
	_ =	sdelay $0x6  }
0x6c2: {  	s12 =	simm.s32 $0xE00  }
0x6c3: {  	[tilespmem:s12], [sflag:$0x2] =	stream.indirect_vreg.gather [hbm4b:s7+s0], $0x40, v0, vm0, $0xb8;
	[tilespmem:$0x9A00] =	vst v63  }
0x6c4: {  	v0 =	vld [tilespmem:$0x40];
	_ =	sdelay $0x6  }
0x6c5: {  	s13 =	simm.s32 $0x1200  }
0x6c6: {  	[tilespmem:s13], [sflag:$0x2] =	stream.indirect_vreg.gather [hbm4b:s7+s0], $0x40, v0, vm0, $0xb8;
	[tilespmem:$0x9A00] =	vst v63  }
0x6c7: {  	v0 =	vld [tilespmem:$0x50];
	_ =	sdelay $0x6  }
0x6c8: {  	s14 =	simm.s32 $0x1600  }
0x6c9: {  	[tilespmem:s14], [sflag:$0x2] =	stream.indirect_vreg.gather [hbm4b:s7+s0], $0x40, v0, vm0, $0xb8;
	[tilespmem:$0x9A00] =	vst v63  }
0x6ca: {  	v0 =	vld [tilespmem:$0x60];
	_ =	sdelay $0x6  }
0x6cb: {  	s22 =	simm.s32 $0x1A00  }
0x6cc: {  	[tilespmem:s22], [sflag:$0x2] =	stream.indirect_vreg.gather [hbm4b:s7+s0], $0x40, v0, vm0, $0xb8;
	[tilespmem:$0x9A00] =	vst v63  }
0x6cd: {  	v0 =	vld [tilespmem:$0x70];
	_ =	sdelay $0x6  }
0x6ce: {  	s5 =	simm.s32 $0x1E00  }
0x6cf: {  	[tilespmem:s5], [sflag:$0x2] =	stream.indirect_vreg.gather [hbm4b:s7+s0], $0x40, v0, vm0, $0xb8;
	[tilespmem:$0x9A00] =	vst v63  }
0x6d0: {  	v0 =	vld [tilespmem:$0x80];
	_ =	sdelay $0x6  }
0x6d1: {  	s12 =	simm.s32 $0x2200  }
0x6d2: {  	[tilespmem:s12], [sflag:$0x2] =	stream.indirect_vreg.gather [hbm4b:s7+s0], $0x40, v0, vm0, $0xb8;
	[tilespmem:$0x9A00] =	vst v63  }
0x6d3: {  	v0 =	vld [tilespmem:$0x90];
	_ =	sdelay $0x6  }
0x6d4: {  	s13 =	simm.s32 $0x2600  }
0x6d5: {  	[tilespmem:s13], [sflag:$0x2] =	stream.indirect_vreg.gather [hbm4b:s7+s0], $0x40, v0, vm0, $0xb8;
	[tilespmem:$0x9A00] =	vst v63  }
0x6d6: {  	v0 =	vld [tilespmem:$0xA0];
	_ =	sdelay $0x6  }
0x6d7: {  	s14 =	simm.s32 $0x2A00  }
0x6d8: {  	[tilespmem:s14], [sflag:$0x2] =	stream.indirect_vreg.gather [hbm4b:s7+s0], $0x40, v0, vm0, $0xb8;
	[tilespmem:$0x9A00] =	vst v63  }
0x6d9: {  	v0 =	vld [tilespmem:$0xB0];
	_ =	sdelay $0x6  }
0x6da: {  	s22 =	simm.s32 $0x2E00  }
0x6db: {  	[tilespmem:s22], [sflag:$0x2] =	stream.indirect_vreg.gather [hbm4b:s7+s0], $0x40, v0, vm0, $0xb8;
	[tilespmem:$0x9A00] =	vst v63  }
0x6dc: {  	v0 =	vld [tilespmem:$0xC0];
	_ =	sdelay $0x6  }
0x6dd: {  	s5 =	simm.s32 $0x3200  }
0x6de: {  	[tilespmem:s5], [sflag:$0x2] =	stream.indirect_vreg.gather [hbm4b:s7+s0], $0x40, v0, vm0, $0xb8;
	[tilespmem:$0x9A00] =	vst v63  }
0x6df: {  	v0 =	vld [tilespmem:$0xD0];
	_ =	sdelay $0x6  }
0x6e0: {  	s12 =	simm.s32 $0x3600  }
0x6e1: {  	[tilespmem:s12], [sflag:$0x2] =	stream.indirect_vreg.gather [hbm4b:s7+s0], $0x40, v0, vm0, $0xb8;
	[tilespmem:$0x9A00] =	vst v63  }
0x6e2: {  	v0 =	vld [tilespmem:$0xE0];
	_ =	sdelay $0x6  }
0x6e3: {  	s22 =	simm.s32 $0x3A00  }
0x6e4: {  	[tilespmem:s22], [sflag:$0x2] =	stream.indirect_vreg.gather [hbm4b:s7+s0], $0x40, v0, vm0, $0xb8;
	[tilespmem:$0x9A00] =	vst v63  }
0x6e5: {  	v0 =	vld [tilespmem:$0xF0];
	_ =	sdelay $0x6  }
0x6e6: {  	s13 =	simm.s32 $0x3E00  }
0x6e7: {  	[tilespmem:s13], [sflag:$0x2] =	stream.indirect_vreg.gather [hbm4b:s7+s0], $0x40, v0, vm0, $0xb8;
	[tilespmem:$0x9A00] =	vst v63  }
0x6e8: {  	s14 =	rddreg [dreg:$0x1d]  }
0x6e9: {  	[tilespmem:s8], [sflag:$0x5] =	stream.linear.gather [hbm4b:s14+s0], $0x100, $0x38;
	[tilespmem:$0x9A00] =	vst v63  }
.LBB2_69:
0x6ea: {  	_ =	swait.ge [sflag:s21], $0x100  }
0x6eb: {  	[sflag:s21] =	ssyncset.done $0x0  }
0x6ec: {  	[sflag:s21] =	ssyncadd.s32 $0xFFFFFF00  }
0x6ed: {  	v0 =	vld [tilespmem:$0x100];
	_ =	sdelay $0x7  }
0x6ee: {  	[tilespmem:s24], [sflag:$0x3] =	stream.indirect_vreg.gather [hbm4b:s7+s2], $0x40, v0, vm0, $0xb8;
	[tilespmem:$0x9A00] =	vst v63  }
0x6ef: {  	v0 =	vld [tilespmem:$0x110];
	_ =	sdelay $0x7  }
0x6f0: {  	[tilespmem:s26], [sflag:$0x3] =	stream.indirect_vreg.gather [hbm4b:s7+s2], $0x40, v0, vm0, $0xb8;
	[tilespmem:$0x9A00] =	vst v63  }
0x6f1: {  	v0 =	vld [tilespmem:$0x120];
	_ =	sdelay $0x7  }
0x6f2: {  	[tilespmem:s28], [sflag:$0x3] =	stream.indirect_vreg.gather [hbm4b:s7+s2], $0x40, v0, vm0, $0xb8;
	[tilespmem:$0x9A00] =	vst v63  }
0x6f3: {  	v0 =	vld [tilespmem:$0x130];
	_ =	sdelay $0x7  }
0x6f4: {  	[tilespmem:s29], [sflag:$0x3] =	stream.indirect_vreg.gather [hbm4b:s7+s2], $0x40, v0, vm0, $0xb8;
	[tilespmem:$0x9A00] =	vst v63  }
0x6f5: {  	v0 =	vld [tilespmem:$0x140];
	_ =	sdelay $0x7  }
0x6f6: {  	[tilespmem:s30], [sflag:$0x3] =	stream.indirect_vreg.gather [hbm4b:s7+s2], $0x40, v0, vm0, $0xb8;
	[tilespmem:$0x9A00] =	vst v63  }
0x6f7: {  	v0 =	vld [tilespmem:$0x150];
	_ =	sdelay $0x7  }
0x6f8: {  	[tilespmem:s31], [sflag:$0x3] =	stream.indirect_vreg.gather [hbm4b:s7+s2], $0x40, v0, vm0, $0xb8;
	[tilespmem:$0x9A00] =	vst v63  }
0x6f9: {  	v0 =	vld [tilespmem:$0x160];
	_ =	sdelay $0x7  }
0x6fa: {  	[tilespmem:s11], [sflag:$0x3] =	stream.indirect_vreg.gather [hbm4b:s7+s2], $0x40, v0, vm0, $0xb8;
	[tilespmem:$0x9A00] =	vst v63  }
0x6fb: {  	v0 =	vld [tilespmem:$0x170];
	_ =	sdelay $0x7  }
0x6fc: {  	[tilespmem:s10], [sflag:$0x3] =	stream.indirect_vreg.gather [hbm4b:s7+s2], $0x40, v0, vm0, $0xb8;
	[tilespmem:$0x9A00] =	vst v63  }
0x6fd: {  	v0 =	vld [tilespmem:$0x180];
	_ =	sdelay $0x7  }
0x6fe: {  	[tilespmem:s15], [sflag:$0x3] =	stream.indirect_vreg.gather [hbm4b:s7+s2], $0x40, v0, vm0, $0xb8;
	[tilespmem:$0x9A00] =	vst v63  }
0x6ff: {  	v0 =	vld [tilespmem:$0x190];
	_ =	sdelay $0x7  }
0x700: {  	[tilespmem:s16], [sflag:$0x3] =	stream.indirect_vreg.gather [hbm4b:s7+s2], $0x40, v0, vm0, $0xb8;
	[tilespmem:$0x9A00] =	vst v63  }
0x701: {  	v0 =	vld [tilespmem:$0x1A0];
	_ =	sdelay $0x7  }
0x702: {  	[tilespmem:s18], [sflag:$0x3] =	stream.indirect_vreg.gather [hbm4b:s7+s2], $0x40, v0, vm0, $0xb8;
	[tilespmem:$0x9A00] =	vst v63  }
0x703: {  	v0 =	vld [tilespmem:$0x1B0];
	_ =	sdelay $0x7  }
0x704: {  	[tilespmem:s19], [sflag:$0x3] =	stream.indirect_vreg.gather [hbm4b:s7+s2], $0x40, v0, vm0, $0xb8;
	[tilespmem:$0x9A00] =	vst v63  }
0x705: {  	v0 =	vld [tilespmem:$0x1C0];
	_ =	sdelay $0x7  }
0x706: {  	[tilespmem:s20], [sflag:$0x3] =	stream.indirect_vreg.gather [hbm4b:s7+s2], $0x40, v0, vm0, $0xb8;
	[tilespmem:$0x9A00] =	vst v63  }
0x707: {  	v0 =	vld [tilespmem:$0x1D0];
	_ =	sdelay $0x7  }
0x708: {  	[tilespmem:s25], [sflag:$0x3] =	stream.indirect_vreg.gather [hbm4b:s7+s2], $0x40, v0, vm0, $0xb8;
	[tilespmem:$0x9A00] =	vst v63  }
0x709: {  	v0 =	vld [tilespmem:$0x1E0];
	_ =	sdelay $0x6  }
0x70a: {  	s4 =	simm.s32 $0x7A00  }
0x70b: {  	[tilespmem:s4], [sflag:$0x3] =	stream.indirect_vreg.gather [hbm4b:s7+s2], $0x40, v0, vm0, $0xb8;
	[tilespmem:$0x9A00] =	vst v63  }
0x70c: {  	v0 =	vld [tilespmem:$0x1F0];
	_ =	sdelay $0x6  }
0x70d: {  	s14 =	simm.s32 $0x7E00  }
0x70e: {  	[tilespmem:s14], [sflag:$0x3] =	stream.indirect_vreg.gather [hbm4b:s7+s2], $0x40, v0, vm0, $0xb8;
	[tilespmem:$0x9A00] =	vst v63  }
0x70f: {  	_ =	swait.ge [sflag:s1], $0x400  }
0x710: {  	[sflag:s1] =	ssyncset.done $0x0  }
0x711: {  	[sflag:s1] =	ssyncadd.s32 $0xFFFFFC00  }
0x712: {  	_ =	swait.ge [sflag:s1], $0x400  }
0x713: {  	[sflag:s1] =	ssyncset.done $0x0  }
0x714: {  	[sflag:s1] =	ssyncadd.s32 $0xFFFFFC00  }
0x715: {  	_ =	swait.ge [sflag:s1], $0x400  }
0x716: {  	[sflag:s1] =	ssyncset.done $0x0  }
0x717: {  	[sflag:s1] =	ssyncadd.s32 $0xFFFFFC00  }
0x718: {  	_ =	swait.ge [sflag:s1], $0x400  }
0x719: {  	[sflag:s1] =	ssyncset.done $0x0  }
0x71a: {  	[sflag:s1] =	ssyncadd.s32 $0xFFFFFC00  }
0x71b: {  	_ =	swait.ge [sflag:s1], $0x400  }
0x71c: {  	[sflag:s1] =	ssyncset.done $0x0  }
0x71d: {  	[sflag:s1] =	ssyncadd.s32 $0xFFFFFC00  }
0x71e: {  	_ =	swait.ge [sflag:s1], $0x400  }
0x71f: {  	[sflag:s1] =	ssyncset.done $0x0  }
0x720: {  	[sflag:s1] =	ssyncadd.s32 $0xFFFFFC00  }
0x721: {  	_ =	swait.ge [sflag:s1], $0x400  }
0x722: {  	[sflag:s1] =	ssyncset.done $0x0  }
0x723: {  	[sflag:s1] =	ssyncadd.s32 $0xFFFFFC00  }
0x724: {  	_ =	swait.ge [sflag:s1], $0x400  }
0x725: {  	[sflag:s1] =	ssyncset.done $0x0  }
0x726: {  	[sflag:s1] =	ssyncadd.s32 $0xFFFFFC00  }
0x727: {  	_ =	swait.ge [sflag:s1], $0x400  }
0x728: {  	[sflag:s1] =	ssyncset.done $0x0  }
0x729: {  	[sflag:s1] =	ssyncadd.s32 $0xFFFFFC00  }
0x72a: {  	_ =	swait.ge [sflag:s1], $0x400  }
0x72b: {  	[sflag:s1] =	ssyncset.done $0x0  }
0x72c: {  	[sflag:s1] =	ssyncadd.s32 $0xFFFFFC00  }
0x72d: {  	_ =	swait.ge [sflag:s1], $0x400  }
0x72e: {  	[sflag:s1] =	ssyncset.done $0x0  }
0x72f: {  	[sflag:s1] =	ssyncadd.s32 $0xFFFFFC00  }
0x730: {  	_ =	swait.ge [sflag:s1], $0x400  }
0x731: {  	[sflag:s1] =	ssyncset.done $0x0  }
0x732: {  	[sflag:s1] =	ssyncadd.s32 $0xFFFFFC00  }
0x733: {  	_ =	swait.ge [sflag:s1], $0x400  }
0x734: {  	[sflag:s1] =	ssyncset.done $0x0  }
0x735: {  	[sflag:s1] =	ssyncadd.s32 $0xFFFFFC00  }
0x736: {  	_ =	swait.ge [sflag:s1], $0x400  }
0x737: {  	[sflag:s1] =	ssyncset.done $0x0  }
0x738: {  	[sflag:s1] =	ssyncadd.s32 $0xFFFFFC00  }
0x739: {  	_ =	swait.ge [sflag:s1], $0x400  }
0x73a: {  	[sflag:s1] =	ssyncset.done $0x0  }
0x73b: {  	[sflag:s1] =	ssyncadd.s32 $0xFFFFFC00  }
0x73c: {  	_ =	swait.ge [sflag:s1], $0x400  }
0x73d: {  	p0 =	seq.s32 s0, $0x0;
	[sflag:s1] =	ssyncset.done $0x0  }
0x73e: {  	s4 =	simm.s32 @!p0 $0x6;
	[sflag:s1] =	ssyncadd.s32 $0xFFFFFC00  }
0x73f: {  	_ =	swait.ge @!p0 [sflag:s4], $0x800  }
0x740: {  	[sflag:s4] =	ssyncset.done @!p0 $0x0  }
0x741: {  	s13 =	simm.s32 $0x300;
	[sflag:s4] =	ssyncadd.s32 @!p0 $0xFFFFF800  }
0x742: {  	v0 =	vld [tilespmem:s13+$0xF0]  }
0x743: {  	v1 =	vld [tilespmem:s13+$0x40]  }
0x744: {  	v2 =	vld [tilespmem:s13+$0xB0]  }
0x745: {  	v3 =	vld [tilespmem:s13+$0x70]  }
0x746: {  	v4 =	vld [tilespmem:s13+$0x30]  }
0x747: {  	v5 =	vld [tilespmem:s13+$0xFFFFFFF0]  }
0x748: {  	v6 =	vld [tilespmem:s13+$0xFFFFFFC0]  }
0x749: {  	v7 =	vld [tilespmem:s13+$0xFFFFFFB0]  }
0x74a: {  	v8 =	vld [tilespmem:s13+$0xFFFFFF80]  }
0x74b: {  	v9 =	vld [tilespmem:s13+$0xFFFFFF70]  }
0x74c: {  	v10 =	vld [tilespmem:s13+$0xFFFFFFA0]  }
0x74d: {  	v11 =	vld [tilespmem:s13+$0xFFFFFF40]  }
0x74e: {  	v12 =	vld [tilespmem:s13+$0xFFFFFF30]  }
0x74f: {  	v13 =	vld [tilespmem:s13+$0xFFFFFF60]  }
0x750: {  	v14 =	vld [tilespmem:s13+$0xFFFFFF00]  }
0x751: {  	v15 =	vld [tilespmem:s13+$0xFFFFFF20]  }
0x752: {  	v16 =	vld [tilespmem:s13+$0xC0]  }
0x753: {  	v17 =	vld [tilespmem:s13+$0xFFFFFF10]  }
0x754: {  	v18 =	vld [tilespmem:s13+$0xFFFFFFE0]  }
0x755: {  	v19 =	vld [tilespmem:s13+$0xFFFFFF50];
	v12 =	vadd.f32 $0.0e+00, v12  }
0x756: {  	v20 =	vld [tilespmem:s13+$0x0];
	v14 =	vadd.f32 $0.0e+00, v14  }
0x757: {  	v45 =	vld [tilespmem:s13+$0xFFFFFF90];
	v15 =	vadd.f32 $0.0e+00, v15;
	v9 =	vadd.f32 v9, v12  }
0x758: {  	v47 =	vld [tilespmem:s13+$0x20];
	v46 =	vadd.f32 $0.0e+00, v17;
	v11 =	vadd.f32 v11, v14  }
0x759: {  	v49 =	vld [tilespmem:s13+$0xFFFFFFD0];
	v48 =	vadd.f32 v13, v15;
	v7 =	vadd.f32 v7, v9  }
0x75a: {  	v51 =	vld [tilespmem:s13+$0x60];
	v50 =	vadd.f32 v19, v46;
	v8 =	vadd.f32 v8, v11  }
0x75b: {  	v53 =	vld [tilespmem:s13+$0x10];
	v52 =	vadd.f32 v10, v48;
	v5 =	vadd.f32 v5, v7  }
0x75c: {  	v55 =	vld [tilespmem:s13+$0x80];
	v54 =	vadd.f32 v45, v50;
	v6 =	vadd.f32 v6, v8  }
0x75d: {  	v57 =	vld [tilespmem:s13+$0x50];
	v56 =	vadd.f32 v18, v52;
	v4 =	vadd.f32 v4, v5  }
0x75e: {  	v58 =	vld [tilespmem:s13+$0xA0];
	v8 =	vadd.f32 v49, v54;
	v6 =	vadd.f32 v20, v6  }
0x75f: {  	v60 =	vld [tilespmem:s13+$0x90];
	v59 =	vadd.f32 v47, v56;
	v3 =	vadd.f32 v3, v4  }
0x760: {  	v62 =	vld [tilespmem:s13+$0xE0];
	v61 =	vadd.f32 v53, v8;
	v1 =	vadd.f32 v1, v6  }
0x761: {  	v2 =	vadd.f32 v2, v3;
	v3 =	vadd.f32 v51, v59  }
0x762: {  	v63 =	vld [tilespmem:s13+$0xD0];
	v6 =	vadd.f32 v57, v61;
	v1 =	vadd.f32 v55, v1  }
0x763: {  	v0 =	vadd.f32 v0, v2;
	v2 =	vadd.f32 v58, v3  }
0x764: {  	s4 =	simm.s32 $0x0;
	v1 =	vadd.f32 v16, v1  }
0x765: {  	v3 =	vadd.f32 v60, v6;
	[tilespmem:s4+$0x8A30] =	vst v0;
	v2 =	vadd.f32 v62, v2  }
0x766: {  	[tilespmem:s4+$0x8A00] =	vst v1  }
0x767: {  	s12 =	sshll.u32 s0, $0x9;
	s5 =	simm.s32 $0x100;
	v0 =	vadd.f32 v63, v3;
	[tilespmem:s4+$0x8A20] =	vst v2  }
.LBB2_70:
0x768: {  	p1 =	sne.s32 s5, $0x1F00  }
0x769: {  	[tilespmem:s4+$0x8A10] =	vst v0;
	s13 =	sadd.s32 $0x200, s13;
	s14 =	smov.u32 s5;
	s5 =	sadd.s32 $0x100, s5  }
0x76a: {  	v0 =	vld [tilespmem:s13+$0xF0]  }
0x76b: {  	v1 =	vld [tilespmem:s13+$0x40]  }
0x76c: {  	v2 =	vld [tilespmem:s13+$0xB0]  }
0x76d: {  	v3 =	vld [tilespmem:s13+$0x70]  }
0x76e: {  	v4 =	vld [tilespmem:s13+$0x30]  }
0x76f: {  	v5 =	vld [tilespmem:s13+$0xFFFFFFF0]  }
0x770: {  	v6 =	vld [tilespmem:s13+$0xFFFFFFC0]  }
0x771: {  	v7 =	vld [tilespmem:s13+$0xFFFFFFB0]  }
0x772: {  	v8 =	vld [tilespmem:s13+$0xFFFFFF80]  }
0x773: {  	v9 =	vld [tilespmem:s13+$0xFFFFFF70]  }
0x774: {  	v10 =	vld [tilespmem:s13+$0xFFFFFFA0]  }
0x775: {  	v11 =	vld [tilespmem:s13+$0xFFFFFF40]  }
0x776: {  	v12 =	vld [tilespmem:s13+$0xFFFFFF30]  }
0x777: {  	v13 =	vld [tilespmem:s13+$0xFFFFFF60]  }
0x778: {  	v14 =	vld [tilespmem:s13+$0xFFFFFF00]  }
0x779: {  	v15 =	vld [tilespmem:s13+$0xFFFFFF20]  }
0x77a: {  	v16 =	vld [tilespmem:s13+$0xC0]  }
0x77b: {  	v17 =	vld [tilespmem:s13+$0xFFFFFF10];
	v12 =	vadd.f32 $0.0e+00, v12  }
0x77c: {  	v18 =	vld [tilespmem:s13+$0xFFFFFFE0]  }
0x77d: {  	v14 =	vadd.f32 $0.0e+00, v14;
	v19 =	vld [tilespmem:s13+$0xFFFFFF50]  }
0x77e: {  	v9 =	vadd.f32 v9, v12;
	v15 =	vadd.f32 $0.0e+00, v15;
	v12 =	vld [tilespmem:s13+$0x0]  }
0x77f: {  	v11 =	vadd.f32 v11, v14;
	v14 =	vld [tilespmem:s13+$0xFFFFFF90]  }
0x780: {  	v7 =	vadd.f32 v7, v9;
	v17 =	vadd.f32 $0.0e+00, v17;
	v9 =	vld [tilespmem:s13+$0x20]  }
0x781: {  	v13 =	vadd.f32 v13, v15;
	v8 =	vadd.f32 v8, v11;
	v11 =	vld [tilespmem:s13+$0xFFFFFFD0]  }
0x782: {  	v5 =	vadd.f32 v5, v7;
	v15 =	vadd.f32 v19, v17;
	v7 =	vld [tilespmem:s13+$0x60]  }
0x783: {  	v10 =	vadd.f32 v10, v13;
	v6 =	vadd.f32 v6, v8;
	v8 =	vld [tilespmem:s13+$0x10]  }
0x784: {  	v4 =	vadd.f32 v4, v5;
	v13 =	vadd.f32 v14, v15;
	v5 =	vld [tilespmem:s13+$0x80]  }
0x785: {  	v10 =	vadd.f32 v18, v10;
	v6 =	vadd.f32 v12, v6;
	v12 =	vld [tilespmem:s13+$0x50]  }
0x786: {  	v3 =	vadd.f32 v3, v4;
	v11 =	vadd.f32 v11, v13;
	v4 =	vld [tilespmem:s13+$0xA0]  }
0x787: {  	v9 =	vadd.f32 v9, v10;
	v1 =	vadd.f32 v1, v6;
	v6 =	vld [tilespmem:s13+$0x90]  }
0x788: {  	v2 =	vadd.f32 v2, v3;
	v8 =	vadd.f32 v8, v11;
	v3 =	vld [tilespmem:s13+$0xE0]  }
0x789: {  	v7 =	vadd.f32 v7, v9;
	v1 =	vadd.f32 v5, v1;
	v5 =	vld [tilespmem:s13+$0xD0]  }
0x78a: {  	v0 =	vadd.f32 v0, v2;
	v8 =	vadd.f32 v12, v8  }
.Ltmp36:
0x78b: {  	s4 =	sshra.s32 s14, $0x2;
	v2 =	vadd.f32 v4, v7;
	v1 =	vadd.f32 v16, v1;
	(pc) =	sbr.rel @p1 .LBB2_70-.Ltmp36, $4  }
0x78c: {  	v4 =	vadd.f32 v6, v8;
	[tilespmem:s4+$0x8A30] =	vst v0  }
0x78d: {  	v2 =	vadd.f32 v3, v2;
	[tilespmem:s4+$0x8A00] =	vst v1  }
0x78e: {  	v0 =	vadd.f32 v5, v4  }
0x78f: {  	[tilespmem:s4+$0x8A20] =	vst v2  }
0x790: {  	s5 =	rddreg [dreg:$0x6]  }
0x791: {  	s13 =	sor.u32 s5, s12;
	s5 =	rddreg [dreg:$0x7]  }
0x792: {  	[tilespmem:s4+$0x8A10] =	vst v0;
	s14 =	simm.s32 $0x8A00;
	s4 =	sadd.s32 s5, s13  }
0x793: {  	[hbm4b:s4+s2] =	stream.linear.scatter [tilespmem:s14], [sflag:$0x6], $0x800, $0x38;
	[tilespmem:$0x9A00] =	vst v63  }
0x794: {  	p1 =	seq.s32 s0, $0x7;
	s4 =	rddreg [dreg:$0x1e]  }
0x795: {  	s4 =	sadd.s32 @!p1 s12, s4  }
0x796: {  	s5 =	rddreg [dreg:$0x4];
	s4 =	sshrl.u32 @!p1 s4, $0x3  }
0x797: {  	s4 =	sadd.s32 @!p1 s5, s4;
	s5 =	simm.s32 @!p1 $0x0  }
0x798: {  	[tilespmem:s5], [sflag:$0x4] =	stream.linear.gather @!p1 [hbm4b:s4+s5], $0x100, $0x38;
	[tilespmem:$0x9A00] =	vst v63  }
0x799: {  	s4 =	simm.s32 @!p1 $0x4  }
0x79a: {  	_ =	swait.ge @!p1 [sflag:s4], $0x100  }
0x79b: {  	[sflag:s4] =	ssyncset.done @!p1 $0x0  }
0x79c: {  	[sflag:s4] =	ssyncadd.s32 @!p1 $0xFFFFFF00  }
0x79d: {  	v0 =	vld @!p1 [tilespmem:$0x0];
	_ =	sdelay $0x6  }
0x79e: {  	vm1 =	vmmov @!p1 $0xffff;
	s4 =	simm.s32 @!p1 $0x200  }
0x79f: {  	[tilespmem:s4], [sflag:$0x2] =	stream.indirect_vreg.gather @!p1 [hbm4b:s7+s5], $0x40, v0, vm1, $0xb8;
	[tilespmem:$0x9A00] =	vst v63  }
0x7a0: {  	v0 =	vld @!p1 [tilespmem:$0x10];
	_ =	sdelay $0x6  }
0x7a1: {  	s4 =	simm.s32 @!p1 $0x600  }
0x7a2: {  	[tilespmem:s4], [sflag:$0x2] =	stream.indirect_vreg.gather @!p1 [hbm4b:s7+s5], $0x40, v0, vm1, $0xb8;
	[tilespmem:$0x9A00] =	vst v63  }
0x7a3: {  	v0 =	vld @!p1 [tilespmem:$0x20];
	_ =	sdelay $0x6  }
0x7a4: {  	s4 =	simm.s32 @!p1 $0xA00  }
0x7a5: {  	[tilespmem:s4], [sflag:$0x2] =	stream.indirect_vreg.gather @!p1 [hbm4b:s7+s5], $0x40, v0, vm1, $0xb8;
	[tilespmem:$0x9A00] =	vst v63  }
0x7a6: {  	v0 =	vld @!p1 [tilespmem:$0x30];
	_ =	sdelay $0x6  }
0x7a7: {  	s4 =	simm.s32 @!p1 $0xE00  }
0x7a8: {  	[tilespmem:s4], [sflag:$0x2] =	stream.indirect_vreg.gather @!p1 [hbm4b:s7+s5], $0x40, v0, vm1, $0xb8;
	[tilespmem:$0x9A00] =	vst v63  }
0x7a9: {  	v0 =	vld @!p1 [tilespmem:$0x40];
	_ =	sdelay $0x6  }
0x7aa: {  	s4 =	simm.s32 @!p1 $0x1200  }
0x7ab: {  	[tilespmem:s4], [sflag:$0x2] =	stream.indirect_vreg.gather @!p1 [hbm4b:s7+s5], $0x40, v0, vm1, $0xb8;
	[tilespmem:$0x9A00] =	vst v63  }
0x7ac: {  	v0 =	vld @!p1 [tilespmem:$0x50];
	_ =	sdelay $0x6  }
0x7ad: {  	s4 =	simm.s32 @!p1 $0x1600  }
0x7ae: {  	[tilespmem:s4], [sflag:$0x2] =	stream.indirect_vreg.gather @!p1 [hbm4b:s7+s5], $0x40, v0, vm1, $0xb8;
	[tilespmem:$0x9A00] =	vst v63  }
0x7af: {  	v0 =	vld @!p1 [tilespmem:$0x60];
	_ =	sdelay $0x6  }
0x7b0: {  	s4 =	simm.s32 @!p1 $0x1A00  }
0x7b1: {  	[tilespmem:s4], [sflag:$0x2] =	stream.indirect_vreg.gather @!p1 [hbm4b:s7+s5], $0x40, v0, vm1, $0xb8;
	[tilespmem:$0x9A00] =	vst v63  }
0x7b2: {  	v0 =	vld @!p1 [tilespmem:$0x70];
	_ =	sdelay $0x6  }
0x7b3: {  	s4 =	simm.s32 @!p1 $0x1E00  }
0x7b4: {  	[tilespmem:s4], [sflag:$0x2] =	stream.indirect_vreg.gather @!p1 [hbm4b:s7+s5], $0x40, v0, vm1, $0xb8;
	[tilespmem:$0x9A00] =	vst v63  }
0x7b5: {  	v0 =	vld @!p1 [tilespmem:$0x80];
	_ =	sdelay $0x6  }
0x7b6: {  	s4 =	simm.s32 @!p1 $0x2200  }
0x7b7: {  	[tilespmem:s4], [sflag:$0x2] =	stream.indirect_vreg.gather @!p1 [hbm4b:s7+s5], $0x40, v0, vm1, $0xb8;
	[tilespmem:$0x9A00] =	vst v63  }
0x7b8: {  	v0 =	vld @!p1 [tilespmem:$0x90];
	_ =	sdelay $0x6  }
0x7b9: {  	s4 =	simm.s32 @!p1 $0x2600  }
0x7ba: {  	[tilespmem:s4], [sflag:$0x2] =	stream.indirect_vreg.gather @!p1 [hbm4b:s7+s5], $0x40, v0, vm1, $0xb8;
	[tilespmem:$0x9A00] =	vst v63  }
0x7bb: {  	v0 =	vld @!p1 [tilespmem:$0xA0];
	_ =	sdelay $0x6  }
0x7bc: {  	s4 =	simm.s32 @!p1 $0x2A00  }
0x7bd: {  	[tilespmem:s4], [sflag:$0x2] =	stream.indirect_vreg.gather @!p1 [hbm4b:s7+s5], $0x40, v0, vm1, $0xb8;
	[tilespmem:$0x9A00] =	vst v63  }
0x7be: {  	v0 =	vld @!p1 [tilespmem:$0xB0];
	_ =	sdelay $0x6  }
0x7bf: {  	s4 =	simm.s32 @!p1 $0x2E00  }
0x7c0: {  	[tilespmem:s4], [sflag:$0x2] =	stream.indirect_vreg.gather @!p1 [hbm4b:s7+s5], $0x40, v0, vm1, $0xb8;
	[tilespmem:$0x9A00] =	vst v63  }
0x7c1: {  	v0 =	vld @!p1 [tilespmem:$0xC0];
	_ =	sdelay $0x6  }
0x7c2: {  	s4 =	simm.s32 @!p1 $0x3200  }
0x7c3: {  	[tilespmem:s4], [sflag:$0x2] =	stream.indirect_vreg.gather @!p1 [hbm4b:s7+s5], $0x40, v0, vm1, $0xb8;
	[tilespmem:$0x9A00] =	vst v63  }
0x7c4: {  	v0 =	vld @!p1 [tilespmem:$0xD0];
	_ =	sdelay $0x6  }
0x7c5: {  	s4 =	simm.s32 @!p1 $0x3600  }
0x7c6: {  	[tilespmem:s4], [sflag:$0x2] =	stream.indirect_vreg.gather @!p1 [hbm4b:s7+s5], $0x40, v0, vm1, $0xb8;
	[tilespmem:$0x9A00] =	vst v63  }
0x7c7: {  	v0 =	vld @!p1 [tilespmem:$0xE0];
	_ =	sdelay $0x6  }
0x7c8: {  	s4 =	simm.s32 @!p1 $0x3A00  }
0x7c9: {  	[tilespmem:s4], [sflag:$0x2] =	stream.indirect_vreg.gather @!p1 [hbm4b:s7+s5], $0x40, v0, vm1, $0xb8;
	[tilespmem:$0x9A00] =	vst v63  }
0x7ca: {  	v0 =	vld @!p1 [tilespmem:$0xF0];
	_ =	sdelay $0x6  }
0x7cb: {  	s4 =	simm.s32 @!p1 $0x3E00  }
0x7cc: {  	[tilespmem:s4], [sflag:$0x2] =	stream.indirect_vreg.gather @!p1 [hbm4b:s7+s5], $0x40, v0, vm1, $0xb8;
	[tilespmem:$0x9A00] =	vst v63  }
0x7cd: {  	_ =	swait.ge [sflag:s23], $0x400  }
0x7ce: {  	[sflag:s23] =	ssyncset.done $0x0  }
0x7cf: {  	[sflag:s23] =	ssyncadd.s32 $0xFFFFFC00  }
0x7d0: {  	_ =	swait.ge [sflag:s23], $0x400  }
0x7d1: {  	[sflag:s23] =	ssyncset.done $0x0  }
0x7d2: {  	[sflag:s23] =	ssyncadd.s32 $0xFFFFFC00  }
0x7d3: {  	_ =	swait.ge [sflag:s23], $0x400  }
0x7d4: {  	[sflag:s23] =	ssyncset.done $0x0  }
0x7d5: {  	[sflag:s23] =	ssyncadd.s32 $0xFFFFFC00  }
0x7d6: {  	_ =	swait.ge [sflag:s23], $0x400  }
0x7d7: {  	[sflag:s23] =	ssyncset.done $0x0  }
0x7d8: {  	[sflag:s23] =	ssyncadd.s32 $0xFFFFFC00  }
0x7d9: {  	_ =	swait.ge [sflag:s23], $0x400  }
0x7da: {  	[sflag:s23] =	ssyncset.done $0x0  }
0x7db: {  	[sflag:s23] =	ssyncadd.s32 $0xFFFFFC00  }
0x7dc: {  	_ =	swait.ge [sflag:s23], $0x400  }
0x7dd: {  	[sflag:s23] =	ssyncset.done $0x0  }
0x7de: {  	[sflag:s23] =	ssyncadd.s32 $0xFFFFFC00  }
0x7df: {  	_ =	swait.ge [sflag:s23], $0x400  }
0x7e0: {  	[sflag:s23] =	ssyncset.done $0x0  }
0x7e1: {  	[sflag:s23] =	ssyncadd.s32 $0xFFFFFC00  }
0x7e2: {  	_ =	swait.ge [sflag:s23], $0x400  }
0x7e3: {  	[sflag:s23] =	ssyncset.done $0x0  }
0x7e4: {  	[sflag:s23] =	ssyncadd.s32 $0xFFFFFC00  }
0x7e5: {  	_ =	swait.ge [sflag:s23], $0x400  }
0x7e6: {  	[sflag:s23] =	ssyncset.done $0x0  }
0x7e7: {  	[sflag:s23] =	ssyncadd.s32 $0xFFFFFC00  }
0x7e8: {  	_ =	swait.ge [sflag:s23], $0x400  }
0x7e9: {  	[sflag:s23] =	ssyncset.done $0x0  }
0x7ea: {  	[sflag:s23] =	ssyncadd.s32 $0xFFFFFC00  }
0x7eb: {  	_ =	swait.ge [sflag:s23], $0x400  }
0x7ec: {  	[sflag:s23] =	ssyncset.done $0x0  }
0x7ed: {  	[sflag:s23] =	ssyncadd.s32 $0xFFFFFC00  }
0x7ee: {  	_ =	swait.ge [sflag:s23], $0x400  }
0x7ef: {  	[sflag:s23] =	ssyncset.done $0x0  }
0x7f0: {  	[sflag:s23] =	ssyncadd.s32 $0xFFFFFC00  }
0x7f1: {  	_ =	swait.ge [sflag:s23], $0x400  }
0x7f2: {  	[sflag:s23] =	ssyncset.done $0x0  }
0x7f3: {  	[sflag:s23] =	ssyncadd.s32 $0xFFFFFC00  }
0x7f4: {  	_ =	swait.ge [sflag:s23], $0x400  }
0x7f5: {  	[sflag:s23] =	ssyncset.done $0x0  }
0x7f6: {  	[sflag:s23] =	ssyncadd.s32 $0xFFFFFC00  }
0x7f7: {  	_ =	swait.ge [sflag:s23], $0x400  }
0x7f8: {  	[sflag:s23] =	ssyncset.done $0x0  }
0x7f9: {  	[sflag:s23] =	ssyncadd.s32 $0xFFFFFC00  }
0x7fa: {  	_ =	swait.ge [sflag:s23], $0x400  }
0x7fb: {  	[sflag:s23] =	ssyncset.done $0x0  }
0x7fc: {  	s4 =	simm.s32 @!p0 $0x7;
	[sflag:s23] =	ssyncadd.s32 $0xFFFFFC00  }
0x7fd: {  	_ =	swait.ge @!p0 [sflag:s4], $0x800  }
0x7fe: {  	[sflag:s4] =	ssyncset.done @!p0 $0x0  }
0x7ff: {  	s5 =	simm.s32 $0x4300;
	[sflag:s4] =	ssyncadd.s32 @!p0 $0xFFFFF800  }
0x800: {  	v0 =	vld [tilespmem:s5+$0xF0]  }
0x801: {  	v1 =	vld [tilespmem:s5+$0x40]  }
0x802: {  	v2 =	vld [tilespmem:s5+$0xB0]  }
0x803: {  	v3 =	vld [tilespmem:s5+$0x70]  }
0x804: {  	v4 =	vld [tilespmem:s5+$0x30]  }
0x805: {  	v5 =	vld [tilespmem:s5+$0xFFFFFFF0]  }
0x806: {  	v6 =	vld [tilespmem:s5+$0xFFFFFFC0]  }
0x807: {  	v7 =	vld [tilespmem:s5+$0xFFFFFFB0]  }
0x808: {  	v8 =	vld [tilespmem:s5+$0xFFFFFF80]  }
0x809: {  	v9 =	vld [tilespmem:s5+$0xFFFFFF70]  }
0x80a: {  	v10 =	vld [tilespmem:s5+$0xFFFFFFA0]  }
0x80b: {  	v11 =	vld [tilespmem:s5+$0xFFFFFF40]  }
0x80c: {  	v12 =	vld [tilespmem:s5+$0xFFFFFF30]  }
0x80d: {  	v13 =	vld [tilespmem:s5+$0xFFFFFF60]  }
0x80e: {  	v14 =	vld [tilespmem:s5+$0xFFFFFF00]  }
0x80f: {  	v15 =	vld [tilespmem:s5+$0xFFFFFF20]  }
0x810: {  	v16 =	vld [tilespmem:s5+$0xC0]  }
0x811: {  	v17 =	vld [tilespmem:s5+$0xFFFFFF10]  }
0x812: {  	v18 =	vld [tilespmem:s5+$0xFFFFFFE0]  }
0x813: {  	v19 =	vld [tilespmem:s5+$0xFFFFFF50];
	v12 =	vadd.f32 $0.0e+00, v12  }
0x814: {  	v20 =	vld [tilespmem:s5+$0x0];
	v14 =	vadd.f32 $0.0e+00, v14  }
0x815: {  	v45 =	vld [tilespmem:s5+$0xFFFFFF90];
	v15 =	vadd.f32 $0.0e+00, v15;
	v9 =	vadd.f32 v9, v12  }
0x816: {  	v47 =	vld [tilespmem:s5+$0x20];
	v46 =	vadd.f32 $0.0e+00, v17;
	v11 =	vadd.f32 v11, v14  }
0x817: {  	v49 =	vld [tilespmem:s5+$0xFFFFFFD0];
	v48 =	vadd.f32 v13, v15;
	v7 =	vadd.f32 v7, v9  }
0x818: {  	v51 =	vld [tilespmem:s5+$0x60];
	v50 =	vadd.f32 v19, v46;
	v8 =	vadd.f32 v8, v11  }
0x819: {  	v53 =	vld [tilespmem:s5+$0x10];
	v52 =	vadd.f32 v10, v48;
	v5 =	vadd.f32 v5, v7  }
0x81a: {  	v55 =	vld [tilespmem:s5+$0x80];
	v54 =	vadd.f32 v45, v50;
	v6 =	vadd.f32 v6, v8  }
0x81b: {  	v57 =	vld [tilespmem:s5+$0x50];
	v56 =	vadd.f32 v18, v52;
	v4 =	vadd.f32 v4, v5  }
0x81c: {  	v58 =	vld [tilespmem:s5+$0xA0];
	v8 =	vadd.f32 v49, v54;
	v6 =	vadd.f32 v20, v6  }
0x81d: {  	v60 =	vld [tilespmem:s5+$0x90];
	v59 =	vadd.f32 v47, v56;
	v3 =	vadd.f32 v3, v4  }
0x81e: {  	v62 =	vld [tilespmem:s5+$0xE0];
	v61 =	vadd.f32 v53, v8;
	v1 =	vadd.f32 v1, v6  }
0x81f: {  	v2 =	vadd.f32 v2, v3;
	v3 =	vadd.f32 v51, v59  }
0x820: {  	v63 =	vld [tilespmem:s5+$0xD0];
	v6 =	vadd.f32 v57, v61;
	v1 =	vadd.f32 v55, v1  }
0x821: {  	v0 =	vadd.f32 v0, v2;
	v2 =	vadd.f32 v58, v3  }
0x822: {  	s4 =	simm.s32 $0x0;
	v1 =	vadd.f32 v16, v1  }
0x823: {  	v3 =	vadd.f32 v60, v6;
	[tilespmem:s4+$0x9230] =	vst v0;
	v2 =	vadd.f32 v62, v2  }
0x824: {  	[tilespmem:s4+$0x9200] =	vst v1  }
0x825: {  	s14 =	simm.s32 $0x100;
	v0 =	vadd.f32 v63, v3;
	[tilespmem:s4+$0x9220] =	vst v2  }
.LBB2_72:
0x826: {  	p0 =	sne.s32 s14, $0x1F00  }
0x827: {  	[tilespmem:s4+$0x9210] =	vst v0;
	s5 =	sadd.s32 $0x200, s5;
	s4 =	smov.u32 s14;
	s14 =	sadd.s32 $0x100, s14  }
0x828: {  	v0 =	vld [tilespmem:s5+$0xF0]  }
0x829: {  	v1 =	vld [tilespmem:s5+$0x40]  }
0x82a: {  	v2 =	vld [tilespmem:s5+$0xB0]  }
0x82b: {  	v3 =	vld [tilespmem:s5+$0x70]  }
0x82c: {  	v4 =	vld [tilespmem:s5+$0x30]  }
0x82d: {  	v5 =	vld [tilespmem:s5+$0xFFFFFFF0]  }
0x82e: {  	v6 =	vld [tilespmem:s5+$0xFFFFFFC0]  }
0x82f: {  	v7 =	vld [tilespmem:s5+$0xFFFFFFB0]  }
0x830: {  	v8 =	vld [tilespmem:s5+$0xFFFFFF80]  }
0x831: {  	v9 =	vld [tilespmem:s5+$0xFFFFFF70]  }
0x832: {  	v10 =	vld [tilespmem:s5+$0xFFFFFFA0]  }
0x833: {  	v11 =	vld [tilespmem:s5+$0xFFFFFF40]  }
0x834: {  	v12 =	vld [tilespmem:s5+$0xFFFFFF30]  }
0x835: {  	v13 =	vld [tilespmem:s5+$0xFFFFFF60]  }
0x836: {  	v14 =	vld [tilespmem:s5+$0xFFFFFF00]  }
0x837: {  	v15 =	vld [tilespmem:s5+$0xFFFFFF20]  }
0x838: {  	v16 =	vld [tilespmem:s5+$0xC0]  }
0x839: {  	v17 =	vld [tilespmem:s5+$0xFFFFFF10];
	v12 =	vadd.f32 $0.0e+00, v12  }
0x83a: {  	v18 =	vld [tilespmem:s5+$0xFFFFFFE0]  }
0x83b: {  	v14 =	vadd.f32 $0.0e+00, v14;
	v19 =	vld [tilespmem:s5+$0xFFFFFF50]  }
0x83c: {  	v9 =	vadd.f32 v9, v12;
	v15 =	vadd.f32 $0.0e+00, v15;
	v12 =	vld [tilespmem:s5+$0x0]  }
0x83d: {  	v11 =	vadd.f32 v11, v14;
	v14 =	vld [tilespmem:s5+$0xFFFFFF90]  }
0x83e: {  	v7 =	vadd.f32 v7, v9;
	v17 =	vadd.f32 $0.0e+00, v17;
	v9 =	vld [tilespmem:s5+$0x20]  }
0x83f: {  	v13 =	vadd.f32 v13, v15;
	v8 =	vadd.f32 v8, v11;
	v11 =	vld [tilespmem:s5+$0xFFFFFFD0]  }
0x840: {  	v5 =	vadd.f32 v5, v7;
	v15 =	vadd.f32 v19, v17;
	v7 =	vld [tilespmem:s5+$0x60]  }
0x841: {  	v10 =	vadd.f32 v10, v13;
	v6 =	vadd.f32 v6, v8;
	v8 =	vld [tilespmem:s5+$0x10]  }
0x842: {  	v4 =	vadd.f32 v4, v5;
	v13 =	vadd.f32 v14, v15;
	v5 =	vld [tilespmem:s5+$0x80]  }
0x843: {  	v10 =	vadd.f32 v18, v10;
	v6 =	vadd.f32 v12, v6;
	v12 =	vld [tilespmem:s5+$0x50]  }
0x844: {  	v3 =	vadd.f32 v3, v4;
	v11 =	vadd.f32 v11, v13;
	v4 =	vld [tilespmem:s5+$0xA0]  }
0x845: {  	v9 =	vadd.f32 v9, v10;
	v1 =	vadd.f32 v1, v6;
	v6 =	vld [tilespmem:s5+$0x90]  }
0x846: {  	v2 =	vadd.f32 v2, v3;
	v8 =	vadd.f32 v8, v11;
	v3 =	vld [tilespmem:s5+$0xE0]  }
0x847: {  	v7 =	vadd.f32 v7, v9;
	v1 =	vadd.f32 v5, v1;
	v5 =	vld [tilespmem:s5+$0xD0]  }
0x848: {  	v0 =	vadd.f32 v0, v2;
	v8 =	vadd.f32 v12, v8  }
.Ltmp37:
0x849: {  	s4 =	sshra.s32 s4, $0x2;
	v2 =	vadd.f32 v4, v7;
	v1 =	vadd.f32 v16, v1;
	(pc) =	sbr.rel @p0 .LBB2_72-.Ltmp37, $4  }
0x84a: {  	v4 =	vadd.f32 v6, v8;
	[tilespmem:s4+$0x9230] =	vst v0  }
0x84b: {  	v2 =	vadd.f32 v3, v2;
	[tilespmem:s4+$0x9200] =	vst v1  }
0x84c: {  	v0 =	vadd.f32 v5, v4  }
0x84d: {  	[tilespmem:s4+$0x9220] =	vst v2  }
.Ltmp38:
0x84e: {  	(pc) =	sbr.rel @p1 .LBB2_75-.Ltmp38, $4  }
0x84f: {  	_ = 	snop  }
0x850: {  	s14 =	rddreg [dreg:$0x15]  }
0x851: {  	[tilespmem:s4+$0x9210] =	vst v0;
	s5 =	simm.s32 $0x9200;
	s4 =	sadd.s32 s13, s14  }
0x852: {  	[hbm4b:s4+s2] =	stream.linear.scatter [tilespmem:s5], [sflag:$0x7], $0x800, $0x38;
	[tilespmem:$0x9A00] =	vst v63  }
.Ltmp39:
0x853: {  	s4 =	rddreg [dreg:$0x1f];
	(pc) =	sbr.rel .LBB2_69-.Ltmp39, $4  }
0x854: {  	s4 =	sadd.s32 s12, s4  }
0x855: {  	s5 =	rddreg [dreg:$0x4];
	s4 =	sshrl.u32 s4, $0x3  }
0x856: {  	s0 =	sadd.s32 $0x1, s0;
	s4 =	sadd.s32 s5, s4  }
0x857: {  	[tilespmem:s8], [sflag:$0x5] =	stream.linear.gather [hbm4b:s4+s2], $0x100, $0x38;
	[tilespmem:$0x9A00] =	vst v63  }
.LBB2_76:
0x858: {  	_ =	sfence.sel $0x180000  }
0x859: {  	[bflag:$0x0] =	sbarrier.arrive $0xFFFF  }
0x85a: {  	_ =	strace $0x90000047  }
0x85b: {  	s0 =	stileid.u32;
	[bflag:$0x2] =	sbarrier.arrive $0xFFFF  }
0x85c: {  	p0 =	sne.s32 s0, $0x0;
	s0 =	rddreg [dreg:$0x3]  }
0x85d: {  	s0 =	sadd.s32 @!p0 $0x100000, s0  }
0x85e: {  	[sflag:s0] =	ssyncadd.tile.s32 @!p0 $0x1;
	_ =	shalt  }
.Lfunc_end2:
_tile_overlayer_lowered:
.L_overlay_start_2:
0x85f: {  	(tag) =	ssettag $0x2  }
0x860: {  	s0 =	rddreg [dreg:$0x0];
	s2 =	stileid.u32  }
0x861: {  	s1 =	rddreg [dreg:$0x1];
	p0 =	sne.s32 s2, $0x0  }
0x862: {  	s3 =	rddreg [dreg:$0x2];
	[bflag:$0x3] =	sbarrier.arrive $0xFFFF;
	s2 =	simm.s32 @!p0 $0x1C08  }
0x863: {  	[timem:s3], [sflag:s2] =	dma.local @!p0 [hbm:s0], s1  }
0x864: {  	s0 =	simm.s32 @!p0 $0x8  }
0x865: {  	_ =	swait.ge @!p0 [sflag:s0], s1  }
0x866: {  	s1 =	ssub.s32 @!p0 $0x0, s1;
	[sflag:s0] =	ssyncset.done @!p0 $0x0  }
0x867: {  	[sflag:s0] =	ssyncadd.s32 @!p0 s1  }
0x868: {  	[bflag:$0x3] =	sbarrier.arrive $0xFFFF  }
0x869: {  	_ =	shalt  }

</sc_bundles>
